<compile_context>
chip_gen: v7x
topology: tpu7x:2x2x1
jax: 0.10.2.dev20260603
libtpu: 0.0.44.dev20260713+nightly
codegen_flags: <defaults>
</compile_context>

<pallas_src>
import functools

import jax
import jax.numpy as jnp
from jax import lax
from jax.experimental import pallas as pl
from jax.experimental.pallas import tpu as pltpu
from jax.experimental.pallas import tpu_sc as plsc

L = 16
K = 16
C = 512
NW = 32
QPB = 4
IDX_MASK = 0x00FFFFFF
ET_SHIFT = 24
ABS_MASK = 0x7FFFFFFF
SIGN_MASK = 0x80000000
ONE_BITS = 0x3F800000


def _sc_check_kernel(npt, input_hbm, pk_hbm, w_hbm, bb_hbm, par_hbm, out_hbm,
                     table_v, pk0, pk1, out0, out1, w_v, bb_v, par_v, tsem,
                     isem0, isem1, osem0, osem1):
    cid = lax.axis_index("c")
    sid = lax.axis_index("s")
    wid = sid * 2 + cid
    b = wid // QPB
    q = wid % QPB
    base_g = q * npt

    tcopy = pltpu.async_copy(input_hbm.at[b], table_v, tsem)
    pltpu.make_async_copy(pk_hbm.at[base_g], pk0, isem0).start()
    pltpu.sync_copy(w_hbm, w_v)
    pltpu.sync_copy(bb_hbm, bb_v)
    pltpu.sync_copy(par_hbm, par_v)
    tcopy.wait()

    alv = par_v[0, :]
    bev = par_v[1, :]
    eps = jnp.full((L,), 1e-10, jnp.float32)
    zero_u = jnp.zeros((L,), jnp.uint32)
    max_u = jnp.full((L,), 0xFFFFFFFF, jnp.uint32)
    offv = jnp.bitwise_and(lax.iota(jnp.int32, L), 3)

    def compute(buf, obuf):
        def jbody(j, c2):
          for h in range(4):
            base = (4 * j + h) * L
            sxs = [zero_u, zero_u, zero_u, zero_u]
            ams = [max_u, max_u, max_u, max_u]
            for k in range(K):
                pk = buf[k, pl.ds(base, L)]
                iv = jnp.bitwise_and(pk, IDX_MASK)
                gix = jnp.bitwise_and(lax.shift_right_logical(pk, ET_SHIFT - 2),
                                      12) + offv
                vals = plsc.load_gather(table_v, [iv])
                wv = plsc.load_gather(w_v, [gix])
                bv = plsc.load_gather(bb_v, [gix])
                v = vals * wv + bv
                u = plsc.bitcast(v + eps, jnp.uint32)
                i = k & 3
                sxs[i] = jnp.bitwise_xor(sxs[i], u)
                a = jnp.bitwise_and(plsc.bitcast(v, jnp.uint32),
                                    jnp.uint32(ABS_MASK))
                ams[i] = jnp.minimum(ams[i], a - jnp.uint32(1))
            sx = jnp.bitwise_xor(jnp.bitwise_xor(sxs[0], sxs[1]),
                                 jnp.bitwise_xor(sxs[2], sxs[3]))
            am = jnp.minimum(jnp.minimum(ams[0], ams[1]),
                             jnp.minimum(ams[2], ams[3]))
            mn = plsc.bitcast(am + jnp.uint32(1), jnp.float32)
            sgn = plsc.bitcast(
                jnp.bitwise_or(jnp.bitwise_and(sx, jnp.uint32(SIGN_MASK)),
                               jnp.uint32(ONE_BITS)),
                jnp.float32)
            obuf[pl.ds(base, L)] = sgn * (alv * mn + bev)
          return c2

        lax.fori_loop(0, C // (4 * L), jbody, 0)

    def pair_body(p, carry):
        g0 = base_g + 2 * p
        g1 = g0 + 1
        pltpu.make_async_copy(pk_hbm.at[g1], pk1, isem1).start()
        pltpu.make_async_copy(pk_hbm.at[g0], pk0, isem0).wait()

        @pl.when(p != 0)
        def _():
            pltpu.make_async_copy(out0, out_hbm.at[b, g0], osem0).wait()

        compute(pk0, out0)
        pltpu.make_async_copy(out0, out_hbm.at[b, g0], osem0).start()

        @pl.when(p != npt // 2 - 1)
        def _():
            pltpu.make_async_copy(pk_hbm.at[g0 + 2], pk0, isem0).start()

        pltpu.make_async_copy(pk_hbm.at[g1], pk1, isem1).wait()

        @pl.when(p != 0)
        def _():
            pltpu.make_async_copy(out1, out_hbm.at[b, g1], osem1).wait()

        compute(pk1, out1)
        pltpu.make_async_copy(out1, out_hbm.at[b, g1], osem1).start()
        return carry

    lax.fori_loop(0, npt // 2, pair_body, 0)
    pltpu.make_async_copy(out0, out_hbm.at[b, base_g], osem0).wait()
    pltpu.make_async_copy(out1, out_hbm.at[b, base_g], osem1).wait()


def kernel(input_tensor, check_index_tensor, edge_type_tensor, edge_weights,
           edge_biases, alpha, beta):
    B, N = input_tensor.shape
    Nm, Kk = check_index_tensor.shape
    assert Kk == K and B * QPB == NW

    step = 2 * QPB * C
    n_pad = ((Nm + step - 1) // step) * step
    nch = n_pad // C
    npt = nch // QPB

    idx32 = check_index_tensor.astype(jnp.int32)
    et32 = edge_type_tensor.astype(jnp.int32)
    packed = jnp.bitwise_or(idx32, lax.shift_left(et32, ET_SHIFT))
    pad = n_pad - Nm
    if pad:
        packed = jnp.pad(packed, ((0, pad), (0, 0)))
    pk_r = packed.reshape(nch, C, K).transpose(0, 2, 1)

    w16 = jnp.repeat(edge_weights.astype(jnp.float32), 4)[:L]
    b16 = jnp.repeat(edge_biases.astype(jnp.float32), 4)[:L]
    params = jnp.concatenate([alpha.astype(jnp.float32),
                              beta.astype(jnp.float32)])
    par = jnp.broadcast_to(params[:, None], (2, L))

    mesh = plsc.VectorSubcoreMesh(core_axis_name="c", subcore_axis_name="s")
    fn = pl.kernel(
        functools.partial(_sc_check_kernel, npt),
        mesh=mesh,
        compiler_params=pltpu.CompilerParams(needs_layout_passes=False),
        out_type=jax.ShapeDtypeStruct((B, nch, C), jnp.float32),
        scratch_types=[
            pltpu.VMEM((N,), jnp.float32),
            pltpu.VMEM((K, C), jnp.int32),
            pltpu.VMEM((K, C), jnp.int32),
            pltpu.VMEM((C,), jnp.float32),
            pltpu.VMEM((C,), jnp.float32),
            pltpu.VMEM((L,), jnp.float32),
            pltpu.VMEM((L,), jnp.float32),
            pltpu.VMEM((2, L), jnp.float32),
            pltpu.SemaphoreType.DMA,
            pltpu.SemaphoreType.DMA,
            pltpu.SemaphoreType.DMA,
            pltpu.SemaphoreType.DMA,
            pltpu.SemaphoreType.DMA,
        ],
    )
    out = fn(input_tensor, pk_r, w16, b16, par)
    return out.reshape(B, n_pad)[:, :Nm]

# --- scband reference (transcript-rebuilt; emitter-appended) ---
"""Pipeline reference for scband-gnncheck-layer-71614284693531 (READ-ONLY COPY).

The authoritative reference and input builder live on the scoring server;
editing this copy changes nothing except your own understanding.
"""

import jax, jax.numpy as jnp
import numpy as np


def setup_inputs(seed: int = 0) -> dict:
    key = jax.random.key(seed)
    k1, k2, k3 = jax.random.split(key, 3)
    B, N, K, T = 8, 100000, 16, 4
    input_tensor = jax.random.normal(k1, (B, N), dtype=jnp.float32)
    check_index_tensor = jax.random.randint(k2, (N, K), 0, N).astype(jnp.int64)
    edge_type_tensor = jax.random.randint(k3, (N, K), 0, T).astype(jnp.int64)
    edge_weights = jnp.ones((T,), dtype=jnp.float32)
    edge_biases = jnp.zeros((T,), dtype=jnp.float32)
    alpha = jnp.ones((1,), dtype=jnp.float32)
    beta = jnp.zeros((1,), dtype=jnp.float32)
    return {
        "input_tensor": input_tensor,
        "check_index_tensor": check_index_tensor,
        "edge_type_tensor": edge_type_tensor,
        "edge_weights": edge_weights,
        "edge_biases": edge_biases,
        "alpha": alpha,
        "beta": beta,
    }


def reference(input_tensor, check_index_tensor, edge_type_tensor, edge_weights, edge_biases, alpha, beta):
    B, N = input_tensor.shape
    Nm, K = check_index_tensor.shape
    valid_mask = check_index_tensor != -1  # (Nm, K)
    safe_indices = jnp.where(valid_mask, check_index_tensor, N)
    input_extended = jnp.concatenate(
        [input_tensor, jnp.zeros((B, 1), dtype=input_tensor.dtype)], axis=1
    )  # (B, N+1)
    # selected_values[n, b, k] = input_extended[b, safe_indices[n, k]]
    sel = jnp.take(input_extended, safe_indices, axis=1)  # (B, Nm, K)
    sel = jnp.transpose(sel, (1, 0, 2))  # (Nm, B, K)
    vm = valid_mask[:, None, :]  # (Nm, 1, K)
    sel = jnp.where(vm, sel, 0.0)
    ew = edge_weights[edge_type_tensor][:, None, :]  # (Nm, 1, K)
    eb = edge_biases[edge_type_tensor][:, None, :]
    sel = sel * ew + eb
    sel = jnp.where(vm, sel, 0.0)
    sign_product = jnp.prod(jnp.sign(sel + 1e-10), axis=2)  # (Nm, B)
    abs_values = jnp.abs(sel)
    abs_values = jnp.where(abs_values == 0, 1e10, abs_values)
    min_abs = jnp.min(abs_values, axis=2)  # (Nm, B)
    min_abs = alpha * min_abs + beta
    min_sum_result = sign_product * min_abs
    check_messages = min_sum_result.T  # (B, Nm)
    return check_messages

if __name__ == "__main__":
    import jax
    _d = setup_inputs()
    print(jax.jit(kernel)(*tuple(_d.values())))

</pallas_src>

<mosaic_0001>
#map = affine_map<(d0, d1) -> (0, 0)>
#map1 = affine_map<(d0, d1) -> (0, 0, 0)>
#map2 = affine_map<(d0, d1) -> (0)>
module attributes {stable_mosaic.version = 14 : i64} {
  func.func @_sc_check_kernel(%arg0: i32, %arg1: i32, %arg2: memref<8x100000xf32, #tpu.memory_space<hbm>>, %arg3: memref<200x16x512xi32, #tpu.memory_space<hbm>>, %arg4: memref<16xf32, #tpu.memory_space<hbm>>, %arg5: memref<16xf32, #tpu.memory_space<hbm>>, %arg6: memref<2x16xf32, #tpu.memory_space<hbm>>, %arg7: memref<8x200x512xf32, #tpu.memory_space<hbm>>, %arg8: memref<100000xf32, #tpu.memory_space<vmem>>, %arg9: memref<16x512xi32, #tpu.memory_space<vmem>>, %arg10: memref<16x512xi32, #tpu.memory_space<vmem>>, %arg11: memref<512xf32, #tpu.memory_space<vmem>>, %arg12: memref<512xf32, #tpu.memory_space<vmem>>, %arg13: memref<16xf32, #tpu.memory_space<vmem>>, %arg14: memref<16xf32, #tpu.memory_space<vmem>>, %arg15: memref<2x16xf32, #tpu.memory_space<vmem>>, %arg16: memref<!tpu.dma_semaphore, #tpu.memory_space<semaphore_mem>>, %arg17: memref<!tpu.dma_semaphore, #tpu.memory_space<semaphore_mem>>, %arg18: memref<!tpu.dma_semaphore, #tpu.memory_space<semaphore_mem>>, %arg19: memref<!tpu.dma_semaphore, #tpu.memory_space<semaphore_mem>>, %arg20: memref<!tpu.dma_semaphore, #tpu.memory_space<semaphore_mem>>) attributes {dimension_semantics = [#tpu.dimension_semantics<core_parallel>, #tpu.dimension_semantics<subcore_parallel>], iteration_bounds = array<i64: 2, 16>, scalar_prefetch = 0 : i64, scratch_operands = 13 : i64, tpu.core_type = #tpu.core_type<sc_vector_subcore>, window_params = [{transform_indices = #map}, {transform_indices = #map1}, {transform_indices = #map2}, {transform_indices = #map2}, {transform_indices = #map}, {transform_indices = #map1}]} {
    %mul3A = arith.constant 2 : i32
    %mul3A_0 = arith.muli %arg1, %mul3A : i32
    %add3A = arith.addi %mul3A_0, %arg0 : i32
    %jit3A = arith.constant 4 : i32
    %div3A = arith.divsi %add3A, %jit3A : i32
    %sign3A = arith.constant 0 : i32
    %sign3A_1 = arith.cmpi sgt, %add3A, %sign3A : i32
    %sign3A_2 = arith.extui %sign3A_1 : i1 to i32
    %sign3A_3 = arith.constant 0 : i32
    %sign3A_4 = arith.cmpi slt, %add3A, %sign3A_3 : i32
    %sign3A_5 = arith.extui %sign3A_4 : i1 to i32
    %sign3A_6 = arith.subi %sign3A_2, %sign3A_5 : i32
    %sign3A_7 = arith.constant 0 : i32
    %sign3A_8 = arith.cmpi sgt, %jit3A, %sign3A_7 : i32
    %sign3A_9 = arith.extui %sign3A_8 : i1 to i32
    %sign3A_10 = arith.constant 0 : i32
    %sign3A_11 = arith.cmpi slt, %jit3A, %sign3A_10 : i32
    %sign3A_12 = arith.extui %sign3A_11 : i1 to i32
    %sign3A_13 = arith.subi %sign3A_9, %sign3A_12 : i32
    %ne3A = arith.cmpi ne, %sign3A_6, %sign3A_13 : i32
    %rem3A = arith.remsi %add3A, %jit3A : i32
    %ne3A_14 = arith.constant 0 : i32
    %ne3A_15 = arith.cmpi ne, %rem3A, %ne3A_14 : i32
    %and3A = arith.andi %ne3A, %ne3A_15 : i1
    %sub3A = arith.constant 1 : i32
    %sub3A_16 = arith.subi %div3A, %sub3A : i32
    %select_n3A = arith.select %and3A, %sub3A_16, %div3A : i32
    %jit3A_17 = arith.constant 4 : i32
    %eq3A = arith.constant 0 : i32
    %eq3A_18 = arith.cmpi eq, %jit3A_17, %eq3A : i32
    %jit3A_19 = arith.constant 1 : i32
    %select_n3A_20 = arith.select %eq3A_18, %jit3A_19, %jit3A_17 : i32
    %rem3A_21 = arith.remsi %add3A, %select_n3A_20 : i32
    %ne3A_22 = arith.constant 0 : i32
    %ne3A_23 = arith.cmpi ne, %rem3A_21, %ne3A_22 : i32
    %lt3A = arith.constant 0 : i32
    %lt3A_24 = arith.cmpi slt, %rem3A_21, %lt3A : i32
    %lt3A_25 = arith.constant 0 : i32
    %lt3A_26 = arith.cmpi slt, %select_n3A_20, %lt3A_25 : i32
    %ne3A_27 = arith.xori %lt3A_24, %lt3A_26 : i1
    %and3A_28 = arith.andi %ne3A_27, %ne3A_23 : i1
    %add3A_29 = arith.addi %rem3A_21, %select_n3A_20 : i32
    %select_n3A_30 = arith.select %and3A_28, %add3A_29, %rem3A_21 : i32
    %mul3A_31 = arith.constant 50 : i32
    %mul3A_32 = arith.muli %select_n3A_30, %mul3A_31 : i32
    %dma_start3A = arith.constant 0 : i32
    %dma_start3A_33 = tpu.memref_slice %arg2[%select_n3A, %dma_start3A] : memref<8x100000xf32, #tpu.memory_space<hbm>> -> memref<1x100000xf32, #tpu.memory_space<hbm>>
    %dma_start3A_34 = tpu.memref_squeeze %dma_start3A_33 : memref<1x100000xf32, #tpu.memory_space<hbm>> -> memref<100000xf32, #tpu.memory_space<hbm>>
    %dma_start3A_35 = arith.constant 0 : i32
    %dma_start3A_36 = tpu.memref_slice %arg2[%select_n3A, %dma_start3A_35] : memref<8x100000xf32, #tpu.memory_space<hbm>> -> memref<1x100000xf32, #tpu.memory_space<hbm>>
    %dma_start3A_37 = tpu.memref_squeeze %dma_start3A_36 : memref<1x100000xf32, #tpu.memory_space<hbm>> -> memref<100000xf32, #tpu.memory_space<hbm>>
    tpu.enqueue_dma source(%dma_start3A_37 : memref<100000xf32, #tpu.memory_space<hbm>>) target(%arg8 : memref<100000xf32, #tpu.memory_space<vmem>>) target_semaphore(%arg16 : memref<!tpu.dma_semaphore, #tpu.memory_space<semaphore_mem>>)
    %dma_start3A_38 = arith.constant 0 : i32
    %dma_start3A_39 = arith.constant 0 : i32
    %dma_start3A_40 = tpu.memref_slice %arg3[%mul3A_32, %dma_start3A_38, %dma_start3A_39] : memref<200x16x512xi32, #tpu.memory_space<hbm>> -> memref<1x16x512xi32, #tpu.memory_space<hbm>>
    %dma_start3A_41 = tpu.memref_squeeze %dma_start3A_40 : memref<1x16x512xi32, #tpu.memory_space<hbm>> -> memref<16x512xi32, #tpu.memory_space<hbm>>
    %dma_start3A_42 = arith.constant 0 : i32
    %dma_start3A_43 = arith.constant 0 : i32
    %dma_start3A_44 = tpu.memref_slice %arg3[%mul3A_32, %dma_start3A_42, %dma_start3A_43] : memref<200x16x512xi32, #tpu.memory_space<hbm>> -> memref<1x16x512xi32, #tpu.memory_space<hbm>>
    %dma_start3A_45 = tpu.memref_squeeze %dma_start3A_44 : memref<1x16x512xi32, #tpu.memory_space<hbm>> -> memref<16x512xi32, #tpu.memory_space<hbm>>
    tpu.enqueue_dma source(%dma_start3A_45 : memref<16x512xi32, #tpu.memory_space<hbm>>) target(%arg9 : memref<16x512xi32, #tpu.memory_space<vmem>>) target_semaphore(%arg17 : memref<!tpu.dma_semaphore, #tpu.memory_space<semaphore_mem>>)
    "tpu.region"() ({
      %run_scoped3A = tpu.sem_alloc : memref<!tpu.dma_semaphore, #tpu.memory_space<semaphore_mem>>
      tpu.enqueue_dma source(%arg4 : memref<16xf32, #tpu.memory_space<hbm>>) target(%arg13 : memref<16xf32, #tpu.memory_space<vmem>>) target_semaphore(%run_scoped3A : memref<!tpu.dma_semaphore, #tpu.memory_space<semaphore_mem>>)
      tpu.wait_dma2 semaphore(%run_scoped3A : memref<!tpu.dma_semaphore, #tpu.memory_space<semaphore_mem>>) src(%arg4 : memref<16xf32, #tpu.memory_space<hbm>>) dst(%arg13 : memref<16xf32, #tpu.memory_space<vmem>>)
      tpu.yield
    }) : () -> ()
    "tpu.region"() ({
      %run_scoped3A = tpu.sem_alloc : memref<!tpu.dma_semaphore, #tpu.memory_space<semaphore_mem>>
      tpu.enqueue_dma source(%arg5 : memref<16xf32, #tpu.memory_space<hbm>>) target(%arg14 : memref<16xf32, #tpu.memory_space<vmem>>) target_semaphore(%run_scoped3A : memref<!tpu.dma_semaphore, #tpu.memory_space<semaphore_mem>>)
      tpu.wait_dma2 semaphore(%run_scoped3A : memref<!tpu.dma_semaphore, #tpu.memory_space<semaphore_mem>>) src(%arg5 : memref<16xf32, #tpu.memory_space<hbm>>) dst(%arg14 : memref<16xf32, #tpu.memory_space<vmem>>)
      tpu.yield
    }) : () -> ()
    "tpu.region"() ({
      %run_scoped3A = tpu.sem_alloc : memref<!tpu.dma_semaphore, #tpu.memory_space<semaphore_mem>>
      tpu.enqueue_dma source(%arg6 : memref<2x16xf32, #tpu.memory_space<hbm>>) target(%arg15 : memref<2x16xf32, #tpu.memory_space<vmem>>) target_semaphore(%run_scoped3A : memref<!tpu.dma_semaphore, #tpu.memory_space<semaphore_mem>>)
      tpu.wait_dma2 semaphore(%run_scoped3A : memref<!tpu.dma_semaphore, #tpu.memory_space<semaphore_mem>>) src(%arg6 : memref<2x16xf32, #tpu.memory_space<hbm>>) dst(%arg15 : memref<2x16xf32, #tpu.memory_space<vmem>>)
      tpu.yield
    }) : () -> ()
    %dma_wait3A = arith.constant 0 : i32
    %dma_wait3A_46 = tpu.memref_slice %arg2[%select_n3A, %dma_wait3A] : memref<8x100000xf32, #tpu.memory_space<hbm>> -> memref<1x100000xf32, #tpu.memory_space<hbm>>
    %dma_wait3A_47 = tpu.memref_squeeze %dma_wait3A_46 : memref<1x100000xf32, #tpu.memory_space<hbm>> -> memref<100000xf32, #tpu.memory_space<hbm>>
    %dma_wait3A_48 = arith.constant 0 : i32
    %dma_wait3A_49 = tpu.memref_slice %arg2[%select_n3A, %dma_wait3A_48] : memref<8x100000xf32, #tpu.memory_space<hbm>> -> memref<1x100000xf32, #tpu.memory_space<hbm>>
    %dma_wait3A_50 = tpu.memref_squeeze %dma_wait3A_49 : memref<1x100000xf32, #tpu.memory_space<hbm>> -> memref<100000xf32, #tpu.memory_space<hbm>>
    tpu.wait_dma2 semaphore(%arg16 : memref<!tpu.dma_semaphore, #tpu.memory_space<semaphore_mem>>) src(%dma_wait3A_50 : memref<100000xf32, #tpu.memory_space<hbm>>) dst(%arg8 : memref<100000xf32, #tpu.memory_space<vmem>>)
    %get3A = arith.constant 0 : i32
    %get3A_51 = arith.index_cast %get3A : i32 to index
    %get3A_52 = arith.constant 0 : index
    %get3A_53 = tpu.vector_load %arg15[%get3A_51, %get3A_52] {strides = array<i32>} : memref<2x16xf32, #tpu.memory_space<vmem>>, vector<16xf32>,
    %get3A_54 = arith.constant 1 : i32
    %get3A_55 = arith.index_cast %get3A_54 : i32 to index
    %get3A_56 = arith.constant 0 : index
    %get3A_57 = tpu.vector_load %arg15[%get3A_55, %get3A_56] {strides = array<i32>} : memref<2x16xf32, #tpu.memory_space<vmem>>, vector<16xf32>,
    %broadcast_in_dim3A = arith.constant 1.000000e-10 : f32
    %broadcast_in_dim3A_58 = vector.broadcast %broadcast_in_dim3A : f32 to vector<16xf32>
    %broadcast_in_dim3A_59 = arith.constant 0 : i32
    %broadcast_in_dim3A_60 = vector.broadcast %broadcast_in_dim3A_59 : i32 to vector<16xi32>
    %broadcast_in_dim3A_61 = arith.constant -1 : i32
    %broadcast_in_dim3A_62 = vector.broadcast %broadcast_in_dim3A_61 : i32 to vector<16xi32>
    %iota3A = tpu.iota {dimensions = array<i32: 0>} : vector<16xi32>
    %and3A_63 = arith.constant 3 : i32
    %and3A_64 = vector.broadcast %and3A_63 : i32 to vector<16xi32>
    %and3A_65 = arith.andi %iota3A, %and3A_64 : vector<16xi32>
    %scan3A = arith.constant 0 : i32
    %scan3A_66 = arith.constant 0 : i32
    %scan3A_67 = arith.constant 25 : i32
    %scan3A_68 = arith.addi %scan3A_66, %scan3A_67 : i32
    %scan3A_69 = arith.constant 1 : i32
    scf.for %scan3A_83 = %scan3A_66 to %scan3A_68 step %scan3A_69  : i32 {
      %mul3A_84 = arith.constant 2 : i32
      %mul3A_85 = arith.muli %mul3A_84, %scan3A_83 : i32
      %add3A_86 = arith.addi %mul3A_32, %mul3A_85 : i32
      %add3A_87 = arith.constant 1 : i32
      %add3A_88 = arith.addi %add3A_86, %add3A_87 : i32
      %dma_start3A_89 = arith.constant 0 : i32
      %dma_start3A_90 = arith.constant 0 : i32
      %dma_start3A_91 = tpu.memref_slice %arg3[%add3A_88, %dma_start3A_89, %dma_start3A_90] : memref<200x16x512xi32, #tpu.memory_space<hbm>> -> memref<1x16x512xi32, #tpu.memory_space<hbm>>
      %dma_start3A_92 = tpu.memref_squeeze %dma_start3A_91 : memref<1x16x512xi32, #tpu.memory_space<hbm>> -> memref<16x512xi32, #tpu.memory_space<hbm>>
      %dma_start3A_93 = arith.constant 0 : i32
      %dma_start3A_94 = arith.constant 0 : i32
      %dma_start3A_95 = tpu.memref_slice %arg3[%add3A_88, %dma_start3A_93, %dma_start3A_94] : memref<200x16x512xi32, #tpu.memory_space<hbm>> -> memref<1x16x512xi32, #tpu.memory_space<hbm>>
      %dma_start3A_96 = tpu.memref_squeeze %dma_start3A_95 : memref<1x16x512xi32, #tpu.memory_space<hbm>> -> memref<16x512xi32, #tpu.memory_space<hbm>>
      tpu.enqueue_dma source(%dma_start3A_96 : memref<16x512xi32, #tpu.memory_space<hbm>>) target(%arg10 : memref<16x512xi32, #tpu.memory_space<vmem>>) target_semaphore(%arg18 : memref<!tpu.dma_semaphore, #tpu.memory_space<semaphore_mem>>)
      %dma_wait3A_97 = arith.constant 0 : i32
      %dma_wait3A_98 = arith.constant 0 : i32
      %dma_wait3A_99 = tpu.memref_slice %arg3[%add3A_86, %dma_wait3A_97, %dma_wait3A_98] : memref<200x16x512xi32, #tpu.memory_space<hbm>> -> memref<1x16x512xi32, #tpu.memory_space<hbm>>
      %dma_wait3A_100 = tpu.memref_squeeze %dma_wait3A_99 : memref<1x16x512xi32, #tpu.memory_space<hbm>> -> memref<16x512xi32, #tpu.memory_space<hbm>>
      %dma_wait3A_101 = arith.constant 0 : i32
      %dma_wait3A_102 = arith.constant 0 : i32
      %dma_wait3A_103 = tpu.memref_slice %arg3[%add3A_86, %dma_wait3A_101, %dma_wait3A_102] : memref<200x16x512xi32, #tpu.memory_space<hbm>> -> memref<1x16x512xi32, #tpu.memory_space<hbm>>
      %dma_wait3A_104 = tpu.memref_squeeze %dma_wait3A_103 : memref<1x16x512xi32, #tpu.memory_space<hbm>> -> memref<16x512xi32, #tpu.memory_space<hbm>>
      tpu.wait_dma2 semaphore(%arg17 : memref<!tpu.dma_semaphore, #tpu.memory_space<semaphore_mem>>) src(%dma_wait3A_104 : memref<16x512xi32, #tpu.memory_space<hbm>>) dst(%arg9 : memref<16x512xi32, #tpu.memory_space<vmem>>)
      %ne3A_105 = arith.constant 0 : i32
      %ne3A_106 = arith.cmpi ne, %scan3A_83, %ne3A_105 : i32
      %convert_element_type3A = arith.extui %ne3A_106 : i1 to i32
      %cond3A = arith.constant 0 : i32
      %cond3A_107 = arith.cmpi ne, %convert_element_type3A, %cond3A : i32
      scf.if %cond3A_107 {
        %dma_wait3A_150 = arith.constant 0 : i32
        %dma_wait3A_151 = tpu.memref_slice %arg7[%select_n3A, %add3A_86, %dma_wait3A_150] : memref<8x200x512xf32, #tpu.memory_space<hbm>> -> memref<1x1x512xf32, #tpu.memory_space<hbm>>
        %dma_wait3A_152 = tpu.memref_squeeze %dma_wait3A_151 : memref<1x1x512xf32, #tpu.memory_space<hbm>> -> memref<512xf32, #tpu.memory_space<hbm>>
        %dma_wait3A_153 = arith.constant 0 : i32
        %dma_wait3A_154 = tpu.memref_slice %arg7[%select_n3A, %add3A_86, %dma_wait3A_153] : memref<8x200x512xf32, #tpu.memory_space<hbm>> -> memref<1x1x512xf32, #tpu.memory_space<hbm>>
        %dma_wait3A_155 = tpu.memref_squeeze %dma_wait3A_154 : memref<1x1x512xf32, #tpu.memory_space<hbm>> -> memref<512xf32, #tpu.memory_space<hbm>>
        tpu.wait_dma2 semaphore(%arg19 : memref<!tpu.dma_semaphore, #tpu.memory_space<semaphore_mem>>) src(%arg11 : memref<512xf32, #tpu.memory_space<vmem>>) dst(%dma_wait3A_155 : memref<512xf32, #tpu.memory_space<hbm>>)
      } else {
      }
      %scan3A_108 = arith.constant 0 : i32
      %scan3A_109 = arith.constant 0 : i32
      %scan3A_110 = arith.constant 8 : i32
      %scan3A_111 = arith.addi %scan3A_109, %scan3A_110 : i32
      %scan3A_112 = arith.constant 1 : i32
      scf.for %scan3A_150 = %scan3A_109 to %scan3A_111 step %scan3A_112  : i32 {
        %mul3A_151 = arith.constant 4 : i32
        %mul3A_152 = arith.muli %mul3A_151, %scan3A_150 : i32
        %add3A_153 = arith.constant 0 : i32
        %add3A_154 = arith.addi %mul3A_152, %add3A_153 : i32
        %mul3A_155 = arith.constant 16 : i32
        %mul3A_156 = arith.muli %add3A_154, %mul3A_155 : i32
        %get3A_157 = arith.constant 0 : i32
        %get3A_158 = arith.index_cast %get3A_157 : i32 to index
        %get3A_159 = arith.index_cast %mul3A_156 : i32 to index
        %get3A_160 = tpu.vector_load %arg9[%get3A_158, %get3A_159] {strides = array<i32>} : memref<16x512xi32, #tpu.memory_space<vmem>>, vector<16xi32>,
        %and3A_161 = arith.constant 16777215 : i32
        %and3A_162 = vector.broadcast %and3A_161 : i32 to vector<16xi32>
        %and3A_163 = arith.andi %get3A_160, %and3A_162 : vector<16xi32>
        %shift_right_logical3A = arith.constant 22 : i32
        %shift_right_logical3A_164 = vector.broadcast %shift_right_logical3A : i32 to vector<16xi32>
        %shift_right_logical3A_165 = arith.shrui %get3A_160, %shift_right_logical3A_164 : vector<16xi32>
        %and3A_166 = arith.constant 12 : i32
        %and3A_167 = vector.broadcast %and3A_166 : i32 to vector<16xi32>
        %and3A_168 = arith.andi %shift_right_logical3A_165, %and3A_167 : vector<16xi32>
        %add3A_169 = arith.addi %and3A_168, %and3A_65 : vector<16xi32>
        %gather3A = tpu.vector_load_idx %arg8[%and3A_163] : memref<100000xf32, #tpu.memory_space<vmem>>[vector<16xi32>], vector<16xf32>,
        %gather3A_170 = tpu.vector_load_idx %arg13[%add3A_169] : memref<16xf32, #tpu.memory_space<vmem>>[vector<16xi32>], vector<16xf32>,
        %gather3A_171 = tpu.vector_load_idx %arg14[%add3A_169] : memref<16xf32, #tpu.memory_space<vmem>>[vector<16xi32>], vector<16xf32>,
        %mul3A_172 = arith.mulf %gather3A, %gather3A_170 : vector<16xf32>
        %add3A_173 = arith.addf %mul3A_172, %gather3A_171 : vector<16xf32>
        %add3A_174 = arith.addf %add3A_173, %broadcast_in_dim3A_58 : vector<16xf32>
        %bitcast3A = vector.bitcast %add3A_174 : vector<16xf32> to vector<16xi32>
        %xor3A = arith.xori %broadcast_in_dim3A_60, %bitcast3A : vector<16xi32>
        %bitcast3A_175 = vector.bitcast %add3A_173 : vector<16xf32> to vector<16xi32>
        %and3A_176 = arith.constant 2147483647 : i32
        %and3A_177 = vector.broadcast %and3A_176 : i32 to vector<16xi32>
        %and3A_178 = arith.andi %bitcast3A_175, %and3A_177 : vector<16xi32>
        %sub3A_179 = arith.constant 1 : i32
        %sub3A_180 = vector.broadcast %sub3A_179 : i32 to vector<16xi32>
        %sub3A_181 = arith.subi %and3A_178, %sub3A_180 : vector<16xi32>
        %min3A = arith.minui %broadcast_in_dim3A_62, %sub3A_181 : vector<16xi32>
        %get3A_182 = arith.constant 1 : i32
        %get3A_183 = arith.index_cast %get3A_182 : i32 to index
        %get3A_184 = arith.index_cast %mul3A_156 : i32 to index
        %get3A_185 = tpu.vector_load %arg9[%get3A_183, %get3A_184] {strides = array<i32>} : memref<16x512xi32, #tpu.memory_space<vmem>>, vector<16xi32>,
        %and3A_186 = arith.constant 16777215 : i32
        %and3A_187 = vector.broadcast %and3A_186 : i32 to vector<16xi32>
        %and3A_188 = arith.andi %get3A_185, %and3A_187 : vector<16xi32>
        %shift_right_logical3A_189 = arith.constant 22 : i32
        %shift_right_logical3A_190 = vector.broadcast %shift_right_logical3A_189 : i32 to vector<16xi32>
        %shift_right_logical3A_191 = arith.shrui %get3A_185, %shift_right_logical3A_190 : vector<16xi32>
        %and3A_192 = arith.constant 12 : i32
        %and3A_193 = vector.broadcast %and3A_192 : i32 to vector<16xi32>
        %and3A_194 = arith.andi %shift_right_logical3A_191, %and3A_193 : vector<16xi32>
        %add3A_195 = arith.addi %and3A_194, %and3A_65 : vector<16xi32>
        %gather3A_196 = tpu.vector_load_idx %arg8[%and3A_188] : memref<100000xf32, #tpu.memory_space<vmem>>[vector<16xi32>], vector<16xf32>,
        %gather3A_197 = tpu.vector_load_idx %arg13[%add3A_195] : memref<16xf32, #tpu.memory_space<vmem>>[vector<16xi32>], vector<16xf32>,
        %gather3A_198 = tpu.vector_load_idx %arg14[%add3A_195] : memref<16xf32, #tpu.memory_space<vmem>>[vector<16xi32>], vector<16xf32>,
        %mul3A_199 = arith.mulf %gather3A_196, %gather3A_197 : vector<16xf32>
        %add3A_200 = arith.addf %mul3A_199, %gather3A_198 : vector<16xf32>
        %add3A_201 = arith.addf %add3A_200, %broadcast_in_dim3A_58 : vector<16xf32>
        %bitcast3A_202 = vector.bitcast %add3A_201 : vector<16xf32> to vector<16xi32>
        %xor3A_203 = arith.xori %broadcast_in_dim3A_60, %bitcast3A_202 : vector<16xi32>
        %bitcast3A_204 = vector.bitcast %add3A_200 : vector<16xf32> to vector<16xi32>
        %and3A_205 = arith.constant 2147483647 : i32
        %and3A_206 = vector.broadcast %and3A_205 : i32 to vector<16xi32>
        %and3A_207 = arith.andi %bitcast3A_204, %and3A_206 : vector<16xi32>
        %sub3A_208 = arith.constant 1 : i32
        %sub3A_209 = vector.broadcast %sub3A_208 : i32 to vector<16xi32>
        %sub3A_210 = arith.subi %and3A_207, %sub3A_209 : vector<16xi32>
        %min3A_211 = arith.minui %broadcast_in_dim3A_62, %sub3A_210 : vector<16xi32>
        %get3A_212 = arith.constant 2 : i32
        %get3A_213 = arith.index_cast %get3A_212 : i32 to index
        %get3A_214 = arith.index_cast %mul3A_156 : i32 to index
        %get3A_215 = tpu.vector_load %arg9[%get3A_213, %get3A_214] {strides = array<i32>} : memref<16x512xi32, #tpu.memory_space<vmem>>, vector<16xi32>,
        %and3A_216 = arith.constant 16777215 : i32
        %and3A_217 = vector.broadcast %and3A_216 : i32 to vector<16xi32>
        %and3A_218 = arith.andi %get3A_215, %and3A_217 : vector<16xi32>
        %shift_right_logical3A_219 = arith.constant 22 : i32
        %shift_right_logical3A_220 = vector.broadcast %shift_right_logical3A_219 : i32 to vector<16xi32>
        %shift_right_logical3A_221 = arith.shrui %get3A_215, %shift_right_logical3A_220 : vector<16xi32>
        %and3A_222 = arith.constant 12 : i32
        %and3A_223 = vector.broadcast %and3A_222 : i32 to vector<16xi32>
        %and3A_224 = arith.andi %shift_right_logical3A_221, %and3A_223 : vector<16xi32>
        %add3A_225 = arith.addi %and3A_224, %and3A_65 : vector<16xi32>
        %gather3A_226 = tpu.vector_load_idx %arg8[%and3A_218] : memref<100000xf32, #tpu.memory_space<vmem>>[vector<16xi32>], vector<16xf32>,
        %gather3A_227 = tpu.vector_load_idx %arg13[%add3A_225] : memref<16xf32, #tpu.memory_space<vmem>>[vector<16xi32>], vector<16xf32>,
        %gather3A_228 = tpu.vector_load_idx %arg14[%add3A_225] : memref<16xf32, #tpu.memory_space<vmem>>[vector<16xi32>], vector<16xf32>,
        %mul3A_229 = arith.mulf %gather3A_226, %gather3A_227 : vector<16xf32>
        %add3A_230 = arith.addf %mul3A_229, %gather3A_228 : vector<16xf32>
        %add3A_231 = arith.addf %add3A_230, %broadcast_in_dim3A_58 : vector<16xf32>
        %bitcast3A_232 = vector.bitcast %add3A_231 : vector<16xf32> to vector<16xi32>
        %xor3A_233 = arith.xori %broadcast_in_dim3A_60, %bitcast3A_232 : vector<16xi32>
        %bitcast3A_234 = vector.bitcast %add3A_230 : vector<16xf32> to vector<16xi32>
        %and3A_235 = arith.constant 2147483647 : i32
        %and3A_236 = vector.broadcast %and3A_235 : i32 to vector<16xi32>
        %and3A_237 = arith.andi %bitcast3A_234, %and3A_236 : vector<16xi32>
        %sub3A_238 = arith.constant 1 : i32
        %sub3A_239 = vector.broadcast %sub3A_238 : i32 to vector<16xi32>
        %sub3A_240 = arith.subi %and3A_237, %sub3A_239 : vector<16xi32>
        %min3A_241 = arith.minui %broadcast_in_dim3A_62, %sub3A_240 : vector<16xi32>
        %get3A_242 = arith.constant 3 : i32
        %get3A_243 = arith.index_cast %get3A_242 : i32 to index
        %get3A_244 = arith.index_cast %mul3A_156 : i32 to index
        %get3A_245 = tpu.vector_load %arg9[%get3A_243, %get3A_244] {strides = array<i32>} : memref<16x512xi32, #tpu.memory_space<vmem>>, vector<16xi32>,
        %and3A_246 = arith.constant 16777215 : i32
        %and3A_247 = vector.broadcast %and3A_246 : i32 to vector<16xi32>
        %and3A_248 = arith.andi %get3A_245, %and3A_247 : vector<16xi32>
        %shift_right_logical3A_249 = arith.constant 22 : i32
        %shift_right_logical3A_250 = vector.broadcast %shift_right_logical3A_249 : i32 to vector<16xi32>
        %shift_right_logical3A_251 = arith.shrui %get3A_245, %shift_right_logical3A_250 : vector<16xi32>
        %and3A_252 = arith.constant 12 : i32
        %and3A_253 = vector.broadcast %and3A_252 : i32 to vector<16xi32>
        %and3A_254 = arith.andi %shift_right_logical3A_251, %and3A_253 : vector<16xi32>
        %add3A_255 = arith.addi %and3A_254, %and3A_65 : vector<16xi32>
        %gather3A_256 = tpu.vector_load_idx %arg8[%and3A_248] : memref<100000xf32, #tpu.memory_space<vmem>>[vector<16xi32>], vector<16xf32>,
        %gather3A_257 = tpu.vector_load_idx %arg13[%add3A_255] : memref<16xf32, #tpu.memory_space<vmem>>[vector<16xi32>], vector<16xf32>,
        %gather3A_258 = tpu.vector_load_idx %arg14[%add3A_255] : memref<16xf32, #tpu.memory_space<vmem>>[vector<16xi32>], vector<16xf32>,
        %mul3A_259 = arith.mulf %gather3A_256, %gather3A_257 : vector<16xf32>
        %add3A_260 = arith.addf %mul3A_259, %gather3A_258 : vector<16xf32>
        %add3A_261 = arith.addf %add3A_260, %broadcast_in_dim3A_58 : vector<16xf32>
        %bitcast3A_262 = vector.bitcast %add3A_261 : vector<16xf32> to vector<16xi32>
        %xor3A_263 = arith.xori %broadcast_in_dim3A_60, %bitcast3A_262 : vector<16xi32>
        %bitcast3A_264 = vector.bitcast %add3A_260 : vector<16xf32> to vector<16xi32>
        %and3A_265 = arith.constant 2147483647 : i32
        %and3A_266 = vector.broadcast %and3A_265 : i32 to vector<16xi32>
        %and3A_267 = arith.andi %bitcast3A_264, %and3A_266 : vector<16xi32>
        %sub3A_268 = arith.constant 1 : i32
        %sub3A_269 = vector.broadcast %sub3A_268 : i32 to vector<16xi32>
        %sub3A_270 = arith.subi %and3A_267, %sub3A_269 : vector<16xi32>
        %min3A_271 = arith.minui %broadcast_in_dim3A_62, %sub3A_270 : vector<16xi32>
        %get3A_272 = arith.constant 4 : i32
        %get3A_273 = arith.index_cast %get3A_272 : i32 to index
        %get3A_274 = arith.index_cast %mul3A_156 : i32 to index
        %get3A_275 = tpu.vector_load %arg9[%get3A_273, %get3A_274] {strides = array<i32>} : memref<16x512xi32, #tpu.memory_space<vmem>>, vector<16xi32>,
        %and3A_276 = arith.constant 16777215 : i32
        %and3A_277 = vector.broadcast %and3A_276 : i32 to vector<16xi32>
        %and3A_278 = arith.andi %get3A_275, %and3A_277 : vector<16xi32>
        %shift_right_logical3A_279 = arith.constant 22 : i32
        %shift_right_logical3A_280 = vector.broadcast %shift_right_logical3A_279 : i32 to vector<16xi32>
        %shift_right_logical3A_281 = arith.shrui %get3A_275, %shift_right_logical3A_280 : vector<16xi32>
        %and3A_282 = arith.constant 12 : i32
        %and3A_283 = vector.broadcast %and3A_282 : i32 to vector<16xi32>
        %and3A_284 = arith.andi %shift_right_logical3A_281, %and3A_283 : vector<16xi32>
        %add3A_285 = arith.addi %and3A_284, %and3A_65 : vector<16xi32>
        %gather3A_286 = tpu.vector_load_idx %arg8[%and3A_278] : memref<100000xf32, #tpu.memory_space<vmem>>[vector<16xi32>], vector<16xf32>,
        %gather3A_287 = tpu.vector_load_idx %arg13[%add3A_285] : memref<16xf32, #tpu.memory_space<vmem>>[vector<16xi32>], vector<16xf32>,
        %gather3A_288 = tpu.vector_load_idx %arg14[%add3A_285] : memref<16xf32, #tpu.memory_space<vmem>>[vector<16xi32>], vector<16xf32>,
        %mul3A_289 = arith.mulf %gather3A_286, %gather3A_287 : vector<16xf32>
        %add3A_290 = arith.addf %mul3A_289, %gather3A_288 : vector<16xf32>
        %add3A_291 = arith.addf %add3A_290, %broadcast_in_dim3A_58 : vector<16xf32>
        %bitcast3A_292 = vector.bitcast %add3A_291 : vector<16xf32> to vector<16xi32>
        %xor3A_293 = arith.xori %xor3A, %bitcast3A_292 : vector<16xi32>
        %bitcast3A_294 = vector.bitcast %add3A_290 : vector<16xf32> to vector<16xi32>
        %and3A_295 = arith.constant 2147483647 : i32
        %and3A_296 = vector.broadcast %and3A_295 : i32 to vector<16xi32>
        %and3A_297 = arith.andi %bitcast3A_294, %and3A_296 : vector<16xi32>
        %sub3A_298 = arith.constant 1 : i32
        %sub3A_299 = vector.broadcast %sub3A_298 : i32 to vector<16xi32>
        %sub3A_300 = arith.subi %and3A_297, %sub3A_299 : vector<16xi32>
        %min3A_301 = arith.minui %min3A, %sub3A_300 : vector<16xi32>
        %get3A_302 = arith.constant 5 : i32
        %get3A_303 = arith.index_cast %get3A_302 : i32 to index
        %get3A_304 = arith.index_cast %mul3A_156 : i32 to index
        %get3A_305 = tpu.vector_load %arg9[%get3A_303, %get3A_304] {strides = array<i32>} : memref<16x512xi32, #tpu.memory_space<vmem>>, vector<16xi32>,
        %and3A_306 = arith.constant 16777215 : i32
        %and3A_307 = vector.broadcast %and3A_306 : i32 to vector<16xi32>
        %and3A_308 = arith.andi %get3A_305, %and3A_307 : vector<16xi32>
        %shift_right_logical3A_309 = arith.constant 22 : i32
        %shift_right_logical3A_310 = vector.broadcast %shift_right_logical3A_309 : i32 to vector<16xi32>
        %shift_right_logical3A_311 = arith.shrui %get3A_305, %shift_right_logical3A_310 : vector<16xi32>
        %and3A_312 = arith.constant 12 : i32
        %and3A_313 = vector.broadcast %and3A_312 : i32 to vector<16xi32>
        %and3A_314 = arith.andi %shift_right_logical3A_311, %and3A_313 : vector<16xi32>
        %add3A_315 = arith.addi %and3A_314, %and3A_65 : vector<16xi32>
        %gather3A_316 = tpu.vector_load_idx %arg8[%and3A_308] : memref<100000xf32, #tpu.memory_space<vmem>>[vector<16xi32>], vector<16xf32>,
        %gather3A_317 = tpu.vector_load_idx %arg13[%add3A_315] : memref<16xf32, #tpu.memory_space<vmem>>[vector<16xi32>], vector<16xf32>,
        %gather3A_318 = tpu.vector_load_idx %arg14[%add3A_315] : memref<16xf32, #tpu.memory_space<vmem>>[vector<16xi32>], vector<16xf32>,
        %mul3A_319 = arith.mulf %gather3A_316, %gather3A_317 : vector<16xf32>
        %add3A_320 = arith.addf %mul3A_319, %gather3A_318 : vector<16xf32>
        %add3A_321 = arith.addf %add3A_320, %broadcast_in_dim3A_58 : vector<16xf32>
        %bitcast3A_322 = vector.bitcast %add3A_321 : vector<16xf32> to vector<16xi32>
        %xor3A_323 = arith.xori %xor3A_203, %bitcast3A_322 : vector<16xi32>
        %bitcast3A_324 = vector.bitcast %add3A_320 : vector<16xf32> to vector<16xi32>
        %and3A_325 = arith.constant 2147483647 : i32
        %and3A_326 = vector.broadcast %and3A_325 : i32 to vector<16xi32>
        %and3A_327 = arith.andi %bitcast3A_324, %and3A_326 : vector<16xi32>
        %sub3A_328 = arith.constant 1 : i32
        %sub3A_329 = vector.broadcast %sub3A_328 : i32 to vector<16xi32>
        %sub3A_330 = arith.subi %and3A_327, %sub3A_329 : vector<16xi32>
        %min3A_331 = arith.minui %min3A_211, %sub3A_330 : vector<16xi32>
        %get3A_332 = arith.constant 6 : i32
        %get3A_333 = arith.index_cast %get3A_332 : i32 to index
        %get3A_334 = arith.index_cast %mul3A_156 : i32 to index
        %get3A_335 = tpu.vector_load %arg9[%get3A_333, %get3A_334] {strides = array<i32>} : memref<16x512xi32, #tpu.memory_space<vmem>>, vector<16xi32>,
        %and3A_336 = arith.constant 16777215 : i32
        %and3A_337 = vector.broadcast %and3A_336 : i32 to vector<16xi32>
        %and3A_338 = arith.andi %get3A_335, %and3A_337 : vector<16xi32>
        %shift_right_logical3A_339 = arith.constant 22 : i32
        %shift_right_logical3A_340 = vector.broadcast %shift_right_logical3A_339 : i32 to vector<16xi32>
        %shift_right_logical3A_341 = arith.shrui %get3A_335, %shift_right_logical3A_340 : vector<16xi32>
        %and3A_342 = arith.constant 12 : i32
        %and3A_343 = vector.broadcast %and3A_342 : i32 to vector<16xi32>
        %and3A_344 = arith.andi %shift_right_logical3A_341, %and3A_343 : vector<16xi32>
        %add3A_345 = arith.addi %and3A_344, %and3A_65 : vector<16xi32>
        %gather3A_346 = tpu.vector_load_idx %arg8[%and3A_338] : memref<100000xf32, #tpu.memory_space<vmem>>[vector<16xi32>], vector<16xf32>,
        %gather3A_347 = tpu.vector_load_idx %arg13[%add3A_345] : memref<16xf32, #tpu.memory_space<vmem>>[vector<16xi32>], vector<16xf32>,
        %gather3A_348 = tpu.vector_load_idx %arg14[%add3A_345] : memref<16xf32, #tpu.memory_space<vmem>>[vector<16xi32>], vector<16xf32>,
        %mul3A_349 = arith.mulf %gather3A_346, %gather3A_347 : vector<16xf32>
        %add3A_350 = arith.addf %mul3A_349, %gather3A_348 : vector<16xf32>
        %add3A_351 = arith.addf %add3A_350, %broadcast_in_dim3A_58 : vector<16xf32>
        %bitcast3A_352 = vector.bitcast %add3A_351 : vector<16xf32> to vector<16xi32>
        %xor3A_353 = arith.xori %xor3A_233, %bitcast3A_352 : vector<16xi32>
        %bitcast3A_354 = vector.bitcast %add3A_350 : vector<16xf32> to vector<16xi32>
        %and3A_355 = arith.constant 2147483647 : i32
        %and3A_356 = vector.broadcast %and3A_355 : i32 to vector<16xi32>
        %and3A_357 = arith.andi %bitcast3A_354, %and3A_356 : vector<16xi32>
        %sub3A_358 = arith.constant 1 : i32
        %sub3A_359 = vector.broadcast %sub3A_358 : i32 to vector<16xi32>
        %sub3A_360 = arith.subi %and3A_357, %sub3A_359 : vector<16xi32>
        %min3A_361 = arith.minui %min3A_241, %sub3A_360 : vector<16xi32>
        %get3A_362 = arith.constant 7 : i32
        %get3A_363 = arith.index_cast %get3A_362 : i32 to index
        %get3A_364 = arith.index_cast %mul3A_156 : i32 to index
        %get3A_365 = tpu.vector_load %arg9[%get3A_363, %get3A_364] {strides = array<i32>} : memref<16x512xi32, #tpu.memory_space<vmem>>, vector<16xi32>,
        %and3A_366 = arith.constant 16777215 : i32
        %and3A_367 = vector.broadcast %and3A_366 : i32 to vector<16xi32>
        %and3A_368 = arith.andi %get3A_365, %and3A_367 : vector<16xi32>
        %shift_right_logical3A_369 = arith.constant 22 : i32
        %shift_right_logical3A_370 = vector.broadcast %shift_right_logical3A_369 : i32 to vector<16xi32>
        %shift_right_logical3A_371 = arith.shrui %get3A_365, %shift_right_logical3A_370 : vector<16xi32>
        %and3A_372 = arith.constant 12 : i32
        %and3A_373 = vector.broadcast %and3A_372 : i32 to vector<16xi32>
        %and3A_374 = arith.andi %shift_right_logical3A_371, %and3A_373 : vector<16xi32>
        %add3A_375 = arith.addi %and3A_374, %and3A_65 : vector<16xi32>
        %gather3A_376 = tpu.vector_load_idx %arg8[%and3A_368] : memref<100000xf32, #tpu.memory_space<vmem>>[vector<16xi32>], vector<16xf32>,
        %gather3A_377 = tpu.vector_load_idx %arg13[%add3A_375] : memref<16xf32, #tpu.memory_space<vmem>>[vector<16xi32>], vector<16xf32>,
        %gather3A_378 = tpu.vector_load_idx %arg14[%add3A_375] : memref<16xf32, #tpu.memory_space<vmem>>[vector<16xi32>], vector<16xf32>,
        %mul3A_379 = arith.mulf %gather3A_376, %gather3A_377 : vector<16xf32>
        %add3A_380 = arith.addf %mul3A_379, %gather3A_378 : vector<16xf32>
        %add3A_381 = arith.addf %add3A_380, %broadcast_in_dim3A_58 : vector<16xf32>
        %bitcast3A_382 = vector.bitcast %add3A_381 : vector<16xf32> to vector<16xi32>
        %xor3A_383 = arith.xori %xor3A_263, %bitcast3A_382 : vector<16xi32>
        %bitcast3A_384 = vector.bitcast %add3A_380 : vector<16xf32> to vector<16xi32>
        %and3A_385 = arith.constant 2147483647 : i32
        %and3A_386 = vector.broadcast %and3A_385 : i32 to vector<16xi32>
        %and3A_387 = arith.andi %bitcast3A_384, %and3A_386 : vector<16xi32>
        %sub3A_388 = arith.constant 1 : i32
        %sub3A_389 = vector.broadcast %sub3A_388 : i32 to vector<16xi32>
        %sub3A_390 = arith.subi %and3A_387, %sub3A_389 : vector<16xi32>
        %min3A_391 = arith.minui %min3A_271, %sub3A_390 : vector<16xi32>
        %get3A_392 = arith.constant 8 : i32
        %get3A_393 = arith.index_cast %get3A_392 : i32 to index
        %get3A_394 = arith.index_cast %mul3A_156 : i32 to index
        %get3A_395 = tpu.vector_load %arg9[%get3A_393, %get3A_394] {strides = array<i32>} : memref<16x512xi32, #tpu.memory_space<vmem>>, vector<16xi32>,
        %and3A_396 = arith.constant 16777215 : i32
        %and3A_397 = vector.broadcast %and3A_396 : i32 to vector<16xi32>
        %and3A_398 = arith.andi %get3A_395, %and3A_397 : vector<16xi32>
        %shift_right_logical3A_399 = arith.constant 22 : i32
        %shift_right_logical3A_400 = vector.broadcast %shift_right_logical3A_399 : i32 to vector<16xi32>
        %shift_right_logical3A_401 = arith.shrui %get3A_395, %shift_right_logical3A_400 : vector<16xi32>
        %and3A_402 = arith.constant 12 : i32
        %and3A_403 = vector.broadcast %and3A_402 : i32 to vector<16xi32>
        %and3A_404 = arith.andi %shift_right_logical3A_401, %and3A_403 : vector<16xi32>
        %add3A_405 = arith.addi %and3A_404, %and3A_65 : vector<16xi32>
        %gather3A_406 = tpu.vector_load_idx %arg8[%and3A_398] : memref<100000xf32, #tpu.memory_space<vmem>>[vector<16xi32>], vector<16xf32>,
        %gather3A_407 = tpu.vector_load_idx %arg13[%add3A_405] : memref<16xf32, #tpu.memory_space<vmem>>[vector<16xi32>], vector<16xf32>,
        %gather3A_408 = tpu.vector_load_idx %arg14[%add3A_405] : memref<16xf32, #tpu.memory_space<vmem>>[vector<16xi32>], vector<16xf32>,
        %mul3A_409 = arith.mulf %gather3A_406, %gather3A_407 : vector<16xf32>
        %add3A_410 = arith.addf %mul3A_409, %gather3A_408 : vector<16xf32>
        %add3A_411 = arith.addf %add3A_410, %broadcast_in_dim3A_58 : vector<16xf32>
        %bitcast3A_412 = vector.bitcast %add3A_411 : vector<16xf32> to vector<16xi32>
        %xor3A_413 = arith.xori %xor3A_293, %bitcast3A_412 : vector<16xi32>
        %bitcast3A_414 = vector.bitcast %add3A_410 : vector<16xf32> to vector<16xi32>
        %and3A_415 = arith.constant 2147483647 : i32
        %and3A_416 = vector.broadcast %and3A_415 : i32 to vector<16xi32>
        %and3A_417 = arith.andi %bitcast3A_414, %and3A_416 : vector<16xi32>
        %sub3A_418 = arith.constant 1 : i32
        %sub3A_419 = vector.broadcast %sub3A_418 : i32 to vector<16xi32>
        %sub3A_420 = arith.subi %and3A_417, %sub3A_419 : vector<16xi32>
        %min3A_421 = arith.minui %min3A_301, %sub3A_420 : vector<16xi32>
        %get3A_422 = arith.constant 9 : i32
        %get3A_423 = arith.index_cast %get3A_422 : i32 to index
        %get3A_424 = arith.index_cast %mul3A_156 : i32 to index
        %get3A_425 = tpu.vector_load %arg9[%get3A_423, %get3A_424] {strides = array<i32>} : memref<16x512xi32, #tpu.memory_space<vmem>>, vector<16xi32>,
        %and3A_426 = arith.constant 16777215 : i32
        %and3A_427 = vector.broadcast %and3A_426 : i32 to vector<16xi32>
        %and3A_428 = arith.andi %get3A_425, %and3A_427 : vector<16xi32>
        %shift_right_logical3A_429 = arith.constant 22 : i32
        %shift_right_logical3A_430 = vector.broadcast %shift_right_logical3A_429 : i32 to vector<16xi32>
        %shift_right_logical3A_431 = arith.shrui %get3A_425, %shift_right_logical3A_430 : vector<16xi32>
        %and3A_432 = arith.constant 12 : i32
        %and3A_433 = vector.broadcast %and3A_432 : i32 to vector<16xi32>
        %and3A_434 = arith.andi %shift_right_logical3A_431, %and3A_433 : vector<16xi32>
        %add3A_435 = arith.addi %and3A_434, %and3A_65 : vector<16xi32>
        %gather3A_436 = tpu.vector_load_idx %arg8[%and3A_428] : memref<100000xf32, #tpu.memory_space<vmem>>[vector<16xi32>], vector<16xf32>,
        %gather3A_437 = tpu.vector_load_idx %arg13[%add3A_435] : memref<16xf32, #tpu.memory_space<vmem>>[vector<16xi32>], vector<16xf32>,
        %gather3A_438 = tpu.vector_load_idx %arg14[%add3A_435] : memref<16xf32, #tpu.memory_space<vmem>>[vector<16xi32>], vector<16xf32>,
        %mul3A_439 = arith.mulf %gather3A_436, %gather3A_437 : vector<16xf32>
        %add3A_440 = arith.addf %mul3A_439, %gather3A_438 : vector<16xf32>
        %add3A_441 = arith.addf %add3A_440, %broadcast_in_dim3A_58 : vector<16xf32>
        %bitcast3A_442 = vector.bitcast %add3A_441 : vector<16xf32> to vector<16xi32>
        %xor3A_443 = arith.xori %xor3A_323, %bitcast3A_442 : vector<16xi32>
        %bitcast3A_444 = vector.bitcast %add3A_440 : vector<16xf32> to vector<16xi32>
        %and3A_445 = arith.constant 2147483647 : i32
        %and3A_446 = vector.broadcast %and3A_445 : i32 to vector<16xi32>
        %and3A_447 = arith.andi %bitcast3A_444, %and3A_446 : vector<16xi32>
        %sub3A_448 = arith.constant 1 : i32
        %sub3A_449 = vector.broadcast %sub3A_448 : i32 to vector<16xi32>
        %sub3A_450 = arith.subi %and3A_447, %sub3A_449 : vector<16xi32>
        %min3A_451 = arith.minui %min3A_331, %sub3A_450 : vector<16xi32>
        %get3A_452 = arith.constant 10 : i32
        %get3A_453 = arith.index_cast %get3A_452 : i32 to index
        %get3A_454 = arith.index_cast %mul3A_156 : i32 to index
        %get3A_455 = tpu.vector_load %arg9[%get3A_453, %get3A_454] {strides = array<i32>} : memref<16x512xi32, #tpu.memory_space<vmem>>, vector<16xi32>,
        %and3A_456 = arith.constant 16777215 : i32
        %and3A_457 = vector.broadcast %and3A_456 : i32 to vector<16xi32>
        %and3A_458 = arith.andi %get3A_455, %and3A_457 : vector<16xi32>
        %shift_right_logical3A_459 = arith.constant 22 : i32
        %shift_right_logical3A_460 = vector.broadcast %shift_right_logical3A_459 : i32 to vector<16xi32>
        %shift_right_logical3A_461 = arith.shrui %get3A_455, %shift_right_logical3A_460 : vector<16xi32>
        %and3A_462 = arith.constant 12 : i32
        %and3A_463 = vector.broadcast %and3A_462 : i32 to vector<16xi32>
        %and3A_464 = arith.andi %shift_right_logical3A_461, %and3A_463 : vector<16xi32>
        %add3A_465 = arith.addi %and3A_464, %and3A_65 : vector<16xi32>
        %gather3A_466 = tpu.vector_load_idx %arg8[%and3A_458] : memref<100000xf32, #tpu.memory_space<vmem>>[vector<16xi32>], vector<16xf32>,
        %gather3A_467 = tpu.vector_load_idx %arg13[%add3A_465] : memref<16xf32, #tpu.memory_space<vmem>>[vector<16xi32>], vector<16xf32>,
        %gather3A_468 = tpu.vector_load_idx %arg14[%add3A_465] : memref<16xf32, #tpu.memory_space<vmem>>[vector<16xi32>], vector<16xf32>,
        %mul3A_469 = arith.mulf %gather3A_466, %gather3A_467 : vector<16xf32>
        %add3A_470 = arith.addf %mul3A_469, %gather3A_468 : vector<16xf32>
        %add3A_471 = arith.addf %add3A_470, %broadcast_in_dim3A_58 : vector<16xf32>
        %bitcast3A_472 = vector.bitcast %add3A_471 : vector<16xf32> to vector<16xi32>
        %xor3A_473 = arith.xori %xor3A_353, %bitcast3A_472 : vector<16xi32>
        %bitcast3A_474 = vector.bitcast %add3A_470 : vector<16xf32> to vector<16xi32>
        %and3A_475 = arith.constant 2147483647 : i32
        %and3A_476 = vector.broadcast %and3A_475 : i32 to vector<16xi32>
        %and3A_477 = arith.andi %bitcast3A_474, %and3A_476 : vector<16xi32>
        %sub3A_478 = arith.constant 1 : i32
        %sub3A_479 = vector.broadcast %sub3A_478 : i32 to vector<16xi32>
        %sub3A_480 = arith.subi %and3A_477, %sub3A_479 : vector<16xi32>
        %min3A_481 = arith.minui %min3A_361, %sub3A_480 : vector<16xi32>
        %get3A_482 = arith.constant 11 : i32
        %get3A_483 = arith.index_cast %get3A_482 : i32 to index
        %get3A_484 = arith.index_cast %mul3A_156 : i32 to index
        %get3A_485 = tpu.vector_load %arg9[%get3A_483, %get3A_484] {strides = array<i32>} : memref<16x512xi32, #tpu.memory_space<vmem>>, vector<16xi32>,
        %and3A_486 = arith.constant 16777215 : i32
        %and3A_487 = vector.broadcast %and3A_486 : i32 to vector<16xi32>
        %and3A_488 = arith.andi %get3A_485, %and3A_487 : vector<16xi32>
        %shift_right_logical3A_489 = arith.constant 22 : i32
        %shift_right_logical3A_490 = vector.broadcast %shift_right_logical3A_489 : i32 to vector<16xi32>
        %shift_right_logical3A_491 = arith.shrui %get3A_485, %shift_right_logical3A_490 : vector<16xi32>
        %and3A_492 = arith.constant 12 : i32
        %and3A_493 = vector.broadcast %and3A_492 : i32 to vector<16xi32>
        %and3A_494 = arith.andi %shift_right_logical3A_491, %and3A_493 : vector<16xi32>
        %add3A_495 = arith.addi %and3A_494, %and3A_65 : vector<16xi32>
        %gather3A_496 = tpu.vector_load_idx %arg8[%and3A_488] : memref<100000xf32, #tpu.memory_space<vmem>>[vector<16xi32>], vector<16xf32>,
        %gather3A_497 = tpu.vector_load_idx %arg13[%add3A_495] : memref<16xf32, #tpu.memory_space<vmem>>[vector<16xi32>], vector<16xf32>,
        %gather3A_498 = tpu.vector_load_idx %arg14[%add3A_495] : memref<16xf32, #tpu.memory_space<vmem>>[vector<16xi32>], vector<16xf32>,
        %mul3A_499 = arith.mulf %gather3A_496, %gather3A_497 : vector<16xf32>
        %add3A_500 = arith.addf %mul3A_499, %gather3A_498 : vector<16xf32>
        %add3A_501 = arith.addf %add3A_500, %broadcast_in_dim3A_58 : vector<16xf32>
        %bitcast3A_502 = vector.bitcast %add3A_501 : vector<16xf32> to vector<16xi32>
        %xor3A_503 = arith.xori %xor3A_383, %bitcast3A_502 : vector<16xi32>
        %bitcast3A_504 = vector.bitcast %add3A_500 : vector<16xf32> to vector<16xi32>
        %and3A_505 = arith.constant 2147483647 : i32
        %and3A_506 = vector.broadcast %and3A_505 : i32 to vector<16xi32>
        %and3A_507 = arith.andi %bitcast3A_504, %and3A_506 : vector<16xi32>
        %sub3A_508 = arith.constant 1 : i32
        %sub3A_509 = vector.broadcast %sub3A_508 : i32 to vector<16xi32>
        %sub3A_510 = arith.subi %and3A_507, %sub3A_509 : vector<16xi32>
        %min3A_511 = arith.minui %min3A_391, %sub3A_510 : vector<16xi32>
        %get3A_512 = arith.constant 12 : i32
        %get3A_513 = arith.index_cast %get3A_512 : i32 to index
        %get3A_514 = arith.index_cast %mul3A_156 : i32 to index
        %get3A_515 = tpu.vector_load %arg9[%get3A_513, %get3A_514] {strides = array<i32>} : memref<16x512xi32, #tpu.memory_space<vmem>>, vector<16xi32>,
        %and3A_516 = arith.constant 16777215 : i32
        %and3A_517 = vector.broadcast %and3A_516 : i32 to vector<16xi32>
        %and3A_518 = arith.andi %get3A_515, %and3A_517 : vector<16xi32>
        %shift_right_logical3A_519 = arith.constant 22 : i32
        %shift_right_logical3A_520 = vector.broadcast %shift_right_logical3A_519 : i32 to vector<16xi32>
        %shift_right_logical3A_521 = arith.shrui %get3A_515, %shift_right_logical3A_520 : vector<16xi32>
        %and3A_522 = arith.constant 12 : i32
        %and3A_523 = vector.broadcast %and3A_522 : i32 to vector<16xi32>
        %and3A_524 = arith.andi %shift_right_logical3A_521, %and3A_523 : vector<16xi32>
        %add3A_525 = arith.addi %and3A_524, %and3A_65 : vector<16xi32>
        %gather3A_526 = tpu.vector_load_idx %arg8[%and3A_518] : memref<100000xf32, #tpu.memory_space<vmem>>[vector<16xi32>], vector<16xf32>,
        %gather3A_527 = tpu.vector_load_idx %arg13[%add3A_525] : memref<16xf32, #tpu.memory_space<vmem>>[vector<16xi32>], vector<16xf32>,
        %gather3A_528 = tpu.vector_load_idx %arg14[%add3A_525] : memref<16xf32, #tpu.memory_space<vmem>>[vector<16xi32>], vector<16xf32>,
        %mul3A_529 = arith.mulf %gather3A_526, %gather3A_527 : vector<16xf32>
        %add3A_530 = arith.addf %mul3A_529, %gather3A_528 : vector<16xf32>
        %add3A_531 = arith.addf %add3A_530, %broadcast_in_dim3A_58 : vector<16xf32>
        %bitcast3A_532 = vector.bitcast %add3A_531 : vector<16xf32> to vector<16xi32>
        %xor3A_533 = arith.xori %xor3A_413, %bitcast3A_532 : vector<16xi32>
        %bitcast3A_534 = vector.bitcast %add3A_530 : vector<16xf32> to vector<16xi32>
        %and3A_535 = arith.constant 2147483647 : i32
        %and3A_536 = vector.broadcast %and3A_535 : i32 to vector<16xi32>
        %and3A_537 = arith.andi %bitcast3A_534, %and3A_536 : vector<16xi32>
        %sub3A_538 = arith.constant 1 : i32
        %sub3A_539 = vector.broadcast %sub3A_538 : i32 to vector<16xi32>
        %sub3A_540 = arith.subi %and3A_537, %sub3A_539 : vector<16xi32>
        %min3A_541 = arith.minui %min3A_421, %sub3A_540 : vector<16xi32>
        %get3A_542 = arith.constant 13 : i32
        %get3A_543 = arith.index_cast %get3A_542 : i32 to index
        %get3A_544 = arith.index_cast %mul3A_156 : i32 to index
        %get3A_545 = tpu.vector_load %arg9[%get3A_543, %get3A_544] {strides = array<i32>} : memref<16x512xi32, #tpu.memory_space<vmem>>, vector<16xi32>,
        %and3A_546 = arith.constant 16777215 : i32
        %and3A_547 = vector.broadcast %and3A_546 : i32 to vector<16xi32>
        %and3A_548 = arith.andi %get3A_545, %and3A_547 : vector<16xi32>
        %shift_right_logical3A_549 = arith.constant 22 : i32
        %shift_right_logical3A_550 = vector.broadcast %shift_right_logical3A_549 : i32 to vector<16xi32>
        %shift_right_logical3A_551 = arith.shrui %get3A_545, %shift_right_logical3A_550 : vector<16xi32>
        %and3A_552 = arith.constant 12 : i32
        %and3A_553 = vector.broadcast %and3A_552 : i32 to vector<16xi32>
        %and3A_554 = arith.andi %shift_right_logical3A_551, %and3A_553 : vector<16xi32>
        %add3A_555 = arith.addi %and3A_554, %and3A_65 : vector<16xi32>
        %gather3A_556 = tpu.vector_load_idx %arg8[%and3A_548] : memref<100000xf32, #tpu.memory_space<vmem>>[vector<16xi32>], vector<16xf32>,
        %gather3A_557 = tpu.vector_load_idx %arg13[%add3A_555] : memref<16xf32, #tpu.memory_space<vmem>>[vector<16xi32>], vector<16xf32>,
        %gather3A_558 = tpu.vector_load_idx %arg14[%add3A_555] : memref<16xf32, #tpu.memory_space<vmem>>[vector<16xi32>], vector<16xf32>,
        %mul3A_559 = arith.mulf %gather3A_556, %gather3A_557 : vector<16xf32>
        %add3A_560 = arith.addf %mul3A_559, %gather3A_558 : vector<16xf32>
        %add3A_561 = arith.addf %add3A_560, %broadcast_in_dim3A_58 : vector<16xf32>
        %bitcast3A_562 = vector.bitcast %add3A_561 : vector<16xf32> to vector<16xi32>
        %xor3A_563 = arith.xori %xor3A_443, %bitcast3A_562 : vector<16xi32>
        %bitcast3A_564 = vector.bitcast %add3A_560 : vector<16xf32> to vector<16xi32>
        %and3A_565 = arith.constant 2147483647 : i32
        %and3A_566 = vector.broadcast %and3A_565 : i32 to vector<16xi32>
        %and3A_567 = arith.andi %bitcast3A_564, %and3A_566 : vector<16xi32>
        %sub3A_568 = arith.constant 1 : i32
        %sub3A_569 = vector.broadcast %sub3A_568 : i32 to vector<16xi32>
        %sub3A_570 = arith.subi %and3A_567, %sub3A_569 : vector<16xi32>
        %min3A_571 = arith.minui %min3A_451, %sub3A_570 : vector<16xi32>
        %get3A_572 = arith.constant 14 : i32
        %get3A_573 = arith.index_cast %get3A_572 : i32 to index
        %get3A_574 = arith.index_cast %mul3A_156 : i32 to index
        %get3A_575 = tpu.vector_load %arg9[%get3A_573, %get3A_574] {strides = array<i32>} : memref<16x512xi32, #tpu.memory_space<vmem>>, vector<16xi32>,
        %and3A_576 = arith.constant 16777215 : i32
        %and3A_577 = vector.broadcast %and3A_576 : i32 to vector<16xi32>
        %and3A_578 = arith.andi %get3A_575, %and3A_577 : vector<16xi32>
        %shift_right_logical3A_579 = arith.constant 22 : i32
        %shift_right_logical3A_580 = vector.broadcast %shift_right_logical3A_579 : i32 to vector<16xi32>
        %shift_right_logical3A_581 = arith.shrui %get3A_575, %shift_right_logical3A_580 : vector<16xi32>
        %and3A_582 = arith.constant 12 : i32
        %and3A_583 = vector.broadcast %and3A_582 : i32 to vector<16xi32>
        %and3A_584 = arith.andi %shift_right_logical3A_581, %and3A_583 : vector<16xi32>
        %add3A_585 = arith.addi %and3A_584, %and3A_65 : vector<16xi32>
        %gather3A_586 = tpu.vector_load_idx %arg8[%and3A_578] : memref<100000xf32, #tpu.memory_space<vmem>>[vector<16xi32>], vector<16xf32>,
        %gather3A_587 = tpu.vector_load_idx %arg13[%add3A_585] : memref<16xf32, #tpu.memory_space<vmem>>[vector<16xi32>], vector<16xf32>,
        %gather3A_588 = tpu.vector_load_idx %arg14[%add3A_585] : memref<16xf32, #tpu.memory_space<vmem>>[vector<16xi32>], vector<16xf32>,
        %mul3A_589 = arith.mulf %gather3A_586, %gather3A_587 : vector<16xf32>
        %add3A_590 = arith.addf %mul3A_589, %gather3A_588 : vector<16xf32>
        %add3A_591 = arith.addf %add3A_590, %broadcast_in_dim3A_58 : vector<16xf32>
        %bitcast3A_592 = vector.bitcast %add3A_591 : vector<16xf32> to vector<16xi32>
        %xor3A_593 = arith.xori %xor3A_473, %bitcast3A_592 : vector<16xi32>
        %bitcast3A_594 = vector.bitcast %add3A_590 : vector<16xf32> to vector<16xi32>
        %and3A_595 = arith.constant 2147483647 : i32
        %and3A_596 = vector.broadcast %and3A_595 : i32 to vector<16xi32>
        %and3A_597 = arith.andi %bitcast3A_594, %and3A_596 : vector<16xi32>
        %sub3A_598 = arith.constant 1 : i32
        %sub3A_599 = vector.broadcast %sub3A_598 : i32 to vector<16xi32>
        %sub3A_600 = arith.subi %and3A_597, %sub3A_599 : vector<16xi32>
        %min3A_601 = arith.minui %min3A_481, %sub3A_600 : vector<16xi32>
        %get3A_602 = arith.constant 15 : i32
        %get3A_603 = arith.index_cast %get3A_602 : i32 to index
        %get3A_604 = arith.index_cast %mul3A_156 : i32 to index
        %get3A_605 = tpu.vector_load %arg9[%get3A_603, %get3A_604] {strides = array<i32>} : memref<16x512xi32, #tpu.memory_space<vmem>>, vector<16xi32>,
        %and3A_606 = arith.constant 16777215 : i32
        %and3A_607 = vector.broadcast %and3A_606 : i32 to vector<16xi32>
        %and3A_608 = arith.andi %get3A_605, %and3A_607 : vector<16xi32>
        %shift_right_logical3A_609 = arith.constant 22 : i32
        %shift_right_logical3A_610 = vector.broadcast %shift_right_logical3A_609 : i32 to vector<16xi32>
        %shift_right_logical3A_611 = arith.shrui %get3A_605, %shift_right_logical3A_610 : vector<16xi32>
        %and3A_612 = arith.constant 12 : i32
        %and3A_613 = vector.broadcast %and3A_612 : i32 to vector<16xi32>
        %and3A_614 = arith.andi %shift_right_logical3A_611, %and3A_613 : vector<16xi32>
        %add3A_615 = arith.addi %and3A_614, %and3A_65 : vector<16xi32>
        %gather3A_616 = tpu.vector_load_idx %arg8[%and3A_608] : memref<100000xf32, #tpu.memory_space<vmem>>[vector<16xi32>], vector<16xf32>,
        %gather3A_617 = tpu.vector_load_idx %arg13[%add3A_615] : memref<16xf32, #tpu.memory_space<vmem>>[vector<16xi32>], vector<16xf32>,
        %gather3A_618 = tpu.vector_load_idx %arg14[%add3A_615] : memref<16xf32, #tpu.memory_space<vmem>>[vector<16xi32>], vector<16xf32>,
        %mul3A_619 = arith.mulf %gather3A_616, %gather3A_617 : vector<16xf32>
        %add3A_620 = arith.addf %mul3A_619, %gather3A_618 : vector<16xf32>
        %add3A_621 = arith.addf %add3A_620, %broadcast_in_dim3A_58 : vector<16xf32>
        %bitcast3A_622 = vector.bitcast %add3A_621 : vector<16xf32> to vector<16xi32>
        %xor3A_623 = arith.xori %xor3A_503, %bitcast3A_622 : vector<16xi32>
        %bitcast3A_624 = vector.bitcast %add3A_620 : vector<16xf32> to vector<16xi32>
        %and3A_625 = arith.constant 2147483647 : i32
        %and3A_626 = vector.broadcast %and3A_625 : i32 to vector<16xi32>
        %and3A_627 = arith.andi %bitcast3A_624, %and3A_626 : vector<16xi32>
        %sub3A_628 = arith.constant 1 : i32
        %sub3A_629 = vector.broadcast %sub3A_628 : i32 to vector<16xi32>
        %sub3A_630 = arith.subi %and3A_627, %sub3A_629 : vector<16xi32>
        %min3A_631 = arith.minui %min3A_511, %sub3A_630 : vector<16xi32>
        %xor3A_632 = arith.xori %xor3A_533, %xor3A_563 : vector<16xi32>
        %xor3A_633 = arith.xori %xor3A_593, %xor3A_623 : vector<16xi32>
        %xor3A_634 = arith.xori %xor3A_632, %xor3A_633 : vector<16xi32>
        %min3A_635 = arith.minui %min3A_541, %min3A_571 : vector<16xi32>
        %min3A_636 = arith.minui %min3A_601, %min3A_631 : vector<16xi32>
        %min3A_637 = arith.minui %min3A_635, %min3A_636 : vector<16xi32>
        %add3A_638 = arith.constant 1 : i32
        %add3A_639 = vector.broadcast %add3A_638 : i32 to vector<16xi32>
        %add3A_640 = arith.addi %min3A_637, %add3A_639 : vector<16xi32>
        %bitcast3A_641 = vector.bitcast %add3A_640 : vector<16xi32> to vector<16xf32>
        %and3A_642 = arith.constant -2147483648 : i32
        %and3A_643 = vector.broadcast %and3A_642 : i32 to vector<16xi32>
        %and3A_644 = arith.andi %xor3A_634, %and3A_643 : vector<16xi32>
        %or3A = arith.constant 1065353216 : i32
        %or3A_645 = vector.broadcast %or3A : i32 to vector<16xi32>
        %or3A_646 = arith.ori %and3A_644, %or3A_645 : vector<16xi32>
        %bitcast3A_647 = vector.bitcast %or3A_646 : vector<16xi32> to vector<16xf32>
        %mul3A_648 = arith.mulf %get3A_53, %bitcast3A_641 : vector<16xf32>
        %add3A_649 = arith.addf %mul3A_648, %get3A_57 : vector<16xf32>
        %mul3A_650 = arith.mulf %bitcast3A_647, %add3A_649 : vector<16xf32>
        %swap3A = arith.index_cast %mul3A_156 : i32 to index
        %swap3A_651 = tpu.vector_load %arg11[%swap3A] {strides = array<i32>} : memref<512xf32, #tpu.memory_space<vmem>>, vector<16xf32>,
        tpu.vector_store %arg11[%swap3A], %mul3A_650 {strides = array<i32>} : memref<512xf32, #tpu.memory_space<vmem>>, vector<16xf32>,
        %mul3A_652 = arith.constant 4 : i32
        %mul3A_653 = arith.muli %mul3A_652, %scan3A_150 : i32
        %add3A_654 = arith.constant 1 : i32
        %add3A_655 = arith.addi %mul3A_653, %add3A_654 : i32
        %mul3A_656 = arith.constant 16 : i32
        %mul3A_657 = arith.muli %add3A_655, %mul3A_656 : i32
        %get3A_658 = arith.constant 0 : i32
        %get3A_659 = arith.index_cast %get3A_658 : i32 to index
        %get3A_660 = arith.index_cast %mul3A_657 : i32 to index
        %get3A_661 = tpu.vector_load %arg9[%get3A_659, %get3A_660] {strides = array<i32>} : memref<16x512xi32, #tpu.memory_space<vmem>>, vector<16xi32>,
        %and3A_662 = arith.constant 16777215 : i32
        %and3A_663 = vector.broadcast %and3A_662 : i32 to vector<16xi32>
        %and3A_664 = arith.andi %get3A_661, %and3A_663 : vector<16xi32>
        %shift_right_logical3A_665 = arith.constant 22 : i32
        %shift_right_logical3A_666 = vector.broadcast %shift_right_logical3A_665 : i32 to vector<16xi32>
        %shift_right_logical3A_667 = arith.shrui %get3A_661, %shift_right_logical3A_666 : vector<16xi32>
        %and3A_668 = arith.constant 12 : i32
        %and3A_669 = vector.broadcast %and3A_668 : i32 to vector<16xi32>
        %and3A_670 = arith.andi %shift_right_logical3A_667, %and3A_669 : vector<16xi32>
        %add3A_671 = arith.addi %and3A_670, %and3A_65 : vector<16xi32>
        %gather3A_672 = tpu.vector_load_idx %arg8[%and3A_664] : memref<100000xf32, #tpu.memory_space<vmem>>[vector<16xi32>], vector<16xf32>,
        %gather3A_673 = tpu.vector_load_idx %arg13[%add3A_671] : memref<16xf32, #tpu.memory_space<vmem>>[vector<16xi32>], vector<16xf32>,
        %gather3A_674 = tpu.vector_load_idx %arg14[%add3A_671] : memref<16xf32, #tpu.memory_space<vmem>>[vector<16xi32>], vector<16xf32>,
        %mul3A_675 = arith.mulf %gather3A_672, %gather3A_673 : vector<16xf32>
        %add3A_676 = arith.addf %mul3A_675, %gather3A_674 : vector<16xf32>
        %add3A_677 = arith.addf %add3A_676, %broadcast_in_dim3A_58 : vector<16xf32>
        %bitcast3A_678 = vector.bitcast %add3A_677 : vector<16xf32> to vector<16xi32>
        %xor3A_679 = arith.xori %broadcast_in_dim3A_60, %bitcast3A_678 : vector<16xi32>
        %bitcast3A_680 = vector.bitcast %add3A_676 : vector<16xf32> to vector<16xi32>
        %and3A_681 = arith.constant 2147483647 : i32
        %and3A_682 = vector.broadcast %and3A_681 : i32 to vector<16xi32>
        %and3A_683 = arith.andi %bitcast3A_680, %and3A_682 : vector<16xi32>
        %sub3A_684 = arith.constant 1 : i32
        %sub3A_685 = vector.broadcast %sub3A_684 : i32 to vector<16xi32>
        %sub3A_686 = arith.subi %and3A_683, %sub3A_685 : vector<16xi32>
        %min3A_687 = arith.minui %broadcast_in_dim3A_62, %sub3A_686 : vector<16xi32>
        %get3A_688 = arith.constant 1 : i32
        %get3A_689 = arith.index_cast %get3A_688 : i32 to index
        %get3A_690 = arith.index_cast %mul3A_657 : i32 to index
        %get3A_691 = tpu.vector_load %arg9[%get3A_689, %get3A_690] {strides = array<i32>} : memref<16x512xi32, #tpu.memory_space<vmem>>, vector<16xi32>,
        %and3A_692 = arith.constant 16777215 : i32
        %and3A_693 = vector.broadcast %and3A_692 : i32 to vector<16xi32>
        %and3A_694 = arith.andi %get3A_691, %and3A_693 : vector<16xi32>
        %shift_right_logical3A_695 = arith.constant 22 : i32
        %shift_right_logical3A_696 = vector.broadcast %shift_right_logical3A_695 : i32 to vector<16xi32>
        %shift_right_logical3A_697 = arith.shrui %get3A_691, %shift_right_logical3A_696 : vector<16xi32>
        %and3A_698 = arith.constant 12 : i32
        %and3A_699 = vector.broadcast %and3A_698 : i32 to vector<16xi32>
        %and3A_700 = arith.andi %shift_right_logical3A_697, %and3A_699 : vector<16xi32>
        %add3A_701 = arith.addi %and3A_700, %and3A_65 : vector<16xi32>
        %gather3A_702 = tpu.vector_load_idx %arg8[%and3A_694] : memref<100000xf32, #tpu.memory_space<vmem>>[vector<16xi32>], vector<16xf32>,
        %gather3A_703 = tpu.vector_load_idx %arg13[%add3A_701] : memref<16xf32, #tpu.memory_space<vmem>>[vector<16xi32>], vector<16xf32>,
        %gather3A_704 = tpu.vector_load_idx %arg14[%add3A_701] : memref<16xf32, #tpu.memory_space<vmem>>[vector<16xi32>], vector<16xf32>,
        %mul3A_705 = arith.mulf %gather3A_702, %gather3A_703 : vector<16xf32>
        %add3A_706 = arith.addf %mul3A_705, %gather3A_704 : vector<16xf32>
        %add3A_707 = arith.addf %add3A_706, %broadcast_in_dim3A_58 : vector<16xf32>
        %bitcast3A_708 = vector.bitcast %add3A_707 : vector<16xf32> to vector<16xi32>
        %xor3A_709 = arith.xori %broadcast_in_dim3A_60, %bitcast3A_708 : vector<16xi32>
        %bitcast3A_710 = vector.bitcast %add3A_706 : vector<16xf32> to vector<16xi32>
        %and3A_711 = arith.constant 2147483647 : i32
        %and3A_712 = vector.broadcast %and3A_711 : i32 to vector<16xi32>
        %and3A_713 = arith.andi %bitcast3A_710, %and3A_712 : vector<16xi32>
        %sub3A_714 = arith.constant 1 : i32
        %sub3A_715 = vector.broadcast %sub3A_714 : i32 to vector<16xi32>
        %sub3A_716 = arith.subi %and3A_713, %sub3A_715 : vector<16xi32>
        %min3A_717 = arith.minui %broadcast_in_dim3A_62, %sub3A_716 : vector<16xi32>
        %get3A_718 = arith.constant 2 : i32
        %get3A_719 = arith.index_cast %get3A_718 : i32 to index
        %get3A_720 = arith.index_cast %mul3A_657 : i32 to index
        %get3A_721 = tpu.vector_load %arg9[%get3A_719, %get3A_720] {strides = array<i32>} : memref<16x512xi32, #tpu.memory_space<vmem>>, vector<16xi32>,
        %and3A_722 = arith.constant 16777215 : i32
        %and3A_723 = vector.broadcast %and3A_722 : i32 to vector<16xi32>
        %and3A_724 = arith.andi %get3A_721, %and3A_723 : vector<16xi32>
        %shift_right_logical3A_725 = arith.constant 22 : i32
        %shift_right_logical3A_726 = vector.broadcast %shift_right_logical3A_725 : i32 to vector<16xi32>
        %shift_right_logical3A_727 = arith.shrui %get3A_721, %shift_right_logical3A_726 : vector<16xi32>
        %and3A_728 = arith.constant 12 : i32
        %and3A_729 = vector.broadcast %and3A_728 : i32 to vector<16xi32>
        %and3A_730 = arith.andi %shift_right_logical3A_727, %and3A_729 : vector<16xi32>
        %add3A_731 = arith.addi %and3A_730, %and3A_65 : vector<16xi32>
        %gather3A_732 = tpu.vector_load_idx %arg8[%and3A_724] : memref<100000xf32, #tpu.memory_space<vmem>>[vector<16xi32>], vector<16xf32>,
        %gather3A_733 = tpu.vector_load_idx %arg13[%add3A_731] : memref<16xf32, #tpu.memory_space<vmem>>[vector<16xi32>], vector<16xf32>,
        %gather3A_734 = tpu.vector_load_idx %arg14[%add3A_731] : memref<16xf32, #tpu.memory_space<vmem>>[vector<16xi32>], vector<16xf32>,
        %mul3A_735 = arith.mulf %gather3A_732, %gather3A_733 : vector<16xf32>
        %add3A_736 = arith.addf %mul3A_735, %gather3A_734 : vector<16xf32>
        %add3A_737 = arith.addf %add3A_736, %broadcast_in_dim3A_58 : vector<16xf32>
        %bitcast3A_738 = vector.bitcast %add3A_737 : vector<16xf32> to vector<16xi32>
        %xor3A_739 = arith.xori %broadcast_in_dim3A_60, %bitcast3A_738 : vector<16xi32>
        %bitcast3A_740 = vector.bitcast %add3A_736 : vector<16xf32> to vector<16xi32>
        %and3A_741 = arith.constant 2147483647 : i32
        %and3A_742 = vector.broadcast %and3A_741 : i32 to vector<16xi32>
        %and3A_743 = arith.andi %bitcast3A_740, %and3A_742 : vector<16xi32>
        %sub3A_744 = arith.constant 1 : i32
        %sub3A_745 = vector.broadcast %sub3A_744 : i32 to vector<16xi32>
        %sub3A_746 = arith.subi %and3A_743, %sub3A_745 : vector<16xi32>
        %min3A_747 = arith.minui %broadcast_in_dim3A_62, %sub3A_746 : vector<16xi32>
        %get3A_748 = arith.constant 3 : i32
        %get3A_749 = arith.index_cast %get3A_748 : i32 to index
        %get3A_750 = arith.index_cast %mul3A_657 : i32 to index
        %get3A_751 = tpu.vector_load %arg9[%get3A_749, %get3A_750] {strides = array<i32>} : memref<16x512xi32, #tpu.memory_space<vmem>>, vector<16xi32>,
        %and3A_752 = arith.constant 16777215 : i32
        %and3A_753 = vector.broadcast %and3A_752 : i32 to vector<16xi32>
        %and3A_754 = arith.andi %get3A_751, %and3A_753 : vector<16xi32>
        %shift_right_logical3A_755 = arith.constant 22 : i32
        %shift_right_logical3A_756 = vector.broadcast %shift_right_logical3A_755 : i32 to vector<16xi32>
        %shift_right_logical3A_757 = arith.shrui %get3A_751, %shift_right_logical3A_756 : vector<16xi32>
        %and3A_758 = arith.constant 12 : i32
        %and3A_759 = vector.broadcast %and3A_758 : i32 to vector<16xi32>
        %and3A_760 = arith.andi %shift_right_logical3A_757, %and3A_759 : vector<16xi32>
        %add3A_761 = arith.addi %and3A_760, %and3A_65 : vector<16xi32>
        %gather3A_762 = tpu.vector_load_idx %arg8[%and3A_754] : memref<100000xf32, #tpu.memory_space<vmem>>[vector<16xi32>], vector<16xf32>,
        %gather3A_763 = tpu.vector_load_idx %arg13[%add3A_761] : memref<16xf32, #tpu.memory_space<vmem>>[vector<16xi32>], vector<16xf32>,
        %gather3A_764 = tpu.vector_load_idx %arg14[%add3A_761] : memref<16xf32, #tpu.memory_space<vmem>>[vector<16xi32>], vector<16xf32>,
        %mul3A_765 = arith.mulf %gather3A_762, %gather3A_763 : vector<16xf32>
        %add3A_766 = arith.addf %mul3A_765, %gather3A_764 : vector<16xf32>
        %add3A_767 = arith.addf %add3A_766, %broadcast_in_dim3A_58 : vector<16xf32>
        %bitcast3A_768 = vector.bitcast %add3A_767 : vector<16xf32> to vector<16xi32>
        %xor3A_769 = arith.xori %broadcast_in_dim3A_60, %bitcast3A_768 : vector<16xi32>
        %bitcast3A_770 = vector.bitcast %add3A_766 : vector<16xf32> to vector<16xi32>
        %and3A_771 = arith.constant 2147483647 : i32
        %and3A_772 = vector.broadcast %and3A_771 : i32 to vector<16xi32>
        %and3A_773 = arith.andi %bitcast3A_770, %and3A_772 : vector<16xi32>
        %sub3A_774 = arith.constant 1 : i32
        %sub3A_775 = vector.broadcast %sub3A_774 : i32 to vector<16xi32>
        %sub3A_776 = arith.subi %and3A_773, %sub3A_775 : vector<16xi32>
        %min3A_777 = arith.minui %broadcast_in_dim3A_62, %sub3A_776 : vector<16xi32>
        %get3A_778 = arith.constant 4 : i32
        %get3A_779 = arith.index_cast %get3A_778 : i32 to index
        %get3A_780 = arith.index_cast %mul3A_657 : i32 to index
        %get3A_781 = tpu.vector_load %arg9[%get3A_779, %get3A_780] {strides = array<i32>} : memref<16x512xi32, #tpu.memory_space<vmem>>, vector<16xi32>,
        %and3A_782 = arith.constant 16777215 : i32
        %and3A_783 = vector.broadcast %and3A_782 : i32 to vector<16xi32>
        %and3A_784 = arith.andi %get3A_781, %and3A_783 : vector<16xi32>
        %shift_right_logical3A_785 = arith.constant 22 : i32
        %shift_right_logical3A_786 = vector.broadcast %shift_right_logical3A_785 : i32 to vector<16xi32>
        %shift_right_logical3A_787 = arith.shrui %get3A_781, %shift_right_logical3A_786 : vector<16xi32>
        %and3A_788 = arith.constant 12 : i32
        %and3A_789 = vector.broadcast %and3A_788 : i32 to vector<16xi32>
        %and3A_790 = arith.andi %shift_right_logical3A_787, %and3A_789 : vector<16xi32>
        %add3A_791 = arith.addi %and3A_790, %and3A_65 : vector<16xi32>
        %gather3A_792 = tpu.vector_load_idx %arg8[%and3A_784] : memref<100000xf32, #tpu.memory_space<vmem>>[vector<16xi32>], vector<16xf32>,
        %gather3A_793 = tpu.vector_load_idx %arg13[%add3A_791] : memref<16xf32, #tpu.memory_space<vmem>>[vector<16xi32>], vector<16xf32>,
        %gather3A_794 = tpu.vector_load_idx %arg14[%add3A_791] : memref<16xf32, #tpu.memory_space<vmem>>[vector<16xi32>], vector<16xf32>,
        %mul3A_795 = arith.mulf %gather3A_792, %gather3A_793 : vector<16xf32>
        %add3A_796 = arith.addf %mul3A_795, %gather3A_794 : vector<16xf32>
        %add3A_797 = arith.addf %add3A_796, %broadcast_in_dim3A_58 : vector<16xf32>
        %bitcast3A_798 = vector.bitcast %add3A_797 : vector<16xf32> to vector<16xi32>
        %xor3A_799 = arith.xori %xor3A_679, %bitcast3A_798 : vector<16xi32>
        %bitcast3A_800 = vector.bitcast %add3A_796 : vector<16xf32> to vector<16xi32>
        %and3A_801 = arith.constant 2147483647 : i32
        %and3A_802 = vector.broadcast %and3A_801 : i32 to vector<16xi32>
        %and3A_803 = arith.andi %bitcast3A_800, %and3A_802 : vector<16xi32>
        %sub3A_804 = arith.constant 1 : i32
        %sub3A_805 = vector.broadcast %sub3A_804 : i32 to vector<16xi32>
        %sub3A_806 = arith.subi %and3A_803, %sub3A_805 : vector<16xi32>
        %min3A_807 = arith.minui %min3A_687, %sub3A_806 : vector<16xi32>
        %get3A_808 = arith.constant 5 : i32
        %get3A_809 = arith.index_cast %get3A_808 : i32 to index
        %get3A_810 = arith.index_cast %mul3A_657 : i32 to index
        %get3A_811 = tpu.vector_load %arg9[%get3A_809, %get3A_810] {strides = array<i32>} : memref<16x512xi32, #tpu.memory_space<vmem>>, vector<16xi32>,
        %and3A_812 = arith.constant 16777215 : i32
        %and3A_813 = vector.broadcast %and3A_812 : i32 to vector<16xi32>
        %and3A_814 = arith.andi %get3A_811, %and3A_813 : vector<16xi32>
        %shift_right_logical3A_815 = arith.constant 22 : i32
        %shift_right_logical3A_816 = vector.broadcast %shift_right_logical3A_815 : i32 to vector<16xi32>
        %shift_right_logical3A_817 = arith.shrui %get3A_811, %shift_right_logical3A_816 : vector<16xi32>
        %and3A_818 = arith.constant 12 : i32
        %and3A_819 = vector.broadcast %and3A_818 : i32 to vector<16xi32>
        %and3A_820 = arith.andi %shift_right_logical3A_817, %and3A_819 : vector<16xi32>
        %add3A_821 = arith.addi %and3A_820, %and3A_65 : vector<16xi32>
        %gather3A_822 = tpu.vector_load_idx %arg8[%and3A_814] : memref<100000xf32, #tpu.memory_space<vmem>>[vector<16xi32>], vector<16xf32>,
        %gather3A_823 = tpu.vector_load_idx %arg13[%add3A_821] : memref<16xf32, #tpu.memory_space<vmem>>[vector<16xi32>], vector<16xf32>,
        %gather3A_824 = tpu.vector_load_idx %arg14[%add3A_821] : memref<16xf32, #tpu.memory_space<vmem>>[vector<16xi32>], vector<16xf32>,
        %mul3A_825 = arith.mulf %gather3A_822, %gather3A_823 : vector<16xf32>
        %add3A_826 = arith.addf %mul3A_825, %gather3A_824 : vector<16xf32>
        %add3A_827 = arith.addf %add3A_826, %broadcast_in_dim3A_58 : vector<16xf32>
        %bitcast3A_828 = vector.bitcast %add3A_827 : vector<16xf32> to vector<16xi32>
        %xor3A_829 = arith.xori %xor3A_709, %bitcast3A_828 : vector<16xi32>
        %bitcast3A_830 = vector.bitcast %add3A_826 : vector<16xf32> to vector<16xi32>
        %and3A_831 = arith.constant 2147483647 : i32
        %and3A_832 = vector.broadcast %and3A_831 : i32 to vector<16xi32>
        %and3A_833 = arith.andi %bitcast3A_830, %and3A_832 : vector<16xi32>
        %sub3A_834 = arith.constant 1 : i32
        %sub3A_835 = vector.broadcast %sub3A_834 : i32 to vector<16xi32>
        %sub3A_836 = arith.subi %and3A_833, %sub3A_835 : vector<16xi32>
        %min3A_837 = arith.minui %min3A_717, %sub3A_836 : vector<16xi32>
        %get3A_838 = arith.constant 6 : i32
        %get3A_839 = arith.index_cast %get3A_838 : i32 to index
        %get3A_840 = arith.index_cast %mul3A_657 : i32 to index
        %get3A_841 = tpu.vector_load %arg9[%get3A_839, %get3A_840] {strides = array<i32>} : memref<16x512xi32, #tpu.memory_space<vmem>>, vector<16xi32>,
        %and3A_842 = arith.constant 16777215 : i32
        %and3A_843 = vector.broadcast %and3A_842 : i32 to vector<16xi32>
        %and3A_844 = arith.andi %get3A_841, %and3A_843 : vector<16xi32>
        %shift_right_logical3A_845 = arith.constant 22 : i32
        %shift_right_logical3A_846 = vector.broadcast %shift_right_logical3A_845 : i32 to vector<16xi32>
        %shift_right_logical3A_847 = arith.shrui %get3A_841, %shift_right_logical3A_846 : vector<16xi32>
        %and3A_848 = arith.constant 12 : i32
        %and3A_849 = vector.broadcast %and3A_848 : i32 to vector<16xi32>
        %and3A_850 = arith.andi %shift_right_logical3A_847, %and3A_849 : vector<16xi32>
        %add3A_851 = arith.addi %and3A_850, %and3A_65 : vector<16xi32>
        %gather3A_852 = tpu.vector_load_idx %arg8[%and3A_844] : memref<100000xf32, #tpu.memory_space<vmem>>[vector<16xi32>], vector<16xf32>,
        %gather3A_853 = tpu.vector_load_idx %arg13[%add3A_851] : memref<16xf32, #tpu.memory_space<vmem>>[vector<16xi32>], vector<16xf32>,
        %gather3A_854 = tpu.vector_load_idx %arg14[%add3A_851] : memref<16xf32, #tpu.memory_space<vmem>>[vector<16xi32>], vector<16xf32>,
        %mul3A_855 = arith.mulf %gather3A_852, %gather3A_853 : vector<16xf32>
        %add3A_856 = arith.addf %mul3A_855, %gather3A_854 : vector<16xf32>
        %add3A_857 = arith.addf %add3A_856, %broadcast_in_dim3A_58 : vector<16xf32>
        %bitcast3A_858 = vector.bitcast %add3A_857 : vector<16xf32> to vector<16xi32>
        %xor3A_859 = arith.xori %xor3A_739, %bitcast3A_858 : vector<16xi32>
        %bitcast3A_860 = vector.bitcast %add3A_856 : vector<16xf32> to vector<16xi32>
        %and3A_861 = arith.constant 2147483647 : i32
        %and3A_862 = vector.broadcast %and3A_861 : i32 to vector<16xi32>
        %and3A_863 = arith.andi %bitcast3A_860, %and3A_862 : vector<16xi32>
        %sub3A_864 = arith.constant 1 : i32
        %sub3A_865 = vector.broadcast %sub3A_864 : i32 to vector<16xi32>
        %sub3A_866 = arith.subi %and3A_863, %sub3A_865 : vector<16xi32>
        %min3A_867 = arith.minui %min3A_747, %sub3A_866 : vector<16xi32>
        %get3A_868 = arith.constant 7 : i32
        %get3A_869 = arith.index_cast %get3A_868 : i32 to index
        %get3A_870 = arith.index_cast %mul3A_657 : i32 to index
        %get3A_871 = tpu.vector_load %arg9[%get3A_869, %get3A_870] {strides = array<i32>} : memref<16x512xi32, #tpu.memory_space<vmem>>, vector<16xi32>,
        %and3A_872 = arith.constant 16777215 : i32
        %and3A_873 = vector.broadcast %and3A_872 : i32 to vector<16xi32>
        %and3A_874 = arith.andi %get3A_871, %and3A_873 : vector<16xi32>
        %shift_right_logical3A_875 = arith.constant 22 : i32
        %shift_right_logical3A_876 = vector.broadcast %shift_right_logical3A_875 : i32 to vector<16xi32>
        %shift_right_logical3A_877 = arith.shrui %get3A_871, %shift_right_logical3A_876 : vector<16xi32>
        %and3A_878 = arith.constant 12 : i32
        %and3A_879 = vector.broadcast %and3A_878 : i32 to vector<16xi32>
        %and3A_880 = arith.andi %shift_right_logical3A_877, %and3A_879 : vector<16xi32>
        %add3A_881 = arith.addi %and3A_880, %and3A_65 : vector<16xi32>
        %gather3A_882 = tpu.vector_load_idx %arg8[%and3A_874] : memref<100000xf32, #tpu.memory_space<vmem>>[vector<16xi32>], vector<16xf32>,
        %gather3A_883 = tpu.vector_load_idx %arg13[%add3A_881] : memref<16xf32, #tpu.memory_space<vmem>>[vector<16xi32>], vector<16xf32>,
        %gather3A_884 = tpu.vector_load_idx %arg14[%add3A_881] : memref<16xf32, #tpu.memory_space<vmem>>[vector<16xi32>], vector<16xf32>,
        %mul3A_885 = arith.mulf %gather3A_882, %gather3A_883 : vector<16xf32>
        %add3A_886 = arith.addf %mul3A_885, %gather3A_884 : vector<16xf32>
        %add3A_887 = arith.addf %add3A_886, %broadcast_in_dim3A_58 : vector<16xf32>
        %bitcast3A_888 = vector.bitcast %add3A_887 : vector<16xf32> to vector<16xi32>
        %xor3A_889 = arith.xori %xor3A_769, %bitcast3A_888 : vector<16xi32>
        %bitcast3A_890 = vector.bitcast %add3A_886 : vector<16xf32> to vector<16xi32>
        %and3A_891 = arith.constant 2147483647 : i32
        %and3A_892 = vector.broadcast %and3A_891 : i32 to vector<16xi32>
        %and3A_893 = arith.andi %bitcast3A_890, %and3A_892 : vector<16xi32>
        %sub3A_894 = arith.constant 1 : i32
        %sub3A_895 = vector.broadcast %sub3A_894 : i32 to vector<16xi32>
        %sub3A_896 = arith.subi %and3A_893, %sub3A_895 : vector<16xi32>
        %min3A_897 = arith.minui %min3A_777, %sub3A_896 : vector<16xi32>
        %get3A_898 = arith.constant 8 : i32
        %get3A_899 = arith.index_cast %get3A_898 : i32 to index
        %get3A_900 = arith.index_cast %mul3A_657 : i32 to index
        %get3A_901 = tpu.vector_load %arg9[%get3A_899, %get3A_900] {strides = array<i32>} : memref<16x512xi32, #tpu.memory_space<vmem>>, vector<16xi32>,
        %and3A_902 = arith.constant 16777215 : i32
        %and3A_903 = vector.broadcast %and3A_902 : i32 to vector<16xi32>
        %and3A_904 = arith.andi %get3A_901, %and3A_903 : vector<16xi32>
        %shift_right_logical3A_905 = arith.constant 22 : i32
        %shift_right_logical3A_906 = vector.broadcast %shift_right_logical3A_905 : i32 to vector<16xi32>
        %shift_right_logical3A_907 = arith.shrui %get3A_901, %shift_right_logical3A_906 : vector<16xi32>
        %and3A_908 = arith.constant 12 : i32
        %and3A_909 = vector.broadcast %and3A_908 : i32 to vector<16xi32>
        %and3A_910 = arith.andi %shift_right_logical3A_907, %and3A_909 : vector<16xi32>
        %add3A_911 = arith.addi %and3A_910, %and3A_65 : vector<16xi32>
        %gather3A_912 = tpu.vector_load_idx %arg8[%and3A_904] : memref<100000xf32, #tpu.memory_space<vmem>>[vector<16xi32>], vector<16xf32>,
        %gather3A_913 = tpu.vector_load_idx %arg13[%add3A_911] : memref<16xf32, #tpu.memory_space<vmem>>[vector<16xi32>], vector<16xf32>,
        %gather3A_914 = tpu.vector_load_idx %arg14[%add3A_911] : memref<16xf32, #tpu.memory_space<vmem>>[vector<16xi32>], vector<16xf32>,
        %mul3A_915 = arith.mulf %gather3A_912, %gather3A_913 : vector<16xf32>
        %add3A_916 = arith.addf %mul3A_915, %gather3A_914 : vector<16xf32>
        %add3A_917 = arith.addf %add3A_916, %broadcast_in_dim3A_58 : vector<16xf32>
        %bitcast3A_918 = vector.bitcast %add3A_917 : vector<16xf32> to vector<16xi32>
        %xor3A_919 = arith.xori %xor3A_799, %bitcast3A_918 : vector<16xi32>
        %bitcast3A_920 = vector.bitcast %add3A_916 : vector<16xf32> to vector<16xi32>
        %and3A_921 = arith.constant 2147483647 : i32
        %and3A_922 = vector.broadcast %and3A_921 : i32 to vector<16xi32>
        %and3A_923 = arith.andi %bitcast3A_920, %and3A_922 : vector<16xi32>
        %sub3A_924 = arith.constant 1 : i32
        %sub3A_925 = vector.broadcast %sub3A_924 : i32 to vector<16xi32>
        %sub3A_926 = arith.subi %and3A_923, %sub3A_925 : vector<16xi32>
        %min3A_927 = arith.minui %min3A_807, %sub3A_926 : vector<16xi32>
        %get3A_928 = arith.constant 9 : i32
        %get3A_929 = arith.index_cast %get3A_928 : i32 to index
        %get3A_930 = arith.index_cast %mul3A_657 : i32 to index
        %get3A_931 = tpu.vector_load %arg9[%get3A_929, %get3A_930] {strides = array<i32>} : memref<16x512xi32, #tpu.memory_space<vmem>>, vector<16xi32>,
        %and3A_932 = arith.constant 16777215 : i32
        %and3A_933 = vector.broadcast %and3A_932 : i32 to vector<16xi32>
        %and3A_934 = arith.andi %get3A_931, %and3A_933 : vector<16xi32>
        %shift_right_logical3A_935 = arith.constant 22 : i32
        %shift_right_logical3A_936 = vector.broadcast %shift_right_logical3A_935 : i32 to vector<16xi32>
        %shift_right_logical3A_937 = arith.shrui %get3A_931, %shift_right_logical3A_936 : vector<16xi32>
        %and3A_938 = arith.constant 12 : i32
        %and3A_939 = vector.broadcast %and3A_938 : i32 to vector<16xi32>
        %and3A_940 = arith.andi %shift_right_logical3A_937, %and3A_939 : vector<16xi32>
        %add3A_941 = arith.addi %and3A_940, %and3A_65 : vector<16xi32>
        %gather3A_942 = tpu.vector_load_idx %arg8[%and3A_934] : memref<100000xf32, #tpu.memory_space<vmem>>[vector<16xi32>], vector<16xf32>,
        %gather3A_943 = tpu.vector_load_idx %arg13[%add3A_941] : memref<16xf32, #tpu.memory_space<vmem>>[vector<16xi32>], vector<16xf32>,
        %gather3A_944 = tpu.vector_load_idx %arg14[%add3A_941] : memref<16xf32, #tpu.memory_space<vmem>>[vector<16xi32>], vector<16xf32>,
        %mul3A_945 = arith.mulf %gather3A_942, %gather3A_943 : vector<16xf32>
        %add3A_946 = arith.addf %mul3A_945, %gather3A_944 : vector<16xf32>
        %add3A_947 = arith.addf %add3A_946, %broadcast_in_dim3A_58 : vector<16xf32>
        %bitcast3A_948 = vector.bitcast %add3A_947 : vector<16xf32> to vector<16xi32>
        %xor3A_949 = arith.xori %xor3A_829, %bitcast3A_948 : vector<16xi32>
        %bitcast3A_950 = vector.bitcast %add3A_946 : vector<16xf32> to vector<16xi32>
        %and3A_951 = arith.constant 2147483647 : i32
        %and3A_952 = vector.broadcast %and3A_951 : i32 to vector<16xi32>
        %and3A_953 = arith.andi %bitcast3A_950, %and3A_952 : vector<16xi32>
        %sub3A_954 = arith.constant 1 : i32
        %sub3A_955 = vector.broadcast %sub3A_954 : i32 to vector<16xi32>
        %sub3A_956 = arith.subi %and3A_953, %sub3A_955 : vector<16xi32>
        %min3A_957 = arith.minui %min3A_837, %sub3A_956 : vector<16xi32>
        %get3A_958 = arith.constant 10 : i32
        %get3A_959 = arith.index_cast %get3A_958 : i32 to index
        %get3A_960 = arith.index_cast %mul3A_657 : i32 to index
        %get3A_961 = tpu.vector_load %arg9[%get3A_959, %get3A_960] {strides = array<i32>} : memref<16x512xi32, #tpu.memory_space<vmem>>, vector<16xi32>,
        %and3A_962 = arith.constant 16777215 : i32
        %and3A_963 = vector.broadcast %and3A_962 : i32 to vector<16xi32>
        %and3A_964 = arith.andi %get3A_961, %and3A_963 : vector<16xi32>
        %shift_right_logical3A_965 = arith.constant 22 : i32
        %shift_right_logical3A_966 = vector.broadcast %shift_right_logical3A_965 : i32 to vector<16xi32>
        %shift_right_logical3A_967 = arith.shrui %get3A_961, %shift_right_logical3A_966 : vector<16xi32>
        %and3A_968 = arith.constant 12 : i32
        %and3A_969 = vector.broadcast %and3A_968 : i32 to vector<16xi32>
        %and3A_970 = arith.andi %shift_right_logical3A_967, %and3A_969 : vector<16xi32>
        %add3A_971 = arith.addi %and3A_970, %and3A_65 : vector<16xi32>
        %gather3A_972 = tpu.vector_load_idx %arg8[%and3A_964] : memref<100000xf32, #tpu.memory_space<vmem>>[vector<16xi32>], vector<16xf32>,
        %gather3A_973 = tpu.vector_load_idx %arg13[%add3A_971] : memref<16xf32, #tpu.memory_space<vmem>>[vector<16xi32>], vector<16xf32>,
        %gather3A_974 = tpu.vector_load_idx %arg14[%add3A_971] : memref<16xf32, #tpu.memory_space<vmem>>[vector<16xi32>], vector<16xf32>,
        %mul3A_975 = arith.mulf %gather3A_972, %gather3A_973 : vector<16xf32>
        %add3A_976 = arith.addf %mul3A_975, %gather3A_974 : vector<16xf32>
        %add3A_977 = arith.addf %add3A_976, %broadcast_in_dim3A_58 : vector<16xf32>
        %bitcast3A_978 = vector.bitcast %add3A_977 : vector<16xf32> to vector<16xi32>
        %xor3A_979 = arith.xori %xor3A_859, %bitcast3A_978 : vector<16xi32>
        %bitcast3A_980 = vector.bitcast %add3A_976 : vector<16xf32> to vector<16xi32>
        %and3A_981 = arith.constant 2147483647 : i32
        %and3A_982 = vector.broadcast %and3A_981 : i32 to vector<16xi32>
        %and3A_983 = arith.andi %bitcast3A_980, %and3A_982 : vector<16xi32>
        %sub3A_984 = arith.constant 1 : i32
        %sub3A_985 = vector.broadcast %sub3A_984 : i32 to vector<16xi32>
        %sub3A_986 = arith.subi %and3A_983, %sub3A_985 : vector<16xi32>
        %min3A_987 = arith.minui %min3A_867, %sub3A_986 : vector<16xi32>
        %get3A_988 = arith.constant 11 : i32
        %get3A_989 = arith.index_cast %get3A_988 : i32 to index
        %get3A_990 = arith.index_cast %mul3A_657 : i32 to index
        %get3A_991 = tpu.vector_load %arg9[%get3A_989, %get3A_990] {strides = array<i32>} : memref<16x512xi32, #tpu.memory_space<vmem>>, vector<16xi32>,
        %and3A_992 = arith.constant 16777215 : i32
        %and3A_993 = vector.broadcast %and3A_992 : i32 to vector<16xi32>
        %and3A_994 = arith.andi %get3A_991, %and3A_993 : vector<16xi32>
        %shift_right_logical3A_995 = arith.constant 22 : i32
        %shift_right_logical3A_996 = vector.broadcast %shift_right_logical3A_995 : i32 to vector<16xi32>
        %shift_right_logical3A_997 = arith.shrui %get3A_991, %shift_right_logical3A_996 : vector<16xi32>
        %and3A_998 = arith.constant 12 : i32
        %and3A_999 = vector.broadcast %and3A_998 : i32 to vector<16xi32>
        %and3A_1000 = arith.andi %shift_right_logical3A_997, %and3A_999 : vector<16xi32>
        %add3A_1001 = arith.addi %and3A_1000, %and3A_65 : vector<16xi32>
        %gather3A_1002 = tpu.vector_load_idx %arg8[%and3A_994] : memref<100000xf32, #tpu.memory_space<vmem>>[vector<16xi32>], vector<16xf32>,
        %gather3A_1003 = tpu.vector_load_idx %arg13[%add3A_1001] : memref<16xf32, #tpu.memory_space<vmem>>[vector<16xi32>], vector<16xf32>,
        %gather3A_1004 = tpu.vector_load_idx %arg14[%add3A_1001] : memref<16xf32, #tpu.memory_space<vmem>>[vector<16xi32>], vector<16xf32>,
        %mul3A_1005 = arith.mulf %gather3A_1002, %gather3A_1003 : vector<16xf32>
        %add3A_1006 = arith.addf %mul3A_1005, %gather3A_1004 : vector<16xf32>
        %add3A_1007 = arith.addf %add3A_1006, %broadcast_in_dim3A_58 : vector<16xf32>
        %bitcast3A_1008 = vector.bitcast %add3A_1007 : vector<16xf32> to vector<16xi32>
        %xor3A_1009 = arith.xori %xor3A_889, %bitcast3A_1008 : vector<16xi32>
        %bitcast3A_1010 = vector.bitcast %add3A_1006 : vector<16xf32> to vector<16xi32>
        %and3A_1011 = arith.constant 2147483647 : i32
        %and3A_1012 = vector.broadcast %and3A_1011 : i32 to vector<16xi32>
        %and3A_1013 = arith.andi %bitcast3A_1010, %and3A_1012 : vector<16xi32>
        %sub3A_1014 = arith.constant 1 : i32
        %sub3A_1015 = vector.broadcast %sub3A_1014 : i32 to vector<16xi32>
        %sub3A_1016 = arith.subi %and3A_1013, %sub3A_1015 : vector<16xi32>
        %min3A_1017 = arith.minui %min3A_897, %sub3A_1016 : vector<16xi32>
        %get3A_1018 = arith.constant 12 : i32
        %get3A_1019 = arith.index_cast %get3A_1018 : i32 to index
        %get3A_1020 = arith.index_cast %mul3A_657 : i32 to index
        %get3A_1021 = tpu.vector_load %arg9[%get3A_1019, %get3A_1020] {strides = array<i32>} : memref<16x512xi32, #tpu.memory_space<vmem>>, vector<16xi32>,
        %and3A_1022 = arith.constant 16777215 : i32
        %and3A_1023 = vector.broadcast %and3A_1022 : i32 to vector<16xi32>
        %and3A_1024 = arith.andi %get3A_1021, %and3A_1023 : vector<16xi32>
        %shift_right_logical3A_1025 = arith.constant 22 : i32
        %shift_right_logical3A_1026 = vector.broadcast %shift_right_logical3A_1025 : i32 to vector<16xi32>
        %shift_right_logical3A_1027 = arith.shrui %get3A_1021, %shift_right_logical3A_1026 : vector<16xi32>
        %and3A_1028 = arith.constant 12 : i32
        %and3A_1029 = vector.broadcast %and3A_1028 : i32 to vector<16xi32>
        %and3A_1030 = arith.andi %shift_right_logical3A_1027, %and3A_1029 : vector<16xi32>
        %add3A_1031 = arith.addi %and3A_1030, %and3A_65 : vector<16xi32>
        %gather3A_1032 = tpu.vector_load_idx %arg8[%and3A_1024] : memref<100000xf32, #tpu.memory_space<vmem>>[vector<16xi32>], vector<16xf32>,
        %gather3A_1033 = tpu.vector_load_idx %arg13[%add3A_1031] : memref<16xf32, #tpu.memory_space<vmem>>[vector<16xi32>], vector<16xf32>,
        %gather3A_1034 = tpu.vector_load_idx %arg14[%add3A_1031] : memref<16xf32, #tpu.memory_space<vmem>>[vector<16xi32>], vector<16xf32>,
        %mul3A_1035 = arith.mulf %gather3A_1032, %gather3A_1033 : vector<16xf32>
        %add3A_1036 = arith.addf %mul3A_1035, %gather3A_1034 : vector<16xf32>
        %add3A_1037 = arith.addf %add3A_1036, %broadcast_in_dim3A_58 : vector<16xf32>
        %bitcast3A_1038 = vector.bitcast %add3A_1037 : vector<16xf32> to vector<16xi32>
        %xor3A_1039 = arith.xori %xor3A_919, %bitcast3A_1038 : vector<16xi32>
        %bitcast3A_1040 = vector.bitcast %add3A_1036 : vector<16xf32> to vector<16xi32>
        %and3A_1041 = arith.constant 2147483647 : i32
        %and3A_1042 = vector.broadcast %and3A_1041 : i32 to vector<16xi32>
        %and3A_1043 = arith.andi %bitcast3A_1040, %and3A_1042 : vector<16xi32>
        %sub3A_1044 = arith.constant 1 : i32
        %sub3A_1045 = vector.broadcast %sub3A_1044 : i32 to vector<16xi32>
        %sub3A_1046 = arith.subi %and3A_1043, %sub3A_1045 : vector<16xi32>
        %min3A_1047 = arith.minui %min3A_927, %sub3A_1046 : vector<16xi32>
        %get3A_1048 = arith.constant 13 : i32
        %get3A_1049 = arith.index_cast %get3A_1048 : i32 to index
        %get3A_1050 = arith.index_cast %mul3A_657 : i32 to index
        %get3A_1051 = tpu.vector_load %arg9[%get3A_1049, %get3A_1050] {strides = array<i32>} : memref<16x512xi32, #tpu.memory_space<vmem>>, vector<16xi32>,
        %and3A_1052 = arith.constant 16777215 : i32
        %and3A_1053 = vector.broadcast %and3A_1052 : i32 to vector<16xi32>
        %and3A_1054 = arith.andi %get3A_1051, %and3A_1053 : vector<16xi32>
        %shift_right_logical3A_1055 = arith.constant 22 : i32
        %shift_right_logical3A_1056 = vector.broadcast %shift_right_logical3A_1055 : i32 to vector<16xi32>
        %shift_right_logical3A_1057 = arith.shrui %get3A_1051, %shift_right_logical3A_1056 : vector<16xi32>
        %and3A_1058 = arith.constant 12 : i32
        %and3A_1059 = vector.broadcast %and3A_1058 : i32 to vector<16xi32>
        %and3A_1060 = arith.andi %shift_right_logical3A_1057, %and3A_1059 : vector<16xi32>
        %add3A_1061 = arith.addi %and3A_1060, %and3A_65 : vector<16xi32>
        %gather3A_1062 = tpu.vector_load_idx %arg8[%and3A_1054] : memref<100000xf32, #tpu.memory_space<vmem>>[vector<16xi32>], vector<16xf32>,
        %gather3A_1063 = tpu.vector_load_idx %arg13[%add3A_1061] : memref<16xf32, #tpu.memory_space<vmem>>[vector<16xi32>], vector<16xf32>,
        %gather3A_1064 = tpu.vector_load_idx %arg14[%add3A_1061] : memref<16xf32, #tpu.memory_space<vmem>>[vector<16xi32>], vector<16xf32>,
        %mul3A_1065 = arith.mulf %gather3A_1062, %gather3A_1063 : vector<16xf32>
        %add3A_1066 = arith.addf %mul3A_1065, %gather3A_1064 : vector<16xf32>
        %add3A_1067 = arith.addf %add3A_1066, %broadcast_in_dim3A_58 : vector<16xf32>
        %bitcast3A_1068 = vector.bitcast %add3A_1067 : vector<16xf32> to vector<16xi32>
        %xor3A_1069 = arith.xori %xor3A_949, %bitcast3A_1068 : vector<16xi32>
        %bitcast3A_1070 = vector.bitcast %add3A_1066 : vector<16xf32> to vector<16xi32>
        %and3A_1071 = arith.constant 2147483647 : i32
        %and3A_1072 = vector.broadcast %and3A_1071 : i32 to vector<16xi32>
        %and3A_1073 = arith.andi %bitcast3A_1070, %and3A_1072 : vector<16xi32>
        %sub3A_1074 = arith.constant 1 : i32
        %sub3A_1075 = vector.broadcast %sub3A_1074 : i32 to vector<16xi32>
        %sub3A_1076 = arith.subi %and3A_1073, %sub3A_1075 : vector<16xi32>
        %min3A_1077 = arith.minui %min3A_957, %sub3A_1076 : vector<16xi32>
        %get3A_1078 = arith.constant 14 : i32
        %get3A_1079 = arith.index_cast %get3A_1078 : i32 to index
        %get3A_1080 = arith.index_cast %mul3A_657 : i32 to index
        %get3A_1081 = tpu.vector_load %arg9[%get3A_1079, %get3A_1080] {strides = array<i32>} : memref<16x512xi32, #tpu.memory_space<vmem>>, vector<16xi32>,
        %and3A_1082 = arith.constant 16777215 : i32
        %and3A_1083 = vector.broadcast %and3A_1082 : i32 to vector<16xi32>
        %and3A_1084 = arith.andi %get3A_1081, %and3A_1083 : vector<16xi32>
        %shift_right_logical3A_1085 = arith.constant 22 : i32
        %shift_right_logical3A_1086 = vector.broadcast %shift_right_logical3A_1085 : i32 to vector<16xi32>
        %shift_right_logical3A_1087 = arith.shrui %get3A_1081, %shift_right_logical3A_1086 : vector<16xi32>
        %and3A_1088 = arith.constant 12 : i32
        %and3A_1089 = vector.broadcast %and3A_1088 : i32 to vector<16xi32>
        %and3A_1090 = arith.andi %shift_right_logical3A_1087, %and3A_1089 : vector<16xi32>
        %add3A_1091 = arith.addi %and3A_1090, %and3A_65 : vector<16xi32>
        %gather3A_1092 = tpu.vector_load_idx %arg8[%and3A_1084] : memref<100000xf32, #tpu.memory_space<vmem>>[vector<16xi32>], vector<16xf32>,
        %gather3A_1093 = tpu.vector_load_idx %arg13[%add3A_1091] : memref<16xf32, #tpu.memory_space<vmem>>[vector<16xi32>], vector<16xf32>,
        %gather3A_1094 = tpu.vector_load_idx %arg14[%add3A_1091] : memref<16xf32, #tpu.memory_space<vmem>>[vector<16xi32>], vector<16xf32>,
        %mul3A_1095 = arith.mulf %gather3A_1092, %gather3A_1093 : vector<16xf32>
        %add3A_1096 = arith.addf %mul3A_1095, %gather3A_1094 : vector<16xf32>
        %add3A_1097 = arith.addf %add3A_1096, %broadcast_in_dim3A_58 : vector<16xf32>
        %bitcast3A_1098 = vector.bitcast %add3A_1097 : vector<16xf32> to vector<16xi32>
        %xor3A_1099 = arith.xori %xor3A_979, %bitcast3A_1098 : vector<16xi32>
        %bitcast3A_1100 = vector.bitcast %add3A_1096 : vector<16xf32> to vector<16xi32>
        %and3A_1101 = arith.constant 2147483647 : i32
        %and3A_1102 = vector.broadcast %and3A_1101 : i32 to vector<16xi32>
        %and3A_1103 = arith.andi %bitcast3A_1100, %and3A_1102 : vector<16xi32>
        %sub3A_1104 = arith.constant 1 : i32
        %sub3A_1105 = vector.broadcast %sub3A_1104 : i32 to vector<16xi32>
        %sub3A_1106 = arith.subi %and3A_1103, %sub3A_1105 : vector<16xi32>
        %min3A_1107 = arith.minui %min3A_987, %sub3A_1106 : vector<16xi32>
        %get3A_1108 = arith.constant 15 : i32
        %get3A_1109 = arith.index_cast %get3A_1108 : i32 to index
        %get3A_1110 = arith.index_cast %mul3A_657 : i32 to index
        %get3A_1111 = tpu.vector_load %arg9[%get3A_1109, %get3A_1110] {strides = array<i32>} : memref<16x512xi32, #tpu.memory_space<vmem>>, vector<16xi32>,
        %and3A_1112 = arith.constant 16777215 : i32
        %and3A_1113 = vector.broadcast %and3A_1112 : i32 to vector<16xi32>
        %and3A_1114 = arith.andi %get3A_1111, %and3A_1113 : vector<16xi32>
        %shift_right_logical3A_1115 = arith.constant 22 : i32
        %shift_right_logical3A_1116 = vector.broadcast %shift_right_logical3A_1115 : i32 to vector<16xi32>
        %shift_right_logical3A_1117 = arith.shrui %get3A_1111, %shift_right_logical3A_1116 : vector<16xi32>
        %and3A_1118 = arith.constant 12 : i32
        %and3A_1119 = vector.broadcast %and3A_1118 : i32 to vector<16xi32>
        %and3A_1120 = arith.andi %shift_right_logical3A_1117, %and3A_1119 : vector<16xi32>
        %add3A_1121 = arith.addi %and3A_1120, %and3A_65 : vector<16xi32>
        %gather3A_1122 = tpu.vector_load_idx %arg8[%and3A_1114] : memref<100000xf32, #tpu.memory_space<vmem>>[vector<16xi32>], vector<16xf32>,
        %gather3A_1123 = tpu.vector_load_idx %arg13[%add3A_1121] : memref<16xf32, #tpu.memory_space<vmem>>[vector<16xi32>], vector<16xf32>,
        %gather3A_1124 = tpu.vector_load_idx %arg14[%add3A_1121] : memref<16xf32, #tpu.memory_space<vmem>>[vector<16xi32>], vector<16xf32>,
        %mul3A_1125 = arith.mulf %gather3A_1122, %gather3A_1123 : vector<16xf32>
        %add3A_1126 = arith.addf %mul3A_1125, %gather3A_1124 : vector<16xf32>
        %add3A_1127 = arith.addf %add3A_1126, %broadcast_in_dim3A_58 : vector<16xf32>
        %bitcast3A_1128 = vector.bitcast %add3A_1127 : vector<16xf32> to vector<16xi32>
        %xor3A_1129 = arith.xori %xor3A_1009, %bitcast3A_1128 : vector<16xi32>
        %bitcast3A_1130 = vector.bitcast %add3A_1126 : vector<16xf32> to vector<16xi32>
        %and3A_1131 = arith.constant 2147483647 : i32
        %and3A_1132 = vector.broadcast %and3A_1131 : i32 to vector<16xi32>
        %and3A_1133 = arith.andi %bitcast3A_1130, %and3A_1132 : vector<16xi32>
        %sub3A_1134 = arith.constant 1 : i32
        %sub3A_1135 = vector.broadcast %sub3A_1134 : i32 to vector<16xi32>
        %sub3A_1136 = arith.subi %and3A_1133, %sub3A_1135 : vector<16xi32>
        %min3A_1137 = arith.minui %min3A_1017, %sub3A_1136 : vector<16xi32>
        %xor3A_1138 = arith.xori %xor3A_1039, %xor3A_1069 : vector<16xi32>
        %xor3A_1139 = arith.xori %xor3A_1099, %xor3A_1129 : vector<16xi32>
        %xor3A_1140 = arith.xori %xor3A_1138, %xor3A_1139 : vector<16xi32>
        %min3A_1141 = arith.minui %min3A_1047, %min3A_1077 : vector<16xi32>
        %min3A_1142 = arith.minui %min3A_1107, %min3A_1137 : vector<16xi32>
        %min3A_1143 = arith.minui %min3A_1141, %min3A_1142 : vector<16xi32>
        %add3A_1144 = arith.constant 1 : i32
        %add3A_1145 = vector.broadcast %add3A_1144 : i32 to vector<16xi32>
        %add3A_1146 = arith.addi %min3A_1143, %add3A_1145 : vector<16xi32>
        %bitcast3A_1147 = vector.bitcast %add3A_1146 : vector<16xi32> to vector<16xf32>
        %and3A_1148 = arith.constant -2147483648 : i32
        %and3A_1149 = vector.broadcast %and3A_1148 : i32 to vector<16xi32>
        %and3A_1150 = arith.andi %xor3A_1140, %and3A_1149 : vector<16xi32>
        %or3A_1151 = arith.constant 1065353216 : i32
        %or3A_1152 = vector.broadcast %or3A_1151 : i32 to vector<16xi32>
        %or3A_1153 = arith.ori %and3A_1150, %or3A_1152 : vector<16xi32>
        %bitcast3A_1154 = vector.bitcast %or3A_1153 : vector<16xi32> to vector<16xf32>
        %mul3A_1155 = arith.mulf %get3A_53, %bitcast3A_1147 : vector<16xf32>
        %add3A_1156 = arith.addf %mul3A_1155, %get3A_57 : vector<16xf32>
        %mul3A_1157 = arith.mulf %bitcast3A_1154, %add3A_1156 : vector<16xf32>
        %swap3A_1158 = arith.index_cast %mul3A_657 : i32 to index
        %swap3A_1159 = tpu.vector_load %arg11[%swap3A_1158] {strides = array<i32>} : memref<512xf32, #tpu.memory_space<vmem>>, vector<16xf32>,
        tpu.vector_store %arg11[%swap3A_1158], %mul3A_1157 {strides = array<i32>} : memref<512xf32, #tpu.memory_space<vmem>>, vector<16xf32>,
        %mul3A_1160 = arith.constant 4 : i32
        %mul3A_1161 = arith.muli %mul3A_1160, %scan3A_150 : i32
        %add3A_1162 = arith.constant 2 : i32
        %add3A_1163 = arith.addi %mul3A_1161, %add3A_1162 : i32
        %mul3A_1164 = arith.constant 16 : i32
        %mul3A_1165 = arith.muli %add3A_1163, %mul3A_1164 : i32
        %get3A_1166 = arith.constant 0 : i32
        %get3A_1167 = arith.index_cast %get3A_1166 : i32 to index
        %get3A_1168 = arith.index_cast %mul3A_1165 : i32 to index
        %get3A_1169 = tpu.vector_load %arg9[%get3A_1167, %get3A_1168] {strides = array<i32>} : memref<16x512xi32, #tpu.memory_space<vmem>>, vector<16xi32>,
        %and3A_1170 = arith.constant 16777215 : i32
        %and3A_1171 = vector.broadcast %and3A_1170 : i32 to vector<16xi32>
        %and3A_1172 = arith.andi %get3A_1169, %and3A_1171 : vector<16xi32>
        %shift_right_logical3A_1173 = arith.constant 22 : i32
        %shift_right_logical3A_1174 = vector.broadcast %shift_right_logical3A_1173 : i32 to vector<16xi32>
        %shift_right_logical3A_1175 = arith.shrui %get3A_1169, %shift_right_logical3A_1174 : vector<16xi32>
        %and3A_1176 = arith.constant 12 : i32
        %and3A_1177 = vector.broadcast %and3A_1176 : i32 to vector<16xi32>
        %and3A_1178 = arith.andi %shift_right_logical3A_1175, %and3A_1177 : vector<16xi32>
        %add3A_1179 = arith.addi %and3A_1178, %and3A_65 : vector<16xi32>
        %gather3A_1180 = tpu.vector_load_idx %arg8[%and3A_1172] : memref<100000xf32, #tpu.memory_space<vmem>>[vector<16xi32>], vector<16xf32>,
        %gather3A_1181 = tpu.vector_load_idx %arg13[%add3A_1179] : memref<16xf32, #tpu.memory_space<vmem>>[vector<16xi32>], vector<16xf32>,
        %gather3A_1182 = tpu.vector_load_idx %arg14[%add3A_1179] : memref<16xf32, #tpu.memory_space<vmem>>[vector<16xi32>], vector<16xf32>,
        %mul3A_1183 = arith.mulf %gather3A_1180, %gather3A_1181 : vector<16xf32>
        %add3A_1184 = arith.addf %mul3A_1183, %gather3A_1182 : vector<16xf32>
        %add3A_1185 = arith.addf %add3A_1184, %broadcast_in_dim3A_58 : vector<16xf32>
        %bitcast3A_1186 = vector.bitcast %add3A_1185 : vector<16xf32> to vector<16xi32>
        %xor3A_1187 = arith.xori %broadcast_in_dim3A_60, %bitcast3A_1186 : vector<16xi32>
        %bitcast3A_1188 = vector.bitcast %add3A_1184 : vector<16xf32> to vector<16xi32>
        %and3A_1189 = arith.constant 2147483647 : i32
        %and3A_1190 = vector.broadcast %and3A_1189 : i32 to vector<16xi32>
        %and3A_1191 = arith.andi %bitcast3A_1188, %and3A_1190 : vector<16xi32>
        %sub3A_1192 = arith.constant 1 : i32
        %sub3A_1193 = vector.broadcast %sub3A_1192 : i32 to vector<16xi32>
        %sub3A_1194 = arith.subi %and3A_1191, %sub3A_1193 : vector<16xi32>
        %min3A_1195 = arith.minui %broadcast_in_dim3A_62, %sub3A_1194 : vector<16xi32>
        %get3A_1196 = arith.constant 1 : i32
        %get3A_1197 = arith.index_cast %get3A_1196 : i32 to index
        %get3A_1198 = arith.index_cast %mul3A_1165 : i32 to index
        %get3A_1199 = tpu.vector_load %arg9[%get3A_1197, %get3A_1198] {strides = array<i32>} : memref<16x512xi32, #tpu.memory_space<vmem>>, vector<16xi32>,
        %and3A_1200 = arith.constant 16777215 : i32
        %and3A_1201 = vector.broadcast %and3A_1200 : i32 to vector<16xi32>
        %and3A_1202 = arith.andi %get3A_1199, %and3A_1201 : vector<16xi32>
        %shift_right_logical3A_1203 = arith.constant 22 : i32
        %shift_right_logical3A_1204 = vector.broadcast %shift_right_logical3A_1203 : i32 to vector<16xi32>
        %shift_right_logical3A_1205 = arith.shrui %get3A_1199, %shift_right_logical3A_1204 : vector<16xi32>
        %and3A_1206 = arith.constant 12 : i32
        %and3A_1207 = vector.broadcast %and3A_1206 : i32 to vector<16xi32>
        %and3A_1208 = arith.andi %shift_right_logical3A_1205, %and3A_1207 : vector<16xi32>
        %add3A_1209 = arith.addi %and3A_1208, %and3A_65 : vector<16xi32>
        %gather3A_1210 = tpu.vector_load_idx %arg8[%and3A_1202] : memref<100000xf32, #tpu.memory_space<vmem>>[vector<16xi32>], vector<16xf32>,
        %gather3A_1211 = tpu.vector_load_idx %arg13[%add3A_1209] : memref<16xf32, #tpu.memory_space<vmem>>[vector<16xi32>], vector<16xf32>,
        %gather3A_1212 = tpu.vector_load_idx %arg14[%add3A_1209] : memref<16xf32, #tpu.memory_space<vmem>>[vector<16xi32>], vector<16xf32>,
        %mul3A_1213 = arith.mulf %gather3A_1210, %gather3A_1211 : vector<16xf32>
        %add3A_1214 = arith.addf %mul3A_1213, %gather3A_1212 : vector<16xf32>
        %add3A_1215 = arith.addf %add3A_1214, %broadcast_in_dim3A_58 : vector<16xf32>
        %bitcast3A_1216 = vector.bitcast %add3A_1215 : vector<16xf32> to vector<16xi32>
        %xor3A_1217 = arith.xori %broadcast_in_dim3A_60, %bitcast3A_1216 : vector<16xi32>
        %bitcast3A_1218 = vector.bitcast %add3A_1214 : vector<16xf32> to vector<16xi32>
        %and3A_1219 = arith.constant 2147483647 : i32
        %and3A_1220 = vector.broadcast %and3A_1219 : i32 to vector<16xi32>
        %and3A_1221 = arith.andi %bitcast3A_1218, %and3A_1220 : vector<16xi32>
        %sub3A_1222 = arith.constant 1 : i32
        %sub3A_1223 = vector.broadcast %sub3A_1222 : i32 to vector<16xi32>
        %sub3A_1224 = arith.subi %and3A_1221, %sub3A_1223 : vector<16xi32>
        %min3A_1225 = arith.minui %broadcast_in_dim3A_62, %sub3A_1224 : vector<16xi32>
        %get3A_1226 = arith.constant 2 : i32
        %get3A_1227 = arith.index_cast %get3A_1226 : i32 to index
        %get3A_1228 = arith.index_cast %mul3A_1165 : i32 to index
        %get3A_1229 = tpu.vector_load %arg9[%get3A_1227, %get3A_1228] {strides = array<i32>} : memref<16x512xi32, #tpu.memory_space<vmem>>, vector<16xi32>,
        %and3A_1230 = arith.constant 16777215 : i32
        %and3A_1231 = vector.broadcast %and3A_1230 : i32 to vector<16xi32>
        %and3A_1232 = arith.andi %get3A_1229, %and3A_1231 : vector<16xi32>
        %shift_right_logical3A_1233 = arith.constant 22 : i32
        %shift_right_logical3A_1234 = vector.broadcast %shift_right_logical3A_1233 : i32 to vector<16xi32>
        %shift_right_logical3A_1235 = arith.shrui %get3A_1229, %shift_right_logical3A_1234 : vector<16xi32>
        %and3A_1236 = arith.constant 12 : i32
        %and3A_1237 = vector.broadcast %and3A_1236 : i32 to vector<16xi32>
        %and3A_1238 = arith.andi %shift_right_logical3A_1235, %and3A_1237 : vector<16xi32>
        %add3A_1239 = arith.addi %and3A_1238, %and3A_65 : vector<16xi32>
        %gather3A_1240 = tpu.vector_load_idx %arg8[%and3A_1232] : memref<100000xf32, #tpu.memory_space<vmem>>[vector<16xi32>], vector<16xf32>,
        %gather3A_1241 = tpu.vector_load_idx %arg13[%add3A_1239] : memref<16xf32, #tpu.memory_space<vmem>>[vector<16xi32>], vector<16xf32>,
        %gather3A_1242 = tpu.vector_load_idx %arg14[%add3A_1239] : memref<16xf32, #tpu.memory_space<vmem>>[vector<16xi32>], vector<16xf32>,
        %mul3A_1243 = arith.mulf %gather3A_1240, %gather3A_1241 : vector<16xf32>
        %add3A_1244 = arith.addf %mul3A_1243, %gather3A_1242 : vector<16xf32>
        %add3A_1245 = arith.addf %add3A_1244, %broadcast_in_dim3A_58 : vector<16xf32>
        %bitcast3A_1246 = vector.bitcast %add3A_1245 : vector<16xf32> to vector<16xi32>
        %xor3A_1247 = arith.xori %broadcast_in_dim3A_60, %bitcast3A_1246 : vector<16xi32>
        %bitcast3A_1248 = vector.bitcast %add3A_1244 : vector<16xf32> to vector<16xi32>
        %and3A_1249 = arith.constant 2147483647 : i32
        %and3A_1250 = vector.broadcast %and3A_1249 : i32 to vector<16xi32>
        %and3A_1251 = arith.andi %bitcast3A_1248, %and3A_1250 : vector<16xi32>
        %sub3A_1252 = arith.constant 1 : i32
        %sub3A_1253 = vector.broadcast %sub3A_1252 : i32 to vector<16xi32>
        %sub3A_1254 = arith.subi %and3A_1251, %sub3A_1253 : vector<16xi32>
        %min3A_1255 = arith.minui %broadcast_in_dim3A_62, %sub3A_1254 : vector<16xi32>
        %get3A_1256 = arith.constant 3 : i32
        %get3A_1257 = arith.index_cast %get3A_1256 : i32 to index
        %get3A_1258 = arith.index_cast %mul3A_1165 : i32 to index
        %get3A_1259 = tpu.vector_load %arg9[%get3A_1257, %get3A_1258] {strides = array<i32>} : memref<16x512xi32, #tpu.memory_space<vmem>>, vector<16xi32>,
        %and3A_1260 = arith.constant 16777215 : i32
        %and3A_1261 = vector.broadcast %and3A_1260 : i32 to vector<16xi32>
        %and3A_1262 = arith.andi %get3A_1259, %and3A_1261 : vector<16xi32>
        %shift_right_logical3A_1263 = arith.constant 22 : i32
        %shift_right_logical3A_1264 = vector.broadcast %shift_right_logical3A_1263 : i32 to vector<16xi32>
        %shift_right_logical3A_1265 = arith.shrui %get3A_1259, %shift_right_logical3A_1264 : vector<16xi32>
        %and3A_1266 = arith.constant 12 : i32
        %and3A_1267 = vector.broadcast %and3A_1266 : i32 to vector<16xi32>
        %and3A_1268 = arith.andi %shift_right_logical3A_1265, %and3A_1267 : vector<16xi32>
        %add3A_1269 = arith.addi %and3A_1268, %and3A_65 : vector<16xi32>
        %gather3A_1270 = tpu.vector_load_idx %arg8[%and3A_1262] : memref<100000xf32, #tpu.memory_space<vmem>>[vector<16xi32>], vector<16xf32>,
        %gather3A_1271 = tpu.vector_load_idx %arg13[%add3A_1269] : memref<16xf32, #tpu.memory_space<vmem>>[vector<16xi32>], vector<16xf32>,
        %gather3A_1272 = tpu.vector_load_idx %arg14[%add3A_1269] : memref<16xf32, #tpu.memory_space<vmem>>[vector<16xi32>], vector<16xf32>,
        %mul3A_1273 = arith.mulf %gather3A_1270, %gather3A_1271 : vector<16xf32>
        %add3A_1274 = arith.addf %mul3A_1273, %gather3A_1272 : vector<16xf32>
        %add3A_1275 = arith.addf %add3A_1274, %broadcast_in_dim3A_58 : vector<16xf32>
        %bitcast3A_1276 = vector.bitcast %add3A_1275 : vector<16xf32> to vector<16xi32>
        %xor3A_1277 = arith.xori %broadcast_in_dim3A_60, %bitcast3A_1276 : vector<16xi32>
        %bitcast3A_1278 = vector.bitcast %add3A_1274 : vector<16xf32> to vector<16xi32>
        %and3A_1279 = arith.constant 2147483647 : i32
        %and3A_1280 = vector.broadcast %and3A_1279 : i32 to vector<16xi32>
        %and3A_1281 = arith.andi %bitcast3A_1278, %and3A_1280 : vector<16xi32>
        %sub3A_1282 = arith.constant 1 : i32
        %sub3A_1283 = vector.broadcast %sub3A_1282 : i32 to vector<16xi32>
        %sub3A_1284 = arith.subi %and3A_1281, %sub3A_1283 : vector<16xi32>
        %min3A_1285 = arith.minui %broadcast_in_dim3A_62, %sub3A_1284 : vector<16xi32>
        %get3A_1286 = arith.constant 4 : i32
        %get3A_1287 = arith.index_cast %get3A_1286 : i32 to index
        %get3A_1288 = arith.index_cast %mul3A_1165 : i32 to index
        %get3A_1289 = tpu.vector_load %arg9[%get3A_1287, %get3A_1288] {strides = array<i32>} : memref<16x512xi32, #tpu.memory_space<vmem>>, vector<16xi32>,
        %and3A_1290 = arith.constant 16777215 : i32
        %and3A_1291 = vector.broadcast %and3A_1290 : i32 to vector<16xi32>
        %and3A_1292 = arith.andi %get3A_1289, %and3A_1291 : vector<16xi32>
        %shift_right_logical3A_1293 = arith.constant 22 : i32
        %shift_right_logical3A_1294 = vector.broadcast %shift_right_logical3A_1293 : i32 to vector<16xi32>
        %shift_right_logical3A_1295 = arith.shrui %get3A_1289, %shift_right_logical3A_1294 : vector<16xi32>
        %and3A_1296 = arith.constant 12 : i32
        %and3A_1297 = vector.broadcast %and3A_1296 : i32 to vector<16xi32>
        %and3A_1298 = arith.andi %shift_right_logical3A_1295, %and3A_1297 : vector<16xi32>
        %add3A_1299 = arith.addi %and3A_1298, %and3A_65 : vector<16xi32>
        %gather3A_1300 = tpu.vector_load_idx %arg8[%and3A_1292] : memref<100000xf32, #tpu.memory_space<vmem>>[vector<16xi32>], vector<16xf32>,
        %gather3A_1301 = tpu.vector_load_idx %arg13[%add3A_1299] : memref<16xf32, #tpu.memory_space<vmem>>[vector<16xi32>], vector<16xf32>,
        %gather3A_1302 = tpu.vector_load_idx %arg14[%add3A_1299] : memref<16xf32, #tpu.memory_space<vmem>>[vector<16xi32>], vector<16xf32>,
        %mul3A_1303 = arith.mulf %gather3A_1300, %gather3A_1301 : vector<16xf32>
        %add3A_1304 = arith.addf %mul3A_1303, %gather3A_1302 : vector<16xf32>
        %add3A_1305 = arith.addf %add3A_1304, %broadcast_in_dim3A_58 : vector<16xf32>
        %bitcast3A_1306 = vector.bitcast %add3A_1305 : vector<16xf32> to vector<16xi32>
        %xor3A_1307 = arith.xori %xor3A_1187, %bitcast3A_1306 : vector<16xi32>
        %bitcast3A_1308 = vector.bitcast %add3A_1304 : vector<16xf32> to vector<16xi32>
        %and3A_1309 = arith.constant 2147483647 : i32
        %and3A_1310 = vector.broadcast %and3A_1309 : i32 to vector<16xi32>
        %and3A_1311 = arith.andi %bitcast3A_1308, %and3A_1310 : vector<16xi32>
        %sub3A_1312 = arith.constant 1 : i32
        %sub3A_1313 = vector.broadcast %sub3A_1312 : i32 to vector<16xi32>
        %sub3A_1314 = arith.subi %and3A_1311, %sub3A_1313 : vector<16xi32>
        %min3A_1315 = arith.minui %min3A_1195, %sub3A_1314 : vector<16xi32>
        %get3A_1316 = arith.constant 5 : i32
        %get3A_1317 = arith.index_cast %get3A_1316 : i32 to index
        %get3A_1318 = arith.index_cast %mul3A_1165 : i32 to index
        %get3A_1319 = tpu.vector_load %arg9[%get3A_1317, %get3A_1318] {strides = array<i32>} : memref<16x512xi32, #tpu.memory_space<vmem>>, vector<16xi32>,
        %and3A_1320 = arith.constant 16777215 : i32
        %and3A_1321 = vector.broadcast %and3A_1320 : i32 to vector<16xi32>
        %and3A_1322 = arith.andi %get3A_1319, %and3A_1321 : vector<16xi32>
        %shift_right_logical3A_1323 = arith.constant 22 : i32
        %shift_right_logical3A_1324 = vector.broadcast %shift_right_logical3A_1323 : i32 to vector<16xi32>
        %shift_right_logical3A_1325 = arith.shrui %get3A_1319, %shift_right_logical3A_1324 : vector<16xi32>
        %and3A_1326 = arith.constant 12 : i32
        %and3A_1327 = vector.broadcast %and3A_1326 : i32 to vector<16xi32>
        %and3A_1328 = arith.andi %shift_right_logical3A_1325, %and3A_1327 : vector<16xi32>
        %add3A_1329 = arith.addi %and3A_1328, %and3A_65 : vector<16xi32>
        %gather3A_1330 = tpu.vector_load_idx %arg8[%and3A_1322] : memref<100000xf32, #tpu.memory_space<vmem>>[vector<16xi32>], vector<16xf32>,
        %gather3A_1331 = tpu.vector_load_idx %arg13[%add3A_1329] : memref<16xf32, #tpu.memory_space<vmem>>[vector<16xi32>], vector<16xf32>,
        %gather3A_1332 = tpu.vector_load_idx %arg14[%add3A_1329] : memref<16xf32, #tpu.memory_space<vmem>>[vector<16xi32>], vector<16xf32>,
        %mul3A_1333 = arith.mulf %gather3A_1330, %gather3A_1331 : vector<16xf32>
        %add3A_1334 = arith.addf %mul3A_1333, %gather3A_1332 : vector<16xf32>
        %add3A_1335 = arith.addf %add3A_1334, %broadcast_in_dim3A_58 : vector<16xf32>
        %bitcast3A_1336 = vector.bitcast %add3A_1335 : vector<16xf32> to vector<16xi32>
        %xor3A_1337 = arith.xori %xor3A_1217, %bitcast3A_1336 : vector<16xi32>
        %bitcast3A_1338 = vector.bitcast %add3A_1334 : vector<16xf32> to vector<16xi32>
        %and3A_1339 = arith.constant 2147483647 : i32
        %and3A_1340 = vector.broadcast %and3A_1339 : i32 to vector<16xi32>
        %and3A_1341 = arith.andi %bitcast3A_1338, %and3A_1340 : vector<16xi32>
        %sub3A_1342 = arith.constant 1 : i32
        %sub3A_1343 = vector.broadcast %sub3A_1342 : i32 to vector<16xi32>
        %sub3A_1344 = arith.subi %and3A_1341, %sub3A_1343 : vector<16xi32>
        %min3A_1345 = arith.minui %min3A_1225, %sub3A_1344 : vector<16xi32>
        %get3A_1346 = arith.constant 6 : i32
        %get3A_1347 = arith.index_cast %get3A_1346 : i32 to index
        %get3A_1348 = arith.index_cast %mul3A_1165 : i32 to index
        %get3A_1349 = tpu.vector_load %arg9[%get3A_1347, %get3A_1348] {strides = array<i32>} : memref<16x512xi32, #tpu.memory_space<vmem>>, vector<16xi32>,
        %and3A_1350 = arith.constant 16777215 : i32
        %and3A_1351 = vector.broadcast %and3A_1350 : i32 to vector<16xi32>
        %and3A_1352 = arith.andi %get3A_1349, %and3A_1351 : vector<16xi32>
        %shift_right_logical3A_1353 = arith.constant 22 : i32
        %shift_right_logical3A_1354 = vector.broadcast %shift_right_logical3A_1353 : i32 to vector<16xi32>
        %shift_right_logical3A_1355 = arith.shrui %get3A_1349, %shift_right_logical3A_1354 : vector<16xi32>
        %and3A_1356 = arith.constant 12 : i32
        %and3A_1357 = vector.broadcast %and3A_1356 : i32 to vector<16xi32>
        %and3A_1358 = arith.andi %shift_right_logical3A_1355, %and3A_1357 : vector<16xi32>
        %add3A_1359 = arith.addi %and3A_1358, %and3A_65 : vector<16xi32>
        %gather3A_1360 = tpu.vector_load_idx %arg8[%and3A_1352] : memref<100000xf32, #tpu.memory_space<vmem>>[vector<16xi32>], vector<16xf32>,
        %gather3A_1361 = tpu.vector_load_idx %arg13[%add3A_1359] : memref<16xf32, #tpu.memory_space<vmem>>[vector<16xi32>], vector<16xf32>,
        %gather3A_1362 = tpu.vector_load_idx %arg14[%add3A_1359] : memref<16xf32, #tpu.memory_space<vmem>>[vector<16xi32>], vector<16xf32>,
        %mul3A_1363 = arith.mulf %gather3A_1360, %gather3A_1361 : vector<16xf32>
        %add3A_1364 = arith.addf %mul3A_1363, %gather3A_1362 : vector<16xf32>
        %add3A_1365 = arith.addf %add3A_1364, %broadcast_in_dim3A_58 : vector<16xf32>
        %bitcast3A_1366 = vector.bitcast %add3A_1365 : vector<16xf32> to vector<16xi32>
        %xor3A_1367 = arith.xori %xor3A_1247, %bitcast3A_1366 : vector<16xi32>
        %bitcast3A_1368 = vector.bitcast %add3A_1364 : vector<16xf32> to vector<16xi32>
        %and3A_1369 = arith.constant 2147483647 : i32
        %and3A_1370 = vector.broadcast %and3A_1369 : i32 to vector<16xi32>
        %and3A_1371 = arith.andi %bitcast3A_1368, %and3A_1370 : vector<16xi32>
        %sub3A_1372 = arith.constant 1 : i32
        %sub3A_1373 = vector.broadcast %sub3A_1372 : i32 to vector<16xi32>
        %sub3A_1374 = arith.subi %and3A_1371, %sub3A_1373 : vector<16xi32>
        %min3A_1375 = arith.minui %min3A_1255, %sub3A_1374 : vector<16xi32>
        %get3A_1376 = arith.constant 7 : i32
        %get3A_1377 = arith.index_cast %get3A_1376 : i32 to index
        %get3A_1378 = arith.index_cast %mul3A_1165 : i32 to index
        %get3A_1379 = tpu.vector_load %arg9[%get3A_1377, %get3A_1378] {strides = array<i32>} : memref<16x512xi32, #tpu.memory_space<vmem>>, vector<16xi32>,
        %and3A_1380 = arith.constant 16777215 : i32
        %and3A_1381 = vector.broadcast %and3A_1380 : i32 to vector<16xi32>
        %and3A_1382 = arith.andi %get3A_1379, %and3A_1381 : vector<16xi32>
        %shift_right_logical3A_1383 = arith.constant 22 : i32
        %shift_right_logical3A_1384 = vector.broadcast %shift_right_logical3A_1383 : i32 to vector<16xi32>
        %shift_right_logical3A_1385 = arith.shrui %get3A_1379, %shift_right_logical3A_1384 : vector<16xi32>
        %and3A_1386 = arith.constant 12 : i32
        %and3A_1387 = vector.broadcast %and3A_1386 : i32 to vector<16xi32>
        %and3A_1388 = arith.andi %shift_right_logical3A_1385, %and3A_1387 : vector<16xi32>
        %add3A_1389 = arith.addi %and3A_1388, %and3A_65 : vector<16xi32>
        %gather3A_1390 = tpu.vector_load_idx %arg8[%and3A_1382] : memref<100000xf32, #tpu.memory_space<vmem>>[vector<16xi32>], vector<16xf32>,
        %gather3A_1391 = tpu.vector_load_idx %arg13[%add3A_1389] : memref<16xf32, #tpu.memory_space<vmem>>[vector<16xi32>], vector<16xf32>,
        %gather3A_1392 = tpu.vector_load_idx %arg14[%add3A_1389] : memref<16xf32, #tpu.memory_space<vmem>>[vector<16xi32>], vector<16xf32>,
        %mul3A_1393 = arith.mulf %gather3A_1390, %gather3A_1391 : vector<16xf32>
        %add3A_1394 = arith.addf %mul3A_1393, %gather3A_1392 : vector<16xf32>
        %add3A_1395 = arith.addf %add3A_1394, %broadcast_in_dim3A_58 : vector<16xf32>
        %bitcast3A_1396 = vector.bitcast %add3A_1395 : vector<16xf32> to vector<16xi32>
        %xor3A_1397 = arith.xori %xor3A_1277, %bitcast3A_1396 : vector<16xi32>
        %bitcast3A_1398 = vector.bitcast %add3A_1394 : vector<16xf32> to vector<16xi32>
        %and3A_1399 = arith.constant 2147483647 : i32
        %and3A_1400 = vector.broadcast %and3A_1399 : i32 to vector<16xi32>
        %and3A_1401 = arith.andi %bitcast3A_1398, %and3A_1400 : vector<16xi32>
        %sub3A_1402 = arith.constant 1 : i32
        %sub3A_1403 = vector.broadcast %sub3A_1402 : i32 to vector<16xi32>
        %sub3A_1404 = arith.subi %and3A_1401, %sub3A_1403 : vector<16xi32>
        %min3A_1405 = arith.minui %min3A_1285, %sub3A_1404 : vector<16xi32>
        %get3A_1406 = arith.constant 8 : i32
        %get3A_1407 = arith.index_cast %get3A_1406 : i32 to index
        %get3A_1408 = arith.index_cast %mul3A_1165 : i32 to index
        %get3A_1409 = tpu.vector_load %arg9[%get3A_1407, %get3A_1408] {strides = array<i32>} : memref<16x512xi32, #tpu.memory_space<vmem>>, vector<16xi32>,
        %and3A_1410 = arith.constant 16777215 : i32
        %and3A_1411 = vector.broadcast %and3A_1410 : i32 to vector<16xi32>
        %and3A_1412 = arith.andi %get3A_1409, %and3A_1411 : vector<16xi32>
        %shift_right_logical3A_1413 = arith.constant 22 : i32
        %shift_right_logical3A_1414 = vector.broadcast %shift_right_logical3A_1413 : i32 to vector<16xi32>
        %shift_right_logical3A_1415 = arith.shrui %get3A_1409, %shift_right_logical3A_1414 : vector<16xi32>
        %and3A_1416 = arith.constant 12 : i32
        %and3A_1417 = vector.broadcast %and3A_1416 : i32 to vector<16xi32>
        %and3A_1418 = arith.andi %shift_right_logical3A_1415, %and3A_1417 : vector<16xi32>
        %add3A_1419 = arith.addi %and3A_1418, %and3A_65 : vector<16xi32>
        %gather3A_1420 = tpu.vector_load_idx %arg8[%and3A_1412] : memref<100000xf32, #tpu.memory_space<vmem>>[vector<16xi32>], vector<16xf32>,
        %gather3A_1421 = tpu.vector_load_idx %arg13[%add3A_1419] : memref<16xf32, #tpu.memory_space<vmem>>[vector<16xi32>], vector<16xf32>,
        %gather3A_1422 = tpu.vector_load_idx %arg14[%add3A_1419] : memref<16xf32, #tpu.memory_space<vmem>>[vector<16xi32>], vector<16xf32>,
        %mul3A_1423 = arith.mulf %gather3A_1420, %gather3A_1421 : vector<16xf32>
        %add3A_1424 = arith.addf %mul3A_1423, %gather3A_1422 : vector<16xf32>
        %add3A_1425 = arith.addf %add3A_1424, %broadcast_in_dim3A_58 : vector<16xf32>
        %bitcast3A_1426 = vector.bitcast %add3A_1425 : vector<16xf32> to vector<16xi32>
        %xor3A_1427 = arith.xori %xor3A_1307, %bitcast3A_1426 : vector<16xi32>
        %bitcast3A_1428 = vector.bitcast %add3A_1424 : vector<16xf32> to vector<16xi32>
        %and3A_1429 = arith.constant 2147483647 : i32
        %and3A_1430 = vector.broadcast %and3A_1429 : i32 to vector<16xi32>
        %and3A_1431 = arith.andi %bitcast3A_1428, %and3A_1430 : vector<16xi32>
        %sub3A_1432 = arith.constant 1 : i32
        %sub3A_1433 = vector.broadcast %sub3A_1432 : i32 to vector<16xi32>
        %sub3A_1434 = arith.subi %and3A_1431, %sub3A_1433 : vector<16xi32>
        %min3A_1435 = arith.minui %min3A_1315, %sub3A_1434 : vector<16xi32>
        %get3A_1436 = arith.constant 9 : i32
        %get3A_1437 = arith.index_cast %get3A_1436 : i32 to index
        %get3A_1438 = arith.index_cast %mul3A_1165 : i32 to index
        %get3A_1439 = tpu.vector_load %arg9[%get3A_1437, %get3A_1438] {strides = array<i32>} : memref<16x512xi32, #tpu.memory_space<vmem>>, vector<16xi32>,
        %and3A_1440 = arith.constant 16777215 : i32
        %and3A_1441 = vector.broadcast %and3A_1440 : i32 to vector<16xi32>
        %and3A_1442 = arith.andi %get3A_1439, %and3A_1441 : vector<16xi32>
        %shift_right_logical3A_1443 = arith.constant 22 : i32
        %shift_right_logical3A_1444 = vector.broadcast %shift_right_logical3A_1443 : i32 to vector<16xi32>
        %shift_right_logical3A_1445 = arith.shrui %get3A_1439, %shift_right_logical3A_1444 : vector<16xi32>
        %and3A_1446 = arith.constant 12 : i32
        %and3A_1447 = vector.broadcast %and3A_1446 : i32 to vector<16xi32>
        %and3A_1448 = arith.andi %shift_right_logical3A_1445, %and3A_1447 : vector<16xi32>
        %add3A_1449 = arith.addi %and3A_1448, %and3A_65 : vector<16xi32>
        %gather3A_1450 = tpu.vector_load_idx %arg8[%and3A_1442] : memref<100000xf32, #tpu.memory_space<vmem>>[vector<16xi32>], vector<16xf32>,
        %gather3A_1451 = tpu.vector_load_idx %arg13[%add3A_1449] : memref<16xf32, #tpu.memory_space<vmem>>[vector<16xi32>], vector<16xf32>,
        %gather3A_1452 = tpu.vector_load_idx %arg14[%add3A_1449] : memref<16xf32, #tpu.memory_space<vmem>>[vector<16xi32>], vector<16xf32>,
        %mul3A_1453 = arith.mulf %gather3A_1450, %gather3A_1451 : vector<16xf32>
        %add3A_1454 = arith.addf %mul3A_1453, %gather3A_1452 : vector<16xf32>
        %add3A_1455 = arith.addf %add3A_1454, %broadcast_in_dim3A_58 : vector<16xf32>
        %bitcast3A_1456 = vector.bitcast %add3A_1455 : vector<16xf32> to vector<16xi32>
        %xor3A_1457 = arith.xori %xor3A_1337, %bitcast3A_1456 : vector<16xi32>
        %bitcast3A_1458 = vector.bitcast %add3A_1454 : vector<16xf32> to vector<16xi32>
        %and3A_1459 = arith.constant 2147483647 : i32
        %and3A_1460 = vector.broadcast %and3A_1459 : i32 to vector<16xi32>
        %and3A_1461 = arith.andi %bitcast3A_1458, %and3A_1460 : vector<16xi32>
        %sub3A_1462 = arith.constant 1 : i32
        %sub3A_1463 = vector.broadcast %sub3A_1462 : i32 to vector<16xi32>
        %sub3A_1464 = arith.subi %and3A_1461, %sub3A_1463 : vector<16xi32>
        %min3A_1465 = arith.minui %min3A_1345, %sub3A_1464 : vector<16xi32>
        %get3A_1466 = arith.constant 10 : i32
        %get3A_1467 = arith.index_cast %get3A_1466 : i32 to index
        %get3A_1468 = arith.index_cast %mul3A_1165 : i32 to index
        %get3A_1469 = tpu.vector_load %arg9[%get3A_1467, %get3A_1468] {strides = array<i32>} : memref<16x512xi32, #tpu.memory_space<vmem>>, vector<16xi32>,
        %and3A_1470 = arith.constant 16777215 : i32
        %and3A_1471 = vector.broadcast %and3A_1470 : i32 to vector<16xi32>
        %and3A_1472 = arith.andi %get3A_1469, %and3A_1471 : vector<16xi32>
        %shift_right_logical3A_1473 = arith.constant 22 : i32
        %shift_right_logical3A_1474 = vector.broadcast %shift_right_logical3A_1473 : i32 to vector<16xi32>
        %shift_right_logical3A_1475 = arith.shrui %get3A_1469, %shift_right_logical3A_1474 : vector<16xi32>
        %and3A_1476 = arith.constant 12 : i32
        %and3A_1477 = vector.broadcast %and3A_1476 : i32 to vector<16xi32>
        %and3A_1478 = arith.andi %shift_right_logical3A_1475, %and3A_1477 : vector<16xi32>
        %add3A_1479 = arith.addi %and3A_1478, %and3A_65 : vector<16xi32>
        %gather3A_1480 = tpu.vector_load_idx %arg8[%and3A_1472] : memref<100000xf32, #tpu.memory_space<vmem>>[vector<16xi32>], vector<16xf32>,
        %gather3A_1481 = tpu.vector_load_idx %arg13[%add3A_1479] : memref<16xf32, #tpu.memory_space<vmem>>[vector<16xi32>], vector<16xf32>,
        %gather3A_1482 = tpu.vector_load_idx %arg14[%add3A_1479] : memref<16xf32, #tpu.memory_space<vmem>>[vector<16xi32>], vector<16xf32>,
        %mul3A_1483 = arith.mulf %gather3A_1480, %gather3A_1481 : vector<16xf32>
        %add3A_1484 = arith.addf %mul3A_1483, %gather3A_1482 : vector<16xf32>
        %add3A_1485 = arith.addf %add3A_1484, %broadcast_in_dim3A_58 : vector<16xf32>
        %bitcast3A_1486 = vector.bitcast %add3A_1485 : vector<16xf32> to vector<16xi32>
        %xor3A_1487 = arith.xori %xor3A_1367, %bitcast3A_1486 : vector<16xi32>
        %bitcast3A_1488 = vector.bitcast %add3A_1484 : vector<16xf32> to vector<16xi32>
        %and3A_1489 = arith.constant 2147483647 : i32
        %and3A_1490 = vector.broadcast %and3A_1489 : i32 to vector<16xi32>
        %and3A_1491 = arith.andi %bitcast3A_1488, %and3A_1490 : vector<16xi32>
        %sub3A_1492 = arith.constant 1 : i32
        %sub3A_1493 = vector.broadcast %sub3A_1492 : i32 to vector<16xi32>
        %sub3A_1494 = arith.subi %and3A_1491, %sub3A_1493 : vector<16xi32>
        %min3A_1495 = arith.minui %min3A_1375, %sub3A_1494 : vector<16xi32>
        %get3A_1496 = arith.constant 11 : i32
        %get3A_1497 = arith.index_cast %get3A_1496 : i32 to index
        %get3A_1498 = arith.index_cast %mul3A_1165 : i32 to index
        %get3A_1499 = tpu.vector_load %arg9[%get3A_1497, %get3A_1498] {strides = array<i32>} : memref<16x512xi32, #tpu.memory_space<vmem>>, vector<16xi32>,
        %and3A_1500 = arith.constant 16777215 : i32
        %and3A_1501 = vector.broadcast %and3A_1500 : i32 to vector<16xi32>
        %and3A_1502 = arith.andi %get3A_1499, %and3A_1501 : vector<16xi32>
        %shift_right_logical3A_1503 = arith.constant 22 : i32
        %shift_right_logical3A_1504 = vector.broadcast %shift_right_logical3A_1503 : i32 to vector<16xi32>
        %shift_right_logical3A_1505 = arith.shrui %get3A_1499, %shift_right_logical3A_1504 : vector<16xi32>
        %and3A_1506 = arith.constant 12 : i32
        %and3A_1507 = vector.broadcast %and3A_1506 : i32 to vector<16xi32>
        %and3A_1508 = arith.andi %shift_right_logical3A_1505, %and3A_1507 : vector<16xi32>
        %add3A_1509 = arith.addi %and3A_1508, %and3A_65 : vector<16xi32>
        %gather3A_1510 = tpu.vector_load_idx %arg8[%and3A_1502] : memref<100000xf32, #tpu.memory_space<vmem>>[vector<16xi32>], vector<16xf32>,
        %gather3A_1511 = tpu.vector_load_idx %arg13[%add3A_1509] : memref<16xf32, #tpu.memory_space<vmem>>[vector<16xi32>], vector<16xf32>,
        %gather3A_1512 = tpu.vector_load_idx %arg14[%add3A_1509] : memref<16xf32, #tpu.memory_space<vmem>>[vector<16xi32>], vector<16xf32>,
        %mul3A_1513 = arith.mulf %gather3A_1510, %gather3A_1511 : vector<16xf32>
        %add3A_1514 = arith.addf %mul3A_1513, %gather3A_1512 : vector<16xf32>
        %add3A_1515 = arith.addf %add3A_1514, %broadcast_in_dim3A_58 : vector<16xf32>
        %bitcast3A_1516 = vector.bitcast %add3A_1515 : vector<16xf32> to vector<16xi32>
        %xor3A_1517 = arith.xori %xor3A_1397, %bitcast3A_1516 : vector<16xi32>
        %bitcast3A_1518 = vector.bitcast %add3A_1514 : vector<16xf32> to vector<16xi32>
        %and3A_1519 = arith.constant 2147483647 : i32
        %and3A_1520 = vector.broadcast %and3A_1519 : i32 to vector<16xi32>
        %and3A_1521 = arith.andi %bitcast3A_1518, %and3A_1520 : vector<16xi32>
        %sub3A_1522 = arith.constant 1 : i32
        %sub3A_1523 = vector.broadcast %sub3A_1522 : i32 to vector<16xi32>
        %sub3A_1524 = arith.subi %and3A_1521, %sub3A_1523 : vector<16xi32>
        %min3A_1525 = arith.minui %min3A_1405, %sub3A_1524 : vector<16xi32>
        %get3A_1526 = arith.constant 12 : i32
        %get3A_1527 = arith.index_cast %get3A_1526 : i32 to index
        %get3A_1528 = arith.index_cast %mul3A_1165 : i32 to index
        %get3A_1529 = tpu.vector_load %arg9[%get3A_1527, %get3A_1528] {strides = array<i32>} : memref<16x512xi32, #tpu.memory_space<vmem>>, vector<16xi32>,
        %and3A_1530 = arith.constant 16777215 : i32
        %and3A_1531 = vector.broadcast %and3A_1530 : i32 to vector<16xi32>
        %and3A_1532 = arith.andi %get3A_1529, %and3A_1531 : vector<16xi32>
        %shift_right_logical3A_1533 = arith.constant 22 : i32
        %shift_right_logical3A_1534 = vector.broadcast %shift_right_logical3A_1533 : i32 to vector<16xi32>
        %shift_right_logical3A_1535 = arith.shrui %get3A_1529, %shift_right_logical3A_1534 : vector<16xi32>
        %and3A_1536 = arith.constant 12 : i32
        %and3A_1537 = vector.broadcast %and3A_1536 : i32 to vector<16xi32>
        %and3A_1538 = arith.andi %shift_right_logical3A_1535, %and3A_1537 : vector<16xi32>
        %add3A_1539 = arith.addi %and3A_1538, %and3A_65 : vector<16xi32>
        %gather3A_1540 = tpu.vector_load_idx %arg8[%and3A_1532] : memref<100000xf32, #tpu.memory_space<vmem>>[vector<16xi32>], vector<16xf32>,
        %gather3A_1541 = tpu.vector_load_idx %arg13[%add3A_1539] : memref<16xf32, #tpu.memory_space<vmem>>[vector<16xi32>], vector<16xf32>,
        %gather3A_1542 = tpu.vector_load_idx %arg14[%add3A_1539] : memref<16xf32, #tpu.memory_space<vmem>>[vector<16xi32>], vector<16xf32>,
        %mul3A_1543 = arith.mulf %gather3A_1540, %gather3A_1541 : vector<16xf32>
        %add3A_1544 = arith.addf %mul3A_1543, %gather3A_1542 : vector<16xf32>
        %add3A_1545 = arith.addf %add3A_1544, %broadcast_in_dim3A_58 : vector<16xf32>
        %bitcast3A_1546 = vector.bitcast %add3A_1545 : vector<16xf32> to vector<16xi32>
        %xor3A_1547 = arith.xori %xor3A_1427, %bitcast3A_1546 : vector<16xi32>
        %bitcast3A_1548 = vector.bitcast %add3A_1544 : vector<16xf32> to vector<16xi32>
        %and3A_1549 = arith.constant 2147483647 : i32
        %and3A_1550 = vector.broadcast %and3A_1549 : i32 to vector<16xi32>
        %and3A_1551 = arith.andi %bitcast3A_1548, %and3A_1550 : vector<16xi32>
        %sub3A_1552 = arith.constant 1 : i32
        %sub3A_1553 = vector.broadcast %sub3A_1552 : i32 to vector<16xi32>
        %sub3A_1554 = arith.subi %and3A_1551, %sub3A_1553 : vector<16xi32>
        %min3A_1555 = arith.minui %min3A_1435, %sub3A_1554 : vector<16xi32>
        %get3A_1556 = arith.constant 13 : i32
        %get3A_1557 = arith.index_cast %get3A_1556 : i32 to index
        %get3A_1558 = arith.index_cast %mul3A_1165 : i32 to index
        %get3A_1559 = tpu.vector_load %arg9[%get3A_1557, %get3A_1558] {strides = array<i32>} : memref<16x512xi32, #tpu.memory_space<vmem>>, vector<16xi32>,
        %and3A_1560 = arith.constant 16777215 : i32
        %and3A_1561 = vector.broadcast %and3A_1560 : i32 to vector<16xi32>
        %and3A_1562 = arith.andi %get3A_1559, %and3A_1561 : vector<16xi32>
        %shift_right_logical3A_1563 = arith.constant 22 : i32
        %shift_right_logical3A_1564 = vector.broadcast %shift_right_logical3A_1563 : i32 to vector<16xi32>
        %shift_right_logical3A_1565 = arith.shrui %get3A_1559, %shift_right_logical3A_1564 : vector<16xi32>
        %and3A_1566 = arith.constant 12 : i32
        %and3A_1567 = vector.broadcast %and3A_1566 : i32 to vector<16xi32>
        %and3A_1568 = arith.andi %shift_right_logical3A_1565, %and3A_1567 : vector<16xi32>
        %add3A_1569 = arith.addi %and3A_1568, %and3A_65 : vector<16xi32>
        %gather3A_1570 = tpu.vector_load_idx %arg8[%and3A_1562] : memref<100000xf32, #tpu.memory_space<vmem>>[vector<16xi32>], vector<16xf32>,
        %gather3A_1571 = tpu.vector_load_idx %arg13[%add3A_1569] : memref<16xf32, #tpu.memory_space<vmem>>[vector<16xi32>], vector<16xf32>,
        %gather3A_1572 = tpu.vector_load_idx %arg14[%add3A_1569] : memref<16xf32, #tpu.memory_space<vmem>>[vector<16xi32>], vector<16xf32>,
        %mul3A_1573 = arith.mulf %gather3A_1570, %gather3A_1571 : vector<16xf32>
        %add3A_1574 = arith.addf %mul3A_1573, %gather3A_1572 : vector<16xf32>
        %add3A_1575 = arith.addf %add3A_1574, %broadcast_in_dim3A_58 : vector<16xf32>
        %bitcast3A_1576 = vector.bitcast %add3A_1575 : vector<16xf32> to vector<16xi32>
        %xor3A_1577 = arith.xori %xor3A_1457, %bitcast3A_1576 : vector<16xi32>
        %bitcast3A_1578 = vector.bitcast %add3A_1574 : vector<16xf32> to vector<16xi32>
        %and3A_1579 = arith.constant 2147483647 : i32
        %and3A_1580 = vector.broadcast %and3A_1579 : i32 to vector<16xi32>
        %and3A_1581 = arith.andi %bitcast3A_1578, %and3A_1580 : vector<16xi32>
        %sub3A_1582 = arith.constant 1 : i32
        %sub3A_1583 = vector.broadcast %sub3A_1582 : i32 to vector<16xi32>
        %sub3A_1584 = arith.subi %and3A_1581, %sub3A_1583 : vector<16xi32>
        %min3A_1585 = arith.minui %min3A_1465, %sub3A_1584 : vector<16xi32>
        %get3A_1586 = arith.constant 14 : i32
        %get3A_1587 = arith.index_cast %get3A_1586 : i32 to index
        %get3A_1588 = arith.index_cast %mul3A_1165 : i32 to index
        %get3A_1589 = tpu.vector_load %arg9[%get3A_1587, %get3A_1588] {strides = array<i32>} : memref<16x512xi32, #tpu.memory_space<vmem>>, vector<16xi32>,
        %and3A_1590 = arith.constant 16777215 : i32
        %and3A_1591 = vector.broadcast %and3A_1590 : i32 to vector<16xi32>
        %and3A_1592 = arith.andi %get3A_1589, %and3A_1591 : vector<16xi32>
        %shift_right_logical3A_1593 = arith.constant 22 : i32
        %shift_right_logical3A_1594 = vector.broadcast %shift_right_logical3A_1593 : i32 to vector<16xi32>
        %shift_right_logical3A_1595 = arith.shrui %get3A_1589, %shift_right_logical3A_1594 : vector<16xi32>
        %and3A_1596 = arith.constant 12 : i32
        %and3A_1597 = vector.broadcast %and3A_1596 : i32 to vector<16xi32>
        %and3A_1598 = arith.andi %shift_right_logical3A_1595, %and3A_1597 : vector<16xi32>
        %add3A_1599 = arith.addi %and3A_1598, %and3A_65 : vector<16xi32>
        %gather3A_1600 = tpu.vector_load_idx %arg8[%and3A_1592] : memref<100000xf32, #tpu.memory_space<vmem>>[vector<16xi32>], vector<16xf32>,
        %gather3A_1601 = tpu.vector_load_idx %arg13[%add3A_1599] : memref<16xf32, #tpu.memory_space<vmem>>[vector<16xi32>], vector<16xf32>,
        %gather3A_1602 = tpu.vector_load_idx %arg14[%add3A_1599] : memref<16xf32, #tpu.memory_space<vmem>>[vector<16xi32>], vector<16xf32>,
        %mul3A_1603 = arith.mulf %gather3A_1600, %gather3A_1601 : vector<16xf32>
        %add3A_1604 = arith.addf %mul3A_1603, %gather3A_1602 : vector<16xf32>
        %add3A_1605 = arith.addf %add3A_1604, %broadcast_in_dim3A_58 : vector<16xf32>
        %bitcast3A_1606 = vector.bitcast %add3A_1605 : vector<16xf32> to vector<16xi32>
        %xor3A_1607 = arith.xori %xor3A_1487, %bitcast3A_1606 : vector<16xi32>
        %bitcast3A_1608 = vector.bitcast %add3A_1604 : vector<16xf32> to vector<16xi32>
        %and3A_1609 = arith.constant 2147483647 : i32
        %and3A_1610 = vector.broadcast %and3A_1609 : i32 to vector<16xi32>
        %and3A_1611 = arith.andi %bitcast3A_1608, %and3A_1610 : vector<16xi32>
        %sub3A_1612 = arith.constant 1 : i32
        %sub3A_1613 = vector.broadcast %sub3A_1612 : i32 to vector<16xi32>
        %sub3A_1614 = arith.subi %and3A_1611, %sub3A_1613 : vector<16xi32>
        %min3A_1615 = arith.minui %min3A_1495, %sub3A_1614 : vector<16xi32>
        %get3A_1616 = arith.constant 15 : i32
        %get3A_1617 = arith.index_cast %get3A_1616 : i32 to index
        %get3A_1618 = arith.index_cast %mul3A_1165 : i32 to index
        %get3A_1619 = tpu.vector_load %arg9[%get3A_1617, %get3A_1618] {strides = array<i32>} : memref<16x512xi32, #tpu.memory_space<vmem>>, vector<16xi32>,
        %and3A_1620 = arith.constant 16777215 : i32
        %and3A_1621 = vector.broadcast %and3A_1620 : i32 to vector<16xi32>
        %and3A_1622 = arith.andi %get3A_1619, %and3A_1621 : vector<16xi32>
        %shift_right_logical3A_1623 = arith.constant 22 : i32
        %shift_right_logical3A_1624 = vector.broadcast %shift_right_logical3A_1623 : i32 to vector<16xi32>
        %shift_right_logical3A_1625 = arith.shrui %get3A_1619, %shift_right_logical3A_1624 : vector<16xi32>
        %and3A_1626 = arith.constant 12 : i32
        %and3A_1627 = vector.broadcast %and3A_1626 : i32 to vector<16xi32>
        %and3A_1628 = arith.andi %shift_right_logical3A_1625, %and3A_1627 : vector<16xi32>
        %add3A_1629 = arith.addi %and3A_1628, %and3A_65 : vector<16xi32>
        %gather3A_1630 = tpu.vector_load_idx %arg8[%and3A_1622] : memref<100000xf32, #tpu.memory_space<vmem>>[vector<16xi32>], vector<16xf32>,
        %gather3A_1631 = tpu.vector_load_idx %arg13[%add3A_1629] : memref<16xf32, #tpu.memory_space<vmem>>[vector<16xi32>], vector<16xf32>,
        %gather3A_1632 = tpu.vector_load_idx %arg14[%add3A_1629] : memref<16xf32, #tpu.memory_space<vmem>>[vector<16xi32>], vector<16xf32>,
        %mul3A_1633 = arith.mulf %gather3A_1630, %gather3A_1631 : vector<16xf32>
        %add3A_1634 = arith.addf %mul3A_1633, %gather3A_1632 : vector<16xf32>
        %add3A_1635 = arith.addf %add3A_1634, %broadcast_in_dim3A_58 : vector<16xf32>
        %bitcast3A_1636 = vector.bitcast %add3A_1635 : vector<16xf32> to vector<16xi32>
        %xor3A_1637 = arith.xori %xor3A_1517, %bitcast3A_1636 : vector<16xi32>
        %bitcast3A_1638 = vector.bitcast %add3A_1634 : vector<16xf32> to vector<16xi32>
        %and3A_1639 = arith.constant 2147483647 : i32
        %and3A_1640 = vector.broadcast %and3A_1639 : i32 to vector<16xi32>
        %and3A_1641 = arith.andi %bitcast3A_1638, %and3A_1640 : vector<16xi32>
        %sub3A_1642 = arith.constant 1 : i32
        %sub3A_1643 = vector.broadcast %sub3A_1642 : i32 to vector<16xi32>
        %sub3A_1644 = arith.subi %and3A_1641, %sub3A_1643 : vector<16xi32>
        %min3A_1645 = arith.minui %min3A_1525, %sub3A_1644 : vector<16xi32>
        %xor3A_1646 = arith.xori %xor3A_1547, %xor3A_1577 : vector<16xi32>
        %xor3A_1647 = arith.xori %xor3A_1607, %xor3A_1637 : vector<16xi32>
        %xor3A_1648 = arith.xori %xor3A_1646, %xor3A_1647 : vector<16xi32>
        %min3A_1649 = arith.minui %min3A_1555, %min3A_1585 : vector<16xi32>
        %min3A_1650 = arith.minui %min3A_1615, %min3A_1645 : vector<16xi32>
        %min3A_1651 = arith.minui %min3A_1649, %min3A_1650 : vector<16xi32>
        %add3A_1652 = arith.constant 1 : i32
        %add3A_1653 = vector.broadcast %add3A_1652 : i32 to vector<16xi32>
        %add3A_1654 = arith.addi %min3A_1651, %add3A_1653 : vector<16xi32>
        %bitcast3A_1655 = vector.bitcast %add3A_1654 : vector<16xi32> to vector<16xf32>
        %and3A_1656 = arith.constant -2147483648 : i32
        %and3A_1657 = vector.broadcast %and3A_1656 : i32 to vector<16xi32>
        %and3A_1658 = arith.andi %xor3A_1648, %and3A_1657 : vector<16xi32>
        %or3A_1659 = arith.constant 1065353216 : i32
        %or3A_1660 = vector.broadcast %or3A_1659 : i32 to vector<16xi32>
        %or3A_1661 = arith.ori %and3A_1658, %or3A_1660 : vector<16xi32>
        %bitcast3A_1662 = vector.bitcast %or3A_1661 : vector<16xi32> to vector<16xf32>
        %mul3A_1663 = arith.mulf %get3A_53, %bitcast3A_1655 : vector<16xf32>
        %add3A_1664 = arith.addf %mul3A_1663, %get3A_57 : vector<16xf32>
        %mul3A_1665 = arith.mulf %bitcast3A_1662, %add3A_1664 : vector<16xf32>
        %swap3A_1666 = arith.index_cast %mul3A_1165 : i32 to index
        %swap3A_1667 = tpu.vector_load %arg11[%swap3A_1666] {strides = array<i32>} : memref<512xf32, #tpu.memory_space<vmem>>, vector<16xf32>,
        tpu.vector_store %arg11[%swap3A_1666], %mul3A_1665 {strides = array<i32>} : memref<512xf32, #tpu.memory_space<vmem>>, vector<16xf32>,
        %mul3A_1668 = arith.constant 4 : i32
        %mul3A_1669 = arith.muli %mul3A_1668, %scan3A_150 : i32
        %add3A_1670 = arith.constant 3 : i32
        %add3A_1671 = arith.addi %mul3A_1669, %add3A_1670 : i32
        %mul3A_1672 = arith.constant 16 : i32
        %mul3A_1673 = arith.muli %add3A_1671, %mul3A_1672 : i32
        %get3A_1674 = arith.constant 0 : i32
        %get3A_1675 = arith.index_cast %get3A_1674 : i32 to index
        %get3A_1676 = arith.index_cast %mul3A_1673 : i32 to index
        %get3A_1677 = tpu.vector_load %arg9[%get3A_1675, %get3A_1676] {strides = array<i32>} : memref<16x512xi32, #tpu.memory_space<vmem>>, vector<16xi32>,
        %and3A_1678 = arith.constant 16777215 : i32
        %and3A_1679 = vector.broadcast %and3A_1678 : i32 to vector<16xi32>
        %and3A_1680 = arith.andi %get3A_1677, %and3A_1679 : vector<16xi32>
        %shift_right_logical3A_1681 = arith.constant 22 : i32
        %shift_right_logical3A_1682 = vector.broadcast %shift_right_logical3A_1681 : i32 to vector<16xi32>
        %shift_right_logical3A_1683 = arith.shrui %get3A_1677, %shift_right_logical3A_1682 : vector<16xi32>
        %and3A_1684 = arith.constant 12 : i32
        %and3A_1685 = vector.broadcast %and3A_1684 : i32 to vector<16xi32>
        %and3A_1686 = arith.andi %shift_right_logical3A_1683, %and3A_1685 : vector<16xi32>
        %add3A_1687 = arith.addi %and3A_1686, %and3A_65 : vector<16xi32>
        %gather3A_1688 = tpu.vector_load_idx %arg8[%and3A_1680] : memref<100000xf32, #tpu.memory_space<vmem>>[vector<16xi32>], vector<16xf32>,
        %gather3A_1689 = tpu.vector_load_idx %arg13[%add3A_1687] : memref<16xf32, #tpu.memory_space<vmem>>[vector<16xi32>], vector<16xf32>,
        %gather3A_1690 = tpu.vector_load_idx %arg14[%add3A_1687] : memref<16xf32, #tpu.memory_space<vmem>>[vector<16xi32>], vector<16xf32>,
        %mul3A_1691 = arith.mulf %gather3A_1688, %gather3A_1689 : vector<16xf32>
        %add3A_1692 = arith.addf %mul3A_1691, %gather3A_1690 : vector<16xf32>
        %add3A_1693 = arith.addf %add3A_1692, %broadcast_in_dim3A_58 : vector<16xf32>
        %bitcast3A_1694 = vector.bitcast %add3A_1693 : vector<16xf32> to vector<16xi32>
        %xor3A_1695 = arith.xori %broadcast_in_dim3A_60, %bitcast3A_1694 : vector<16xi32>
        %bitcast3A_1696 = vector.bitcast %add3A_1692 : vector<16xf32> to vector<16xi32>
        %and3A_1697 = arith.constant 2147483647 : i32
        %and3A_1698 = vector.broadcast %and3A_1697 : i32 to vector<16xi32>
        %and3A_1699 = arith.andi %bitcast3A_1696, %and3A_1698 : vector<16xi32>
        %sub3A_1700 = arith.constant 1 : i32
        %sub3A_1701 = vector.broadcast %sub3A_1700 : i32 to vector<16xi32>
        %sub3A_1702 = arith.subi %and3A_1699, %sub3A_1701 : vector<16xi32>
        %min3A_1703 = arith.minui %broadcast_in_dim3A_62, %sub3A_1702 : vector<16xi32>
        %get3A_1704 = arith.constant 1 : i32
        %get3A_1705 = arith.index_cast %get3A_1704 : i32 to index
        %get3A_1706 = arith.index_cast %mul3A_1673 : i32 to index
        %get3A_1707 = tpu.vector_load %arg9[%get3A_1705, %get3A_1706] {strides = array<i32>} : memref<16x512xi32, #tpu.memory_space<vmem>>, vector<16xi32>,
        %and3A_1708 = arith.constant 16777215 : i32
        %and3A_1709 = vector.broadcast %and3A_1708 : i32 to vector<16xi32>
        %and3A_1710 = arith.andi %get3A_1707, %and3A_1709 : vector<16xi32>
        %shift_right_logical3A_1711 = arith.constant 22 : i32
        %shift_right_logical3A_1712 = vector.broadcast %shift_right_logical3A_1711 : i32 to vector<16xi32>
        %shift_right_logical3A_1713 = arith.shrui %get3A_1707, %shift_right_logical3A_1712 : vector<16xi32>
        %and3A_1714 = arith.constant 12 : i32
        %and3A_1715 = vector.broadcast %and3A_1714 : i32 to vector<16xi32>
        %and3A_1716 = arith.andi %shift_right_logical3A_1713, %and3A_1715 : vector<16xi32>
        %add3A_1717 = arith.addi %and3A_1716, %and3A_65 : vector<16xi32>
        %gather3A_1718 = tpu.vector_load_idx %arg8[%and3A_1710] : memref<100000xf32, #tpu.memory_space<vmem>>[vector<16xi32>], vector<16xf32>,
        %gather3A_1719 = tpu.vector_load_idx %arg13[%add3A_1717] : memref<16xf32, #tpu.memory_space<vmem>>[vector<16xi32>], vector<16xf32>,
        %gather3A_1720 = tpu.vector_load_idx %arg14[%add3A_1717] : memref<16xf32, #tpu.memory_space<vmem>>[vector<16xi32>], vector<16xf32>,
        %mul3A_1721 = arith.mulf %gather3A_1718, %gather3A_1719 : vector<16xf32>
        %add3A_1722 = arith.addf %mul3A_1721, %gather3A_1720 : vector<16xf32>
        %add3A_1723 = arith.addf %add3A_1722, %broadcast_in_dim3A_58 : vector<16xf32>
        %bitcast3A_1724 = vector.bitcast %add3A_1723 : vector<16xf32> to vector<16xi32>
        %xor3A_1725 = arith.xori %broadcast_in_dim3A_60, %bitcast3A_1724 : vector<16xi32>
        %bitcast3A_1726 = vector.bitcast %add3A_1722 : vector<16xf32> to vector<16xi32>
        %and3A_1727 = arith.constant 2147483647 : i32
        %and3A_1728 = vector.broadcast %and3A_1727 : i32 to vector<16xi32>
        %and3A_1729 = arith.andi %bitcast3A_1726, %and3A_1728 : vector<16xi32>
        %sub3A_1730 = arith.constant 1 : i32
        %sub3A_1731 = vector.broadcast %sub3A_1730 : i32 to vector<16xi32>
        %sub3A_1732 = arith.subi %and3A_1729, %sub3A_1731 : vector<16xi32>
        %min3A_1733 = arith.minui %broadcast_in_dim3A_62, %sub3A_1732 : vector<16xi32>
        %get3A_1734 = arith.constant 2 : i32
        %get3A_1735 = arith.index_cast %get3A_1734 : i32 to index
        %get3A_1736 = arith.index_cast %mul3A_1673 : i32 to index
        %get3A_1737 = tpu.vector_load %arg9[%get3A_1735, %get3A_1736] {strides = array<i32>} : memref<16x512xi32, #tpu.memory_space<vmem>>, vector<16xi32>,
        %and3A_1738 = arith.constant 16777215 : i32
        %and3A_1739 = vector.broadcast %and3A_1738 : i32 to vector<16xi32>
        %and3A_1740 = arith.andi %get3A_1737, %and3A_1739 : vector<16xi32>
        %shift_right_logical3A_1741 = arith.constant 22 : i32
        %shift_right_logical3A_1742 = vector.broadcast %shift_right_logical3A_1741 : i32 to vector<16xi32>
        %shift_right_logical3A_1743 = arith.shrui %get3A_1737, %shift_right_logical3A_1742 : vector<16xi32>
        %and3A_1744 = arith.constant 12 : i32
        %and3A_1745 = vector.broadcast %and3A_1744 : i32 to vector<16xi32>
        %and3A_1746 = arith.andi %shift_right_logical3A_1743, %and3A_1745 : vector<16xi32>
        %add3A_1747 = arith.addi %and3A_1746, %and3A_65 : vector<16xi32>
        %gather3A_1748 = tpu.vector_load_idx %arg8[%and3A_1740] : memref<100000xf32, #tpu.memory_space<vmem>>[vector<16xi32>], vector<16xf32>,
        %gather3A_1749 = tpu.vector_load_idx %arg13[%add3A_1747] : memref<16xf32, #tpu.memory_space<vmem>>[vector<16xi32>], vector<16xf32>,
        %gather3A_1750 = tpu.vector_load_idx %arg14[%add3A_1747] : memref<16xf32, #tpu.memory_space<vmem>>[vector<16xi32>], vector<16xf32>,
        %mul3A_1751 = arith.mulf %gather3A_1748, %gather3A_1749 : vector<16xf32>
        %add3A_1752 = arith.addf %mul3A_1751, %gather3A_1750 : vector<16xf32>
        %add3A_1753 = arith.addf %add3A_1752, %broadcast_in_dim3A_58 : vector<16xf32>
        %bitcast3A_1754 = vector.bitcast %add3A_1753 : vector<16xf32> to vector<16xi32>
        %xor3A_1755 = arith.xori %broadcast_in_dim3A_60, %bitcast3A_1754 : vector<16xi32>
        %bitcast3A_1756 = vector.bitcast %add3A_1752 : vector<16xf32> to vector<16xi32>
        %and3A_1757 = arith.constant 2147483647 : i32
        %and3A_1758 = vector.broadcast %and3A_1757 : i32 to vector<16xi32>
        %and3A_1759 = arith.andi %bitcast3A_1756, %and3A_1758 : vector<16xi32>
        %sub3A_1760 = arith.constant 1 : i32
        %sub3A_1761 = vector.broadcast %sub3A_1760 : i32 to vector<16xi32>
        %sub3A_1762 = arith.subi %and3A_1759, %sub3A_1761 : vector<16xi32>
        %min3A_1763 = arith.minui %broadcast_in_dim3A_62, %sub3A_1762 : vector<16xi32>
        %get3A_1764 = arith.constant 3 : i32
        %get3A_1765 = arith.index_cast %get3A_1764 : i32 to index
        %get3A_1766 = arith.index_cast %mul3A_1673 : i32 to index
        %get3A_1767 = tpu.vector_load %arg9[%get3A_1765, %get3A_1766] {strides = array<i32>} : memref<16x512xi32, #tpu.memory_space<vmem>>, vector<16xi32>,
        %and3A_1768 = arith.constant 16777215 : i32
        %and3A_1769 = vector.broadcast %and3A_1768 : i32 to vector<16xi32>
        %and3A_1770 = arith.andi %get3A_1767, %and3A_1769 : vector<16xi32>
        %shift_right_logical3A_1771 = arith.constant 22 : i32
        %shift_right_logical3A_1772 = vector.broadcast %shift_right_logical3A_1771 : i32 to vector<16xi32>
        %shift_right_logical3A_1773 = arith.shrui %get3A_1767, %shift_right_logical3A_1772 : vector<16xi32>
        %and3A_1774 = arith.constant 12 : i32
        %and3A_1775 = vector.broadcast %and3A_1774 : i32 to vector<16xi32>
        %and3A_1776 = arith.andi %shift_right_logical3A_1773, %and3A_1775 : vector<16xi32>
        %add3A_1777 = arith.addi %and3A_1776, %and3A_65 : vector<16xi32>
        %gather3A_1778 = tpu.vector_load_idx %arg8[%and3A_1770] : memref<100000xf32, #tpu.memory_space<vmem>>[vector<16xi32>], vector<16xf32>,
        %gather3A_1779 = tpu.vector_load_idx %arg13[%add3A_1777] : memref<16xf32, #tpu.memory_space<vmem>>[vector<16xi32>], vector<16xf32>,
        %gather3A_1780 = tpu.vector_load_idx %arg14[%add3A_1777] : memref<16xf32, #tpu.memory_space<vmem>>[vector<16xi32>], vector<16xf32>,
        %mul3A_1781 = arith.mulf %gather3A_1778, %gather3A_1779 : vector<16xf32>
        %add3A_1782 = arith.addf %mul3A_1781, %gather3A_1780 : vector<16xf32>
        %add3A_1783 = arith.addf %add3A_1782, %broadcast_in_dim3A_58 : vector<16xf32>
        %bitcast3A_1784 = vector.bitcast %add3A_1783 : vector<16xf32> to vector<16xi32>
        %xor3A_1785 = arith.xori %broadcast_in_dim3A_60, %bitcast3A_1784 : vector<16xi32>
        %bitcast3A_1786 = vector.bitcast %add3A_1782 : vector<16xf32> to vector<16xi32>
        %and3A_1787 = arith.constant 2147483647 : i32
        %and3A_1788 = vector.broadcast %and3A_1787 : i32 to vector<16xi32>
        %and3A_1789 = arith.andi %bitcast3A_1786, %and3A_1788 : vector<16xi32>
        %sub3A_1790 = arith.constant 1 : i32
        %sub3A_1791 = vector.broadcast %sub3A_1790 : i32 to vector<16xi32>
        %sub3A_1792 = arith.subi %and3A_1789, %sub3A_1791 : vector<16xi32>
        %min3A_1793 = arith.minui %broadcast_in_dim3A_62, %sub3A_1792 : vector<16xi32>
        %get3A_1794 = arith.constant 4 : i32
        %get3A_1795 = arith.index_cast %get3A_1794 : i32 to index
        %get3A_1796 = arith.index_cast %mul3A_1673 : i32 to index
        %get3A_1797 = tpu.vector_load %arg9[%get3A_1795, %get3A_1796] {strides = array<i32>} : memref<16x512xi32, #tpu.memory_space<vmem>>, vector<16xi32>,
        %and3A_1798 = arith.constant 16777215 : i32
        %and3A_1799 = vector.broadcast %and3A_1798 : i32 to vector<16xi32>
        %and3A_1800 = arith.andi %get3A_1797, %and3A_1799 : vector<16xi32>
        %shift_right_logical3A_1801 = arith.constant 22 : i32
        %shift_right_logical3A_1802 = vector.broadcast %shift_right_logical3A_1801 : i32 to vector<16xi32>
        %shift_right_logical3A_1803 = arith.shrui %get3A_1797, %shift_right_logical3A_1802 : vector<16xi32>
        %and3A_1804 = arith.constant 12 : i32
        %and3A_1805 = vector.broadcast %and3A_1804 : i32 to vector<16xi32>
        %and3A_1806 = arith.andi %shift_right_logical3A_1803, %and3A_1805 : vector<16xi32>
        %add3A_1807 = arith.addi %and3A_1806, %and3A_65 : vector<16xi32>
        %gather3A_1808 = tpu.vector_load_idx %arg8[%and3A_1800] : memref<100000xf32, #tpu.memory_space<vmem>>[vector<16xi32>], vector<16xf32>,
        %gather3A_1809 = tpu.vector_load_idx %arg13[%add3A_1807] : memref<16xf32, #tpu.memory_space<vmem>>[vector<16xi32>], vector<16xf32>,
        %gather3A_1810 = tpu.vector_load_idx %arg14[%add3A_1807] : memref<16xf32, #tpu.memory_space<vmem>>[vector<16xi32>], vector<16xf32>,
        %mul3A_1811 = arith.mulf %gather3A_1808, %gather3A_1809 : vector<16xf32>
        %add3A_1812 = arith.addf %mul3A_1811, %gather3A_1810 : vector<16xf32>
        %add3A_1813 = arith.addf %add3A_1812, %broadcast_in_dim3A_58 : vector<16xf32>
        %bitcast3A_1814 = vector.bitcast %add3A_1813 : vector<16xf32> to vector<16xi32>
        %xor3A_1815 = arith.xori %xor3A_1695, %bitcast3A_1814 : vector<16xi32>
        %bitcast3A_1816 = vector.bitcast %add3A_1812 : vector<16xf32> to vector<16xi32>
        %and3A_1817 = arith.constant 2147483647 : i32
        %and3A_1818 = vector.broadcast %and3A_1817 : i32 to vector<16xi32>
        %and3A_1819 = arith.andi %bitcast3A_1816, %and3A_1818 : vector<16xi32>
        %sub3A_1820 = arith.constant 1 : i32
        %sub3A_1821 = vector.broadcast %sub3A_1820 : i32 to vector<16xi32>
        %sub3A_1822 = arith.subi %and3A_1819, %sub3A_1821 : vector<16xi32>
        %min3A_1823 = arith.minui %min3A_1703, %sub3A_1822 : vector<16xi32>
        %get3A_1824 = arith.constant 5 : i32
        %get3A_1825 = arith.index_cast %get3A_1824 : i32 to index
        %get3A_1826 = arith.index_cast %mul3A_1673 : i32 to index
        %get3A_1827 = tpu.vector_load %arg9[%get3A_1825, %get3A_1826] {strides = array<i32>} : memref<16x512xi32, #tpu.memory_space<vmem>>, vector<16xi32>,
        %and3A_1828 = arith.constant 16777215 : i32
        %and3A_1829 = vector.broadcast %and3A_1828 : i32 to vector<16xi32>
        %and3A_1830 = arith.andi %get3A_1827, %and3A_1829 : vector<16xi32>
        %shift_right_logical3A_1831 = arith.constant 22 : i32
        %shift_right_logical3A_1832 = vector.broadcast %shift_right_logical3A_1831 : i32 to vector<16xi32>
        %shift_right_logical3A_1833 = arith.shrui %get3A_1827, %shift_right_logical3A_1832 : vector<16xi32>
        %and3A_1834 = arith.constant 12 : i32
        %and3A_1835 = vector.broadcast %and3A_1834 : i32 to vector<16xi32>
        %and3A_1836 = arith.andi %shift_right_logical3A_1833, %and3A_1835 : vector<16xi32>
        %add3A_1837 = arith.addi %and3A_1836, %and3A_65 : vector<16xi32>
        %gather3A_1838 = tpu.vector_load_idx %arg8[%and3A_1830] : memref<100000xf32, #tpu.memory_space<vmem>>[vector<16xi32>], vector<16xf32>,
        %gather3A_1839 = tpu.vector_load_idx %arg13[%add3A_1837] : memref<16xf32, #tpu.memory_space<vmem>>[vector<16xi32>], vector<16xf32>,
        %gather3A_1840 = tpu.vector_load_idx %arg14[%add3A_1837] : memref<16xf32, #tpu.memory_space<vmem>>[vector<16xi32>], vector<16xf32>,
        %mul3A_1841 = arith.mulf %gather3A_1838, %gather3A_1839 : vector<16xf32>
        %add3A_1842 = arith.addf %mul3A_1841, %gather3A_1840 : vector<16xf32>
        %add3A_1843 = arith.addf %add3A_1842, %broadcast_in_dim3A_58 : vector<16xf32>
        %bitcast3A_1844 = vector.bitcast %add3A_1843 : vector<16xf32> to vector<16xi32>
        %xor3A_1845 = arith.xori %xor3A_1725, %bitcast3A_1844 : vector<16xi32>
        %bitcast3A_1846 = vector.bitcast %add3A_1842 : vector<16xf32> to vector<16xi32>
        %and3A_1847 = arith.constant 2147483647 : i32
        %and3A_1848 = vector.broadcast %and3A_1847 : i32 to vector<16xi32>
        %and3A_1849 = arith.andi %bitcast3A_1846, %and3A_1848 : vector<16xi32>
        %sub3A_1850 = arith.constant 1 : i32
        %sub3A_1851 = vector.broadcast %sub3A_1850 : i32 to vector<16xi32>
        %sub3A_1852 = arith.subi %and3A_1849, %sub3A_1851 : vector<16xi32>
        %min3A_1853 = arith.minui %min3A_1733, %sub3A_1852 : vector<16xi32>
        %get3A_1854 = arith.constant 6 : i32
        %get3A_1855 = arith.index_cast %get3A_1854 : i32 to index
        %get3A_1856 = arith.index_cast %mul3A_1673 : i32 to index
        %get3A_1857 = tpu.vector_load %arg9[%get3A_1855, %get3A_1856] {strides = array<i32>} : memref<16x512xi32, #tpu.memory_space<vmem>>, vector<16xi32>,
        %and3A_1858 = arith.constant 16777215 : i32
        %and3A_1859 = vector.broadcast %and3A_1858 : i32 to vector<16xi32>
        %and3A_1860 = arith.andi %get3A_1857, %and3A_1859 : vector<16xi32>
        %shift_right_logical3A_1861 = arith.constant 22 : i32
        %shift_right_logical3A_1862 = vector.broadcast %shift_right_logical3A_1861 : i32 to vector<16xi32>
        %shift_right_logical3A_1863 = arith.shrui %get3A_1857, %shift_right_logical3A_1862 : vector<16xi32>
        %and3A_1864 = arith.constant 12 : i32
        %and3A_1865 = vector.broadcast %and3A_1864 : i32 to vector<16xi32>
        %and3A_1866 = arith.andi %shift_right_logical3A_1863, %and3A_1865 : vector<16xi32>
        %add3A_1867 = arith.addi %and3A_1866, %and3A_65 : vector<16xi32>
        %gather3A_1868 = tpu.vector_load_idx %arg8[%and3A_1860] : memref<100000xf32, #tpu.memory_space<vmem>>[vector<16xi32>], vector<16xf32>,
        %gather3A_1869 = tpu.vector_load_idx %arg13[%add3A_1867] : memref<16xf32, #tpu.memory_space<vmem>>[vector<16xi32>], vector<16xf32>,
        %gather3A_1870 = tpu.vector_load_idx %arg14[%add3A_1867] : memref<16xf32, #tpu.memory_space<vmem>>[vector<16xi32>], vector<16xf32>,
        %mul3A_1871 = arith.mulf %gather3A_1868, %gather3A_1869 : vector<16xf32>
        %add3A_1872 = arith.addf %mul3A_1871, %gather3A_1870 : vector<16xf32>
        %add3A_1873 = arith.addf %add3A_1872, %broadcast_in_dim3A_58 : vector<16xf32>
        %bitcast3A_1874 = vector.bitcast %add3A_1873 : vector<16xf32> to vector<16xi32>
        %xor3A_1875 = arith.xori %xor3A_1755, %bitcast3A_1874 : vector<16xi32>
        %bitcast3A_1876 = vector.bitcast %add3A_1872 : vector<16xf32> to vector<16xi32>
        %and3A_1877 = arith.constant 2147483647 : i32
        %and3A_1878 = vector.broadcast %and3A_1877 : i32 to vector<16xi32>
        %and3A_1879 = arith.andi %bitcast3A_1876, %and3A_1878 : vector<16xi32>
        %sub3A_1880 = arith.constant 1 : i32
        %sub3A_1881 = vector.broadcast %sub3A_1880 : i32 to vector<16xi32>
        %sub3A_1882 = arith.subi %and3A_1879, %sub3A_1881 : vector<16xi32>
        %min3A_1883 = arith.minui %min3A_1763, %sub3A_1882 : vector<16xi32>
        %get3A_1884 = arith.constant 7 : i32
        %get3A_1885 = arith.index_cast %get3A_1884 : i32 to index
        %get3A_1886 = arith.index_cast %mul3A_1673 : i32 to index
        %get3A_1887 = tpu.vector_load %arg9[%get3A_1885, %get3A_1886] {strides = array<i32>} : memref<16x512xi32, #tpu.memory_space<vmem>>, vector<16xi32>,
        %and3A_1888 = arith.constant 16777215 : i32
        %and3A_1889 = vector.broadcast %and3A_1888 : i32 to vector<16xi32>
        %and3A_1890 = arith.andi %get3A_1887, %and3A_1889 : vector<16xi32>
        %shift_right_logical3A_1891 = arith.constant 22 : i32
        %shift_right_logical3A_1892 = vector.broadcast %shift_right_logical3A_1891 : i32 to vector<16xi32>
        %shift_right_logical3A_1893 = arith.shrui %get3A_1887, %shift_right_logical3A_1892 : vector<16xi32>
        %and3A_1894 = arith.constant 12 : i32
        %and3A_1895 = vector.broadcast %and3A_1894 : i32 to vector<16xi32>
        %and3A_1896 = arith.andi %shift_right_logical3A_1893, %and3A_1895 : vector<16xi32>
        %add3A_1897 = arith.addi %and3A_1896, %and3A_65 : vector<16xi32>
        %gather3A_1898 = tpu.vector_load_idx %arg8[%and3A_1890] : memref<100000xf32, #tpu.memory_space<vmem>>[vector<16xi32>], vector<16xf32>,
        %gather3A_1899 = tpu.vector_load_idx %arg13[%add3A_1897] : memref<16xf32, #tpu.memory_space<vmem>>[vector<16xi32>], vector<16xf32>,
        %gather3A_1900 = tpu.vector_load_idx %arg14[%add3A_1897] : memref<16xf32, #tpu.memory_space<vmem>>[vector<16xi32>], vector<16xf32>,
        %mul3A_1901 = arith.mulf %gather3A_1898, %gather3A_1899 : vector<16xf32>
        %add3A_1902 = arith.addf %mul3A_1901, %gather3A_1900 : vector<16xf32>
        %add3A_1903 = arith.addf %add3A_1902, %broadcast_in_dim3A_58 : vector<16xf32>
        %bitcast3A_1904 = vector.bitcast %add3A_1903 : vector<16xf32> to vector<16xi32>
        %xor3A_1905 = arith.xori %xor3A_1785, %bitcast3A_1904 : vector<16xi32>
        %bitcast3A_1906 = vector.bitcast %add3A_1902 : vector<16xf32> to vector<16xi32>
        %and3A_1907 = arith.constant 2147483647 : i32
        %and3A_1908 = vector.broadcast %and3A_1907 : i32 to vector<16xi32>
        %and3A_1909 = arith.andi %bitcast3A_1906, %and3A_1908 : vector<16xi32>
        %sub3A_1910 = arith.constant 1 : i32
        %sub3A_1911 = vector.broadcast %sub3A_1910 : i32 to vector<16xi32>
        %sub3A_1912 = arith.subi %and3A_1909, %sub3A_1911 : vector<16xi32>
        %min3A_1913 = arith.minui %min3A_1793, %sub3A_1912 : vector<16xi32>
        %get3A_1914 = arith.constant 8 : i32
        %get3A_1915 = arith.index_cast %get3A_1914 : i32 to index
        %get3A_1916 = arith.index_cast %mul3A_1673 : i32 to index
        %get3A_1917 = tpu.vector_load %arg9[%get3A_1915, %get3A_1916] {strides = array<i32>} : memref<16x512xi32, #tpu.memory_space<vmem>>, vector<16xi32>,
        %and3A_1918 = arith.constant 16777215 : i32
        %and3A_1919 = vector.broadcast %and3A_1918 : i32 to vector<16xi32>
        %and3A_1920 = arith.andi %get3A_1917, %and3A_1919 : vector<16xi32>
        %shift_right_logical3A_1921 = arith.constant 22 : i32
        %shift_right_logical3A_1922 = vector.broadcast %shift_right_logical3A_1921 : i32 to vector<16xi32>
        %shift_right_logical3A_1923 = arith.shrui %get3A_1917, %shift_right_logical3A_1922 : vector<16xi32>
        %and3A_1924 = arith.constant 12 : i32
        %and3A_1925 = vector.broadcast %and3A_1924 : i32 to vector<16xi32>
        %and3A_1926 = arith.andi %shift_right_logical3A_1923, %and3A_1925 : vector<16xi32>
        %add3A_1927 = arith.addi %and3A_1926, %and3A_65 : vector<16xi32>
        %gather3A_1928 = tpu.vector_load_idx %arg8[%and3A_1920] : memref<100000xf32, #tpu.memory_space<vmem>>[vector<16xi32>], vector<16xf32>,
        %gather3A_1929 = tpu.vector_load_idx %arg13[%add3A_1927] : memref<16xf32, #tpu.memory_space<vmem>>[vector<16xi32>], vector<16xf32>,
        %gather3A_1930 = tpu.vector_load_idx %arg14[%add3A_1927] : memref<16xf32, #tpu.memory_space<vmem>>[vector<16xi32>], vector<16xf32>,
        %mul3A_1931 = arith.mulf %gather3A_1928, %gather3A_1929 : vector<16xf32>
        %add3A_1932 = arith.addf %mul3A_1931, %gather3A_1930 : vector<16xf32>
        %add3A_1933 = arith.addf %add3A_1932, %broadcast_in_dim3A_58 : vector<16xf32>
        %bitcast3A_1934 = vector.bitcast %add3A_1933 : vector<16xf32> to vector<16xi32>
        %xor3A_1935 = arith.xori %xor3A_1815, %bitcast3A_1934 : vector<16xi32>
        %bitcast3A_1936 = vector.bitcast %add3A_1932 : vector<16xf32> to vector<16xi32>
        %and3A_1937 = arith.constant 2147483647 : i32
        %and3A_1938 = vector.broadcast %and3A_1937 : i32 to vector<16xi32>
        %and3A_1939 = arith.andi %bitcast3A_1936, %and3A_1938 : vector<16xi32>
        %sub3A_1940 = arith.constant 1 : i32
        %sub3A_1941 = vector.broadcast %sub3A_1940 : i32 to vector<16xi32>
        %sub3A_1942 = arith.subi %and3A_1939, %sub3A_1941 : vector<16xi32>
        %min3A_1943 = arith.minui %min3A_1823, %sub3A_1942 : vector<16xi32>
        %get3A_1944 = arith.constant 9 : i32
        %get3A_1945 = arith.index_cast %get3A_1944 : i32 to index
        %get3A_1946 = arith.index_cast %mul3A_1673 : i32 to index
        %get3A_1947 = tpu.vector_load %arg9[%get3A_1945, %get3A_1946] {strides = array<i32>} : memref<16x512xi32, #tpu.memory_space<vmem>>, vector<16xi32>,
        %and3A_1948 = arith.constant 16777215 : i32
        %and3A_1949 = vector.broadcast %and3A_1948 : i32 to vector<16xi32>
        %and3A_1950 = arith.andi %get3A_1947, %and3A_1949 : vector<16xi32>
        %shift_right_logical3A_1951 = arith.constant 22 : i32
        %shift_right_logical3A_1952 = vector.broadcast %shift_right_logical3A_1951 : i32 to vector<16xi32>
        %shift_right_logical3A_1953 = arith.shrui %get3A_1947, %shift_right_logical3A_1952 : vector<16xi32>
        %and3A_1954 = arith.constant 12 : i32
        %and3A_1955 = vector.broadcast %and3A_1954 : i32 to vector<16xi32>
        %and3A_1956 = arith.andi %shift_right_logical3A_1953, %and3A_1955 : vector<16xi32>
        %add3A_1957 = arith.addi %and3A_1956, %and3A_65 : vector<16xi32>
        %gather3A_1958 = tpu.vector_load_idx %arg8[%and3A_1950] : memref<100000xf32, #tpu.memory_space<vmem>>[vector<16xi32>], vector<16xf32>,
        %gather3A_1959 = tpu.vector_load_idx %arg13[%add3A_1957] : memref<16xf32, #tpu.memory_space<vmem>>[vector<16xi32>], vector<16xf32>,
        %gather3A_1960 = tpu.vector_load_idx %arg14[%add3A_1957] : memref<16xf32, #tpu.memory_space<vmem>>[vector<16xi32>], vector<16xf32>,
        %mul3A_1961 = arith.mulf %gather3A_1958, %gather3A_1959 : vector<16xf32>
        %add3A_1962 = arith.addf %mul3A_1961, %gather3A_1960 : vector<16xf32>
        %add3A_1963 = arith.addf %add3A_1962, %broadcast_in_dim3A_58 : vector<16xf32>
        %bitcast3A_1964 = vector.bitcast %add3A_1963 : vector<16xf32> to vector<16xi32>
        %xor3A_1965 = arith.xori %xor3A_1845, %bitcast3A_1964 : vector<16xi32>
        %bitcast3A_1966 = vector.bitcast %add3A_1962 : vector<16xf32> to vector<16xi32>
        %and3A_1967 = arith.constant 2147483647 : i32
        %and3A_1968 = vector.broadcast %and3A_1967 : i32 to vector<16xi32>
        %and3A_1969 = arith.andi %bitcast3A_1966, %and3A_1968 : vector<16xi32>
        %sub3A_1970 = arith.constant 1 : i32
        %sub3A_1971 = vector.broadcast %sub3A_1970 : i32 to vector<16xi32>
        %sub3A_1972 = arith.subi %and3A_1969, %sub3A_1971 : vector<16xi32>
        %min3A_1973 = arith.minui %min3A_1853, %sub3A_1972 : vector<16xi32>
        %get3A_1974 = arith.constant 10 : i32
        %get3A_1975 = arith.index_cast %get3A_1974 : i32 to index
        %get3A_1976 = arith.index_cast %mul3A_1673 : i32 to index
        %get3A_1977 = tpu.vector_load %arg9[%get3A_1975, %get3A_1976] {strides = array<i32>} : memref<16x512xi32, #tpu.memory_space<vmem>>, vector<16xi32>,
        %and3A_1978 = arith.constant 16777215 : i32
        %and3A_1979 = vector.broadcast %and3A_1978 : i32 to vector<16xi32>
        %and3A_1980 = arith.andi %get3A_1977, %and3A_1979 : vector<16xi32>
        %shift_right_logical3A_1981 = arith.constant 22 : i32
        %shift_right_logical3A_1982 = vector.broadcast %shift_right_logical3A_1981 : i32 to vector<16xi32>
        %shift_right_logical3A_1983 = arith.shrui %get3A_1977, %shift_right_logical3A_1982 : vector<16xi32>
        %and3A_1984 = arith.constant 12 : i32
        %and3A_1985 = vector.broadcast %and3A_1984 : i32 to vector<16xi32>
        %and3A_1986 = arith.andi %shift_right_logical3A_1983, %and3A_1985 : vector<16xi32>
        %add3A_1987 = arith.addi %and3A_1986, %and3A_65 : vector<16xi32>
        %gather3A_1988 = tpu.vector_load_idx %arg8[%and3A_1980] : memref<100000xf32, #tpu.memory_space<vmem>>[vector<16xi32>], vector<16xf32>,
        %gather3A_1989 = tpu.vector_load_idx %arg13[%add3A_1987] : memref<16xf32, #tpu.memory_space<vmem>>[vector<16xi32>], vector<16xf32>,
        %gather3A_1990 = tpu.vector_load_idx %arg14[%add3A_1987] : memref<16xf32, #tpu.memory_space<vmem>>[vector<16xi32>], vector<16xf32>,
        %mul3A_1991 = arith.mulf %gather3A_1988, %gather3A_1989 : vector<16xf32>
        %add3A_1992 = arith.addf %mul3A_1991, %gather3A_1990 : vector<16xf32>
        %add3A_1993 = arith.addf %add3A_1992, %broadcast_in_dim3A_58 : vector<16xf32>
        %bitcast3A_1994 = vector.bitcast %add3A_1993 : vector<16xf32> to vector<16xi32>
        %xor3A_1995 = arith.xori %xor3A_1875, %bitcast3A_1994 : vector<16xi32>
        %bitcast3A_1996 = vector.bitcast %add3A_1992 : vector<16xf32> to vector<16xi32>
        %and3A_1997 = arith.constant 2147483647 : i32
        %and3A_1998 = vector.broadcast %and3A_1997 : i32 to vector<16xi32>
        %and3A_1999 = arith.andi %bitcast3A_1996, %and3A_1998 : vector<16xi32>
        %sub3A_2000 = arith.constant 1 : i32
        %sub3A_2001 = vector.broadcast %sub3A_2000 : i32 to vector<16xi32>
        %sub3A_2002 = arith.subi %and3A_1999, %sub3A_2001 : vector<16xi32>
        %min3A_2003 = arith.minui %min3A_1883, %sub3A_2002 : vector<16xi32>
        %get3A_2004 = arith.constant 11 : i32
        %get3A_2005 = arith.index_cast %get3A_2004 : i32 to index
        %get3A_2006 = arith.index_cast %mul3A_1673 : i32 to index
        %get3A_2007 = tpu.vector_load %arg9[%get3A_2005, %get3A_2006] {strides = array<i32>} : memref<16x512xi32, #tpu.memory_space<vmem>>, vector<16xi32>,
        %and3A_2008 = arith.constant 16777215 : i32
        %and3A_2009 = vector.broadcast %and3A_2008 : i32 to vector<16xi32>
        %and3A_2010 = arith.andi %get3A_2007, %and3A_2009 : vector<16xi32>
        %shift_right_logical3A_2011 = arith.constant 22 : i32
        %shift_right_logical3A_2012 = vector.broadcast %shift_right_logical3A_2011 : i32 to vector<16xi32>
        %shift_right_logical3A_2013 = arith.shrui %get3A_2007, %shift_right_logical3A_2012 : vector<16xi32>
        %and3A_2014 = arith.constant 12 : i32
        %and3A_2015 = vector.broadcast %and3A_2014 : i32 to vector<16xi32>
        %and3A_2016 = arith.andi %shift_right_logical3A_2013, %and3A_2015 : vector<16xi32>
        %add3A_2017 = arith.addi %and3A_2016, %and3A_65 : vector<16xi32>
        %gather3A_2018 = tpu.vector_load_idx %arg8[%and3A_2010] : memref<100000xf32, #tpu.memory_space<vmem>>[vector<16xi32>], vector<16xf32>,
        %gather3A_2019 = tpu.vector_load_idx %arg13[%add3A_2017] : memref<16xf32, #tpu.memory_space<vmem>>[vector<16xi32>], vector<16xf32>,
        %gather3A_2020 = tpu.vector_load_idx %arg14[%add3A_2017] : memref<16xf32, #tpu.memory_space<vmem>>[vector<16xi32>], vector<16xf32>,
        %mul3A_2021 = arith.mulf %gather3A_2018, %gather3A_2019 : vector<16xf32>
        %add3A_2022 = arith.addf %mul3A_2021, %gather3A_2020 : vector<16xf32>
        %add3A_2023 = arith.addf %add3A_2022, %broadcast_in_dim3A_58 : vector<16xf32>
        %bitcast3A_2024 = vector.bitcast %add3A_2023 : vector<16xf32> to vector<16xi32>
        %xor3A_2025 = arith.xori %xor3A_1905, %bitcast3A_2024 : vector<16xi32>
        %bitcast3A_2026 = vector.bitcast %add3A_2022 : vector<16xf32> to vector<16xi32>
        %and3A_2027 = arith.constant 2147483647 : i32
        %and3A_2028 = vector.broadcast %and3A_2027 : i32 to vector<16xi32>
        %and3A_2029 = arith.andi %bitcast3A_2026, %and3A_2028 : vector<16xi32>
        %sub3A_2030 = arith.constant 1 : i32
        %sub3A_2031 = vector.broadcast %sub3A_2030 : i32 to vector<16xi32>
        %sub3A_2032 = arith.subi %and3A_2029, %sub3A_2031 : vector<16xi32>
        %min3A_2033 = arith.minui %min3A_1913, %sub3A_2032 : vector<16xi32>
        %get3A_2034 = arith.constant 12 : i32
        %get3A_2035 = arith.index_cast %get3A_2034 : i32 to index
        %get3A_2036 = arith.index_cast %mul3A_1673 : i32 to index
        %get3A_2037 = tpu.vector_load %arg9[%get3A_2035, %get3A_2036] {strides = array<i32>} : memref<16x512xi32, #tpu.memory_space<vmem>>, vector<16xi32>,
        %and3A_2038 = arith.constant 16777215 : i32
        %and3A_2039 = vector.broadcast %and3A_2038 : i32 to vector<16xi32>
        %and3A_2040 = arith.andi %get3A_2037, %and3A_2039 : vector<16xi32>
        %shift_right_logical3A_2041 = arith.constant 22 : i32
        %shift_right_logical3A_2042 = vector.broadcast %shift_right_logical3A_2041 : i32 to vector<16xi32>
        %shift_right_logical3A_2043 = arith.shrui %get3A_2037, %shift_right_logical3A_2042 : vector<16xi32>
        %and3A_2044 = arith.constant 12 : i32
        %and3A_2045 = vector.broadcast %and3A_2044 : i32 to vector<16xi32>
        %and3A_2046 = arith.andi %shift_right_logical3A_2043, %and3A_2045 : vector<16xi32>
        %add3A_2047 = arith.addi %and3A_2046, %and3A_65 : vector<16xi32>
        %gather3A_2048 = tpu.vector_load_idx %arg8[%and3A_2040] : memref<100000xf32, #tpu.memory_space<vmem>>[vector<16xi32>], vector<16xf32>,
        %gather3A_2049 = tpu.vector_load_idx %arg13[%add3A_2047] : memref<16xf32, #tpu.memory_space<vmem>>[vector<16xi32>], vector<16xf32>,
        %gather3A_2050 = tpu.vector_load_idx %arg14[%add3A_2047] : memref<16xf32, #tpu.memory_space<vmem>>[vector<16xi32>], vector<16xf32>,
        %mul3A_2051 = arith.mulf %gather3A_2048, %gather3A_2049 : vector<16xf32>
        %add3A_2052 = arith.addf %mul3A_2051, %gather3A_2050 : vector<16xf32>
        %add3A_2053 = arith.addf %add3A_2052, %broadcast_in_dim3A_58 : vector<16xf32>
        %bitcast3A_2054 = vector.bitcast %add3A_2053 : vector<16xf32> to vector<16xi32>
        %xor3A_2055 = arith.xori %xor3A_1935, %bitcast3A_2054 : vector<16xi32>
        %bitcast3A_2056 = vector.bitcast %add3A_2052 : vector<16xf32> to vector<16xi32>
        %and3A_2057 = arith.constant 2147483647 : i32
        %and3A_2058 = vector.broadcast %and3A_2057 : i32 to vector<16xi32>
        %and3A_2059 = arith.andi %bitcast3A_2056, %and3A_2058 : vector<16xi32>
        %sub3A_2060 = arith.constant 1 : i32
        %sub3A_2061 = vector.broadcast %sub3A_2060 : i32 to vector<16xi32>
        %sub3A_2062 = arith.subi %and3A_2059, %sub3A_2061 : vector<16xi32>
        %min3A_2063 = arith.minui %min3A_1943, %sub3A_2062 : vector<16xi32>
        %get3A_2064 = arith.constant 13 : i32
        %get3A_2065 = arith.index_cast %get3A_2064 : i32 to index
        %get3A_2066 = arith.index_cast %mul3A_1673 : i32 to index
        %get3A_2067 = tpu.vector_load %arg9[%get3A_2065, %get3A_2066] {strides = array<i32>} : memref<16x512xi32, #tpu.memory_space<vmem>>, vector<16xi32>,
        %and3A_2068 = arith.constant 16777215 : i32
        %and3A_2069 = vector.broadcast %and3A_2068 : i32 to vector<16xi32>
        %and3A_2070 = arith.andi %get3A_2067, %and3A_2069 : vector<16xi32>
        %shift_right_logical3A_2071 = arith.constant 22 : i32
        %shift_right_logical3A_2072 = vector.broadcast %shift_right_logical3A_2071 : i32 to vector<16xi32>
        %shift_right_logical3A_2073 = arith.shrui %get3A_2067, %shift_right_logical3A_2072 : vector<16xi32>
        %and3A_2074 = arith.constant 12 : i32
        %and3A_2075 = vector.broadcast %and3A_2074 : i32 to vector<16xi32>
        %and3A_2076 = arith.andi %shift_right_logical3A_2073, %and3A_2075 : vector<16xi32>
        %add3A_2077 = arith.addi %and3A_2076, %and3A_65 : vector<16xi32>
        %gather3A_2078 = tpu.vector_load_idx %arg8[%and3A_2070] : memref<100000xf32, #tpu.memory_space<vmem>>[vector<16xi32>], vector<16xf32>,
        %gather3A_2079 = tpu.vector_load_idx %arg13[%add3A_2077] : memref<16xf32, #tpu.memory_space<vmem>>[vector<16xi32>], vector<16xf32>,
        %gather3A_2080 = tpu.vector_load_idx %arg14[%add3A_2077] : memref<16xf32, #tpu.memory_space<vmem>>[vector<16xi32>], vector<16xf32>,
        %mul3A_2081 = arith.mulf %gather3A_2078, %gather3A_2079 : vector<16xf32>
        %add3A_2082 = arith.addf %mul3A_2081, %gather3A_2080 : vector<16xf32>
        %add3A_2083 = arith.addf %add3A_2082, %broadcast_in_dim3A_58 : vector<16xf32>
        %bitcast3A_2084 = vector.bitcast %add3A_2083 : vector<16xf32> to vector<16xi32>
        %xor3A_2085 = arith.xori %xor3A_1965, %bitcast3A_2084 : vector<16xi32>
        %bitcast3A_2086 = vector.bitcast %add3A_2082 : vector<16xf32> to vector<16xi32>
        %and3A_2087 = arith.constant 2147483647 : i32
        %and3A_2088 = vector.broadcast %and3A_2087 : i32 to vector<16xi32>
        %and3A_2089 = arith.andi %bitcast3A_2086, %and3A_2088 : vector<16xi32>
        %sub3A_2090 = arith.constant 1 : i32
        %sub3A_2091 = vector.broadcast %sub3A_2090 : i32 to vector<16xi32>
        %sub3A_2092 = arith.subi %and3A_2089, %sub3A_2091 : vector<16xi32>
        %min3A_2093 = arith.minui %min3A_1973, %sub3A_2092 : vector<16xi32>
        %get3A_2094 = arith.constant 14 : i32
        %get3A_2095 = arith.index_cast %get3A_2094 : i32 to index
        %get3A_2096 = arith.index_cast %mul3A_1673 : i32 to index
        %get3A_2097 = tpu.vector_load %arg9[%get3A_2095, %get3A_2096] {strides = array<i32>} : memref<16x512xi32, #tpu.memory_space<vmem>>, vector<16xi32>,
        %and3A_2098 = arith.constant 16777215 : i32
        %and3A_2099 = vector.broadcast %and3A_2098 : i32 to vector<16xi32>
        %and3A_2100 = arith.andi %get3A_2097, %and3A_2099 : vector<16xi32>
        %shift_right_logical3A_2101 = arith.constant 22 : i32
        %shift_right_logical3A_2102 = vector.broadcast %shift_right_logical3A_2101 : i32 to vector<16xi32>
        %shift_right_logical3A_2103 = arith.shrui %get3A_2097, %shift_right_logical3A_2102 : vector<16xi32>
        %and3A_2104 = arith.constant 12 : i32
        %and3A_2105 = vector.broadcast %and3A_2104 : i32 to vector<16xi32>
        %and3A_2106 = arith.andi %shift_right_logical3A_2103, %and3A_2105 : vector<16xi32>
        %add3A_2107 = arith.addi %and3A_2106, %and3A_65 : vector<16xi32>
        %gather3A_2108 = tpu.vector_load_idx %arg8[%and3A_2100] : memref<100000xf32, #tpu.memory_space<vmem>>[vector<16xi32>], vector<16xf32>,
        %gather3A_2109 = tpu.vector_load_idx %arg13[%add3A_2107] : memref<16xf32, #tpu.memory_space<vmem>>[vector<16xi32>], vector<16xf32>,
        %gather3A_2110 = tpu.vector_load_idx %arg14[%add3A_2107] : memref<16xf32, #tpu.memory_space<vmem>>[vector<16xi32>], vector<16xf32>,
        %mul3A_2111 = arith.mulf %gather3A_2108, %gather3A_2109 : vector<16xf32>
        %add3A_2112 = arith.addf %mul3A_2111, %gather3A_2110 : vector<16xf32>
        %add3A_2113 = arith.addf %add3A_2112, %broadcast_in_dim3A_58 : vector<16xf32>
        %bitcast3A_2114 = vector.bitcast %add3A_2113 : vector<16xf32> to vector<16xi32>
        %xor3A_2115 = arith.xori %xor3A_1995, %bitcast3A_2114 : vector<16xi32>
        %bitcast3A_2116 = vector.bitcast %add3A_2112 : vector<16xf32> to vector<16xi32>
        %and3A_2117 = arith.constant 2147483647 : i32
        %and3A_2118 = vector.broadcast %and3A_2117 : i32 to vector<16xi32>
        %and3A_2119 = arith.andi %bitcast3A_2116, %and3A_2118 : vector<16xi32>
        %sub3A_2120 = arith.constant 1 : i32
        %sub3A_2121 = vector.broadcast %sub3A_2120 : i32 to vector<16xi32>
        %sub3A_2122 = arith.subi %and3A_2119, %sub3A_2121 : vector<16xi32>
        %min3A_2123 = arith.minui %min3A_2003, %sub3A_2122 : vector<16xi32>
        %get3A_2124 = arith.constant 15 : i32
        %get3A_2125 = arith.index_cast %get3A_2124 : i32 to index
        %get3A_2126 = arith.index_cast %mul3A_1673 : i32 to index
        %get3A_2127 = tpu.vector_load %arg9[%get3A_2125, %get3A_2126] {strides = array<i32>} : memref<16x512xi32, #tpu.memory_space<vmem>>, vector<16xi32>,
        %and3A_2128 = arith.constant 16777215 : i32
        %and3A_2129 = vector.broadcast %and3A_2128 : i32 to vector<16xi32>
        %and3A_2130 = arith.andi %get3A_2127, %and3A_2129 : vector<16xi32>
        %shift_right_logical3A_2131 = arith.constant 22 : i32
        %shift_right_logical3A_2132 = vector.broadcast %shift_right_logical3A_2131 : i32 to vector<16xi32>
        %shift_right_logical3A_2133 = arith.shrui %get3A_2127, %shift_right_logical3A_2132 : vector<16xi32>
        %and3A_2134 = arith.constant 12 : i32
        %and3A_2135 = vector.broadcast %and3A_2134 : i32 to vector<16xi32>
        %and3A_2136 = arith.andi %shift_right_logical3A_2133, %and3A_2135 : vector<16xi32>
        %add3A_2137 = arith.addi %and3A_2136, %and3A_65 : vector<16xi32>
        %gather3A_2138 = tpu.vector_load_idx %arg8[%and3A_2130] : memref<100000xf32, #tpu.memory_space<vmem>>[vector<16xi32>], vector<16xf32>,
        %gather3A_2139 = tpu.vector_load_idx %arg13[%add3A_2137] : memref<16xf32, #tpu.memory_space<vmem>>[vector<16xi32>], vector<16xf32>,
        %gather3A_2140 = tpu.vector_load_idx %arg14[%add3A_2137] : memref<16xf32, #tpu.memory_space<vmem>>[vector<16xi32>], vector<16xf32>,
        %mul3A_2141 = arith.mulf %gather3A_2138, %gather3A_2139 : vector<16xf32>
        %add3A_2142 = arith.addf %mul3A_2141, %gather3A_2140 : vector<16xf32>
        %add3A_2143 = arith.addf %add3A_2142, %broadcast_in_dim3A_58 : vector<16xf32>
        %bitcast3A_2144 = vector.bitcast %add3A_2143 : vector<16xf32> to vector<16xi32>
        %xor3A_2145 = arith.xori %xor3A_2025, %bitcast3A_2144 : vector<16xi32>
        %bitcast3A_2146 = vector.bitcast %add3A_2142 : vector<16xf32> to vector<16xi32>
        %and3A_2147 = arith.constant 2147483647 : i32
        %and3A_2148 = vector.broadcast %and3A_2147 : i32 to vector<16xi32>
        %and3A_2149 = arith.andi %bitcast3A_2146, %and3A_2148 : vector<16xi32>
        %sub3A_2150 = arith.constant 1 : i32
        %sub3A_2151 = vector.broadcast %sub3A_2150 : i32 to vector<16xi32>
        %sub3A_2152 = arith.subi %and3A_2149, %sub3A_2151 : vector<16xi32>
        %min3A_2153 = arith.minui %min3A_2033, %sub3A_2152 : vector<16xi32>
        %xor3A_2154 = arith.xori %xor3A_2055, %xor3A_2085 : vector<16xi32>
        %xor3A_2155 = arith.xori %xor3A_2115, %xor3A_2145 : vector<16xi32>
        %xor3A_2156 = arith.xori %xor3A_2154, %xor3A_2155 : vector<16xi32>
        %min3A_2157 = arith.minui %min3A_2063, %min3A_2093 : vector<16xi32>
        %min3A_2158 = arith.minui %min3A_2123, %min3A_2153 : vector<16xi32>
        %min3A_2159 = arith.minui %min3A_2157, %min3A_2158 : vector<16xi32>
        %add3A_2160 = arith.constant 1 : i32
        %add3A_2161 = vector.broadcast %add3A_2160 : i32 to vector<16xi32>
        %add3A_2162 = arith.addi %min3A_2159, %add3A_2161 : vector<16xi32>
        %bitcast3A_2163 = vector.bitcast %add3A_2162 : vector<16xi32> to vector<16xf32>
        %and3A_2164 = arith.constant -2147483648 : i32
        %and3A_2165 = vector.broadcast %and3A_2164 : i32 to vector<16xi32>
        %and3A_2166 = arith.andi %xor3A_2156, %and3A_2165 : vector<16xi32>
        %or3A_2167 = arith.constant 1065353216 : i32
        %or3A_2168 = vector.broadcast %or3A_2167 : i32 to vector<16xi32>
        %or3A_2169 = arith.ori %and3A_2166, %or3A_2168 : vector<16xi32>
        %bitcast3A_2170 = vector.bitcast %or3A_2169 : vector<16xi32> to vector<16xf32>
        %mul3A_2171 = arith.mulf %get3A_53, %bitcast3A_2163 : vector<16xf32>
        %add3A_2172 = arith.addf %mul3A_2171, %get3A_57 : vector<16xf32>
        %mul3A_2173 = arith.mulf %bitcast3A_2170, %add3A_2172 : vector<16xf32>
        %swap3A_2174 = arith.index_cast %mul3A_1673 : i32 to index
        %swap3A_2175 = tpu.vector_load %arg11[%swap3A_2174] {strides = array<i32>} : memref<512xf32, #tpu.memory_space<vmem>>, vector<16xf32>,
        tpu.vector_store %arg11[%swap3A_2174], %mul3A_2173 {strides = array<i32>} : memref<512xf32, #tpu.memory_space<vmem>>, vector<16xf32>,
      }
      %scan3A_113 = arith.constant 8 : i32
      %dma_start3A_114 = arith.constant 0 : i32
      %dma_start3A_115 = tpu.memref_slice %arg7[%select_n3A, %add3A_86, %dma_start3A_114] : memref<8x200x512xf32, #tpu.memory_space<hbm>> -> memref<1x1x512xf32, #tpu.memory_space<hbm>>
      %dma_start3A_116 = tpu.memref_squeeze %dma_start3A_115 : memref<1x1x512xf32, #tpu.memory_space<hbm>> -> memref<512xf32, #tpu.memory_space<hbm>>
      %dma_start3A_117 = arith.constant 0 : i32
      %dma_start3A_118 = tpu.memref_slice %arg7[%select_n3A, %add3A_86, %dma_start3A_117] : memref<8x200x512xf32, #tpu.memory_space<hbm>> -> memref<1x1x512xf32, #tpu.memory_space<hbm>>
      %dma_start3A_119 = tpu.memref_squeeze %dma_start3A_118 : memref<1x1x512xf32, #tpu.memory_space<hbm>> -> memref<512xf32, #tpu.memory_space<hbm>>
      tpu.enqueue_dma source(%arg11 : memref<512xf32, #tpu.memory_space<vmem>>) target(%dma_start3A_119 : memref<512xf32, #tpu.memory_space<hbm>>) target_semaphore(%arg19 : memref<!tpu.dma_semaphore, #tpu.memory_space<semaphore_mem>>)
      %ne3A_120 = arith.constant 24 : i32
      %ne3A_121 = arith.cmpi ne, %scan3A_83, %ne3A_120 : i32
      %convert_element_type3A_122 = arith.extui %ne3A_121 : i1 to i32
      %cond3A_123 = arith.constant 0 : i32
      %cond3A_124 = arith.cmpi ne, %convert_element_type3A_122, %cond3A_123 : i32
      scf.if %cond3A_124 {
        %add3A_150 = arith.constant 2 : i32
        %add3A_151 = arith.addi %add3A_86, %add3A_150 : i32
        %dma_start3A_152 = arith.constant 0 : i32
        %dma_start3A_153 = arith.constant 0 : i32
        %dma_start3A_154 = tpu.memref_slice %arg3[%add3A_151, %dma_start3A_152, %dma_start3A_153] : memref<200x16x512xi32, #tpu.memory_space<hbm>> -> memref<1x16x512xi32, #tpu.memory_space<hbm>>
        %dma_start3A_155 = tpu.memref_squeeze %dma_start3A_154 : memref<1x16x512xi32, #tpu.memory_space<hbm>> -> memref<16x512xi32, #tpu.memory_space<hbm>>
        %dma_start3A_156 = arith.constant 0 : i32
        %dma_start3A_157 = arith.constant 0 : i32
        %dma_start3A_158 = tpu.memref_slice %arg3[%add3A_151, %dma_start3A_156, %dma_start3A_157] : memref<200x16x512xi32, #tpu.memory_space<hbm>> -> memref<1x16x512xi32, #tpu.memory_space<hbm>>
        %dma_start3A_159 = tpu.memref_squeeze %dma_start3A_158 : memref<1x16x512xi32, #tpu.memory_space<hbm>> -> memref<16x512xi32, #tpu.memory_space<hbm>>
        tpu.enqueue_dma source(%dma_start3A_159 : memref<16x512xi32, #tpu.memory_space<hbm>>) target(%arg9 : memref<16x512xi32, #tpu.memory_space<vmem>>) target_semaphore(%arg17 : memref<!tpu.dma_semaphore, #tpu.memory_space<semaphore_mem>>)
      } else {
      }
      %dma_wait3A_125 = arith.constant 0 : i32
      %dma_wait3A_126 = arith.constant 0 : i32
      %dma_wait3A_127 = tpu.memref_slice %arg3[%add3A_88, %dma_wait3A_125, %dma_wait3A_126] : memref<200x16x512xi32, #tpu.memory_space<hbm>> -> memref<1x16x512xi32, #tpu.memory_space<hbm>>
      %dma_wait3A_128 = tpu.memref_squeeze %dma_wait3A_127 : memref<1x16x512xi32, #tpu.memory_space<hbm>> -> memref<16x512xi32, #tpu.memory_space<hbm>>
      %dma_wait3A_129 = arith.constant 0 : i32
      %dma_wait3A_130 = arith.constant 0 : i32
      %dma_wait3A_131 = tpu.memref_slice %arg3[%add3A_88, %dma_wait3A_129, %dma_wait3A_130] : memref<200x16x512xi32, #tpu.memory_space<hbm>> -> memref<1x16x512xi32, #tpu.memory_space<hbm>>
      %dma_wait3A_132 = tpu.memref_squeeze %dma_wait3A_131 : memref<1x16x512xi32, #tpu.memory_space<hbm>> -> memref<16x512xi32, #tpu.memory_space<hbm>>
      tpu.wait_dma2 semaphore(%arg18 : memref<!tpu.dma_semaphore, #tpu.memory_space<semaphore_mem>>) src(%dma_wait3A_132 : memref<16x512xi32, #tpu.memory_space<hbm>>) dst(%arg10 : memref<16x512xi32, #tpu.memory_space<vmem>>)
      %ne3A_133 = arith.constant 0 : i32
      %ne3A_134 = arith.cmpi ne, %scan3A_83, %ne3A_133 : i32
      %convert_element_type3A_135 = arith.extui %ne3A_134 : i1 to i32
      %cond3A_136 = arith.constant 0 : i32
      %cond3A_137 = arith.cmpi ne, %convert_element_type3A_135, %cond3A_136 : i32
      scf.if %cond3A_137 {
        %dma_wait3A_150 = arith.constant 0 : i32
        %dma_wait3A_151 = tpu.memref_slice %arg7[%select_n3A, %add3A_88, %dma_wait3A_150] : memref<8x200x512xf32, #tpu.memory_space<hbm>> -> memref<1x1x512xf32, #tpu.memory_space<hbm>>
        %dma_wait3A_152 = tpu.memref_squeeze %dma_wait3A_151 : memref<1x1x512xf32, #tpu.memory_space<hbm>> -> memref<512xf32, #tpu.memory_space<hbm>>
        %dma_wait3A_153 = arith.constant 0 : i32
        %dma_wait3A_154 = tpu.memref_slice %arg7[%select_n3A, %add3A_88, %dma_wait3A_153] : memref<8x200x512xf32, #tpu.memory_space<hbm>> -> memref<1x1x512xf32, #tpu.memory_space<hbm>>
        %dma_wait3A_155 = tpu.memref_squeeze %dma_wait3A_154 : memref<1x1x512xf32, #tpu.memory_space<hbm>> -> memref<512xf32, #tpu.memory_space<hbm>>
        tpu.wait_dma2 semaphore(%arg20 : memref<!tpu.dma_semaphore, #tpu.memory_space<semaphore_mem>>) src(%arg12 : memref<512xf32, #tpu.memory_space<vmem>>) dst(%dma_wait3A_155 : memref<512xf32, #tpu.memory_space<hbm>>)
      } else {
      }
      %scan3A_138 = arith.constant 0 : i32
      %scan3A_139 = arith.constant 0 : i32
      %scan3A_140 = arith.constant 8 : i32
      %scan3A_141 = arith.addi %scan3A_139, %scan3A_140 : i32
      %scan3A_142 = arith.constant 1 : i32
      scf.for %scan3A_150 = %scan3A_139 to %scan3A_141 step %scan3A_142  : i32 {
        %mul3A_151 = arith.constant 4 : i32
        %mul3A_152 = arith.muli %mul3A_151, %scan3A_150 : i32
        %add3A_153 = arith.constant 0 : i32
        %add3A_154 = arith.addi %mul3A_152, %add3A_153 : i32
        %mul3A_155 = arith.constant 16 : i32
        %mul3A_156 = arith.muli %add3A_154, %mul3A_155 : i32
        %get3A_157 = arith.constant 0 : i32
        %get3A_158 = arith.index_cast %get3A_157 : i32 to index
        %get3A_159 = arith.index_cast %mul3A_156 : i32 to index
        %get3A_160 = tpu.vector_load %arg10[%get3A_158, %get3A_159] {strides = array<i32>} : memref<16x512xi32, #tpu.memory_space<vmem>>, vector<16xi32>,
        %and3A_161 = arith.constant 16777215 : i32
        %and3A_162 = vector.broadcast %and3A_161 : i32 to vector<16xi32>
        %and3A_163 = arith.andi %get3A_160, %and3A_162 : vector<16xi32>
        %shift_right_logical3A = arith.constant 22 : i32
        %shift_right_logical3A_164 = vector.broadcast %shift_right_logical3A : i32 to vector<16xi32>
        %shift_right_logical3A_165 = arith.shrui %get3A_160, %shift_right_logical3A_164 : vector<16xi32>
        %and3A_166 = arith.constant 12 : i32
        %and3A_167 = vector.broadcast %and3A_166 : i32 to vector<16xi32>
        %and3A_168 = arith.andi %shift_right_logical3A_165, %and3A_167 : vector<16xi32>
        %add3A_169 = arith.addi %and3A_168, %and3A_65 : vector<16xi32>
        %gather3A = tpu.vector_load_idx %arg8[%and3A_163] : memref<100000xf32, #tpu.memory_space<vmem>>[vector<16xi32>], vector<16xf32>,
        %gather3A_170 = tpu.vector_load_idx %arg13[%add3A_169] : memref<16xf32, #tpu.memory_space<vmem>>[vector<16xi32>], vector<16xf32>,
        %gather3A_171 = tpu.vector_load_idx %arg14[%add3A_169] : memref<16xf32, #tpu.memory_space<vmem>>[vector<16xi32>], vector<16xf32>,
        %mul3A_172 = arith.mulf %gather3A, %gather3A_170 : vector<16xf32>
        %add3A_173 = arith.addf %mul3A_172, %gather3A_171 : vector<16xf32>
        %add3A_174 = arith.addf %add3A_173, %broadcast_in_dim3A_58 : vector<16xf32>
        %bitcast3A = vector.bitcast %add3A_174 : vector<16xf32> to vector<16xi32>
        %xor3A = arith.xori %broadcast_in_dim3A_60, %bitcast3A : vector<16xi32>
        %bitcast3A_175 = vector.bitcast %add3A_173 : vector<16xf32> to vector<16xi32>
        %and3A_176 = arith.constant 2147483647 : i32
        %and3A_177 = vector.broadcast %and3A_176 : i32 to vector<16xi32>
        %and3A_178 = arith.andi %bitcast3A_175, %and3A_177 : vector<16xi32>
        %sub3A_179 = arith.constant 1 : i32
        %sub3A_180 = vector.broadcast %sub3A_179 : i32 to vector<16xi32>
        %sub3A_181 = arith.subi %and3A_178, %sub3A_180 : vector<16xi32>
        %min3A = arith.minui %broadcast_in_dim3A_62, %sub3A_181 : vector<16xi32>
        %get3A_182 = arith.constant 1 : i32
        %get3A_183 = arith.index_cast %get3A_182 : i32 to index
        %get3A_184 = arith.index_cast %mul3A_156 : i32 to index
        %get3A_185 = tpu.vector_load %arg10[%get3A_183, %get3A_184] {strides = array<i32>} : memref<16x512xi32, #tpu.memory_space<vmem>>, vector<16xi32>,
        %and3A_186 = arith.constant 16777215 : i32
        %and3A_187 = vector.broadcast %and3A_186 : i32 to vector<16xi32>
        %and3A_188 = arith.andi %get3A_185, %and3A_187 : vector<16xi32>
        %shift_right_logical3A_189 = arith.constant 22 : i32
        %shift_right_logical3A_190 = vector.broadcast %shift_right_logical3A_189 : i32 to vector<16xi32>
        %shift_right_logical3A_191 = arith.shrui %get3A_185, %shift_right_logical3A_190 : vector<16xi32>
        %and3A_192 = arith.constant 12 : i32
        %and3A_193 = vector.broadcast %and3A_192 : i32 to vector<16xi32>
        %and3A_194 = arith.andi %shift_right_logical3A_191, %and3A_193 : vector<16xi32>
        %add3A_195 = arith.addi %and3A_194, %and3A_65 : vector<16xi32>
        %gather3A_196 = tpu.vector_load_idx %arg8[%and3A_188] : memref<100000xf32, #tpu.memory_space<vmem>>[vector<16xi32>], vector<16xf32>,
        %gather3A_197 = tpu.vector_load_idx %arg13[%add3A_195] : memref<16xf32, #tpu.memory_space<vmem>>[vector<16xi32>], vector<16xf32>,
        %gather3A_198 = tpu.vector_load_idx %arg14[%add3A_195] : memref<16xf32, #tpu.memory_space<vmem>>[vector<16xi32>], vector<16xf32>,
        %mul3A_199 = arith.mulf %gather3A_196, %gather3A_197 : vector<16xf32>
        %add3A_200 = arith.addf %mul3A_199, %gather3A_198 : vector<16xf32>
        %add3A_201 = arith.addf %add3A_200, %broadcast_in_dim3A_58 : vector<16xf32>
        %bitcast3A_202 = vector.bitcast %add3A_201 : vector<16xf32> to vector<16xi32>
        %xor3A_203 = arith.xori %broadcast_in_dim3A_60, %bitcast3A_202 : vector<16xi32>
        %bitcast3A_204 = vector.bitcast %add3A_200 : vector<16xf32> to vector<16xi32>
        %and3A_205 = arith.constant 2147483647 : i32
        %and3A_206 = vector.broadcast %and3A_205 : i32 to vector<16xi32>
        %and3A_207 = arith.andi %bitcast3A_204, %and3A_206 : vector<16xi32>
        %sub3A_208 = arith.constant 1 : i32
        %sub3A_209 = vector.broadcast %sub3A_208 : i32 to vector<16xi32>
        %sub3A_210 = arith.subi %and3A_207, %sub3A_209 : vector<16xi32>
        %min3A_211 = arith.minui %broadcast_in_dim3A_62, %sub3A_210 : vector<16xi32>
        %get3A_212 = arith.constant 2 : i32
        %get3A_213 = arith.index_cast %get3A_212 : i32 to index
        %get3A_214 = arith.index_cast %mul3A_156 : i32 to index
        %get3A_215 = tpu.vector_load %arg10[%get3A_213, %get3A_214] {strides = array<i32>} : memref<16x512xi32, #tpu.memory_space<vmem>>, vector<16xi32>,
        %and3A_216 = arith.constant 16777215 : i32
        %and3A_217 = vector.broadcast %and3A_216 : i32 to vector<16xi32>
        %and3A_218 = arith.andi %get3A_215, %and3A_217 : vector<16xi32>
        %shift_right_logical3A_219 = arith.constant 22 : i32
        %shift_right_logical3A_220 = vector.broadcast %shift_right_logical3A_219 : i32 to vector<16xi32>
        %shift_right_logical3A_221 = arith.shrui %get3A_215, %shift_right_logical3A_220 : vector<16xi32>
        %and3A_222 = arith.constant 12 : i32
        %and3A_223 = vector.broadcast %and3A_222 : i32 to vector<16xi32>
        %and3A_224 = arith.andi %shift_right_logical3A_221, %and3A_223 : vector<16xi32>
        %add3A_225 = arith.addi %and3A_224, %and3A_65 : vector<16xi32>
        %gather3A_226 = tpu.vector_load_idx %arg8[%and3A_218] : memref<100000xf32, #tpu.memory_space<vmem>>[vector<16xi32>], vector<16xf32>,
        %gather3A_227 = tpu.vector_load_idx %arg13[%add3A_225] : memref<16xf32, #tpu.memory_space<vmem>>[vector<16xi32>], vector<16xf32>,
        %gather3A_228 = tpu.vector_load_idx %arg14[%add3A_225] : memref<16xf32, #tpu.memory_space<vmem>>[vector<16xi32>], vector<16xf32>,
        %mul3A_229 = arith.mulf %gather3A_226, %gather3A_227 : vector<16xf32>
        %add3A_230 = arith.addf %mul3A_229, %gather3A_228 : vector<16xf32>
        %add3A_231 = arith.addf %add3A_230, %broadcast_in_dim3A_58 : vector<16xf32>
        %bitcast3A_232 = vector.bitcast %add3A_231 : vector<16xf32> to vector<16xi32>
        %xor3A_233 = arith.xori %broadcast_in_dim3A_60, %bitcast3A_232 : vector<16xi32>
        %bitcast3A_234 = vector.bitcast %add3A_230 : vector<16xf32> to vector<16xi32>
        %and3A_235 = arith.constant 2147483647 : i32
        %and3A_236 = vector.broadcast %and3A_235 : i32 to vector<16xi32>
        %and3A_237 = arith.andi %bitcast3A_234, %and3A_236 : vector<16xi32>
        %sub3A_238 = arith.constant 1 : i32
        %sub3A_239 = vector.broadcast %sub3A_238 : i32 to vector<16xi32>
        %sub3A_240 = arith.subi %and3A_237, %sub3A_239 : vector<16xi32>
        %min3A_241 = arith.minui %broadcast_in_dim3A_62, %sub3A_240 : vector<16xi32>
        %get3A_242 = arith.constant 3 : i32
        %get3A_243 = arith.index_cast %get3A_242 : i32 to index
        %get3A_244 = arith.index_cast %mul3A_156 : i32 to index
        %get3A_245 = tpu.vector_load %arg10[%get3A_243, %get3A_244] {strides = array<i32>} : memref<16x512xi32, #tpu.memory_space<vmem>>, vector<16xi32>,
        %and3A_246 = arith.constant 16777215 : i32
        %and3A_247 = vector.broadcast %and3A_246 : i32 to vector<16xi32>
        %and3A_248 = arith.andi %get3A_245, %and3A_247 : vector<16xi32>
        %shift_right_logical3A_249 = arith.constant 22 : i32
        %shift_right_logical3A_250 = vector.broadcast %shift_right_logical3A_249 : i32 to vector<16xi32>
        %shift_right_logical3A_251 = arith.shrui %get3A_245, %shift_right_logical3A_250 : vector<16xi32>
        %and3A_252 = arith.constant 12 : i32
        %and3A_253 = vector.broadcast %and3A_252 : i32 to vector<16xi32>
        %and3A_254 = arith.andi %shift_right_logical3A_251, %and3A_253 : vector<16xi32>
        %add3A_255 = arith.addi %and3A_254, %and3A_65 : vector<16xi32>
        %gather3A_256 = tpu.vector_load_idx %arg8[%and3A_248] : memref<100000xf32, #tpu.memory_space<vmem>>[vector<16xi32>], vector<16xf32>,
        %gather3A_257 = tpu.vector_load_idx %arg13[%add3A_255] : memref<16xf32, #tpu.memory_space<vmem>>[vector<16xi32>], vector<16xf32>,
        %gather3A_258 = tpu.vector_load_idx %arg14[%add3A_255] : memref<16xf32, #tpu.memory_space<vmem>>[vector<16xi32>], vector<16xf32>,
        %mul3A_259 = arith.mulf %gather3A_256, %gather3A_257 : vector<16xf32>
        %add3A_260 = arith.addf %mul3A_259, %gather3A_258 : vector<16xf32>
        %add3A_261 = arith.addf %add3A_260, %broadcast_in_dim3A_58 : vector<16xf32>
        %bitcast3A_262 = vector.bitcast %add3A_261 : vector<16xf32> to vector<16xi32>
        %xor3A_263 = arith.xori %broadcast_in_dim3A_60, %bitcast3A_262 : vector<16xi32>
        %bitcast3A_264 = vector.bitcast %add3A_260 : vector<16xf32> to vector<16xi32>
        %and3A_265 = arith.constant 2147483647 : i32
        %and3A_266 = vector.broadcast %and3A_265 : i32 to vector<16xi32>
        %and3A_267 = arith.andi %bitcast3A_264, %and3A_266 : vector<16xi32>
        %sub3A_268 = arith.constant 1 : i32
        %sub3A_269 = vector.broadcast %sub3A_268 : i32 to vector<16xi32>
        %sub3A_270 = arith.subi %and3A_267, %sub3A_269 : vector<16xi32>
        %min3A_271 = arith.minui %broadcast_in_dim3A_62, %sub3A_270 : vector<16xi32>
        %get3A_272 = arith.constant 4 : i32
        %get3A_273 = arith.index_cast %get3A_272 : i32 to index
        %get3A_274 = arith.index_cast %mul3A_156 : i32 to index
        %get3A_275 = tpu.vector_load %arg10[%get3A_273, %get3A_274] {strides = array<i32>} : memref<16x512xi32, #tpu.memory_space<vmem>>, vector<16xi32>,
        %and3A_276 = arith.constant 16777215 : i32
        %and3A_277 = vector.broadcast %and3A_276 : i32 to vector<16xi32>
        %and3A_278 = arith.andi %get3A_275, %and3A_277 : vector<16xi32>
        %shift_right_logical3A_279 = arith.constant 22 : i32
        %shift_right_logical3A_280 = vector.broadcast %shift_right_logical3A_279 : i32 to vector<16xi32>
        %shift_right_logical3A_281 = arith.shrui %get3A_275, %shift_right_logical3A_280 : vector<16xi32>
        %and3A_282 = arith.constant 12 : i32
        %and3A_283 = vector.broadcast %and3A_282 : i32 to vector<16xi32>
        %and3A_284 = arith.andi %shift_right_logical3A_281, %and3A_283 : vector<16xi32>
        %add3A_285 = arith.addi %and3A_284, %and3A_65 : vector<16xi32>
        %gather3A_286 = tpu.vector_load_idx %arg8[%and3A_278] : memref<100000xf32, #tpu.memory_space<vmem>>[vector<16xi32>], vector<16xf32>,
        %gather3A_287 = tpu.vector_load_idx %arg13[%add3A_285] : memref<16xf32, #tpu.memory_space<vmem>>[vector<16xi32>], vector<16xf32>,
        %gather3A_288 = tpu.vector_load_idx %arg14[%add3A_285] : memref<16xf32, #tpu.memory_space<vmem>>[vector<16xi32>], vector<16xf32>,
        %mul3A_289 = arith.mulf %gather3A_286, %gather3A_287 : vector<16xf32>
        %add3A_290 = arith.addf %mul3A_289, %gather3A_288 : vector<16xf32>
        %add3A_291 = arith.addf %add3A_290, %broadcast_in_dim3A_58 : vector<16xf32>
        %bitcast3A_292 = vector.bitcast %add3A_291 : vector<16xf32> to vector<16xi32>
        %xor3A_293 = arith.xori %xor3A, %bitcast3A_292 : vector<16xi32>
        %bitcast3A_294 = vector.bitcast %add3A_290 : vector<16xf32> to vector<16xi32>
        %and3A_295 = arith.constant 2147483647 : i32
        %and3A_296 = vector.broadcast %and3A_295 : i32 to vector<16xi32>
        %and3A_297 = arith.andi %bitcast3A_294, %and3A_296 : vector<16xi32>
        %sub3A_298 = arith.constant 1 : i32
        %sub3A_299 = vector.broadcast %sub3A_298 : i32 to vector<16xi32>
        %sub3A_300 = arith.subi %and3A_297, %sub3A_299 : vector<16xi32>
        %min3A_301 = arith.minui %min3A, %sub3A_300 : vector<16xi32>
        %get3A_302 = arith.constant 5 : i32
        %get3A_303 = arith.index_cast %get3A_302 : i32 to index
        %get3A_304 = arith.index_cast %mul3A_156 : i32 to index
        %get3A_305 = tpu.vector_load %arg10[%get3A_303, %get3A_304] {strides = array<i32>} : memref<16x512xi32, #tpu.memory_space<vmem>>, vector<16xi32>,
        %and3A_306 = arith.constant 16777215 : i32
        %and3A_307 = vector.broadcast %and3A_306 : i32 to vector<16xi32>
        %and3A_308 = arith.andi %get3A_305, %and3A_307 : vector<16xi32>
        %shift_right_logical3A_309 = arith.constant 22 : i32
        %shift_right_logical3A_310 = vector.broadcast %shift_right_logical3A_309 : i32 to vector<16xi32>
        %shift_right_logical3A_311 = arith.shrui %get3A_305, %shift_right_logical3A_310 : vector<16xi32>
        %and3A_312 = arith.constant 12 : i32
        %and3A_313 = vector.broadcast %and3A_312 : i32 to vector<16xi32>
        %and3A_314 = arith.andi %shift_right_logical3A_311, %and3A_313 : vector<16xi32>
        %add3A_315 = arith.addi %and3A_314, %and3A_65 : vector<16xi32>
        %gather3A_316 = tpu.vector_load_idx %arg8[%and3A_308] : memref<100000xf32, #tpu.memory_space<vmem>>[vector<16xi32>], vector<16xf32>,
        %gather3A_317 = tpu.vector_load_idx %arg13[%add3A_315] : memref<16xf32, #tpu.memory_space<vmem>>[vector<16xi32>], vector<16xf32>,
        %gather3A_318 = tpu.vector_load_idx %arg14[%add3A_315] : memref<16xf32, #tpu.memory_space<vmem>>[vector<16xi32>], vector<16xf32>,
        %mul3A_319 = arith.mulf %gather3A_316, %gather3A_317 : vector<16xf32>
        %add3A_320 = arith.addf %mul3A_319, %gather3A_318 : vector<16xf32>
        %add3A_321 = arith.addf %add3A_320, %broadcast_in_dim3A_58 : vector<16xf32>
        %bitcast3A_322 = vector.bitcast %add3A_321 : vector<16xf32> to vector<16xi32>
        %xor3A_323 = arith.xori %xor3A_203, %bitcast3A_322 : vector<16xi32>
        %bitcast3A_324 = vector.bitcast %add3A_320 : vector<16xf32> to vector<16xi32>
        %and3A_325 = arith.constant 2147483647 : i32
        %and3A_326 = vector.broadcast %and3A_325 : i32 to vector<16xi32>
        %and3A_327 = arith.andi %bitcast3A_324, %and3A_326 : vector<16xi32>
        %sub3A_328 = arith.constant 1 : i32
        %sub3A_329 = vector.broadcast %sub3A_328 : i32 to vector<16xi32>
        %sub3A_330 = arith.subi %and3A_327, %sub3A_329 : vector<16xi32>
        %min3A_331 = arith.minui %min3A_211, %sub3A_330 : vector<16xi32>
        %get3A_332 = arith.constant 6 : i32
        %get3A_333 = arith.index_cast %get3A_332 : i32 to index
        %get3A_334 = arith.index_cast %mul3A_156 : i32 to index
        %get3A_335 = tpu.vector_load %arg10[%get3A_333, %get3A_334] {strides = array<i32>} : memref<16x512xi32, #tpu.memory_space<vmem>>, vector<16xi32>,
        %and3A_336 = arith.constant 16777215 : i32
        %and3A_337 = vector.broadcast %and3A_336 : i32 to vector<16xi32>
        %and3A_338 = arith.andi %get3A_335, %and3A_337 : vector<16xi32>
        %shift_right_logical3A_339 = arith.constant 22 : i32
        %shift_right_logical3A_340 = vector.broadcast %shift_right_logical3A_339 : i32 to vector<16xi32>
        %shift_right_logical3A_341 = arith.shrui %get3A_335, %shift_right_logical3A_340 : vector<16xi32>
        %and3A_342 = arith.constant 12 : i32
        %and3A_343 = vector.broadcast %and3A_342 : i32 to vector<16xi32>
        %and3A_344 = arith.andi %shift_right_logical3A_341, %and3A_343 : vector<16xi32>
        %add3A_345 = arith.addi %and3A_344, %and3A_65 : vector<16xi32>
        %gather3A_346 = tpu.vector_load_idx %arg8[%and3A_338] : memref<100000xf32, #tpu.memory_space<vmem>>[vector<16xi32>], vector<16xf32>,
        %gather3A_347 = tpu.vector_load_idx %arg13[%add3A_345] : memref<16xf32, #tpu.memory_space<vmem>>[vector<16xi32>], vector<16xf32>,
        %gather3A_348 = tpu.vector_load_idx %arg14[%add3A_345] : memref<16xf32, #tpu.memory_space<vmem>>[vector<16xi32>], vector<16xf32>,
        %mul3A_349 = arith.mulf %gather3A_346, %gather3A_347 : vector<16xf32>
        %add3A_350 = arith.addf %mul3A_349, %gather3A_348 : vector<16xf32>
        %add3A_351 = arith.addf %add3A_350, %broadcast_in_dim3A_58 : vector<16xf32>
        %bitcast3A_352 = vector.bitcast %add3A_351 : vector<16xf32> to vector<16xi32>
        %xor3A_353 = arith.xori %xor3A_233, %bitcast3A_352 : vector<16xi32>
        %bitcast3A_354 = vector.bitcast %add3A_350 : vector<16xf32> to vector<16xi32>
        %and3A_355 = arith.constant 2147483647 : i32
        %and3A_356 = vector.broadcast %and3A_355 : i32 to vector<16xi32>
        %and3A_357 = arith.andi %bitcast3A_354, %and3A_356 : vector<16xi32>
        %sub3A_358 = arith.constant 1 : i32
        %sub3A_359 = vector.broadcast %sub3A_358 : i32 to vector<16xi32>
        %sub3A_360 = arith.subi %and3A_357, %sub3A_359 : vector<16xi32>
        %min3A_361 = arith.minui %min3A_241, %sub3A_360 : vector<16xi32>
        %get3A_362 = arith.constant 7 : i32
        %get3A_363 = arith.index_cast %get3A_362 : i32 to index
        %get3A_364 = arith.index_cast %mul3A_156 : i32 to index
        %get3A_365 = tpu.vector_load %arg10[%get3A_363, %get3A_364] {strides = array<i32>} : memref<16x512xi32, #tpu.memory_space<vmem>>, vector<16xi32>,
        %and3A_366 = arith.constant 16777215 : i32
        %and3A_367 = vector.broadcast %and3A_366 : i32 to vector<16xi32>
        %and3A_368 = arith.andi %get3A_365, %and3A_367 : vector<16xi32>
        %shift_right_logical3A_369 = arith.constant 22 : i32
        %shift_right_logical3A_370 = vector.broadcast %shift_right_logical3A_369 : i32 to vector<16xi32>
        %shift_right_logical3A_371 = arith.shrui %get3A_365, %shift_right_logical3A_370 : vector<16xi32>
        %and3A_372 = arith.constant 12 : i32
        %and3A_373 = vector.broadcast %and3A_372 : i32 to vector<16xi32>
        %and3A_374 = arith.andi %shift_right_logical3A_371, %and3A_373 : vector<16xi32>
        %add3A_375 = arith.addi %and3A_374, %and3A_65 : vector<16xi32>
        %gather3A_376 = tpu.vector_load_idx %arg8[%and3A_368] : memref<100000xf32, #tpu.memory_space<vmem>>[vector<16xi32>], vector<16xf32>,
        %gather3A_377 = tpu.vector_load_idx %arg13[%add3A_375] : memref<16xf32, #tpu.memory_space<vmem>>[vector<16xi32>], vector<16xf32>,
        %gather3A_378 = tpu.vector_load_idx %arg14[%add3A_375] : memref<16xf32, #tpu.memory_space<vmem>>[vector<16xi32>], vector<16xf32>,
        %mul3A_379 = arith.mulf %gather3A_376, %gather3A_377 : vector<16xf32>
        %add3A_380 = arith.addf %mul3A_379, %gather3A_378 : vector<16xf32>
        %add3A_381 = arith.addf %add3A_380, %broadcast_in_dim3A_58 : vector<16xf32>
        %bitcast3A_382 = vector.bitcast %add3A_381 : vector<16xf32> to vector<16xi32>
        %xor3A_383 = arith.xori %xor3A_263, %bitcast3A_382 : vector<16xi32>
        %bitcast3A_384 = vector.bitcast %add3A_380 : vector<16xf32> to vector<16xi32>
        %and3A_385 = arith.constant 2147483647 : i32
        %and3A_386 = vector.broadcast %and3A_385 : i32 to vector<16xi32>
        %and3A_387 = arith.andi %bitcast3A_384, %and3A_386 : vector<16xi32>
        %sub3A_388 = arith.constant 1 : i32
        %sub3A_389 = vector.broadcast %sub3A_388 : i32 to vector<16xi32>
        %sub3A_390 = arith.subi %and3A_387, %sub3A_389 : vector<16xi32>
        %min3A_391 = arith.minui %min3A_271, %sub3A_390 : vector<16xi32>
        %get3A_392 = arith.constant 8 : i32
        %get3A_393 = arith.index_cast %get3A_392 : i32 to index
        %get3A_394 = arith.index_cast %mul3A_156 : i32 to index
        %get3A_395 = tpu.vector_load %arg10[%get3A_393, %get3A_394] {strides = array<i32>} : memref<16x512xi32, #tpu.memory_space<vmem>>, vector<16xi32>,
        %and3A_396 = arith.constant 16777215 : i32
        %and3A_397 = vector.broadcast %and3A_396 : i32 to vector<16xi32>
        %and3A_398 = arith.andi %get3A_395, %and3A_397 : vector<16xi32>
        %shift_right_logical3A_399 = arith.constant 22 : i32
        %shift_right_logical3A_400 = vector.broadcast %shift_right_logical3A_399 : i32 to vector<16xi32>
        %shift_right_logical3A_401 = arith.shrui %get3A_395, %shift_right_logical3A_400 : vector<16xi32>
        %and3A_402 = arith.constant 12 : i32
        %and3A_403 = vector.broadcast %and3A_402 : i32 to vector<16xi32>
        %and3A_404 = arith.andi %shift_right_logical3A_401, %and3A_403 : vector<16xi32>
        %add3A_405 = arith.addi %and3A_404, %and3A_65 : vector<16xi32>
        %gather3A_406 = tpu.vector_load_idx %arg8[%and3A_398] : memref<100000xf32, #tpu.memory_space<vmem>>[vector<16xi32>], vector<16xf32>,
        %gather3A_407 = tpu.vector_load_idx %arg13[%add3A_405] : memref<16xf32, #tpu.memory_space<vmem>>[vector<16xi32>], vector<16xf32>,
        %gather3A_408 = tpu.vector_load_idx %arg14[%add3A_405] : memref<16xf32, #tpu.memory_space<vmem>>[vector<16xi32>], vector<16xf32>,
        %mul3A_409 = arith.mulf %gather3A_406, %gather3A_407 : vector<16xf32>
        %add3A_410 = arith.addf %mul3A_409, %gather3A_408 : vector<16xf32>
        %add3A_411 = arith.addf %add3A_410, %broadcast_in_dim3A_58 : vector<16xf32>
        %bitcast3A_412 = vector.bitcast %add3A_411 : vector<16xf32> to vector<16xi32>
        %xor3A_413 = arith.xori %xor3A_293, %bitcast3A_412 : vector<16xi32>
        %bitcast3A_414 = vector.bitcast %add3A_410 : vector<16xf32> to vector<16xi32>
        %and3A_415 = arith.constant 2147483647 : i32
        %and3A_416 = vector.broadcast %and3A_415 : i32 to vector<16xi32>
        %and3A_417 = arith.andi %bitcast3A_414, %and3A_416 : vector<16xi32>
        %sub3A_418 = arith.constant 1 : i32
        %sub3A_419 = vector.broadcast %sub3A_418 : i32 to vector<16xi32>
        %sub3A_420 = arith.subi %and3A_417, %sub3A_419 : vector<16xi32>
        %min3A_421 = arith.minui %min3A_301, %sub3A_420 : vector<16xi32>
        %get3A_422 = arith.constant 9 : i32
        %get3A_423 = arith.index_cast %get3A_422 : i32 to index
        %get3A_424 = arith.index_cast %mul3A_156 : i32 to index
        %get3A_425 = tpu.vector_load %arg10[%get3A_423, %get3A_424] {strides = array<i32>} : memref<16x512xi32, #tpu.memory_space<vmem>>, vector<16xi32>,
        %and3A_426 = arith.constant 16777215 : i32
        %and3A_427 = vector.broadcast %and3A_426 : i32 to vector<16xi32>
        %and3A_428 = arith.andi %get3A_425, %and3A_427 : vector<16xi32>
        %shift_right_logical3A_429 = arith.constant 22 : i32
        %shift_right_logical3A_430 = vector.broadcast %shift_right_logical3A_429 : i32 to vector<16xi32>
        %shift_right_logical3A_431 = arith.shrui %get3A_425, %shift_right_logical3A_430 : vector<16xi32>
        %and3A_432 = arith.constant 12 : i32
        %and3A_433 = vector.broadcast %and3A_432 : i32 to vector<16xi32>
        %and3A_434 = arith.andi %shift_right_logical3A_431, %and3A_433 : vector<16xi32>
        %add3A_435 = arith.addi %and3A_434, %and3A_65 : vector<16xi32>
        %gather3A_436 = tpu.vector_load_idx %arg8[%and3A_428] : memref<100000xf32, #tpu.memory_space<vmem>>[vector<16xi32>], vector<16xf32>,
        %gather3A_437 = tpu.vector_load_idx %arg13[%add3A_435] : memref<16xf32, #tpu.memory_space<vmem>>[vector<16xi32>], vector<16xf32>,
        %gather3A_438 = tpu.vector_load_idx %arg14[%add3A_435] : memref<16xf32, #tpu.memory_space<vmem>>[vector<16xi32>], vector<16xf32>,
        %mul3A_439 = arith.mulf %gather3A_436, %gather3A_437 : vector<16xf32>
        %add3A_440 = arith.addf %mul3A_439, %gather3A_438 : vector<16xf32>
        %add3A_441 = arith.addf %add3A_440, %broadcast_in_dim3A_58 : vector<16xf32>
        %bitcast3A_442 = vector.bitcast %add3A_441 : vector<16xf32> to vector<16xi32>
        %xor3A_443 = arith.xori %xor3A_323, %bitcast3A_442 : vector<16xi32>
        %bitcast3A_444 = vector.bitcast %add3A_440 : vector<16xf32> to vector<16xi32>
        %and3A_445 = arith.constant 2147483647 : i32
        %and3A_446 = vector.broadcast %and3A_445 : i32 to vector<16xi32>
        %and3A_447 = arith.andi %bitcast3A_444, %and3A_446 : vector<16xi32>
        %sub3A_448 = arith.constant 1 : i32
        %sub3A_449 = vector.broadcast %sub3A_448 : i32 to vector<16xi32>
        %sub3A_450 = arith.subi %and3A_447, %sub3A_449 : vector<16xi32>
        %min3A_451 = arith.minui %min3A_331, %sub3A_450 : vector<16xi32>
        %get3A_452 = arith.constant 10 : i32
        %get3A_453 = arith.index_cast %get3A_452 : i32 to index
        %get3A_454 = arith.index_cast %mul3A_156 : i32 to index
        %get3A_455 = tpu.vector_load %arg10[%get3A_453, %get3A_454] {strides = array<i32>} : memref<16x512xi32, #tpu.memory_space<vmem>>, vector<16xi32>,
        %and3A_456 = arith.constant 16777215 : i32
        %and3A_457 = vector.broadcast %and3A_456 : i32 to vector<16xi32>
        %and3A_458 = arith.andi %get3A_455, %and3A_457 : vector<16xi32>
        %shift_right_logical3A_459 = arith.constant 22 : i32
        %shift_right_logical3A_460 = vector.broadcast %shift_right_logical3A_459 : i32 to vector<16xi32>
        %shift_right_logical3A_461 = arith.shrui %get3A_455, %shift_right_logical3A_460 : vector<16xi32>
        %and3A_462 = arith.constant 12 : i32
        %and3A_463 = vector.broadcast %and3A_462 : i32 to vector<16xi32>
        %and3A_464 = arith.andi %shift_right_logical3A_461, %and3A_463 : vector<16xi32>
        %add3A_465 = arith.addi %and3A_464, %and3A_65 : vector<16xi32>
        %gather3A_466 = tpu.vector_load_idx %arg8[%and3A_458] : memref<100000xf32, #tpu.memory_space<vmem>>[vector<16xi32>], vector<16xf32>,
        %gather3A_467 = tpu.vector_load_idx %arg13[%add3A_465] : memref<16xf32, #tpu.memory_space<vmem>>[vector<16xi32>], vector<16xf32>,
        %gather3A_468 = tpu.vector_load_idx %arg14[%add3A_465] : memref<16xf32, #tpu.memory_space<vmem>>[vector<16xi32>], vector<16xf32>,
        %mul3A_469 = arith.mulf %gather3A_466, %gather3A_467 : vector<16xf32>
        %add3A_470 = arith.addf %mul3A_469, %gather3A_468 : vector<16xf32>
        %add3A_471 = arith.addf %add3A_470, %broadcast_in_dim3A_58 : vector<16xf32>
        %bitcast3A_472 = vector.bitcast %add3A_471 : vector<16xf32> to vector<16xi32>
        %xor3A_473 = arith.xori %xor3A_353, %bitcast3A_472 : vector<16xi32>
        %bitcast3A_474 = vector.bitcast %add3A_470 : vector<16xf32> to vector<16xi32>
        %and3A_475 = arith.constant 2147483647 : i32
        %and3A_476 = vector.broadcast %and3A_475 : i32 to vector<16xi32>
        %and3A_477 = arith.andi %bitcast3A_474, %and3A_476 : vector<16xi32>
        %sub3A_478 = arith.constant 1 : i32
        %sub3A_479 = vector.broadcast %sub3A_478 : i32 to vector<16xi32>
        %sub3A_480 = arith.subi %and3A_477, %sub3A_479 : vector<16xi32>
        %min3A_481 = arith.minui %min3A_361, %sub3A_480 : vector<16xi32>
        %get3A_482 = arith.constant 11 : i32
        %get3A_483 = arith.index_cast %get3A_482 : i32 to index
        %get3A_484 = arith.index_cast %mul3A_156 : i32 to index
        %get3A_485 = tpu.vector_load %arg10[%get3A_483, %get3A_484] {strides = array<i32>} : memref<16x512xi32, #tpu.memory_space<vmem>>, vector<16xi32>,
        %and3A_486 = arith.constant 16777215 : i32
        %and3A_487 = vector.broadcast %and3A_486 : i32 to vector<16xi32>
        %and3A_488 = arith.andi %get3A_485, %and3A_487 : vector<16xi32>
        %shift_right_logical3A_489 = arith.constant 22 : i32
        %shift_right_logical3A_490 = vector.broadcast %shift_right_logical3A_489 : i32 to vector<16xi32>
        %shift_right_logical3A_491 = arith.shrui %get3A_485, %shift_right_logical3A_490 : vector<16xi32>
        %and3A_492 = arith.constant 12 : i32
        %and3A_493 = vector.broadcast %and3A_492 : i32 to vector<16xi32>
        %and3A_494 = arith.andi %shift_right_logical3A_491, %and3A_493 : vector<16xi32>
        %add3A_495 = arith.addi %and3A_494, %and3A_65 : vector<16xi32>
        %gather3A_496 = tpu.vector_load_idx %arg8[%and3A_488] : memref<100000xf32, #tpu.memory_space<vmem>>[vector<16xi32>], vector<16xf32>,
        %gather3A_497 = tpu.vector_load_idx %arg13[%add3A_495] : memref<16xf32, #tpu.memory_space<vmem>>[vector<16xi32>], vector<16xf32>,
        %gather3A_498 = tpu.vector_load_idx %arg14[%add3A_495] : memref<16xf32, #tpu.memory_space<vmem>>[vector<16xi32>], vector<16xf32>,
        %mul3A_499 = arith.mulf %gather3A_496, %gather3A_497 : vector<16xf32>
        %add3A_500 = arith.addf %mul3A_499, %gather3A_498 : vector<16xf32>
        %add3A_501 = arith.addf %add3A_500, %broadcast_in_dim3A_58 : vector<16xf32>
        %bitcast3A_502 = vector.bitcast %add3A_501 : vector<16xf32> to vector<16xi32>
        %xor3A_503 = arith.xori %xor3A_383, %bitcast3A_502 : vector<16xi32>
        %bitcast3A_504 = vector.bitcast %add3A_500 : vector<16xf32> to vector<16xi32>
        %and3A_505 = arith.constant 2147483647 : i32
        %and3A_506 = vector.broadcast %and3A_505 : i32 to vector<16xi32>
        %and3A_507 = arith.andi %bitcast3A_504, %and3A_506 : vector<16xi32>
        %sub3A_508 = arith.constant 1 : i32
        %sub3A_509 = vector.broadcast %sub3A_508 : i32 to vector<16xi32>
        %sub3A_510 = arith.subi %and3A_507, %sub3A_509 : vector<16xi32>
        %min3A_511 = arith.minui %min3A_391, %sub3A_510 : vector<16xi32>
        %get3A_512 = arith.constant 12 : i32
        %get3A_513 = arith.index_cast %get3A_512 : i32 to index
        %get3A_514 = arith.index_cast %mul3A_156 : i32 to index
        %get3A_515 = tpu.vector_load %arg10[%get3A_513, %get3A_514] {strides = array<i32>} : memref<16x512xi32, #tpu.memory_space<vmem>>, vector<16xi32>,
        %and3A_516 = arith.constant 16777215 : i32
        %and3A_517 = vector.broadcast %and3A_516 : i32 to vector<16xi32>
        %and3A_518 = arith.andi %get3A_515, %and3A_517 : vector<16xi32>
        %shift_right_logical3A_519 = arith.constant 22 : i32
        %shift_right_logical3A_520 = vector.broadcast %shift_right_logical3A_519 : i32 to vector<16xi32>
        %shift_right_logical3A_521 = arith.shrui %get3A_515, %shift_right_logical3A_520 : vector<16xi32>
        %and3A_522 = arith.constant 12 : i32
        %and3A_523 = vector.broadcast %and3A_522 : i32 to vector<16xi32>
        %and3A_524 = arith.andi %shift_right_logical3A_521, %and3A_523 : vector<16xi32>
        %add3A_525 = arith.addi %and3A_524, %and3A_65 : vector<16xi32>
        %gather3A_526 = tpu.vector_load_idx %arg8[%and3A_518] : memref<100000xf32, #tpu.memory_space<vmem>>[vector<16xi32>], vector<16xf32>,
        %gather3A_527 = tpu.vector_load_idx %arg13[%add3A_525] : memref<16xf32, #tpu.memory_space<vmem>>[vector<16xi32>], vector<16xf32>,
        %gather3A_528 = tpu.vector_load_idx %arg14[%add3A_525] : memref<16xf32, #tpu.memory_space<vmem>>[vector<16xi32>], vector<16xf32>,
        %mul3A_529 = arith.mulf %gather3A_526, %gather3A_527 : vector<16xf32>
        %add3A_530 = arith.addf %mul3A_529, %gather3A_528 : vector<16xf32>
        %add3A_531 = arith.addf %add3A_530, %broadcast_in_dim3A_58 : vector<16xf32>
        %bitcast3A_532 = vector.bitcast %add3A_531 : vector<16xf32> to vector<16xi32>
        %xor3A_533 = arith.xori %xor3A_413, %bitcast3A_532 : vector<16xi32>
        %bitcast3A_534 = vector.bitcast %add3A_530 : vector<16xf32> to vector<16xi32>
        %and3A_535 = arith.constant 2147483647 : i32
        %and3A_536 = vector.broadcast %and3A_535 : i32 to vector<16xi32>
        %and3A_537 = arith.andi %bitcast3A_534, %and3A_536 : vector<16xi32>
        %sub3A_538 = arith.constant 1 : i32
        %sub3A_539 = vector.broadcast %sub3A_538 : i32 to vector<16xi32>
        %sub3A_540 = arith.subi %and3A_537, %sub3A_539 : vector<16xi32>
        %min3A_541 = arith.minui %min3A_421, %sub3A_540 : vector<16xi32>
        %get3A_542 = arith.constant 13 : i32
        %get3A_543 = arith.index_cast %get3A_542 : i32 to index
        %get3A_544 = arith.index_cast %mul3A_156 : i32 to index
        %get3A_545 = tpu.vector_load %arg10[%get3A_543, %get3A_544] {strides = array<i32>} : memref<16x512xi32, #tpu.memory_space<vmem>>, vector<16xi32>,
        %and3A_546 = arith.constant 16777215 : i32
        %and3A_547 = vector.broadcast %and3A_546 : i32 to vector<16xi32>
        %and3A_548 = arith.andi %get3A_545, %and3A_547 : vector<16xi32>
        %shift_right_logical3A_549 = arith.constant 22 : i32
        %shift_right_logical3A_550 = vector.broadcast %shift_right_logical3A_549 : i32 to vector<16xi32>
        %shift_right_logical3A_551 = arith.shrui %get3A_545, %shift_right_logical3A_550 : vector<16xi32>
        %and3A_552 = arith.constant 12 : i32
        %and3A_553 = vector.broadcast %and3A_552 : i32 to vector<16xi32>
        %and3A_554 = arith.andi %shift_right_logical3A_551, %and3A_553 : vector<16xi32>
        %add3A_555 = arith.addi %and3A_554, %and3A_65 : vector<16xi32>
        %gather3A_556 = tpu.vector_load_idx %arg8[%and3A_548] : memref<100000xf32, #tpu.memory_space<vmem>>[vector<16xi32>], vector<16xf32>,
        %gather3A_557 = tpu.vector_load_idx %arg13[%add3A_555] : memref<16xf32, #tpu.memory_space<vmem>>[vector<16xi32>], vector<16xf32>,
        %gather3A_558 = tpu.vector_load_idx %arg14[%add3A_555] : memref<16xf32, #tpu.memory_space<vmem>>[vector<16xi32>], vector<16xf32>,
        %mul3A_559 = arith.mulf %gather3A_556, %gather3A_557 : vector<16xf32>
        %add3A_560 = arith.addf %mul3A_559, %gather3A_558 : vector<16xf32>
        %add3A_561 = arith.addf %add3A_560, %broadcast_in_dim3A_58 : vector<16xf32>
        %bitcast3A_562 = vector.bitcast %add3A_561 : vector<16xf32> to vector<16xi32>
        %xor3A_563 = arith.xori %xor3A_443, %bitcast3A_562 : vector<16xi32>
        %bitcast3A_564 = vector.bitcast %add3A_560 : vector<16xf32> to vector<16xi32>
        %and3A_565 = arith.constant 2147483647 : i32
        %and3A_566 = vector.broadcast %and3A_565 : i32 to vector<16xi32>
        %and3A_567 = arith.andi %bitcast3A_564, %and3A_566 : vector<16xi32>
        %sub3A_568 = arith.constant 1 : i32
        %sub3A_569 = vector.broadcast %sub3A_568 : i32 to vector<16xi32>
        %sub3A_570 = arith.subi %and3A_567, %sub3A_569 : vector<16xi32>
        %min3A_571 = arith.minui %min3A_451, %sub3A_570 : vector<16xi32>
        %get3A_572 = arith.constant 14 : i32
        %get3A_573 = arith.index_cast %get3A_572 : i32 to index
        %get3A_574 = arith.index_cast %mul3A_156 : i32 to index
        %get3A_575 = tpu.vector_load %arg10[%get3A_573, %get3A_574] {strides = array<i32>} : memref<16x512xi32, #tpu.memory_space<vmem>>, vector<16xi32>,
        %and3A_576 = arith.constant 16777215 : i32
        %and3A_577 = vector.broadcast %and3A_576 : i32 to vector<16xi32>
        %and3A_578 = arith.andi %get3A_575, %and3A_577 : vector<16xi32>
        %shift_right_logical3A_579 = arith.constant 22 : i32
        %shift_right_logical3A_580 = vector.broadcast %shift_right_logical3A_579 : i32 to vector<16xi32>
        %shift_right_logical3A_581 = arith.shrui %get3A_575, %shift_right_logical3A_580 : vector<16xi32>
        %and3A_582 = arith.constant 12 : i32
        %and3A_583 = vector.broadcast %and3A_582 : i32 to vector<16xi32>
        %and3A_584 = arith.andi %shift_right_logical3A_581, %and3A_583 : vector<16xi32>
        %add3A_585 = arith.addi %and3A_584, %and3A_65 : vector<16xi32>
        %gather3A_586 = tpu.vector_load_idx %arg8[%and3A_578] : memref<100000xf32, #tpu.memory_space<vmem>>[vector<16xi32>], vector<16xf32>,
        %gather3A_587 = tpu.vector_load_idx %arg13[%add3A_585] : memref<16xf32, #tpu.memory_space<vmem>>[vector<16xi32>], vector<16xf32>,
        %gather3A_588 = tpu.vector_load_idx %arg14[%add3A_585] : memref<16xf32, #tpu.memory_space<vmem>>[vector<16xi32>], vector<16xf32>,
        %mul3A_589 = arith.mulf %gather3A_586, %gather3A_587 : vector<16xf32>
        %add3A_590 = arith.addf %mul3A_589, %gather3A_588 : vector<16xf32>
        %add3A_591 = arith.addf %add3A_590, %broadcast_in_dim3A_58 : vector<16xf32>
        %bitcast3A_592 = vector.bitcast %add3A_591 : vector<16xf32> to vector<16xi32>
        %xor3A_593 = arith.xori %xor3A_473, %bitcast3A_592 : vector<16xi32>
        %bitcast3A_594 = vector.bitcast %add3A_590 : vector<16xf32> to vector<16xi32>
        %and3A_595 = arith.constant 2147483647 : i32
        %and3A_596 = vector.broadcast %and3A_595 : i32 to vector<16xi32>
        %and3A_597 = arith.andi %bitcast3A_594, %and3A_596 : vector<16xi32>
        %sub3A_598 = arith.constant 1 : i32
        %sub3A_599 = vector.broadcast %sub3A_598 : i32 to vector<16xi32>
        %sub3A_600 = arith.subi %and3A_597, %sub3A_599 : vector<16xi32>
        %min3A_601 = arith.minui %min3A_481, %sub3A_600 : vector<16xi32>
        %get3A_602 = arith.constant 15 : i32
        %get3A_603 = arith.index_cast %get3A_602 : i32 to index
        %get3A_604 = arith.index_cast %mul3A_156 : i32 to index
        %get3A_605 = tpu.vector_load %arg10[%get3A_603, %get3A_604] {strides = array<i32>} : memref<16x512xi32, #tpu.memory_space<vmem>>, vector<16xi32>,
        %and3A_606 = arith.constant 16777215 : i32
        %and3A_607 = vector.broadcast %and3A_606 : i32 to vector<16xi32>
        %and3A_608 = arith.andi %get3A_605, %and3A_607 : vector<16xi32>
        %shift_right_logical3A_609 = arith.constant 22 : i32
        %shift_right_logical3A_610 = vector.broadcast %shift_right_logical3A_609 : i32 to vector<16xi32>
        %shift_right_logical3A_611 = arith.shrui %get3A_605, %shift_right_logical3A_610 : vector<16xi32>
        %and3A_612 = arith.constant 12 : i32
        %and3A_613 = vector.broadcast %and3A_612 : i32 to vector<16xi32>
        %and3A_614 = arith.andi %shift_right_logical3A_611, %and3A_613 : vector<16xi32>
        %add3A_615 = arith.addi %and3A_614, %and3A_65 : vector<16xi32>
        %gather3A_616 = tpu.vector_load_idx %arg8[%and3A_608] : memref<100000xf32, #tpu.memory_space<vmem>>[vector<16xi32>], vector<16xf32>,
        %gather3A_617 = tpu.vector_load_idx %arg13[%add3A_615] : memref<16xf32, #tpu.memory_space<vmem>>[vector<16xi32>], vector<16xf32>,
        %gather3A_618 = tpu.vector_load_idx %arg14[%add3A_615] : memref<16xf32, #tpu.memory_space<vmem>>[vector<16xi32>], vector<16xf32>,
        %mul3A_619 = arith.mulf %gather3A_616, %gather3A_617 : vector<16xf32>
        %add3A_620 = arith.addf %mul3A_619, %gather3A_618 : vector<16xf32>
        %add3A_621 = arith.addf %add3A_620, %broadcast_in_dim3A_58 : vector<16xf32>
        %bitcast3A_622 = vector.bitcast %add3A_621 : vector<16xf32> to vector<16xi32>
        %xor3A_623 = arith.xori %xor3A_503, %bitcast3A_622 : vector<16xi32>
        %bitcast3A_624 = vector.bitcast %add3A_620 : vector<16xf32> to vector<16xi32>
        %and3A_625 = arith.constant 2147483647 : i32
        %and3A_626 = vector.broadcast %and3A_625 : i32 to vector<16xi32>
        %and3A_627 = arith.andi %bitcast3A_624, %and3A_626 : vector<16xi32>
        %sub3A_628 = arith.constant 1 : i32
        %sub3A_629 = vector.broadcast %sub3A_628 : i32 to vector<16xi32>
        %sub3A_630 = arith.subi %and3A_627, %sub3A_629 : vector<16xi32>
        %min3A_631 = arith.minui %min3A_511, %sub3A_630 : vector<16xi32>
        %xor3A_632 = arith.xori %xor3A_533, %xor3A_563 : vector<16xi32>
        %xor3A_633 = arith.xori %xor3A_593, %xor3A_623 : vector<16xi32>
        %xor3A_634 = arith.xori %xor3A_632, %xor3A_633 : vector<16xi32>
        %min3A_635 = arith.minui %min3A_541, %min3A_571 : vector<16xi32>
        %min3A_636 = arith.minui %min3A_601, %min3A_631 : vector<16xi32>
        %min3A_637 = arith.minui %min3A_635, %min3A_636 : vector<16xi32>
        %add3A_638 = arith.constant 1 : i32
        %add3A_639 = vector.broadcast %add3A_638 : i32 to vector<16xi32>
        %add3A_640 = arith.addi %min3A_637, %add3A_639 : vector<16xi32>
        %bitcast3A_641 = vector.bitcast %add3A_640 : vector<16xi32> to vector<16xf32>
        %and3A_642 = arith.constant -2147483648 : i32
        %and3A_643 = vector.broadcast %and3A_642 : i32 to vector<16xi32>
        %and3A_644 = arith.andi %xor3A_634, %and3A_643 : vector<16xi32>
        %or3A = arith.constant 1065353216 : i32
        %or3A_645 = vector.broadcast %or3A : i32 to vector<16xi32>
        %or3A_646 = arith.ori %and3A_644, %or3A_645 : vector<16xi32>
        %bitcast3A_647 = vector.bitcast %or3A_646 : vector<16xi32> to vector<16xf32>
        %mul3A_648 = arith.mulf %get3A_53, %bitcast3A_641 : vector<16xf32>
        %add3A_649 = arith.addf %mul3A_648, %get3A_57 : vector<16xf32>
        %mul3A_650 = arith.mulf %bitcast3A_647, %add3A_649 : vector<16xf32>
        %swap3A = arith.index_cast %mul3A_156 : i32 to index
        %swap3A_651 = tpu.vector_load %arg12[%swap3A] {strides = array<i32>} : memref<512xf32, #tpu.memory_space<vmem>>, vector<16xf32>,
        tpu.vector_store %arg12[%swap3A], %mul3A_650 {strides = array<i32>} : memref<512xf32, #tpu.memory_space<vmem>>, vector<16xf32>,
        %mul3A_652 = arith.constant 4 : i32
        %mul3A_653 = arith.muli %mul3A_652, %scan3A_150 : i32
        %add3A_654 = arith.constant 1 : i32
        %add3A_655 = arith.addi %mul3A_653, %add3A_654 : i32
        %mul3A_656 = arith.constant 16 : i32
        %mul3A_657 = arith.muli %add3A_655, %mul3A_656 : i32
        %get3A_658 = arith.constant 0 : i32
        %get3A_659 = arith.index_cast %get3A_658 : i32 to index
        %get3A_660 = arith.index_cast %mul3A_657 : i32 to index
        %get3A_661 = tpu.vector_load %arg10[%get3A_659, %get3A_660] {strides = array<i32>} : memref<16x512xi32, #tpu.memory_space<vmem>>, vector<16xi32>,
        %and3A_662 = arith.constant 16777215 : i32
        %and3A_663 = vector.broadcast %and3A_662 : i32 to vector<16xi32>
        %and3A_664 = arith.andi %get3A_661, %and3A_663 : vector<16xi32>
        %shift_right_logical3A_665 = arith.constant 22 : i32
        %shift_right_logical3A_666 = vector.broadcast %shift_right_logical3A_665 : i32 to vector<16xi32>
        %shift_right_logical3A_667 = arith.shrui %get3A_661, %shift_right_logical3A_666 : vector<16xi32>
        %and3A_668 = arith.constant 12 : i32
        %and3A_669 = vector.broadcast %and3A_668 : i32 to vector<16xi32>
        %and3A_670 = arith.andi %shift_right_logical3A_667, %and3A_669 : vector<16xi32>
        %add3A_671 = arith.addi %and3A_670, %and3A_65 : vector<16xi32>
        %gather3A_672 = tpu.vector_load_idx %arg8[%and3A_664] : memref<100000xf32, #tpu.memory_space<vmem>>[vector<16xi32>], vector<16xf32>,
        %gather3A_673 = tpu.vector_load_idx %arg13[%add3A_671] : memref<16xf32, #tpu.memory_space<vmem>>[vector<16xi32>], vector<16xf32>,
        %gather3A_674 = tpu.vector_load_idx %arg14[%add3A_671] : memref<16xf32, #tpu.memory_space<vmem>>[vector<16xi32>], vector<16xf32>,
        %mul3A_675 = arith.mulf %gather3A_672, %gather3A_673 : vector<16xf32>
        %add3A_676 = arith.addf %mul3A_675, %gather3A_674 : vector<16xf32>
        %add3A_677 = arith.addf %add3A_676, %broadcast_in_dim3A_58 : vector<16xf32>
        %bitcast3A_678 = vector.bitcast %add3A_677 : vector<16xf32> to vector<16xi32>
        %xor3A_679 = arith.xori %broadcast_in_dim3A_60, %bitcast3A_678 : vector<16xi32>
        %bitcast3A_680 = vector.bitcast %add3A_676 : vector<16xf32> to vector<16xi32>
        %and3A_681 = arith.constant 2147483647 : i32
        %and3A_682 = vector.broadcast %and3A_681 : i32 to vector<16xi32>
        %and3A_683 = arith.andi %bitcast3A_680, %and3A_682 : vector<16xi32>
        %sub3A_684 = arith.constant 1 : i32
        %sub3A_685 = vector.broadcast %sub3A_684 : i32 to vector<16xi32>
        %sub3A_686 = arith.subi %and3A_683, %sub3A_685 : vector<16xi32>
        %min3A_687 = arith.minui %broadcast_in_dim3A_62, %sub3A_686 : vector<16xi32>
        %get3A_688 = arith.constant 1 : i32
        %get3A_689 = arith.index_cast %get3A_688 : i32 to index
        %get3A_690 = arith.index_cast %mul3A_657 : i32 to index
        %get3A_691 = tpu.vector_load %arg10[%get3A_689, %get3A_690] {strides = array<i32>} : memref<16x512xi32, #tpu.memory_space<vmem>>, vector<16xi32>,
        %and3A_692 = arith.constant 16777215 : i32
        %and3A_693 = vector.broadcast %and3A_692 : i32 to vector<16xi32>
        %and3A_694 = arith.andi %get3A_691, %and3A_693 : vector<16xi32>
        %shift_right_logical3A_695 = arith.constant 22 : i32
        %shift_right_logical3A_696 = vector.broadcast %shift_right_logical3A_695 : i32 to vector<16xi32>
        %shift_right_logical3A_697 = arith.shrui %get3A_691, %shift_right_logical3A_696 : vector<16xi32>
        %and3A_698 = arith.constant 12 : i32
        %and3A_699 = vector.broadcast %and3A_698 : i32 to vector<16xi32>
        %and3A_700 = arith.andi %shift_right_logical3A_697, %and3A_699 : vector<16xi32>
        %add3A_701 = arith.addi %and3A_700, %and3A_65 : vector<16xi32>
        %gather3A_702 = tpu.vector_load_idx %arg8[%and3A_694] : memref<100000xf32, #tpu.memory_space<vmem>>[vector<16xi32>], vector<16xf32>,
        %gather3A_703 = tpu.vector_load_idx %arg13[%add3A_701] : memref<16xf32, #tpu.memory_space<vmem>>[vector<16xi32>], vector<16xf32>,
        %gather3A_704 = tpu.vector_load_idx %arg14[%add3A_701] : memref<16xf32, #tpu.memory_space<vmem>>[vector<16xi32>], vector<16xf32>,
        %mul3A_705 = arith.mulf %gather3A_702, %gather3A_703 : vector<16xf32>
        %add3A_706 = arith.addf %mul3A_705, %gather3A_704 : vector<16xf32>
        %add3A_707 = arith.addf %add3A_706, %broadcast_in_dim3A_58 : vector<16xf32>
        %bitcast3A_708 = vector.bitcast %add3A_707 : vector<16xf32> to vector<16xi32>
        %xor3A_709 = arith.xori %broadcast_in_dim3A_60, %bitcast3A_708 : vector<16xi32>
        %bitcast3A_710 = vector.bitcast %add3A_706 : vector<16xf32> to vector<16xi32>
        %and3A_711 = arith.constant 2147483647 : i32
        %and3A_712 = vector.broadcast %and3A_711 : i32 to vector<16xi32>
        %and3A_713 = arith.andi %bitcast3A_710, %and3A_712 : vector<16xi32>
        %sub3A_714 = arith.constant 1 : i32
        %sub3A_715 = vector.broadcast %sub3A_714 : i32 to vector<16xi32>
        %sub3A_716 = arith.subi %and3A_713, %sub3A_715 : vector<16xi32>
        %min3A_717 = arith.minui %broadcast_in_dim3A_62, %sub3A_716 : vector<16xi32>
        %get3A_718 = arith.constant 2 : i32
        %get3A_719 = arith.index_cast %get3A_718 : i32 to index
        %get3A_720 = arith.index_cast %mul3A_657 : i32 to index
        %get3A_721 = tpu.vector_load %arg10[%get3A_719, %get3A_720] {strides = array<i32>} : memref<16x512xi32, #tpu.memory_space<vmem>>, vector<16xi32>,
        %and3A_722 = arith.constant 16777215 : i32
        %and3A_723 = vector.broadcast %and3A_722 : i32 to vector<16xi32>
        %and3A_724 = arith.andi %get3A_721, %and3A_723 : vector<16xi32>
        %shift_right_logical3A_725 = arith.constant 22 : i32
        %shift_right_logical3A_726 = vector.broadcast %shift_right_logical3A_725 : i32 to vector<16xi32>
        %shift_right_logical3A_727 = arith.shrui %get3A_721, %shift_right_logical3A_726 : vector<16xi32>
        %and3A_728 = arith.constant 12 : i32
        %and3A_729 = vector.broadcast %and3A_728 : i32 to vector<16xi32>
        %and3A_730 = arith.andi %shift_right_logical3A_727, %and3A_729 : vector<16xi32>
        %add3A_731 = arith.addi %and3A_730, %and3A_65 : vector<16xi32>
        %gather3A_732 = tpu.vector_load_idx %arg8[%and3A_724] : memref<100000xf32, #tpu.memory_space<vmem>>[vector<16xi32>], vector<16xf32>,
        %gather3A_733 = tpu.vector_load_idx %arg13[%add3A_731] : memref<16xf32, #tpu.memory_space<vmem>>[vector<16xi32>], vector<16xf32>,
        %gather3A_734 = tpu.vector_load_idx %arg14[%add3A_731] : memref<16xf32, #tpu.memory_space<vmem>>[vector<16xi32>], vector<16xf32>,
        %mul3A_735 = arith.mulf %gather3A_732, %gather3A_733 : vector<16xf32>
        %add3A_736 = arith.addf %mul3A_735, %gather3A_734 : vector<16xf32>
        %add3A_737 = arith.addf %add3A_736, %broadcast_in_dim3A_58 : vector<16xf32>
        %bitcast3A_738 = vector.bitcast %add3A_737 : vector<16xf32> to vector<16xi32>
        %xor3A_739 = arith.xori %broadcast_in_dim3A_60, %bitcast3A_738 : vector<16xi32>
        %bitcast3A_740 = vector.bitcast %add3A_736 : vector<16xf32> to vector<16xi32>
        %and3A_741 = arith.constant 2147483647 : i32
        %and3A_742 = vector.broadcast %and3A_741 : i32 to vector<16xi32>
        %and3A_743 = arith.andi %bitcast3A_740, %and3A_742 : vector<16xi32>
        %sub3A_744 = arith.constant 1 : i32
        %sub3A_745 = vector.broadcast %sub3A_744 : i32 to vector<16xi32>
        %sub3A_746 = arith.subi %and3A_743, %sub3A_745 : vector<16xi32>
        %min3A_747 = arith.minui %broadcast_in_dim3A_62, %sub3A_746 : vector<16xi32>
        %get3A_748 = arith.constant 3 : i32
        %get3A_749 = arith.index_cast %get3A_748 : i32 to index
        %get3A_750 = arith.index_cast %mul3A_657 : i32 to index
        %get3A_751 = tpu.vector_load %arg10[%get3A_749, %get3A_750] {strides = array<i32>} : memref<16x512xi32, #tpu.memory_space<vmem>>, vector<16xi32>,
        %and3A_752 = arith.constant 16777215 : i32
        %and3A_753 = vector.broadcast %and3A_752 : i32 to vector<16xi32>
        %and3A_754 = arith.andi %get3A_751, %and3A_753 : vector<16xi32>
        %shift_right_logical3A_755 = arith.constant 22 : i32
        %shift_right_logical3A_756 = vector.broadcast %shift_right_logical3A_755 : i32 to vector<16xi32>
        %shift_right_logical3A_757 = arith.shrui %get3A_751, %shift_right_logical3A_756 : vector<16xi32>
        %and3A_758 = arith.constant 12 : i32
        %and3A_759 = vector.broadcast %and3A_758 : i32 to vector<16xi32>
        %and3A_760 = arith.andi %shift_right_logical3A_757, %and3A_759 : vector<16xi32>
        %add3A_761 = arith.addi %and3A_760, %and3A_65 : vector<16xi32>
        %gather3A_762 = tpu.vector_load_idx %arg8[%and3A_754] : memref<100000xf32, #tpu.memory_space<vmem>>[vector<16xi32>], vector<16xf32>,
        %gather3A_763 = tpu.vector_load_idx %arg13[%add3A_761] : memref<16xf32, #tpu.memory_space<vmem>>[vector<16xi32>], vector<16xf32>,
        %gather3A_764 = tpu.vector_load_idx %arg14[%add3A_761] : memref<16xf32, #tpu.memory_space<vmem>>[vector<16xi32>], vector<16xf32>,
        %mul3A_765 = arith.mulf %gather3A_762, %gather3A_763 : vector<16xf32>
        %add3A_766 = arith.addf %mul3A_765, %gather3A_764 : vector<16xf32>
        %add3A_767 = arith.addf %add3A_766, %broadcast_in_dim3A_58 : vector<16xf32>
        %bitcast3A_768 = vector.bitcast %add3A_767 : vector<16xf32> to vector<16xi32>
        %xor3A_769 = arith.xori %broadcast_in_dim3A_60, %bitcast3A_768 : vector<16xi32>
        %bitcast3A_770 = vector.bitcast %add3A_766 : vector<16xf32> to vector<16xi32>
        %and3A_771 = arith.constant 2147483647 : i32
        %and3A_772 = vector.broadcast %and3A_771 : i32 to vector<16xi32>
        %and3A_773 = arith.andi %bitcast3A_770, %and3A_772 : vector<16xi32>
        %sub3A_774 = arith.constant 1 : i32
        %sub3A_775 = vector.broadcast %sub3A_774 : i32 to vector<16xi32>
        %sub3A_776 = arith.subi %and3A_773, %sub3A_775 : vector<16xi32>
        %min3A_777 = arith.minui %broadcast_in_dim3A_62, %sub3A_776 : vector<16xi32>
        %get3A_778 = arith.constant 4 : i32
        %get3A_779 = arith.index_cast %get3A_778 : i32 to index
        %get3A_780 = arith.index_cast %mul3A_657 : i32 to index
        %get3A_781 = tpu.vector_load %arg10[%get3A_779, %get3A_780] {strides = array<i32>} : memref<16x512xi32, #tpu.memory_space<vmem>>, vector<16xi32>,
        %and3A_782 = arith.constant 16777215 : i32
        %and3A_783 = vector.broadcast %and3A_782 : i32 to vector<16xi32>
        %and3A_784 = arith.andi %get3A_781, %and3A_783 : vector<16xi32>
        %shift_right_logical3A_785 = arith.constant 22 : i32
        %shift_right_logical3A_786 = vector.broadcast %shift_right_logical3A_785 : i32 to vector<16xi32>
        %shift_right_logical3A_787 = arith.shrui %get3A_781, %shift_right_logical3A_786 : vector<16xi32>
        %and3A_788 = arith.constant 12 : i32
        %and3A_789 = vector.broadcast %and3A_788 : i32 to vector<16xi32>
        %and3A_790 = arith.andi %shift_right_logical3A_787, %and3A_789 : vector<16xi32>
        %add3A_791 = arith.addi %and3A_790, %and3A_65 : vector<16xi32>
        %gather3A_792 = tpu.vector_load_idx %arg8[%and3A_784] : memref<100000xf32, #tpu.memory_space<vmem>>[vector<16xi32>], vector<16xf32>,
        %gather3A_793 = tpu.vector_load_idx %arg13[%add3A_791] : memref<16xf32, #tpu.memory_space<vmem>>[vector<16xi32>], vector<16xf32>,
        %gather3A_794 = tpu.vector_load_idx %arg14[%add3A_791] : memref<16xf32, #tpu.memory_space<vmem>>[vector<16xi32>], vector<16xf32>,
        %mul3A_795 = arith.mulf %gather3A_792, %gather3A_793 : vector<16xf32>
        %add3A_796 = arith.addf %mul3A_795, %gather3A_794 : vector<16xf32>
        %add3A_797 = arith.addf %add3A_796, %broadcast_in_dim3A_58 : vector<16xf32>
        %bitcast3A_798 = vector.bitcast %add3A_797 : vector<16xf32> to vector<16xi32>
        %xor3A_799 = arith.xori %xor3A_679, %bitcast3A_798 : vector<16xi32>
        %bitcast3A_800 = vector.bitcast %add3A_796 : vector<16xf32> to vector<16xi32>
        %and3A_801 = arith.constant 2147483647 : i32
        %and3A_802 = vector.broadcast %and3A_801 : i32 to vector<16xi32>
        %and3A_803 = arith.andi %bitcast3A_800, %and3A_802 : vector<16xi32>
        %sub3A_804 = arith.constant 1 : i32
        %sub3A_805 = vector.broadcast %sub3A_804 : i32 to vector<16xi32>
        %sub3A_806 = arith.subi %and3A_803, %sub3A_805 : vector<16xi32>
        %min3A_807 = arith.minui %min3A_687, %sub3A_806 : vector<16xi32>
        %get3A_808 = arith.constant 5 : i32
        %get3A_809 = arith.index_cast %get3A_808 : i32 to index
        %get3A_810 = arith.index_cast %mul3A_657 : i32 to index
        %get3A_811 = tpu.vector_load %arg10[%get3A_809, %get3A_810] {strides = array<i32>} : memref<16x512xi32, #tpu.memory_space<vmem>>, vector<16xi32>,
        %and3A_812 = arith.constant 16777215 : i32
        %and3A_813 = vector.broadcast %and3A_812 : i32 to vector<16xi32>
        %and3A_814 = arith.andi %get3A_811, %and3A_813 : vector<16xi32>
        %shift_right_logical3A_815 = arith.constant 22 : i32
        %shift_right_logical3A_816 = vector.broadcast %shift_right_logical3A_815 : i32 to vector<16xi32>
        %shift_right_logical3A_817 = arith.shrui %get3A_811, %shift_right_logical3A_816 : vector<16xi32>
        %and3A_818 = arith.constant 12 : i32
        %and3A_819 = vector.broadcast %and3A_818 : i32 to vector<16xi32>
        %and3A_820 = arith.andi %shift_right_logical3A_817, %and3A_819 : vector<16xi32>
        %add3A_821 = arith.addi %and3A_820, %and3A_65 : vector<16xi32>
        %gather3A_822 = tpu.vector_load_idx %arg8[%and3A_814] : memref<100000xf32, #tpu.memory_space<vmem>>[vector<16xi32>], vector<16xf32>,
        %gather3A_823 = tpu.vector_load_idx %arg13[%add3A_821] : memref<16xf32, #tpu.memory_space<vmem>>[vector<16xi32>], vector<16xf32>,
        %gather3A_824 = tpu.vector_load_idx %arg14[%add3A_821] : memref<16xf32, #tpu.memory_space<vmem>>[vector<16xi32>], vector<16xf32>,
        %mul3A_825 = arith.mulf %gather3A_822, %gather3A_823 : vector<16xf32>
        %add3A_826 = arith.addf %mul3A_825, %gather3A_824 : vector<16xf32>
        %add3A_827 = arith.addf %add3A_826, %broadcast_in_dim3A_58 : vector<16xf32>
        %bitcast3A_828 = vector.bitcast %add3A_827 : vector<16xf32> to vector<16xi32>
        %xor3A_829 = arith.xori %xor3A_709, %bitcast3A_828 : vector<16xi32>
        %bitcast3A_830 = vector.bitcast %add3A_826 : vector<16xf32> to vector<16xi32>
        %and3A_831 = arith.constant 2147483647 : i32
        %and3A_832 = vector.broadcast %and3A_831 : i32 to vector<16xi32>
        %and3A_833 = arith.andi %bitcast3A_830, %and3A_832 : vector<16xi32>
        %sub3A_834 = arith.constant 1 : i32
        %sub3A_835 = vector.broadcast %sub3A_834 : i32 to vector<16xi32>
        %sub3A_836 = arith.subi %and3A_833, %sub3A_835 : vector<16xi32>
        %min3A_837 = arith.minui %min3A_717, %sub3A_836 : vector<16xi32>
        %get3A_838 = arith.constant 6 : i32
        %get3A_839 = arith.index_cast %get3A_838 : i32 to index
        %get3A_840 = arith.index_cast %mul3A_657 : i32 to index
        %get3A_841 = tpu.vector_load %arg10[%get3A_839, %get3A_840] {strides = array<i32>} : memref<16x512xi32, #tpu.memory_space<vmem>>, vector<16xi32>,
        %and3A_842 = arith.constant 16777215 : i32
        %and3A_843 = vector.broadcast %and3A_842 : i32 to vector<16xi32>
        %and3A_844 = arith.andi %get3A_841, %and3A_843 : vector<16xi32>
        %shift_right_logical3A_845 = arith.constant 22 : i32
        %shift_right_logical3A_846 = vector.broadcast %shift_right_logical3A_845 : i32 to vector<16xi32>
        %shift_right_logical3A_847 = arith.shrui %get3A_841, %shift_right_logical3A_846 : vector<16xi32>
        %and3A_848 = arith.constant 12 : i32
        %and3A_849 = vector.broadcast %and3A_848 : i32 to vector<16xi32>
        %and3A_850 = arith.andi %shift_right_logical3A_847, %and3A_849 : vector<16xi32>
        %add3A_851 = arith.addi %and3A_850, %and3A_65 : vector<16xi32>
        %gather3A_852 = tpu.vector_load_idx %arg8[%and3A_844] : memref<100000xf32, #tpu.memory_space<vmem>>[vector<16xi32>], vector<16xf32>,
        %gather3A_853 = tpu.vector_load_idx %arg13[%add3A_851] : memref<16xf32, #tpu.memory_space<vmem>>[vector<16xi32>], vector<16xf32>,
        %gather3A_854 = tpu.vector_load_idx %arg14[%add3A_851] : memref<16xf32, #tpu.memory_space<vmem>>[vector<16xi32>], vector<16xf32>,
        %mul3A_855 = arith.mulf %gather3A_852, %gather3A_853 : vector<16xf32>
        %add3A_856 = arith.addf %mul3A_855, %gather3A_854 : vector<16xf32>
        %add3A_857 = arith.addf %add3A_856, %broadcast_in_dim3A_58 : vector<16xf32>
        %bitcast3A_858 = vector.bitcast %add3A_857 : vector<16xf32> to vector<16xi32>
        %xor3A_859 = arith.xori %xor3A_739, %bitcast3A_858 : vector<16xi32>
        %bitcast3A_860 = vector.bitcast %add3A_856 : vector<16xf32> to vector<16xi32>
        %and3A_861 = arith.constant 2147483647 : i32
        %and3A_862 = vector.broadcast %and3A_861 : i32 to vector<16xi32>
        %and3A_863 = arith.andi %bitcast3A_860, %and3A_862 : vector<16xi32>
        %sub3A_864 = arith.constant 1 : i32
        %sub3A_865 = vector.broadcast %sub3A_864 : i32 to vector<16xi32>
        %sub3A_866 = arith.subi %and3A_863, %sub3A_865 : vector<16xi32>
        %min3A_867 = arith.minui %min3A_747, %sub3A_866 : vector<16xi32>
        %get3A_868 = arith.constant 7 : i32
        %get3A_869 = arith.index_cast %get3A_868 : i32 to index
        %get3A_870 = arith.index_cast %mul3A_657 : i32 to index
        %get3A_871 = tpu.vector_load %arg10[%get3A_869, %get3A_870] {strides = array<i32>} : memref<16x512xi32, #tpu.memory_space<vmem>>, vector<16xi32>,
        %and3A_872 = arith.constant 16777215 : i32
        %and3A_873 = vector.broadcast %and3A_872 : i32 to vector<16xi32>
        %and3A_874 = arith.andi %get3A_871, %and3A_873 : vector<16xi32>
        %shift_right_logical3A_875 = arith.constant 22 : i32
        %shift_right_logical3A_876 = vector.broadcast %shift_right_logical3A_875 : i32 to vector<16xi32>
        %shift_right_logical3A_877 = arith.shrui %get3A_871, %shift_right_logical3A_876 : vector<16xi32>
        %and3A_878 = arith.constant 12 : i32
        %and3A_879 = vector.broadcast %and3A_878 : i32 to vector<16xi32>
        %and3A_880 = arith.andi %shift_right_logical3A_877, %and3A_879 : vector<16xi32>
        %add3A_881 = arith.addi %and3A_880, %and3A_65 : vector<16xi32>
        %gather3A_882 = tpu.vector_load_idx %arg8[%and3A_874] : memref<100000xf32, #tpu.memory_space<vmem>>[vector<16xi32>], vector<16xf32>,
        %gather3A_883 = tpu.vector_load_idx %arg13[%add3A_881] : memref<16xf32, #tpu.memory_space<vmem>>[vector<16xi32>], vector<16xf32>,
        %gather3A_884 = tpu.vector_load_idx %arg14[%add3A_881] : memref<16xf32, #tpu.memory_space<vmem>>[vector<16xi32>], vector<16xf32>,
        %mul3A_885 = arith.mulf %gather3A_882, %gather3A_883 : vector<16xf32>
        %add3A_886 = arith.addf %mul3A_885, %gather3A_884 : vector<16xf32>
        %add3A_887 = arith.addf %add3A_886, %broadcast_in_dim3A_58 : vector<16xf32>
        %bitcast3A_888 = vector.bitcast %add3A_887 : vector<16xf32> to vector<16xi32>
        %xor3A_889 = arith.xori %xor3A_769, %bitcast3A_888 : vector<16xi32>
        %bitcast3A_890 = vector.bitcast %add3A_886 : vector<16xf32> to vector<16xi32>
        %and3A_891 = arith.constant 2147483647 : i32
        %and3A_892 = vector.broadcast %and3A_891 : i32 to vector<16xi32>
        %and3A_893 = arith.andi %bitcast3A_890, %and3A_892 : vector<16xi32>
        %sub3A_894 = arith.constant 1 : i32
        %sub3A_895 = vector.broadcast %sub3A_894 : i32 to vector<16xi32>
        %sub3A_896 = arith.subi %and3A_893, %sub3A_895 : vector<16xi32>
        %min3A_897 = arith.minui %min3A_777, %sub3A_896 : vector<16xi32>
        %get3A_898 = arith.constant 8 : i32
        %get3A_899 = arith.index_cast %get3A_898 : i32 to index
        %get3A_900 = arith.index_cast %mul3A_657 : i32 to index
        %get3A_901 = tpu.vector_load %arg10[%get3A_899, %get3A_900] {strides = array<i32>} : memref<16x512xi32, #tpu.memory_space<vmem>>, vector<16xi32>,
        %and3A_902 = arith.constant 16777215 : i32
        %and3A_903 = vector.broadcast %and3A_902 : i32 to vector<16xi32>
        %and3A_904 = arith.andi %get3A_901, %and3A_903 : vector<16xi32>
        %shift_right_logical3A_905 = arith.constant 22 : i32
        %shift_right_logical3A_906 = vector.broadcast %shift_right_logical3A_905 : i32 to vector<16xi32>
        %shift_right_logical3A_907 = arith.shrui %get3A_901, %shift_right_logical3A_906 : vector<16xi32>
        %and3A_908 = arith.constant 12 : i32
        %and3A_909 = vector.broadcast %and3A_908 : i32 to vector<16xi32>
        %and3A_910 = arith.andi %shift_right_logical3A_907, %and3A_909 : vector<16xi32>
        %add3A_911 = arith.addi %and3A_910, %and3A_65 : vector<16xi32>
        %gather3A_912 = tpu.vector_load_idx %arg8[%and3A_904] : memref<100000xf32, #tpu.memory_space<vmem>>[vector<16xi32>], vector<16xf32>,
        %gather3A_913 = tpu.vector_load_idx %arg13[%add3A_911] : memref<16xf32, #tpu.memory_space<vmem>>[vector<16xi32>], vector<16xf32>,
        %gather3A_914 = tpu.vector_load_idx %arg14[%add3A_911] : memref<16xf32, #tpu.memory_space<vmem>>[vector<16xi32>], vector<16xf32>,
        %mul3A_915 = arith.mulf %gather3A_912, %gather3A_913 : vector<16xf32>
        %add3A_916 = arith.addf %mul3A_915, %gather3A_914 : vector<16xf32>
        %add3A_917 = arith.addf %add3A_916, %broadcast_in_dim3A_58 : vector<16xf32>
        %bitcast3A_918 = vector.bitcast %add3A_917 : vector<16xf32> to vector<16xi32>
        %xor3A_919 = arith.xori %xor3A_799, %bitcast3A_918 : vector<16xi32>
        %bitcast3A_920 = vector.bitcast %add3A_916 : vector<16xf32> to vector<16xi32>
        %and3A_921 = arith.constant 2147483647 : i32
        %and3A_922 = vector.broadcast %and3A_921 : i32 to vector<16xi32>
        %and3A_923 = arith.andi %bitcast3A_920, %and3A_922 : vector<16xi32>
        %sub3A_924 = arith.constant 1 : i32
        %sub3A_925 = vector.broadcast %sub3A_924 : i32 to vector<16xi32>
        %sub3A_926 = arith.subi %and3A_923, %sub3A_925 : vector<16xi32>
        %min3A_927 = arith.minui %min3A_807, %sub3A_926 : vector<16xi32>
        %get3A_928 = arith.constant 9 : i32
        %get3A_929 = arith.index_cast %get3A_928 : i32 to index
        %get3A_930 = arith.index_cast %mul3A_657 : i32 to index
        %get3A_931 = tpu.vector_load %arg10[%get3A_929, %get3A_930] {strides = array<i32>} : memref<16x512xi32, #tpu.memory_space<vmem>>, vector<16xi32>,
        %and3A_932 = arith.constant 16777215 : i32
        %and3A_933 = vector.broadcast %and3A_932 : i32 to vector<16xi32>
        %and3A_934 = arith.andi %get3A_931, %and3A_933 : vector<16xi32>
        %shift_right_logical3A_935 = arith.constant 22 : i32
        %shift_right_logical3A_936 = vector.broadcast %shift_right_logical3A_935 : i32 to vector<16xi32>
        %shift_right_logical3A_937 = arith.shrui %get3A_931, %shift_right_logical3A_936 : vector<16xi32>
        %and3A_938 = arith.constant 12 : i32
        %and3A_939 = vector.broadcast %and3A_938 : i32 to vector<16xi32>
        %and3A_940 = arith.andi %shift_right_logical3A_937, %and3A_939 : vector<16xi32>
        %add3A_941 = arith.addi %and3A_940, %and3A_65 : vector<16xi32>
        %gather3A_942 = tpu.vector_load_idx %arg8[%and3A_934] : memref<100000xf32, #tpu.memory_space<vmem>>[vector<16xi32>], vector<16xf32>,
        %gather3A_943 = tpu.vector_load_idx %arg13[%add3A_941] : memref<16xf32, #tpu.memory_space<vmem>>[vector<16xi32>], vector<16xf32>,
        %gather3A_944 = tpu.vector_load_idx %arg14[%add3A_941] : memref<16xf32, #tpu.memory_space<vmem>>[vector<16xi32>], vector<16xf32>,
        %mul3A_945 = arith.mulf %gather3A_942, %gather3A_943 : vector<16xf32>
        %add3A_946 = arith.addf %mul3A_945, %gather3A_944 : vector<16xf32>
        %add3A_947 = arith.addf %add3A_946, %broadcast_in_dim3A_58 : vector<16xf32>
        %bitcast3A_948 = vector.bitcast %add3A_947 : vector<16xf32> to vector<16xi32>
        %xor3A_949 = arith.xori %xor3A_829, %bitcast3A_948 : vector<16xi32>
        %bitcast3A_950 = vector.bitcast %add3A_946 : vector<16xf32> to vector<16xi32>
        %and3A_951 = arith.constant 2147483647 : i32
        %and3A_952 = vector.broadcast %and3A_951 : i32 to vector<16xi32>
        %and3A_953 = arith.andi %bitcast3A_950, %and3A_952 : vector<16xi32>
        %sub3A_954 = arith.constant 1 : i32
        %sub3A_955 = vector.broadcast %sub3A_954 : i32 to vector<16xi32>
        %sub3A_956 = arith.subi %and3A_953, %sub3A_955 : vector<16xi32>
        %min3A_957 = arith.minui %min3A_837, %sub3A_956 : vector<16xi32>
        %get3A_958 = arith.constant 10 : i32
        %get3A_959 = arith.index_cast %get3A_958 : i32 to index
        %get3A_960 = arith.index_cast %mul3A_657 : i32 to index
        %get3A_961 = tpu.vector_load %arg10[%get3A_959, %get3A_960] {strides = array<i32>} : memref<16x512xi32, #tpu.memory_space<vmem>>, vector<16xi32>,
        %and3A_962 = arith.constant 16777215 : i32
        %and3A_963 = vector.broadcast %and3A_962 : i32 to vector<16xi32>
        %and3A_964 = arith.andi %get3A_961, %and3A_963 : vector<16xi32>
        %shift_right_logical3A_965 = arith.constant 22 : i32
        %shift_right_logical3A_966 = vector.broadcast %shift_right_logical3A_965 : i32 to vector<16xi32>
        %shift_right_logical3A_967 = arith.shrui %get3A_961, %shift_right_logical3A_966 : vector<16xi32>
        %and3A_968 = arith.constant 12 : i32
        %and3A_969 = vector.broadcast %and3A_968 : i32 to vector<16xi32>
        %and3A_970 = arith.andi %shift_right_logical3A_967, %and3A_969 : vector<16xi32>
        %add3A_971 = arith.addi %and3A_970, %and3A_65 : vector<16xi32>
        %gather3A_972 = tpu.vector_load_idx %arg8[%and3A_964] : memref<100000xf32, #tpu.memory_space<vmem>>[vector<16xi32>], vector<16xf32>,
        %gather3A_973 = tpu.vector_load_idx %arg13[%add3A_971] : memref<16xf32, #tpu.memory_space<vmem>>[vector<16xi32>], vector<16xf32>,
        %gather3A_974 = tpu.vector_load_idx %arg14[%add3A_971] : memref<16xf32, #tpu.memory_space<vmem>>[vector<16xi32>], vector<16xf32>,
        %mul3A_975 = arith.mulf %gather3A_972, %gather3A_973 : vector<16xf32>
        %add3A_976 = arith.addf %mul3A_975, %gather3A_974 : vector<16xf32>
        %add3A_977 = arith.addf %add3A_976, %broadcast_in_dim3A_58 : vector<16xf32>
        %bitcast3A_978 = vector.bitcast %add3A_977 : vector<16xf32> to vector<16xi32>
        %xor3A_979 = arith.xori %xor3A_859, %bitcast3A_978 : vector<16xi32>
        %bitcast3A_980 = vector.bitcast %add3A_976 : vector<16xf32> to vector<16xi32>
        %and3A_981 = arith.constant 2147483647 : i32
        %and3A_982 = vector.broadcast %and3A_981 : i32 to vector<16xi32>
        %and3A_983 = arith.andi %bitcast3A_980, %and3A_982 : vector<16xi32>
        %sub3A_984 = arith.constant 1 : i32
        %sub3A_985 = vector.broadcast %sub3A_984 : i32 to vector<16xi32>
        %sub3A_986 = arith.subi %and3A_983, %sub3A_985 : vector<16xi32>
        %min3A_987 = arith.minui %min3A_867, %sub3A_986 : vector<16xi32>
        %get3A_988 = arith.constant 11 : i32
        %get3A_989 = arith.index_cast %get3A_988 : i32 to index
        %get3A_990 = arith.index_cast %mul3A_657 : i32 to index
        %get3A_991 = tpu.vector_load %arg10[%get3A_989, %get3A_990] {strides = array<i32>} : memref<16x512xi32, #tpu.memory_space<vmem>>, vector<16xi32>,
        %and3A_992 = arith.constant 16777215 : i32
        %and3A_993 = vector.broadcast %and3A_992 : i32 to vector<16xi32>
        %and3A_994 = arith.andi %get3A_991, %and3A_993 : vector<16xi32>
        %shift_right_logical3A_995 = arith.constant 22 : i32
        %shift_right_logical3A_996 = vector.broadcast %shift_right_logical3A_995 : i32 to vector<16xi32>
        %shift_right_logical3A_997 = arith.shrui %get3A_991, %shift_right_logical3A_996 : vector<16xi32>
        %and3A_998 = arith.constant 12 : i32
        %and3A_999 = vector.broadcast %and3A_998 : i32 to vector<16xi32>
        %and3A_1000 = arith.andi %shift_right_logical3A_997, %and3A_999 : vector<16xi32>
        %add3A_1001 = arith.addi %and3A_1000, %and3A_65 : vector<16xi32>
        %gather3A_1002 = tpu.vector_load_idx %arg8[%and3A_994] : memref<100000xf32, #tpu.memory_space<vmem>>[vector<16xi32>], vector<16xf32>,
        %gather3A_1003 = tpu.vector_load_idx %arg13[%add3A_1001] : memref<16xf32, #tpu.memory_space<vmem>>[vector<16xi32>], vector<16xf32>,
        %gather3A_1004 = tpu.vector_load_idx %arg14[%add3A_1001] : memref<16xf32, #tpu.memory_space<vmem>>[vector<16xi32>], vector<16xf32>,
        %mul3A_1005 = arith.mulf %gather3A_1002, %gather3A_1003 : vector<16xf32>
        %add3A_1006 = arith.addf %mul3A_1005, %gather3A_1004 : vector<16xf32>
        %add3A_1007 = arith.addf %add3A_1006, %broadcast_in_dim3A_58 : vector<16xf32>
        %bitcast3A_1008 = vector.bitcast %add3A_1007 : vector<16xf32> to vector<16xi32>
        %xor3A_1009 = arith.xori %xor3A_889, %bitcast3A_1008 : vector<16xi32>
        %bitcast3A_1010 = vector.bitcast %add3A_1006 : vector<16xf32> to vector<16xi32>
        %and3A_1011 = arith.constant 2147483647 : i32
        %and3A_1012 = vector.broadcast %and3A_1011 : i32 to vector<16xi32>
        %and3A_1013 = arith.andi %bitcast3A_1010, %and3A_1012 : vector<16xi32>
        %sub3A_1014 = arith.constant 1 : i32
        %sub3A_1015 = vector.broadcast %sub3A_1014 : i32 to vector<16xi32>
        %sub3A_1016 = arith.subi %and3A_1013, %sub3A_1015 : vector<16xi32>
        %min3A_1017 = arith.minui %min3A_897, %sub3A_1016 : vector<16xi32>
        %get3A_1018 = arith.constant 12 : i32
        %get3A_1019 = arith.index_cast %get3A_1018 : i32 to index
        %get3A_1020 = arith.index_cast %mul3A_657 : i32 to index
        %get3A_1021 = tpu.vector_load %arg10[%get3A_1019, %get3A_1020] {strides = array<i32>} : memref<16x512xi32, #tpu.memory_space<vmem>>, vector<16xi32>,
        %and3A_1022 = arith.constant 16777215 : i32
        %and3A_1023 = vector.broadcast %and3A_1022 : i32 to vector<16xi32>
        %and3A_1024 = arith.andi %get3A_1021, %and3A_1023 : vector<16xi32>
        %shift_right_logical3A_1025 = arith.constant 22 : i32
        %shift_right_logical3A_1026 = vector.broadcast %shift_right_logical3A_1025 : i32 to vector<16xi32>
        %shift_right_logical3A_1027 = arith.shrui %get3A_1021, %shift_right_logical3A_1026 : vector<16xi32>
        %and3A_1028 = arith.constant 12 : i32
        %and3A_1029 = vector.broadcast %and3A_1028 : i32 to vector<16xi32>
        %and3A_1030 = arith.andi %shift_right_logical3A_1027, %and3A_1029 : vector<16xi32>
        %add3A_1031 = arith.addi %and3A_1030, %and3A_65 : vector<16xi32>
        %gather3A_1032 = tpu.vector_load_idx %arg8[%and3A_1024] : memref<100000xf32, #tpu.memory_space<vmem>>[vector<16xi32>], vector<16xf32>,
        %gather3A_1033 = tpu.vector_load_idx %arg13[%add3A_1031] : memref<16xf32, #tpu.memory_space<vmem>>[vector<16xi32>], vector<16xf32>,
        %gather3A_1034 = tpu.vector_load_idx %arg14[%add3A_1031] : memref<16xf32, #tpu.memory_space<vmem>>[vector<16xi32>], vector<16xf32>,
        %mul3A_1035 = arith.mulf %gather3A_1032, %gather3A_1033 : vector<16xf32>
        %add3A_1036 = arith.addf %mul3A_1035, %gather3A_1034 : vector<16xf32>
        %add3A_1037 = arith.addf %add3A_1036, %broadcast_in_dim3A_58 : vector<16xf32>
        %bitcast3A_1038 = vector.bitcast %add3A_1037 : vector<16xf32> to vector<16xi32>
        %xor3A_1039 = arith.xori %xor3A_919, %bitcast3A_1038 : vector<16xi32>
        %bitcast3A_1040 = vector.bitcast %add3A_1036 : vector<16xf32> to vector<16xi32>
        %and3A_1041 = arith.constant 2147483647 : i32
        %and3A_1042 = vector.broadcast %and3A_1041 : i32 to vector<16xi32>
        %and3A_1043 = arith.andi %bitcast3A_1040, %and3A_1042 : vector<16xi32>
        %sub3A_1044 = arith.constant 1 : i32
        %sub3A_1045 = vector.broadcast %sub3A_1044 : i32 to vector<16xi32>
        %sub3A_1046 = arith.subi %and3A_1043, %sub3A_1045 : vector<16xi32>
        %min3A_1047 = arith.minui %min3A_927, %sub3A_1046 : vector<16xi32>
        %get3A_1048 = arith.constant 13 : i32
        %get3A_1049 = arith.index_cast %get3A_1048 : i32 to index
        %get3A_1050 = arith.index_cast %mul3A_657 : i32 to index
        %get3A_1051 = tpu.vector_load %arg10[%get3A_1049, %get3A_1050] {strides = array<i32>} : memref<16x512xi32, #tpu.memory_space<vmem>>, vector<16xi32>,
        %and3A_1052 = arith.constant 16777215 : i32
        %and3A_1053 = vector.broadcast %and3A_1052 : i32 to vector<16xi32>
        %and3A_1054 = arith.andi %get3A_1051, %and3A_1053 : vector<16xi32>
        %shift_right_logical3A_1055 = arith.constant 22 : i32
        %shift_right_logical3A_1056 = vector.broadcast %shift_right_logical3A_1055 : i32 to vector<16xi32>
        %shift_right_logical3A_1057 = arith.shrui %get3A_1051, %shift_right_logical3A_1056 : vector<16xi32>
        %and3A_1058 = arith.constant 12 : i32
        %and3A_1059 = vector.broadcast %and3A_1058 : i32 to vector<16xi32>
        %and3A_1060 = arith.andi %shift_right_logical3A_1057, %and3A_1059 : vector<16xi32>
        %add3A_1061 = arith.addi %and3A_1060, %and3A_65 : vector<16xi32>
        %gather3A_1062 = tpu.vector_load_idx %arg8[%and3A_1054] : memref<100000xf32, #tpu.memory_space<vmem>>[vector<16xi32>], vector<16xf32>,
        %gather3A_1063 = tpu.vector_load_idx %arg13[%add3A_1061] : memref<16xf32, #tpu.memory_space<vmem>>[vector<16xi32>], vector<16xf32>,
        %gather3A_1064 = tpu.vector_load_idx %arg14[%add3A_1061] : memref<16xf32, #tpu.memory_space<vmem>>[vector<16xi32>], vector<16xf32>,
        %mul3A_1065 = arith.mulf %gather3A_1062, %gather3A_1063 : vector<16xf32>
        %add3A_1066 = arith.addf %mul3A_1065, %gather3A_1064 : vector<16xf32>
        %add3A_1067 = arith.addf %add3A_1066, %broadcast_in_dim3A_58 : vector<16xf32>
        %bitcast3A_1068 = vector.bitcast %add3A_1067 : vector<16xf32> to vector<16xi32>
        %xor3A_1069 = arith.xori %xor3A_949, %bitcast3A_1068 : vector<16xi32>
        %bitcast3A_1070 = vector.bitcast %add3A_1066 : vector<16xf32> to vector<16xi32>
        %and3A_1071 = arith.constant 2147483647 : i32
        %and3A_1072 = vector.broadcast %and3A_1071 : i32 to vector<16xi32>
        %and3A_1073 = arith.andi %bitcast3A_1070, %and3A_1072 : vector<16xi32>
        %sub3A_1074 = arith.constant 1 : i32
        %sub3A_1075 = vector.broadcast %sub3A_1074 : i32 to vector<16xi32>
        %sub3A_1076 = arith.subi %and3A_1073, %sub3A_1075 : vector<16xi32>
        %min3A_1077 = arith.minui %min3A_957, %sub3A_1076 : vector<16xi32>
        %get3A_1078 = arith.constant 14 : i32
        %get3A_1079 = arith.index_cast %get3A_1078 : i32 to index
        %get3A_1080 = arith.index_cast %mul3A_657 : i32 to index
        %get3A_1081 = tpu.vector_load %arg10[%get3A_1079, %get3A_1080] {strides = array<i32>} : memref<16x512xi32, #tpu.memory_space<vmem>>, vector<16xi32>,
        %and3A_1082 = arith.constant 16777215 : i32
        %and3A_1083 = vector.broadcast %and3A_1082 : i32 to vector<16xi32>
        %and3A_1084 = arith.andi %get3A_1081, %and3A_1083 : vector<16xi32>
        %shift_right_logical3A_1085 = arith.constant 22 : i32
        %shift_right_logical3A_1086 = vector.broadcast %shift_right_logical3A_1085 : i32 to vector<16xi32>
        %shift_right_logical3A_1087 = arith.shrui %get3A_1081, %shift_right_logical3A_1086 : vector<16xi32>
        %and3A_1088 = arith.constant 12 : i32
        %and3A_1089 = vector.broadcast %and3A_1088 : i32 to vector<16xi32>
        %and3A_1090 = arith.andi %shift_right_logical3A_1087, %and3A_1089 : vector<16xi32>
        %add3A_1091 = arith.addi %and3A_1090, %and3A_65 : vector<16xi32>
        %gather3A_1092 = tpu.vector_load_idx %arg8[%and3A_1084] : memref<100000xf32, #tpu.memory_space<vmem>>[vector<16xi32>], vector<16xf32>,
        %gather3A_1093 = tpu.vector_load_idx %arg13[%add3A_1091] : memref<16xf32, #tpu.memory_space<vmem>>[vector<16xi32>], vector<16xf32>,
        %gather3A_1094 = tpu.vector_load_idx %arg14[%add3A_1091] : memref<16xf32, #tpu.memory_space<vmem>>[vector<16xi32>], vector<16xf32>,
        %mul3A_1095 = arith.mulf %gather3A_1092, %gather3A_1093 : vector<16xf32>
        %add3A_1096 = arith.addf %mul3A_1095, %gather3A_1094 : vector<16xf32>
        %add3A_1097 = arith.addf %add3A_1096, %broadcast_in_dim3A_58 : vector<16xf32>
        %bitcast3A_1098 = vector.bitcast %add3A_1097 : vector<16xf32> to vector<16xi32>
        %xor3A_1099 = arith.xori %xor3A_979, %bitcast3A_1098 : vector<16xi32>
        %bitcast3A_1100 = vector.bitcast %add3A_1096 : vector<16xf32> to vector<16xi32>
        %and3A_1101 = arith.constant 2147483647 : i32
        %and3A_1102 = vector.broadcast %and3A_1101 : i32 to vector<16xi32>
        %and3A_1103 = arith.andi %bitcast3A_1100, %and3A_1102 : vector<16xi32>
        %sub3A_1104 = arith.constant 1 : i32
        %sub3A_1105 = vector.broadcast %sub3A_1104 : i32 to vector<16xi32>
        %sub3A_1106 = arith.subi %and3A_1103, %sub3A_1105 : vector<16xi32>
        %min3A_1107 = arith.minui %min3A_987, %sub3A_1106 : vector<16xi32>
        %get3A_1108 = arith.constant 15 : i32
        %get3A_1109 = arith.index_cast %get3A_1108 : i32 to index
        %get3A_1110 = arith.index_cast %mul3A_657 : i32 to index
        %get3A_1111 = tpu.vector_load %arg10[%get3A_1109, %get3A_1110] {strides = array<i32>} : memref<16x512xi32, #tpu.memory_space<vmem>>, vector<16xi32>,
        %and3A_1112 = arith.constant 16777215 : i32
        %and3A_1113 = vector.broadcast %and3A_1112 : i32 to vector<16xi32>
        %and3A_1114 = arith.andi %get3A_1111, %and3A_1113 : vector<16xi32>
        %shift_right_logical3A_1115 = arith.constant 22 : i32
        %shift_right_logical3A_1116 = vector.broadcast %shift_right_logical3A_1115 : i32 to vector<16xi32>
        %shift_right_logical3A_1117 = arith.shrui %get3A_1111, %shift_right_logical3A_1116 : vector<16xi32>
        %and3A_1118 = arith.constant 12 : i32
        %and3A_1119 = vector.broadcast %and3A_1118 : i32 to vector<16xi32>
        %and3A_1120 = arith.andi %shift_right_logical3A_1117, %and3A_1119 : vector<16xi32>
        %add3A_1121 = arith.addi %and3A_1120, %and3A_65 : vector<16xi32>
        %gather3A_1122 = tpu.vector_load_idx %arg8[%and3A_1114] : memref<100000xf32, #tpu.memory_space<vmem>>[vector<16xi32>], vector<16xf32>,
        %gather3A_1123 = tpu.vector_load_idx %arg13[%add3A_1121] : memref<16xf32, #tpu.memory_space<vmem>>[vector<16xi32>], vector<16xf32>,
        %gather3A_1124 = tpu.vector_load_idx %arg14[%add3A_1121] : memref<16xf32, #tpu.memory_space<vmem>>[vector<16xi32>], vector<16xf32>,
        %mul3A_1125 = arith.mulf %gather3A_1122, %gather3A_1123 : vector<16xf32>
        %add3A_1126 = arith.addf %mul3A_1125, %gather3A_1124 : vector<16xf32>
        %add3A_1127 = arith.addf %add3A_1126, %broadcast_in_dim3A_58 : vector<16xf32>
        %bitcast3A_1128 = vector.bitcast %add3A_1127 : vector<16xf32> to vector<16xi32>
        %xor3A_1129 = arith.xori %xor3A_1009, %bitcast3A_1128 : vector<16xi32>
        %bitcast3A_1130 = vector.bitcast %add3A_1126 : vector<16xf32> to vector<16xi32>
        %and3A_1131 = arith.constant 2147483647 : i32
        %and3A_1132 = vector.broadcast %and3A_1131 : i32 to vector<16xi32>
        %and3A_1133 = arith.andi %bitcast3A_1130, %and3A_1132 : vector<16xi32>
        %sub3A_1134 = arith.constant 1 : i32
        %sub3A_1135 = vector.broadcast %sub3A_1134 : i32 to vector<16xi32>
        %sub3A_1136 = arith.subi %and3A_1133, %sub3A_1135 : vector<16xi32>
        %min3A_1137 = arith.minui %min3A_1017, %sub3A_1136 : vector<16xi32>
        %xor3A_1138 = arith.xori %xor3A_1039, %xor3A_1069 : vector<16xi32>
        %xor3A_1139 = arith.xori %xor3A_1099, %xor3A_1129 : vector<16xi32>
        %xor3A_1140 = arith.xori %xor3A_1138, %xor3A_1139 : vector<16xi32>
        %min3A_1141 = arith.minui %min3A_1047, %min3A_1077 : vector<16xi32>
        %min3A_1142 = arith.minui %min3A_1107, %min3A_1137 : vector<16xi32>
        %min3A_1143 = arith.minui %min3A_1141, %min3A_1142 : vector<16xi32>
        %add3A_1144 = arith.constant 1 : i32
        %add3A_1145 = vector.broadcast %add3A_1144 : i32 to vector<16xi32>
        %add3A_1146 = arith.addi %min3A_1143, %add3A_1145 : vector<16xi32>
        %bitcast3A_1147 = vector.bitcast %add3A_1146 : vector<16xi32> to vector<16xf32>
        %and3A_1148 = arith.constant -2147483648 : i32
        %and3A_1149 = vector.broadcast %and3A_1148 : i32 to vector<16xi32>
        %and3A_1150 = arith.andi %xor3A_1140, %and3A_1149 : vector<16xi32>
        %or3A_1151 = arith.constant 1065353216 : i32
        %or3A_1152 = vector.broadcast %or3A_1151 : i32 to vector<16xi32>
        %or3A_1153 = arith.ori %and3A_1150, %or3A_1152 : vector<16xi32>
        %bitcast3A_1154 = vector.bitcast %or3A_1153 : vector<16xi32> to vector<16xf32>
        %mul3A_1155 = arith.mulf %get3A_53, %bitcast3A_1147 : vector<16xf32>
        %add3A_1156 = arith.addf %mul3A_1155, %get3A_57 : vector<16xf32>
        %mul3A_1157 = arith.mulf %bitcast3A_1154, %add3A_1156 : vector<16xf32>
        %swap3A_1158 = arith.index_cast %mul3A_657 : i32 to index
        %swap3A_1159 = tpu.vector_load %arg12[%swap3A_1158] {strides = array<i32>} : memref<512xf32, #tpu.memory_space<vmem>>, vector<16xf32>,
        tpu.vector_store %arg12[%swap3A_1158], %mul3A_1157 {strides = array<i32>} : memref<512xf32, #tpu.memory_space<vmem>>, vector<16xf32>,
        %mul3A_1160 = arith.constant 4 : i32
        %mul3A_1161 = arith.muli %mul3A_1160, %scan3A_150 : i32
        %add3A_1162 = arith.constant 2 : i32
        %add3A_1163 = arith.addi %mul3A_1161, %add3A_1162 : i32
        %mul3A_1164 = arith.constant 16 : i32
        %mul3A_1165 = arith.muli %add3A_1163, %mul3A_1164 : i32
        %get3A_1166 = arith.constant 0 : i32
        %get3A_1167 = arith.index_cast %get3A_1166 : i32 to index
        %get3A_1168 = arith.index_cast %mul3A_1165 : i32 to index
        %get3A_1169 = tpu.vector_load %arg10[%get3A_1167, %get3A_1168] {strides = array<i32>} : memref<16x512xi32, #tpu.memory_space<vmem>>, vector<16xi32>,
        %and3A_1170 = arith.constant 16777215 : i32
        %and3A_1171 = vector.broadcast %and3A_1170 : i32 to vector<16xi32>
        %and3A_1172 = arith.andi %get3A_1169, %and3A_1171 : vector<16xi32>
        %shift_right_logical3A_1173 = arith.constant 22 : i32
        %shift_right_logical3A_1174 = vector.broadcast %shift_right_logical3A_1173 : i32 to vector<16xi32>
        %shift_right_logical3A_1175 = arith.shrui %get3A_1169, %shift_right_logical3A_1174 : vector<16xi32>
        %and3A_1176 = arith.constant 12 : i32
        %and3A_1177 = vector.broadcast %and3A_1176 : i32 to vector<16xi32>
        %and3A_1178 = arith.andi %shift_right_logical3A_1175, %and3A_1177 : vector<16xi32>
        %add3A_1179 = arith.addi %and3A_1178, %and3A_65 : vector<16xi32>
        %gather3A_1180 = tpu.vector_load_idx %arg8[%and3A_1172] : memref<100000xf32, #tpu.memory_space<vmem>>[vector<16xi32>], vector<16xf32>,
        %gather3A_1181 = tpu.vector_load_idx %arg13[%add3A_1179] : memref<16xf32, #tpu.memory_space<vmem>>[vector<16xi32>], vector<16xf32>,
        %gather3A_1182 = tpu.vector_load_idx %arg14[%add3A_1179] : memref<16xf32, #tpu.memory_space<vmem>>[vector<16xi32>], vector<16xf32>,
        %mul3A_1183 = arith.mulf %gather3A_1180, %gather3A_1181 : vector<16xf32>
        %add3A_1184 = arith.addf %mul3A_1183, %gather3A_1182 : vector<16xf32>
        %add3A_1185 = arith.addf %add3A_1184, %broadcast_in_dim3A_58 : vector<16xf32>
        %bitcast3A_1186 = vector.bitcast %add3A_1185 : vector<16xf32> to vector<16xi32>
        %xor3A_1187 = arith.xori %broadcast_in_dim3A_60, %bitcast3A_1186 : vector<16xi32>
        %bitcast3A_1188 = vector.bitcast %add3A_1184 : vector<16xf32> to vector<16xi32>
        %and3A_1189 = arith.constant 2147483647 : i32
        %and3A_1190 = vector.broadcast %and3A_1189 : i32 to vector<16xi32>
        %and3A_1191 = arith.andi %bitcast3A_1188, %and3A_1190 : vector<16xi32>
        %sub3A_1192 = arith.constant 1 : i32
        %sub3A_1193 = vector.broadcast %sub3A_1192 : i32 to vector<16xi32>
        %sub3A_1194 = arith.subi %and3A_1191, %sub3A_1193 : vector<16xi32>
        %min3A_1195 = arith.minui %broadcast_in_dim3A_62, %sub3A_1194 : vector<16xi32>
        %get3A_1196 = arith.constant 1 : i32
        %get3A_1197 = arith.index_cast %get3A_1196 : i32 to index
        %get3A_1198 = arith.index_cast %mul3A_1165 : i32 to index
        %get3A_1199 = tpu.vector_load %arg10[%get3A_1197, %get3A_1198] {strides = array<i32>} : memref<16x512xi32, #tpu.memory_space<vmem>>, vector<16xi32>,
        %and3A_1200 = arith.constant 16777215 : i32
        %and3A_1201 = vector.broadcast %and3A_1200 : i32 to vector<16xi32>
        %and3A_1202 = arith.andi %get3A_1199, %and3A_1201 : vector<16xi32>
        %shift_right_logical3A_1203 = arith.constant 22 : i32
        %shift_right_logical3A_1204 = vector.broadcast %shift_right_logical3A_1203 : i32 to vector<16xi32>
        %shift_right_logical3A_1205 = arith.shrui %get3A_1199, %shift_right_logical3A_1204 : vector<16xi32>
        %and3A_1206 = arith.constant 12 : i32
        %and3A_1207 = vector.broadcast %and3A_1206 : i32 to vector<16xi32>
        %and3A_1208 = arith.andi %shift_right_logical3A_1205, %and3A_1207 : vector<16xi32>
        %add3A_1209 = arith.addi %and3A_1208, %and3A_65 : vector<16xi32>
        %gather3A_1210 = tpu.vector_load_idx %arg8[%and3A_1202] : memref<100000xf32, #tpu.memory_space<vmem>>[vector<16xi32>], vector<16xf32>,
        %gather3A_1211 = tpu.vector_load_idx %arg13[%add3A_1209] : memref<16xf32, #tpu.memory_space<vmem>>[vector<16xi32>], vector<16xf32>,
        %gather3A_1212 = tpu.vector_load_idx %arg14[%add3A_1209] : memref<16xf32, #tpu.memory_space<vmem>>[vector<16xi32>], vector<16xf32>,
        %mul3A_1213 = arith.mulf %gather3A_1210, %gather3A_1211 : vector<16xf32>
        %add3A_1214 = arith.addf %mul3A_1213, %gather3A_1212 : vector<16xf32>
        %add3A_1215 = arith.addf %add3A_1214, %broadcast_in_dim3A_58 : vector<16xf32>
        %bitcast3A_1216 = vector.bitcast %add3A_1215 : vector<16xf32> to vector<16xi32>
        %xor3A_1217 = arith.xori %broadcast_in_dim3A_60, %bitcast3A_1216 : vector<16xi32>
        %bitcast3A_1218 = vector.bitcast %add3A_1214 : vector<16xf32> to vector<16xi32>
        %and3A_1219 = arith.constant 2147483647 : i32
        %and3A_1220 = vector.broadcast %and3A_1219 : i32 to vector<16xi32>
        %and3A_1221 = arith.andi %bitcast3A_1218, %and3A_1220 : vector<16xi32>
        %sub3A_1222 = arith.constant 1 : i32
        %sub3A_1223 = vector.broadcast %sub3A_1222 : i32 to vector<16xi32>
        %sub3A_1224 = arith.subi %and3A_1221, %sub3A_1223 : vector<16xi32>
        %min3A_1225 = arith.minui %broadcast_in_dim3A_62, %sub3A_1224 : vector<16xi32>
        %get3A_1226 = arith.constant 2 : i32
        %get3A_1227 = arith.index_cast %get3A_1226 : i32 to index
        %get3A_1228 = arith.index_cast %mul3A_1165 : i32 to index
        %get3A_1229 = tpu.vector_load %arg10[%get3A_1227, %get3A_1228] {strides = array<i32>} : memref<16x512xi32, #tpu.memory_space<vmem>>, vector<16xi32>,
        %and3A_1230 = arith.constant 16777215 : i32
        %and3A_1231 = vector.broadcast %and3A_1230 : i32 to vector<16xi32>
        %and3A_1232 = arith.andi %get3A_1229, %and3A_1231 : vector<16xi32>
        %shift_right_logical3A_1233 = arith.constant 22 : i32
        %shift_right_logical3A_1234 = vector.broadcast %shift_right_logical3A_1233 : i32 to vector<16xi32>
        %shift_right_logical3A_1235 = arith.shrui %get3A_1229, %shift_right_logical3A_1234 : vector<16xi32>
        %and3A_1236 = arith.constant 12 : i32
        %and3A_1237 = vector.broadcast %and3A_1236 : i32 to vector<16xi32>
        %and3A_1238 = arith.andi %shift_right_logical3A_1235, %and3A_1237 : vector<16xi32>
        %add3A_1239 = arith.addi %and3A_1238, %and3A_65 : vector<16xi32>
        %gather3A_1240 = tpu.vector_load_idx %arg8[%and3A_1232] : memref<100000xf32, #tpu.memory_space<vmem>>[vector<16xi32>], vector<16xf32>,
        %gather3A_1241 = tpu.vector_load_idx %arg13[%add3A_1239] : memref<16xf32, #tpu.memory_space<vmem>>[vector<16xi32>], vector<16xf32>,
        %gather3A_1242 = tpu.vector_load_idx %arg14[%add3A_1239] : memref<16xf32, #tpu.memory_space<vmem>>[vector<16xi32>], vector<16xf32>,
        %mul3A_1243 = arith.mulf %gather3A_1240, %gather3A_1241 : vector<16xf32>
        %add3A_1244 = arith.addf %mul3A_1243, %gather3A_1242 : vector<16xf32>
        %add3A_1245 = arith.addf %add3A_1244, %broadcast_in_dim3A_58 : vector<16xf32>
        %bitcast3A_1246 = vector.bitcast %add3A_1245 : vector<16xf32> to vector<16xi32>
        %xor3A_1247 = arith.xori %broadcast_in_dim3A_60, %bitcast3A_1246 : vector<16xi32>
        %bitcast3A_1248 = vector.bitcast %add3A_1244 : vector<16xf32> to vector<16xi32>
        %and3A_1249 = arith.constant 2147483647 : i32
        %and3A_1250 = vector.broadcast %and3A_1249 : i32 to vector<16xi32>
        %and3A_1251 = arith.andi %bitcast3A_1248, %and3A_1250 : vector<16xi32>
        %sub3A_1252 = arith.constant 1 : i32
        %sub3A_1253 = vector.broadcast %sub3A_1252 : i32 to vector<16xi32>
        %sub3A_1254 = arith.subi %and3A_1251, %sub3A_1253 : vector<16xi32>
        %min3A_1255 = arith.minui %broadcast_in_dim3A_62, %sub3A_1254 : vector<16xi32>
        %get3A_1256 = arith.constant 3 : i32
        %get3A_1257 = arith.index_cast %get3A_1256 : i32 to index
        %get3A_1258 = arith.index_cast %mul3A_1165 : i32 to index
        %get3A_1259 = tpu.vector_load %arg10[%get3A_1257, %get3A_1258] {strides = array<i32>} : memref<16x512xi32, #tpu.memory_space<vmem>>, vector<16xi32>,
        %and3A_1260 = arith.constant 16777215 : i32
        %and3A_1261 = vector.broadcast %and3A_1260 : i32 to vector<16xi32>
        %and3A_1262 = arith.andi %get3A_1259, %and3A_1261 : vector<16xi32>
        %shift_right_logical3A_1263 = arith.constant 22 : i32
        %shift_right_logical3A_1264 = vector.broadcast %shift_right_logical3A_1263 : i32 to vector<16xi32>
        %shift_right_logical3A_1265 = arith.shrui %get3A_1259, %shift_right_logical3A_1264 : vector<16xi32>
        %and3A_1266 = arith.constant 12 : i32
        %and3A_1267 = vector.broadcast %and3A_1266 : i32 to vector<16xi32>
        %and3A_1268 = arith.andi %shift_right_logical3A_1265, %and3A_1267 : vector<16xi32>
        %add3A_1269 = arith.addi %and3A_1268, %and3A_65 : vector<16xi32>
        %gather3A_1270 = tpu.vector_load_idx %arg8[%and3A_1262] : memref<100000xf32, #tpu.memory_space<vmem>>[vector<16xi32>], vector<16xf32>,
        %gather3A_1271 = tpu.vector_load_idx %arg13[%add3A_1269] : memref<16xf32, #tpu.memory_space<vmem>>[vector<16xi32>], vector<16xf32>,
        %gather3A_1272 = tpu.vector_load_idx %arg14[%add3A_1269] : memref<16xf32, #tpu.memory_space<vmem>>[vector<16xi32>], vector<16xf32>,
        %mul3A_1273 = arith.mulf %gather3A_1270, %gather3A_1271 : vector<16xf32>
        %add3A_1274 = arith.addf %mul3A_1273, %gather3A_1272 : vector<16xf32>
        %add3A_1275 = arith.addf %add3A_1274, %broadcast_in_dim3A_58 : vector<16xf32>
        %bitcast3A_1276 = vector.bitcast %add3A_1275 : vector<16xf32> to vector<16xi32>
        %xor3A_1277 = arith.xori %broadcast_in_dim3A_60, %bitcast3A_1276 : vector<16xi32>
        %bitcast3A_1278 = vector.bitcast %add3A_1274 : vector<16xf32> to vector<16xi32>
        %and3A_1279 = arith.constant 2147483647 : i32
        %and3A_1280 = vector.broadcast %and3A_1279 : i32 to vector<16xi32>
        %and3A_1281 = arith.andi %bitcast3A_1278, %and3A_1280 : vector<16xi32>
        %sub3A_1282 = arith.constant 1 : i32
        %sub3A_1283 = vector.broadcast %sub3A_1282 : i32 to vector<16xi32>
        %sub3A_1284 = arith.subi %and3A_1281, %sub3A_1283 : vector<16xi32>
        %min3A_1285 = arith.minui %broadcast_in_dim3A_62, %sub3A_1284 : vector<16xi32>
        %get3A_1286 = arith.constant 4 : i32
        %get3A_1287 = arith.index_cast %get3A_1286 : i32 to index
        %get3A_1288 = arith.index_cast %mul3A_1165 : i32 to index
        %get3A_1289 = tpu.vector_load %arg10[%get3A_1287, %get3A_1288] {strides = array<i32>} : memref<16x512xi32, #tpu.memory_space<vmem>>, vector<16xi32>,
        %and3A_1290 = arith.constant 16777215 : i32
        %and3A_1291 = vector.broadcast %and3A_1290 : i32 to vector<16xi32>
        %and3A_1292 = arith.andi %get3A_1289, %and3A_1291 : vector<16xi32>
        %shift_right_logical3A_1293 = arith.constant 22 : i32
        %shift_right_logical3A_1294 = vector.broadcast %shift_right_logical3A_1293 : i32 to vector<16xi32>
        %shift_right_logical3A_1295 = arith.shrui %get3A_1289, %shift_right_logical3A_1294 : vector<16xi32>
        %and3A_1296 = arith.constant 12 : i32
        %and3A_1297 = vector.broadcast %and3A_1296 : i32 to vector<16xi32>
        %and3A_1298 = arith.andi %shift_right_logical3A_1295, %and3A_1297 : vector<16xi32>
        %add3A_1299 = arith.addi %and3A_1298, %and3A_65 : vector<16xi32>
        %gather3A_1300 = tpu.vector_load_idx %arg8[%and3A_1292] : memref<100000xf32, #tpu.memory_space<vmem>>[vector<16xi32>], vector<16xf32>,
        %gather3A_1301 = tpu.vector_load_idx %arg13[%add3A_1299] : memref<16xf32, #tpu.memory_space<vmem>>[vector<16xi32>], vector<16xf32>,
        %gather3A_1302 = tpu.vector_load_idx %arg14[%add3A_1299] : memref<16xf32, #tpu.memory_space<vmem>>[vector<16xi32>], vector<16xf32>,
        %mul3A_1303 = arith.mulf %gather3A_1300, %gather3A_1301 : vector<16xf32>
        %add3A_1304 = arith.addf %mul3A_1303, %gather3A_1302 : vector<16xf32>
        %add3A_1305 = arith.addf %add3A_1304, %broadcast_in_dim3A_58 : vector<16xf32>
        %bitcast3A_1306 = vector.bitcast %add3A_1305 : vector<16xf32> to vector<16xi32>
        %xor3A_1307 = arith.xori %xor3A_1187, %bitcast3A_1306 : vector<16xi32>
        %bitcast3A_1308 = vector.bitcast %add3A_1304 : vector<16xf32> to vector<16xi32>
        %and3A_1309 = arith.constant 2147483647 : i32
        %and3A_1310 = vector.broadcast %and3A_1309 : i32 to vector<16xi32>
        %and3A_1311 = arith.andi %bitcast3A_1308, %and3A_1310 : vector<16xi32>
        %sub3A_1312 = arith.constant 1 : i32
        %sub3A_1313 = vector.broadcast %sub3A_1312 : i32 to vector<16xi32>
        %sub3A_1314 = arith.subi %and3A_1311, %sub3A_1313 : vector<16xi32>
        %min3A_1315 = arith.minui %min3A_1195, %sub3A_1314 : vector<16xi32>
        %get3A_1316 = arith.constant 5 : i32
        %get3A_1317 = arith.index_cast %get3A_1316 : i32 to index
        %get3A_1318 = arith.index_cast %mul3A_1165 : i32 to index
        %get3A_1319 = tpu.vector_load %arg10[%get3A_1317, %get3A_1318] {strides = array<i32>} : memref<16x512xi32, #tpu.memory_space<vmem>>, vector<16xi32>,
        %and3A_1320 = arith.constant 16777215 : i32
        %and3A_1321 = vector.broadcast %and3A_1320 : i32 to vector<16xi32>
        %and3A_1322 = arith.andi %get3A_1319, %and3A_1321 : vector<16xi32>
        %shift_right_logical3A_1323 = arith.constant 22 : i32
        %shift_right_logical3A_1324 = vector.broadcast %shift_right_logical3A_1323 : i32 to vector<16xi32>
        %shift_right_logical3A_1325 = arith.shrui %get3A_1319, %shift_right_logical3A_1324 : vector<16xi32>
        %and3A_1326 = arith.constant 12 : i32
        %and3A_1327 = vector.broadcast %and3A_1326 : i32 to vector<16xi32>
        %and3A_1328 = arith.andi %shift_right_logical3A_1325, %and3A_1327 : vector<16xi32>
        %add3A_1329 = arith.addi %and3A_1328, %and3A_65 : vector<16xi32>
        %gather3A_1330 = tpu.vector_load_idx %arg8[%and3A_1322] : memref<100000xf32, #tpu.memory_space<vmem>>[vector<16xi32>], vector<16xf32>,
        %gather3A_1331 = tpu.vector_load_idx %arg13[%add3A_1329] : memref<16xf32, #tpu.memory_space<vmem>>[vector<16xi32>], vector<16xf32>,
        %gather3A_1332 = tpu.vector_load_idx %arg14[%add3A_1329] : memref<16xf32, #tpu.memory_space<vmem>>[vector<16xi32>], vector<16xf32>,
        %mul3A_1333 = arith.mulf %gather3A_1330, %gather3A_1331 : vector<16xf32>
        %add3A_1334 = arith.addf %mul3A_1333, %gather3A_1332 : vector<16xf32>
        %add3A_1335 = arith.addf %add3A_1334, %broadcast_in_dim3A_58 : vector<16xf32>
        %bitcast3A_1336 = vector.bitcast %add3A_1335 : vector<16xf32> to vector<16xi32>
        %xor3A_1337 = arith.xori %xor3A_1217, %bitcast3A_1336 : vector<16xi32>
        %bitcast3A_1338 = vector.bitcast %add3A_1334 : vector<16xf32> to vector<16xi32>
        %and3A_1339 = arith.constant 2147483647 : i32
        %and3A_1340 = vector.broadcast %and3A_1339 : i32 to vector<16xi32>
        %and3A_1341 = arith.andi %bitcast3A_1338, %and3A_1340 : vector<16xi32>
        %sub3A_1342 = arith.constant 1 : i32
        %sub3A_1343 = vector.broadcast %sub3A_1342 : i32 to vector<16xi32>
        %sub3A_1344 = arith.subi %and3A_1341, %sub3A_1343 : vector<16xi32>
        %min3A_1345 = arith.minui %min3A_1225, %sub3A_1344 : vector<16xi32>
        %get3A_1346 = arith.constant 6 : i32
        %get3A_1347 = arith.index_cast %get3A_1346 : i32 to index
        %get3A_1348 = arith.index_cast %mul3A_1165 : i32 to index
        %get3A_1349 = tpu.vector_load %arg10[%get3A_1347, %get3A_1348] {strides = array<i32>} : memref<16x512xi32, #tpu.memory_space<vmem>>, vector<16xi32>,
        %and3A_1350 = arith.constant 16777215 : i32
        %and3A_1351 = vector.broadcast %and3A_1350 : i32 to vector<16xi32>
        %and3A_1352 = arith.andi %get3A_1349, %and3A_1351 : vector<16xi32>
        %shift_right_logical3A_1353 = arith.constant 22 : i32
        %shift_right_logical3A_1354 = vector.broadcast %shift_right_logical3A_1353 : i32 to vector<16xi32>
        %shift_right_logical3A_1355 = arith.shrui %get3A_1349, %shift_right_logical3A_1354 : vector<16xi32>
        %and3A_1356 = arith.constant 12 : i32
        %and3A_1357 = vector.broadcast %and3A_1356 : i32 to vector<16xi32>
        %and3A_1358 = arith.andi %shift_right_logical3A_1355, %and3A_1357 : vector<16xi32>
        %add3A_1359 = arith.addi %and3A_1358, %and3A_65 : vector<16xi32>
        %gather3A_1360 = tpu.vector_load_idx %arg8[%and3A_1352] : memref<100000xf32, #tpu.memory_space<vmem>>[vector<16xi32>], vector<16xf32>,
        %gather3A_1361 = tpu.vector_load_idx %arg13[%add3A_1359] : memref<16xf32, #tpu.memory_space<vmem>>[vector<16xi32>], vector<16xf32>,
        %gather3A_1362 = tpu.vector_load_idx %arg14[%add3A_1359] : memref<16xf32, #tpu.memory_space<vmem>>[vector<16xi32>], vector<16xf32>,
        %mul3A_1363 = arith.mulf %gather3A_1360, %gather3A_1361 : vector<16xf32>
        %add3A_1364 = arith.addf %mul3A_1363, %gather3A_1362 : vector<16xf32>
        %add3A_1365 = arith.addf %add3A_1364, %broadcast_in_dim3A_58 : vector<16xf32>
        %bitcast3A_1366 = vector.bitcast %add3A_1365 : vector<16xf32> to vector<16xi32>
        %xor3A_1367 = arith.xori %xor3A_1247, %bitcast3A_1366 : vector<16xi32>
        %bitcast3A_1368 = vector.bitcast %add3A_1364 : vector<16xf32> to vector<16xi32>
        %and3A_1369 = arith.constant 2147483647 : i32
        %and3A_1370 = vector.broadcast %and3A_1369 : i32 to vector<16xi32>
        %and3A_1371 = arith.andi %bitcast3A_1368, %and3A_1370 : vector<16xi32>
        %sub3A_1372 = arith.constant 1 : i32
        %sub3A_1373 = vector.broadcast %sub3A_1372 : i32 to vector<16xi32>
        %sub3A_1374 = arith.subi %and3A_1371, %sub3A_1373 : vector<16xi32>
        %min3A_1375 = arith.minui %min3A_1255, %sub3A_1374 : vector<16xi32>
        %get3A_1376 = arith.constant 7 : i32
        %get3A_1377 = arith.index_cast %get3A_1376 : i32 to index
        %get3A_1378 = arith.index_cast %mul3A_1165 : i32 to index
        %get3A_1379 = tpu.vector_load %arg10[%get3A_1377, %get3A_1378] {strides = array<i32>} : memref<16x512xi32, #tpu.memory_space<vmem>>, vector<16xi32>,
        %and3A_1380 = arith.constant 16777215 : i32
        %and3A_1381 = vector.broadcast %and3A_1380 : i32 to vector<16xi32>
        %and3A_1382 = arith.andi %get3A_1379, %and3A_1381 : vector<16xi32>
        %shift_right_logical3A_1383 = arith.constant 22 : i32
        %shift_right_logical3A_1384 = vector.broadcast %shift_right_logical3A_1383 : i32 to vector<16xi32>
        %shift_right_logical3A_1385 = arith.shrui %get3A_1379, %shift_right_logical3A_1384 : vector<16xi32>
        %and3A_1386 = arith.constant 12 : i32
        %and3A_1387 = vector.broadcast %and3A_1386 : i32 to vector<16xi32>
        %and3A_1388 = arith.andi %shift_right_logical3A_1385, %and3A_1387 : vector<16xi32>
        %add3A_1389 = arith.addi %and3A_1388, %and3A_65 : vector<16xi32>
        %gather3A_1390 = tpu.vector_load_idx %arg8[%and3A_1382] : memref<100000xf32, #tpu.memory_space<vmem>>[vector<16xi32>], vector<16xf32>,
        %gather3A_1391 = tpu.vector_load_idx %arg13[%add3A_1389] : memref<16xf32, #tpu.memory_space<vmem>>[vector<16xi32>], vector<16xf32>,
        %gather3A_1392 = tpu.vector_load_idx %arg14[%add3A_1389] : memref<16xf32, #tpu.memory_space<vmem>>[vector<16xi32>], vector<16xf32>,
        %mul3A_1393 = arith.mulf %gather3A_1390, %gather3A_1391 : vector<16xf32>
        %add3A_1394 = arith.addf %mul3A_1393, %gather3A_1392 : vector<16xf32>
        %add3A_1395 = arith.addf %add3A_1394, %broadcast_in_dim3A_58 : vector<16xf32>
        %bitcast3A_1396 = vector.bitcast %add3A_1395 : vector<16xf32> to vector<16xi32>
        %xor3A_1397 = arith.xori %xor3A_1277, %bitcast3A_1396 : vector<16xi32>
        %bitcast3A_1398 = vector.bitcast %add3A_1394 : vector<16xf32> to vector<16xi32>
        %and3A_1399 = arith.constant 2147483647 : i32
        %and3A_1400 = vector.broadcast %and3A_1399 : i32 to vector<16xi32>
        %and3A_1401 = arith.andi %bitcast3A_1398, %and3A_1400 : vector<16xi32>
        %sub3A_1402 = arith.constant 1 : i32
        %sub3A_1403 = vector.broadcast %sub3A_1402 : i32 to vector<16xi32>
        %sub3A_1404 = arith.subi %and3A_1401, %sub3A_1403 : vector<16xi32>
        %min3A_1405 = arith.minui %min3A_1285, %sub3A_1404 : vector<16xi32>
        %get3A_1406 = arith.constant 8 : i32
        %get3A_1407 = arith.index_cast %get3A_1406 : i32 to index
        %get3A_1408 = arith.index_cast %mul3A_1165 : i32 to index
        %get3A_1409 = tpu.vector_load %arg10[%get3A_1407, %get3A_1408] {strides = array<i32>} : memref<16x512xi32, #tpu.memory_space<vmem>>, vector<16xi32>,
        %and3A_1410 = arith.constant 16777215 : i32
        %and3A_1411 = vector.broadcast %and3A_1410 : i32 to vector<16xi32>
        %and3A_1412 = arith.andi %get3A_1409, %and3A_1411 : vector<16xi32>
        %shift_right_logical3A_1413 = arith.constant 22 : i32
        %shift_right_logical3A_1414 = vector.broadcast %shift_right_logical3A_1413 : i32 to vector<16xi32>
        %shift_right_logical3A_1415 = arith.shrui %get3A_1409, %shift_right_logical3A_1414 : vector<16xi32>
        %and3A_1416 = arith.constant 12 : i32
        %and3A_1417 = vector.broadcast %and3A_1416 : i32 to vector<16xi32>
        %and3A_1418 = arith.andi %shift_right_logical3A_1415, %and3A_1417 : vector<16xi32>
        %add3A_1419 = arith.addi %and3A_1418, %and3A_65 : vector<16xi32>
        %gather3A_1420 = tpu.vector_load_idx %arg8[%and3A_1412] : memref<100000xf32, #tpu.memory_space<vmem>>[vector<16xi32>], vector<16xf32>,
        %gather3A_1421 = tpu.vector_load_idx %arg13[%add3A_1419] : memref<16xf32, #tpu.memory_space<vmem>>[vector<16xi32>], vector<16xf32>,
        %gather3A_1422 = tpu.vector_load_idx %arg14[%add3A_1419] : memref<16xf32, #tpu.memory_space<vmem>>[vector<16xi32>], vector<16xf32>,
        %mul3A_1423 = arith.mulf %gather3A_1420, %gather3A_1421 : vector<16xf32>
        %add3A_1424 = arith.addf %mul3A_1423, %gather3A_1422 : vector<16xf32>
        %add3A_1425 = arith.addf %add3A_1424, %broadcast_in_dim3A_58 : vector<16xf32>
        %bitcast3A_1426 = vector.bitcast %add3A_1425 : vector<16xf32> to vector<16xi32>
        %xor3A_1427 = arith.xori %xor3A_1307, %bitcast3A_1426 : vector<16xi32>
        %bitcast3A_1428 = vector.bitcast %add3A_1424 : vector<16xf32> to vector<16xi32>
        %and3A_1429 = arith.constant 2147483647 : i32
        %and3A_1430 = vector.broadcast %and3A_1429 : i32 to vector<16xi32>
        %and3A_1431 = arith.andi %bitcast3A_1428, %and3A_1430 : vector<16xi32>
        %sub3A_1432 = arith.constant 1 : i32
        %sub3A_1433 = vector.broadcast %sub3A_1432 : i32 to vector<16xi32>
        %sub3A_1434 = arith.subi %and3A_1431, %sub3A_1433 : vector<16xi32>
        %min3A_1435 = arith.minui %min3A_1315, %sub3A_1434 : vector<16xi32>
        %get3A_1436 = arith.constant 9 : i32
        %get3A_1437 = arith.index_cast %get3A_1436 : i32 to index
        %get3A_1438 = arith.index_cast %mul3A_1165 : i32 to index
        %get3A_1439 = tpu.vector_load %arg10[%get3A_1437, %get3A_1438] {strides = array<i32>} : memref<16x512xi32, #tpu.memory_space<vmem>>, vector<16xi32>,
        %and3A_1440 = arith.constant 16777215 : i32
        %and3A_1441 = vector.broadcast %and3A_1440 : i32 to vector<16xi32>
        %and3A_1442 = arith.andi %get3A_1439, %and3A_1441 : vector<16xi32>
        %shift_right_logical3A_1443 = arith.constant 22 : i32
        %shift_right_logical3A_1444 = vector.broadcast %shift_right_logical3A_1443 : i32 to vector<16xi32>
        %shift_right_logical3A_1445 = arith.shrui %get3A_1439, %shift_right_logical3A_1444 : vector<16xi32>
        %and3A_1446 = arith.constant 12 : i32
        %and3A_1447 = vector.broadcast %and3A_1446 : i32 to vector<16xi32>
        %and3A_1448 = arith.andi %shift_right_logical3A_1445, %and3A_1447 : vector<16xi32>
        %add3A_1449 = arith.addi %and3A_1448, %and3A_65 : vector<16xi32>
        %gather3A_1450 = tpu.vector_load_idx %arg8[%and3A_1442] : memref<100000xf32, #tpu.memory_space<vmem>>[vector<16xi32>], vector<16xf32>,
        %gather3A_1451 = tpu.vector_load_idx %arg13[%add3A_1449] : memref<16xf32, #tpu.memory_space<vmem>>[vector<16xi32>], vector<16xf32>,
        %gather3A_1452 = tpu.vector_load_idx %arg14[%add3A_1449] : memref<16xf32, #tpu.memory_space<vmem>>[vector<16xi32>], vector<16xf32>,
        %mul3A_1453 = arith.mulf %gather3A_1450, %gather3A_1451 : vector<16xf32>
        %add3A_1454 = arith.addf %mul3A_1453, %gather3A_1452 : vector<16xf32>
        %add3A_1455 = arith.addf %add3A_1454, %broadcast_in_dim3A_58 : vector<16xf32>
        %bitcast3A_1456 = vector.bitcast %add3A_1455 : vector<16xf32> to vector<16xi32>
        %xor3A_1457 = arith.xori %xor3A_1337, %bitcast3A_1456 : vector<16xi32>
        %bitcast3A_1458 = vector.bitcast %add3A_1454 : vector<16xf32> to vector<16xi32>
        %and3A_1459 = arith.constant 2147483647 : i32
        %and3A_1460 = vector.broadcast %and3A_1459 : i32 to vector<16xi32>
        %and3A_1461 = arith.andi %bitcast3A_1458, %and3A_1460 : vector<16xi32>
        %sub3A_1462 = arith.constant 1 : i32
        %sub3A_1463 = vector.broadcast %sub3A_1462 : i32 to vector<16xi32>
        %sub3A_1464 = arith.subi %and3A_1461, %sub3A_1463 : vector<16xi32>
        %min3A_1465 = arith.minui %min3A_1345, %sub3A_1464 : vector<16xi32>
        %get3A_1466 = arith.constant 10 : i32
        %get3A_1467 = arith.index_cast %get3A_1466 : i32 to index
        %get3A_1468 = arith.index_cast %mul3A_1165 : i32 to index
        %get3A_1469 = tpu.vector_load %arg10[%get3A_1467, %get3A_1468] {strides = array<i32>} : memref<16x512xi32, #tpu.memory_space<vmem>>, vector<16xi32>,
        %and3A_1470 = arith.constant 16777215 : i32
        %and3A_1471 = vector.broadcast %and3A_1470 : i32 to vector<16xi32>
        %and3A_1472 = arith.andi %get3A_1469, %and3A_1471 : vector<16xi32>
        %shift_right_logical3A_1473 = arith.constant 22 : i32
        %shift_right_logical3A_1474 = vector.broadcast %shift_right_logical3A_1473 : i32 to vector<16xi32>
        %shift_right_logical3A_1475 = arith.shrui %get3A_1469, %shift_right_logical3A_1474 : vector<16xi32>
        %and3A_1476 = arith.constant 12 : i32
        %and3A_1477 = vector.broadcast %and3A_1476 : i32 to vector<16xi32>
        %and3A_1478 = arith.andi %shift_right_logical3A_1475, %and3A_1477 : vector<16xi32>
        %add3A_1479 = arith.addi %and3A_1478, %and3A_65 : vector<16xi32>
        %gather3A_1480 = tpu.vector_load_idx %arg8[%and3A_1472] : memref<100000xf32, #tpu.memory_space<vmem>>[vector<16xi32>], vector<16xf32>,
        %gather3A_1481 = tpu.vector_load_idx %arg13[%add3A_1479] : memref<16xf32, #tpu.memory_space<vmem>>[vector<16xi32>], vector<16xf32>,
        %gather3A_1482 = tpu.vector_load_idx %arg14[%add3A_1479] : memref<16xf32, #tpu.memory_space<vmem>>[vector<16xi32>], vector<16xf32>,
        %mul3A_1483 = arith.mulf %gather3A_1480, %gather3A_1481 : vector<16xf32>
        %add3A_1484 = arith.addf %mul3A_1483, %gather3A_1482 : vector<16xf32>
        %add3A_1485 = arith.addf %add3A_1484, %broadcast_in_dim3A_58 : vector<16xf32>
        %bitcast3A_1486 = vector.bitcast %add3A_1485 : vector<16xf32> to vector<16xi32>
        %xor3A_1487 = arith.xori %xor3A_1367, %bitcast3A_1486 : vector<16xi32>
        %bitcast3A_1488 = vector.bitcast %add3A_1484 : vector<16xf32> to vector<16xi32>
        %and3A_1489 = arith.constant 2147483647 : i32
        %and3A_1490 = vector.broadcast %and3A_1489 : i32 to vector<16xi32>
        %and3A_1491 = arith.andi %bitcast3A_1488, %and3A_1490 : vector<16xi32>
        %sub3A_1492 = arith.constant 1 : i32
        %sub3A_1493 = vector.broadcast %sub3A_1492 : i32 to vector<16xi32>
        %sub3A_1494 = arith.subi %and3A_1491, %sub3A_1493 : vector<16xi32>
        %min3A_1495 = arith.minui %min3A_1375, %sub3A_1494 : vector<16xi32>
        %get3A_1496 = arith.constant 11 : i32
        %get3A_1497 = arith.index_cast %get3A_1496 : i32 to index
        %get3A_1498 = arith.index_cast %mul3A_1165 : i32 to index
        %get3A_1499 = tpu.vector_load %arg10[%get3A_1497, %get3A_1498] {strides = array<i32>} : memref<16x512xi32, #tpu.memory_space<vmem>>, vector<16xi32>,
        %and3A_1500 = arith.constant 16777215 : i32
        %and3A_1501 = vector.broadcast %and3A_1500 : i32 to vector<16xi32>
        %and3A_1502 = arith.andi %get3A_1499, %and3A_1501 : vector<16xi32>
        %shift_right_logical3A_1503 = arith.constant 22 : i32
        %shift_right_logical3A_1504 = vector.broadcast %shift_right_logical3A_1503 : i32 to vector<16xi32>
        %shift_right_logical3A_1505 = arith.shrui %get3A_1499, %shift_right_logical3A_1504 : vector<16xi32>
        %and3A_1506 = arith.constant 12 : i32
        %and3A_1507 = vector.broadcast %and3A_1506 : i32 to vector<16xi32>
        %and3A_1508 = arith.andi %shift_right_logical3A_1505, %and3A_1507 : vector<16xi32>
        %add3A_1509 = arith.addi %and3A_1508, %and3A_65 : vector<16xi32>
        %gather3A_1510 = tpu.vector_load_idx %arg8[%and3A_1502] : memref<100000xf32, #tpu.memory_space<vmem>>[vector<16xi32>], vector<16xf32>,
        %gather3A_1511 = tpu.vector_load_idx %arg13[%add3A_1509] : memref<16xf32, #tpu.memory_space<vmem>>[vector<16xi32>], vector<16xf32>,
        %gather3A_1512 = tpu.vector_load_idx %arg14[%add3A_1509] : memref<16xf32, #tpu.memory_space<vmem>>[vector<16xi32>], vector<16xf32>,
        %mul3A_1513 = arith.mulf %gather3A_1510, %gather3A_1511 : vector<16xf32>
        %add3A_1514 = arith.addf %mul3A_1513, %gather3A_1512 : vector<16xf32>
        %add3A_1515 = arith.addf %add3A_1514, %broadcast_in_dim3A_58 : vector<16xf32>
        %bitcast3A_1516 = vector.bitcast %add3A_1515 : vector<16xf32> to vector<16xi32>
        %xor3A_1517 = arith.xori %xor3A_1397, %bitcast3A_1516 : vector<16xi32>
        %bitcast3A_1518 = vector.bitcast %add3A_1514 : vector<16xf32> to vector<16xi32>
        %and3A_1519 = arith.constant 2147483647 : i32
        %and3A_1520 = vector.broadcast %and3A_1519 : i32 to vector<16xi32>
        %and3A_1521 = arith.andi %bitcast3A_1518, %and3A_1520 : vector<16xi32>
        %sub3A_1522 = arith.constant 1 : i32
        %sub3A_1523 = vector.broadcast %sub3A_1522 : i32 to vector<16xi32>
        %sub3A_1524 = arith.subi %and3A_1521, %sub3A_1523 : vector<16xi32>
        %min3A_1525 = arith.minui %min3A_1405, %sub3A_1524 : vector<16xi32>
        %get3A_1526 = arith.constant 12 : i32
        %get3A_1527 = arith.index_cast %get3A_1526 : i32 to index
        %get3A_1528 = arith.index_cast %mul3A_1165 : i32 to index
        %get3A_1529 = tpu.vector_load %arg10[%get3A_1527, %get3A_1528] {strides = array<i32>} : memref<16x512xi32, #tpu.memory_space<vmem>>, vector<16xi32>,
        %and3A_1530 = arith.constant 16777215 : i32
        %and3A_1531 = vector.broadcast %and3A_1530 : i32 to vector<16xi32>
        %and3A_1532 = arith.andi %get3A_1529, %and3A_1531 : vector<16xi32>
        %shift_right_logical3A_1533 = arith.constant 22 : i32
        %shift_right_logical3A_1534 = vector.broadcast %shift_right_logical3A_1533 : i32 to vector<16xi32>
        %shift_right_logical3A_1535 = arith.shrui %get3A_1529, %shift_right_logical3A_1534 : vector<16xi32>
        %and3A_1536 = arith.constant 12 : i32
        %and3A_1537 = vector.broadcast %and3A_1536 : i32 to vector<16xi32>
        %and3A_1538 = arith.andi %shift_right_logical3A_1535, %and3A_1537 : vector<16xi32>
        %add3A_1539 = arith.addi %and3A_1538, %and3A_65 : vector<16xi32>
        %gather3A_1540 = tpu.vector_load_idx %arg8[%and3A_1532] : memref<100000xf32, #tpu.memory_space<vmem>>[vector<16xi32>], vector<16xf32>,
        %gather3A_1541 = tpu.vector_load_idx %arg13[%add3A_1539] : memref<16xf32, #tpu.memory_space<vmem>>[vector<16xi32>], vector<16xf32>,
        %gather3A_1542 = tpu.vector_load_idx %arg14[%add3A_1539] : memref<16xf32, #tpu.memory_space<vmem>>[vector<16xi32>], vector<16xf32>,
        %mul3A_1543 = arith.mulf %gather3A_1540, %gather3A_1541 : vector<16xf32>
        %add3A_1544 = arith.addf %mul3A_1543, %gather3A_1542 : vector<16xf32>
        %add3A_1545 = arith.addf %add3A_1544, %broadcast_in_dim3A_58 : vector<16xf32>
        %bitcast3A_1546 = vector.bitcast %add3A_1545 : vector<16xf32> to vector<16xi32>
        %xor3A_1547 = arith.xori %xor3A_1427, %bitcast3A_1546 : vector<16xi32>
        %bitcast3A_1548 = vector.bitcast %add3A_1544 : vector<16xf32> to vector<16xi32>
        %and3A_1549 = arith.constant 2147483647 : i32
        %and3A_1550 = vector.broadcast %and3A_1549 : i32 to vector<16xi32>
        %and3A_1551 = arith.andi %bitcast3A_1548, %and3A_1550 : vector<16xi32>
        %sub3A_1552 = arith.constant 1 : i32
        %sub3A_1553 = vector.broadcast %sub3A_1552 : i32 to vector<16xi32>
        %sub3A_1554 = arith.subi %and3A_1551, %sub3A_1553 : vector<16xi32>
        %min3A_1555 = arith.minui %min3A_1435, %sub3A_1554 : vector<16xi32>
        %get3A_1556 = arith.constant 13 : i32
        %get3A_1557 = arith.index_cast %get3A_1556 : i32 to index
        %get3A_1558 = arith.index_cast %mul3A_1165 : i32 to index
        %get3A_1559 = tpu.vector_load %arg10[%get3A_1557, %get3A_1558] {strides = array<i32>} : memref<16x512xi32, #tpu.memory_space<vmem>>, vector<16xi32>,
        %and3A_1560 = arith.constant 16777215 : i32
        %and3A_1561 = vector.broadcast %and3A_1560 : i32 to vector<16xi32>
        %and3A_1562 = arith.andi %get3A_1559, %and3A_1561 : vector<16xi32>
        %shift_right_logical3A_1563 = arith.constant 22 : i32
        %shift_right_logical3A_1564 = vector.broadcast %shift_right_logical3A_1563 : i32 to vector<16xi32>
        %shift_right_logical3A_1565 = arith.shrui %get3A_1559, %shift_right_logical3A_1564 : vector<16xi32>
        %and3A_1566 = arith.constant 12 : i32
        %and3A_1567 = vector.broadcast %and3A_1566 : i32 to vector<16xi32>
        %and3A_1568 = arith.andi %shift_right_logical3A_1565, %and3A_1567 : vector<16xi32>
        %add3A_1569 = arith.addi %and3A_1568, %and3A_65 : vector<16xi32>
        %gather3A_1570 = tpu.vector_load_idx %arg8[%and3A_1562] : memref<100000xf32, #tpu.memory_space<vmem>>[vector<16xi32>], vector<16xf32>,
        %gather3A_1571 = tpu.vector_load_idx %arg13[%add3A_1569] : memref<16xf32, #tpu.memory_space<vmem>>[vector<16xi32>], vector<16xf32>,
        %gather3A_1572 = tpu.vector_load_idx %arg14[%add3A_1569] : memref<16xf32, #tpu.memory_space<vmem>>[vector<16xi32>], vector<16xf32>,
        %mul3A_1573 = arith.mulf %gather3A_1570, %gather3A_1571 : vector<16xf32>
        %add3A_1574 = arith.addf %mul3A_1573, %gather3A_1572 : vector<16xf32>
        %add3A_1575 = arith.addf %add3A_1574, %broadcast_in_dim3A_58 : vector<16xf32>
        %bitcast3A_1576 = vector.bitcast %add3A_1575 : vector<16xf32> to vector<16xi32>
        %xor3A_1577 = arith.xori %xor3A_1457, %bitcast3A_1576 : vector<16xi32>
        %bitcast3A_1578 = vector.bitcast %add3A_1574 : vector<16xf32> to vector<16xi32>
        %and3A_1579 = arith.constant 2147483647 : i32
        %and3A_1580 = vector.broadcast %and3A_1579 : i32 to vector<16xi32>
        %and3A_1581 = arith.andi %bitcast3A_1578, %and3A_1580 : vector<16xi32>
        %sub3A_1582 = arith.constant 1 : i32
        %sub3A_1583 = vector.broadcast %sub3A_1582 : i32 to vector<16xi32>
        %sub3A_1584 = arith.subi %and3A_1581, %sub3A_1583 : vector<16xi32>
        %min3A_1585 = arith.minui %min3A_1465, %sub3A_1584 : vector<16xi32>
        %get3A_1586 = arith.constant 14 : i32
        %get3A_1587 = arith.index_cast %get3A_1586 : i32 to index
        %get3A_1588 = arith.index_cast %mul3A_1165 : i32 to index
        %get3A_1589 = tpu.vector_load %arg10[%get3A_1587, %get3A_1588] {strides = array<i32>} : memref<16x512xi32, #tpu.memory_space<vmem>>, vector<16xi32>,
        %and3A_1590 = arith.constant 16777215 : i32
        %and3A_1591 = vector.broadcast %and3A_1590 : i32 to vector<16xi32>
        %and3A_1592 = arith.andi %get3A_1589, %and3A_1591 : vector<16xi32>
        %shift_right_logical3A_1593 = arith.constant 22 : i32
        %shift_right_logical3A_1594 = vector.broadcast %shift_right_logical3A_1593 : i32 to vector<16xi32>
        %shift_right_logical3A_1595 = arith.shrui %get3A_1589, %shift_right_logical3A_1594 : vector<16xi32>
        %and3A_1596 = arith.constant 12 : i32
        %and3A_1597 = vector.broadcast %and3A_1596 : i32 to vector<16xi32>
        %and3A_1598 = arith.andi %shift_right_logical3A_1595, %and3A_1597 : vector<16xi32>
        %add3A_1599 = arith.addi %and3A_1598, %and3A_65 : vector<16xi32>
        %gather3A_1600 = tpu.vector_load_idx %arg8[%and3A_1592] : memref<100000xf32, #tpu.memory_space<vmem>>[vector<16xi32>], vector<16xf32>,
        %gather3A_1601 = tpu.vector_load_idx %arg13[%add3A_1599] : memref<16xf32, #tpu.memory_space<vmem>>[vector<16xi32>], vector<16xf32>,
        %gather3A_1602 = tpu.vector_load_idx %arg14[%add3A_1599] : memref<16xf32, #tpu.memory_space<vmem>>[vector<16xi32>], vector<16xf32>,
        %mul3A_1603 = arith.mulf %gather3A_1600, %gather3A_1601 : vector<16xf32>
        %add3A_1604 = arith.addf %mul3A_1603, %gather3A_1602 : vector<16xf32>
        %add3A_1605 = arith.addf %add3A_1604, %broadcast_in_dim3A_58 : vector<16xf32>
        %bitcast3A_1606 = vector.bitcast %add3A_1605 : vector<16xf32> to vector<16xi32>
        %xor3A_1607 = arith.xori %xor3A_1487, %bitcast3A_1606 : vector<16xi32>
        %bitcast3A_1608 = vector.bitcast %add3A_1604 : vector<16xf32> to vector<16xi32>
        %and3A_1609 = arith.constant 2147483647 : i32
        %and3A_1610 = vector.broadcast %and3A_1609 : i32 to vector<16xi32>
        %and3A_1611 = arith.andi %bitcast3A_1608, %and3A_1610 : vector<16xi32>
        %sub3A_1612 = arith.constant 1 : i32
        %sub3A_1613 = vector.broadcast %sub3A_1612 : i32 to vector<16xi32>
        %sub3A_1614 = arith.subi %and3A_1611, %sub3A_1613 : vector<16xi32>
        %min3A_1615 = arith.minui %min3A_1495, %sub3A_1614 : vector<16xi32>
        %get3A_1616 = arith.constant 15 : i32
        %get3A_1617 = arith.index_cast %get3A_1616 : i32 to index
        %get3A_1618 = arith.index_cast %mul3A_1165 : i32 to index
        %get3A_1619 = tpu.vector_load %arg10[%get3A_1617, %get3A_1618] {strides = array<i32>} : memref<16x512xi32, #tpu.memory_space<vmem>>, vector<16xi32>,
        %and3A_1620 = arith.constant 16777215 : i32
        %and3A_1621 = vector.broadcast %and3A_1620 : i32 to vector<16xi32>
        %and3A_1622 = arith.andi %get3A_1619, %and3A_1621 : vector<16xi32>
        %shift_right_logical3A_1623 = arith.constant 22 : i32
        %shift_right_logical3A_1624 = vector.broadcast %shift_right_logical3A_1623 : i32 to vector<16xi32>
        %shift_right_logical3A_1625 = arith.shrui %get3A_1619, %shift_right_logical3A_1624 : vector<16xi32>
        %and3A_1626 = arith.constant 12 : i32
        %and3A_1627 = vector.broadcast %and3A_1626 : i32 to vector<16xi32>
        %and3A_1628 = arith.andi %shift_right_logical3A_1625, %and3A_1627 : vector<16xi32>
        %add3A_1629 = arith.addi %and3A_1628, %and3A_65 : vector<16xi32>
        %gather3A_1630 = tpu.vector_load_idx %arg8[%and3A_1622] : memref<100000xf32, #tpu.memory_space<vmem>>[vector<16xi32>], vector<16xf32>,
        %gather3A_1631 = tpu.vector_load_idx %arg13[%add3A_1629] : memref<16xf32, #tpu.memory_space<vmem>>[vector<16xi32>], vector<16xf32>,
        %gather3A_1632 = tpu.vector_load_idx %arg14[%add3A_1629] : memref<16xf32, #tpu.memory_space<vmem>>[vector<16xi32>], vector<16xf32>,
        %mul3A_1633 = arith.mulf %gather3A_1630, %gather3A_1631 : vector<16xf32>
        %add3A_1634 = arith.addf %mul3A_1633, %gather3A_1632 : vector<16xf32>
        %add3A_1635 = arith.addf %add3A_1634, %broadcast_in_dim3A_58 : vector<16xf32>
        %bitcast3A_1636 = vector.bitcast %add3A_1635 : vector<16xf32> to vector<16xi32>
        %xor3A_1637 = arith.xori %xor3A_1517, %bitcast3A_1636 : vector<16xi32>
        %bitcast3A_1638 = vector.bitcast %add3A_1634 : vector<16xf32> to vector<16xi32>
        %and3A_1639 = arith.constant 2147483647 : i32
        %and3A_1640 = vector.broadcast %and3A_1639 : i32 to vector<16xi32>
        %and3A_1641 = arith.andi %bitcast3A_1638, %and3A_1640 : vector<16xi32>
        %sub3A_1642 = arith.constant 1 : i32
        %sub3A_1643 = vector.broadcast %sub3A_1642 : i32 to vector<16xi32>
        %sub3A_1644 = arith.subi %and3A_1641, %sub3A_1643 : vector<16xi32>
        %min3A_1645 = arith.minui %min3A_1525, %sub3A_1644 : vector<16xi32>
        %xor3A_1646 = arith.xori %xor3A_1547, %xor3A_1577 : vector<16xi32>
        %xor3A_1647 = arith.xori %xor3A_1607, %xor3A_1637 : vector<16xi32>
        %xor3A_1648 = arith.xori %xor3A_1646, %xor3A_1647 : vector<16xi32>
        %min3A_1649 = arith.minui %min3A_1555, %min3A_1585 : vector<16xi32>
        %min3A_1650 = arith.minui %min3A_1615, %min3A_1645 : vector<16xi32>
        %min3A_1651 = arith.minui %min3A_1649, %min3A_1650 : vector<16xi32>
        %add3A_1652 = arith.constant 1 : i32
        %add3A_1653 = vector.broadcast %add3A_1652 : i32 to vector<16xi32>
        %add3A_1654 = arith.addi %min3A_1651, %add3A_1653 : vector<16xi32>
        %bitcast3A_1655 = vector.bitcast %add3A_1654 : vector<16xi32> to vector<16xf32>
        %and3A_1656 = arith.constant -2147483648 : i32
        %and3A_1657 = vector.broadcast %and3A_1656 : i32 to vector<16xi32>
        %and3A_1658 = arith.andi %xor3A_1648, %and3A_1657 : vector<16xi32>
        %or3A_1659 = arith.constant 1065353216 : i32
        %or3A_1660 = vector.broadcast %or3A_1659 : i32 to vector<16xi32>
        %or3A_1661 = arith.ori %and3A_1658, %or3A_1660 : vector<16xi32>
        %bitcast3A_1662 = vector.bitcast %or3A_1661 : vector<16xi32> to vector<16xf32>
        %mul3A_1663 = arith.mulf %get3A_53, %bitcast3A_1655 : vector<16xf32>
        %add3A_1664 = arith.addf %mul3A_1663, %get3A_57 : vector<16xf32>
        %mul3A_1665 = arith.mulf %bitcast3A_1662, %add3A_1664 : vector<16xf32>
        %swap3A_1666 = arith.index_cast %mul3A_1165 : i32 to index
        %swap3A_1667 = tpu.vector_load %arg12[%swap3A_1666] {strides = array<i32>} : memref<512xf32, #tpu.memory_space<vmem>>, vector<16xf32>,
        tpu.vector_store %arg12[%swap3A_1666], %mul3A_1665 {strides = array<i32>} : memref<512xf32, #tpu.memory_space<vmem>>, vector<16xf32>,
        %mul3A_1668 = arith.constant 4 : i32
        %mul3A_1669 = arith.muli %mul3A_1668, %scan3A_150 : i32
        %add3A_1670 = arith.constant 3 : i32
        %add3A_1671 = arith.addi %mul3A_1669, %add3A_1670 : i32
        %mul3A_1672 = arith.constant 16 : i32
        %mul3A_1673 = arith.muli %add3A_1671, %mul3A_1672 : i32
        %get3A_1674 = arith.constant 0 : i32
        %get3A_1675 = arith.index_cast %get3A_1674 : i32 to index
        %get3A_1676 = arith.index_cast %mul3A_1673 : i32 to index
        %get3A_1677 = tpu.vector_load %arg10[%get3A_1675, %get3A_1676] {strides = array<i32>} : memref<16x512xi32, #tpu.memory_space<vmem>>, vector<16xi32>,
        %and3A_1678 = arith.constant 16777215 : i32
        %and3A_1679 = vector.broadcast %and3A_1678 : i32 to vector<16xi32>
        %and3A_1680 = arith.andi %get3A_1677, %and3A_1679 : vector<16xi32>
        %shift_right_logical3A_1681 = arith.constant 22 : i32
        %shift_right_logical3A_1682 = vector.broadcast %shift_right_logical3A_1681 : i32 to vector<16xi32>
        %shift_right_logical3A_1683 = arith.shrui %get3A_1677, %shift_right_logical3A_1682 : vector<16xi32>
        %and3A_1684 = arith.constant 12 : i32
        %and3A_1685 = vector.broadcast %and3A_1684 : i32 to vector<16xi32>
        %and3A_1686 = arith.andi %shift_right_logical3A_1683, %and3A_1685 : vector<16xi32>
        %add3A_1687 = arith.addi %and3A_1686, %and3A_65 : vector<16xi32>
        %gather3A_1688 = tpu.vector_load_idx %arg8[%and3A_1680] : memref<100000xf32, #tpu.memory_space<vmem>>[vector<16xi32>], vector<16xf32>,
        %gather3A_1689 = tpu.vector_load_idx %arg13[%add3A_1687] : memref<16xf32, #tpu.memory_space<vmem>>[vector<16xi32>], vector<16xf32>,
        %gather3A_1690 = tpu.vector_load_idx %arg14[%add3A_1687] : memref<16xf32, #tpu.memory_space<vmem>>[vector<16xi32>], vector<16xf32>,
        %mul3A_1691 = arith.mulf %gather3A_1688, %gather3A_1689 : vector<16xf32>
        %add3A_1692 = arith.addf %mul3A_1691, %gather3A_1690 : vector<16xf32>
        %add3A_1693 = arith.addf %add3A_1692, %broadcast_in_dim3A_58 : vector<16xf32>
        %bitcast3A_1694 = vector.bitcast %add3A_1693 : vector<16xf32> to vector<16xi32>
        %xor3A_1695 = arith.xori %broadcast_in_dim3A_60, %bitcast3A_1694 : vector<16xi32>
        %bitcast3A_1696 = vector.bitcast %add3A_1692 : vector<16xf32> to vector<16xi32>
        %and3A_1697 = arith.constant 2147483647 : i32
        %and3A_1698 = vector.broadcast %and3A_1697 : i32 to vector<16xi32>
        %and3A_1699 = arith.andi %bitcast3A_1696, %and3A_1698 : vector<16xi32>
        %sub3A_1700 = arith.constant 1 : i32
        %sub3A_1701 = vector.broadcast %sub3A_1700 : i32 to vector<16xi32>
        %sub3A_1702 = arith.subi %and3A_1699, %sub3A_1701 : vector<16xi32>
        %min3A_1703 = arith.minui %broadcast_in_dim3A_62, %sub3A_1702 : vector<16xi32>
        %get3A_1704 = arith.constant 1 : i32
        %get3A_1705 = arith.index_cast %get3A_1704 : i32 to index
        %get3A_1706 = arith.index_cast %mul3A_1673 : i32 to index
        %get3A_1707 = tpu.vector_load %arg10[%get3A_1705, %get3A_1706] {strides = array<i32>} : memref<16x512xi32, #tpu.memory_space<vmem>>, vector<16xi32>,
        %and3A_1708 = arith.constant 16777215 : i32
        %and3A_1709 = vector.broadcast %and3A_1708 : i32 to vector<16xi32>
        %and3A_1710 = arith.andi %get3A_1707, %and3A_1709 : vector<16xi32>
        %shift_right_logical3A_1711 = arith.constant 22 : i32
        %shift_right_logical3A_1712 = vector.broadcast %shift_right_logical3A_1711 : i32 to vector<16xi32>
        %shift_right_logical3A_1713 = arith.shrui %get3A_1707, %shift_right_logical3A_1712 : vector<16xi32>
        %and3A_1714 = arith.constant 12 : i32
        %and3A_1715 = vector.broadcast %and3A_1714 : i32 to vector<16xi32>
        %and3A_1716 = arith.andi %shift_right_logical3A_1713, %and3A_1715 : vector<16xi32>
        %add3A_1717 = arith.addi %and3A_1716, %and3A_65 : vector<16xi32>
        %gather3A_1718 = tpu.vector_load_idx %arg8[%and3A_1710] : memref<100000xf32, #tpu.memory_space<vmem>>[vector<16xi32>], vector<16xf32>,
        %gather3A_1719 = tpu.vector_load_idx %arg13[%add3A_1717] : memref<16xf32, #tpu.memory_space<vmem>>[vector<16xi32>], vector<16xf32>,
        %gather3A_1720 = tpu.vector_load_idx %arg14[%add3A_1717] : memref<16xf32, #tpu.memory_space<vmem>>[vector<16xi32>], vector<16xf32>,
        %mul3A_1721 = arith.mulf %gather3A_1718, %gather3A_1719 : vector<16xf32>
        %add3A_1722 = arith.addf %mul3A_1721, %gather3A_1720 : vector<16xf32>
        %add3A_1723 = arith.addf %add3A_1722, %broadcast_in_dim3A_58 : vector<16xf32>
        %bitcast3A_1724 = vector.bitcast %add3A_1723 : vector<16xf32> to vector<16xi32>
        %xor3A_1725 = arith.xori %broadcast_in_dim3A_60, %bitcast3A_1724 : vector<16xi32>
        %bitcast3A_1726 = vector.bitcast %add3A_1722 : vector<16xf32> to vector<16xi32>
        %and3A_1727 = arith.constant 2147483647 : i32
        %and3A_1728 = vector.broadcast %and3A_1727 : i32 to vector<16xi32>
        %and3A_1729 = arith.andi %bitcast3A_1726, %and3A_1728 : vector<16xi32>
        %sub3A_1730 = arith.constant 1 : i32
        %sub3A_1731 = vector.broadcast %sub3A_1730 : i32 to vector<16xi32>
        %sub3A_1732 = arith.subi %and3A_1729, %sub3A_1731 : vector<16xi32>
        %min3A_1733 = arith.minui %broadcast_in_dim3A_62, %sub3A_1732 : vector<16xi32>
        %get3A_1734 = arith.constant 2 : i32
        %get3A_1735 = arith.index_cast %get3A_1734 : i32 to index
        %get3A_1736 = arith.index_cast %mul3A_1673 : i32 to index
        %get3A_1737 = tpu.vector_load %arg10[%get3A_1735, %get3A_1736] {strides = array<i32>} : memref<16x512xi32, #tpu.memory_space<vmem>>, vector<16xi32>,
        %and3A_1738 = arith.constant 16777215 : i32
        %and3A_1739 = vector.broadcast %and3A_1738 : i32 to vector<16xi32>
        %and3A_1740 = arith.andi %get3A_1737, %and3A_1739 : vector<16xi32>
        %shift_right_logical3A_1741 = arith.constant 22 : i32
        %shift_right_logical3A_1742 = vector.broadcast %shift_right_logical3A_1741 : i32 to vector<16xi32>
        %shift_right_logical3A_1743 = arith.shrui %get3A_1737, %shift_right_logical3A_1742 : vector<16xi32>
        %and3A_1744 = arith.constant 12 : i32
        %and3A_1745 = vector.broadcast %and3A_1744 : i32 to vector<16xi32>
        %and3A_1746 = arith.andi %shift_right_logical3A_1743, %and3A_1745 : vector<16xi32>
        %add3A_1747 = arith.addi %and3A_1746, %and3A_65 : vector<16xi32>
        %gather3A_1748 = tpu.vector_load_idx %arg8[%and3A_1740] : memref<100000xf32, #tpu.memory_space<vmem>>[vector<16xi32>], vector<16xf32>,
        %gather3A_1749 = tpu.vector_load_idx %arg13[%add3A_1747] : memref<16xf32, #tpu.memory_space<vmem>>[vector<16xi32>], vector<16xf32>,
        %gather3A_1750 = tpu.vector_load_idx %arg14[%add3A_1747] : memref<16xf32, #tpu.memory_space<vmem>>[vector<16xi32>], vector<16xf32>,
        %mul3A_1751 = arith.mulf %gather3A_1748, %gather3A_1749 : vector<16xf32>
        %add3A_1752 = arith.addf %mul3A_1751, %gather3A_1750 : vector<16xf32>
        %add3A_1753 = arith.addf %add3A_1752, %broadcast_in_dim3A_58 : vector<16xf32>
        %bitcast3A_1754 = vector.bitcast %add3A_1753 : vector<16xf32> to vector<16xi32>
        %xor3A_1755 = arith.xori %broadcast_in_dim3A_60, %bitcast3A_1754 : vector<16xi32>
        %bitcast3A_1756 = vector.bitcast %add3A_1752 : vector<16xf32> to vector<16xi32>
        %and3A_1757 = arith.constant 2147483647 : i32
        %and3A_1758 = vector.broadcast %and3A_1757 : i32 to vector<16xi32>
        %and3A_1759 = arith.andi %bitcast3A_1756, %and3A_1758 : vector<16xi32>
        %sub3A_1760 = arith.constant 1 : i32
        %sub3A_1761 = vector.broadcast %sub3A_1760 : i32 to vector<16xi32>
        %sub3A_1762 = arith.subi %and3A_1759, %sub3A_1761 : vector<16xi32>
        %min3A_1763 = arith.minui %broadcast_in_dim3A_62, %sub3A_1762 : vector<16xi32>
        %get3A_1764 = arith.constant 3 : i32
        %get3A_1765 = arith.index_cast %get3A_1764 : i32 to index
        %get3A_1766 = arith.index_cast %mul3A_1673 : i32 to index
        %get3A_1767 = tpu.vector_load %arg10[%get3A_1765, %get3A_1766] {strides = array<i32>} : memref<16x512xi32, #tpu.memory_space<vmem>>, vector<16xi32>,
        %and3A_1768 = arith.constant 16777215 : i32
        %and3A_1769 = vector.broadcast %and3A_1768 : i32 to vector<16xi32>
        %and3A_1770 = arith.andi %get3A_1767, %and3A_1769 : vector<16xi32>
        %shift_right_logical3A_1771 = arith.constant 22 : i32
        %shift_right_logical3A_1772 = vector.broadcast %shift_right_logical3A_1771 : i32 to vector<16xi32>
        %shift_right_logical3A_1773 = arith.shrui %get3A_1767, %shift_right_logical3A_1772 : vector<16xi32>
        %and3A_1774 = arith.constant 12 : i32
        %and3A_1775 = vector.broadcast %and3A_1774 : i32 to vector<16xi32>
        %and3A_1776 = arith.andi %shift_right_logical3A_1773, %and3A_1775 : vector<16xi32>
        %add3A_1777 = arith.addi %and3A_1776, %and3A_65 : vector<16xi32>
        %gather3A_1778 = tpu.vector_load_idx %arg8[%and3A_1770] : memref<100000xf32, #tpu.memory_space<vmem>>[vector<16xi32>], vector<16xf32>,
        %gather3A_1779 = tpu.vector_load_idx %arg13[%add3A_1777] : memref<16xf32, #tpu.memory_space<vmem>>[vector<16xi32>], vector<16xf32>,
        %gather3A_1780 = tpu.vector_load_idx %arg14[%add3A_1777] : memref<16xf32, #tpu.memory_space<vmem>>[vector<16xi32>], vector<16xf32>,
        %mul3A_1781 = arith.mulf %gather3A_1778, %gather3A_1779 : vector<16xf32>
        %add3A_1782 = arith.addf %mul3A_1781, %gather3A_1780 : vector<16xf32>
        %add3A_1783 = arith.addf %add3A_1782, %broadcast_in_dim3A_58 : vector<16xf32>
        %bitcast3A_1784 = vector.bitcast %add3A_1783 : vector<16xf32> to vector<16xi32>
        %xor3A_1785 = arith.xori %broadcast_in_dim3A_60, %bitcast3A_1784 : vector<16xi32>
        %bitcast3A_1786 = vector.bitcast %add3A_1782 : vector<16xf32> to vector<16xi32>
        %and3A_1787 = arith.constant 2147483647 : i32
        %and3A_1788 = vector.broadcast %and3A_1787 : i32 to vector<16xi32>
        %and3A_1789 = arith.andi %bitcast3A_1786, %and3A_1788 : vector<16xi32>
        %sub3A_1790 = arith.constant 1 : i32
        %sub3A_1791 = vector.broadcast %sub3A_1790 : i32 to vector<16xi32>
        %sub3A_1792 = arith.subi %and3A_1789, %sub3A_1791 : vector<16xi32>
        %min3A_1793 = arith.minui %broadcast_in_dim3A_62, %sub3A_1792 : vector<16xi32>
        %get3A_1794 = arith.constant 4 : i32
        %get3A_1795 = arith.index_cast %get3A_1794 : i32 to index
        %get3A_1796 = arith.index_cast %mul3A_1673 : i32 to index
        %get3A_1797 = tpu.vector_load %arg10[%get3A_1795, %get3A_1796] {strides = array<i32>} : memref<16x512xi32, #tpu.memory_space<vmem>>, vector<16xi32>,
        %and3A_1798 = arith.constant 16777215 : i32
        %and3A_1799 = vector.broadcast %and3A_1798 : i32 to vector<16xi32>
        %and3A_1800 = arith.andi %get3A_1797, %and3A_1799 : vector<16xi32>
        %shift_right_logical3A_1801 = arith.constant 22 : i32
        %shift_right_logical3A_1802 = vector.broadcast %shift_right_logical3A_1801 : i32 to vector<16xi32>
        %shift_right_logical3A_1803 = arith.shrui %get3A_1797, %shift_right_logical3A_1802 : vector<16xi32>
        %and3A_1804 = arith.constant 12 : i32
        %and3A_1805 = vector.broadcast %and3A_1804 : i32 to vector<16xi32>
        %and3A_1806 = arith.andi %shift_right_logical3A_1803, %and3A_1805 : vector<16xi32>
        %add3A_1807 = arith.addi %and3A_1806, %and3A_65 : vector<16xi32>
        %gather3A_1808 = tpu.vector_load_idx %arg8[%and3A_1800] : memref<100000xf32, #tpu.memory_space<vmem>>[vector<16xi32>], vector<16xf32>,
        %gather3A_1809 = tpu.vector_load_idx %arg13[%add3A_1807] : memref<16xf32, #tpu.memory_space<vmem>>[vector<16xi32>], vector<16xf32>,
        %gather3A_1810 = tpu.vector_load_idx %arg14[%add3A_1807] : memref<16xf32, #tpu.memory_space<vmem>>[vector<16xi32>], vector<16xf32>,
        %mul3A_1811 = arith.mulf %gather3A_1808, %gather3A_1809 : vector<16xf32>
        %add3A_1812 = arith.addf %mul3A_1811, %gather3A_1810 : vector<16xf32>
        %add3A_1813 = arith.addf %add3A_1812, %broadcast_in_dim3A_58 : vector<16xf32>
        %bitcast3A_1814 = vector.bitcast %add3A_1813 : vector<16xf32> to vector<16xi32>
        %xor3A_1815 = arith.xori %xor3A_1695, %bitcast3A_1814 : vector<16xi32>
        %bitcast3A_1816 = vector.bitcast %add3A_1812 : vector<16xf32> to vector<16xi32>
        %and3A_1817 = arith.constant 2147483647 : i32
        %and3A_1818 = vector.broadcast %and3A_1817 : i32 to vector<16xi32>
        %and3A_1819 = arith.andi %bitcast3A_1816, %and3A_1818 : vector<16xi32>
        %sub3A_1820 = arith.constant 1 : i32
        %sub3A_1821 = vector.broadcast %sub3A_1820 : i32 to vector<16xi32>
        %sub3A_1822 = arith.subi %and3A_1819, %sub3A_1821 : vector<16xi32>
        %min3A_1823 = arith.minui %min3A_1703, %sub3A_1822 : vector<16xi32>
        %get3A_1824 = arith.constant 5 : i32
        %get3A_1825 = arith.index_cast %get3A_1824 : i32 to index
        %get3A_1826 = arith.index_cast %mul3A_1673 : i32 to index
        %get3A_1827 = tpu.vector_load %arg10[%get3A_1825, %get3A_1826] {strides = array<i32>} : memref<16x512xi32, #tpu.memory_space<vmem>>, vector<16xi32>,
        %and3A_1828 = arith.constant 16777215 : i32
        %and3A_1829 = vector.broadcast %and3A_1828 : i32 to vector<16xi32>
        %and3A_1830 = arith.andi %get3A_1827, %and3A_1829 : vector<16xi32>
        %shift_right_logical3A_1831 = arith.constant 22 : i32
        %shift_right_logical3A_1832 = vector.broadcast %shift_right_logical3A_1831 : i32 to vector<16xi32>
        %shift_right_logical3A_1833 = arith.shrui %get3A_1827, %shift_right_logical3A_1832 : vector<16xi32>
        %and3A_1834 = arith.constant 12 : i32
        %and3A_1835 = vector.broadcast %and3A_1834 : i32 to vector<16xi32>
        %and3A_1836 = arith.andi %shift_right_logical3A_1833, %and3A_1835 : vector<16xi32>
        %add3A_1837 = arith.addi %and3A_1836, %and3A_65 : vector<16xi32>
        %gather3A_1838 = tpu.vector_load_idx %arg8[%and3A_1830] : memref<100000xf32, #tpu.memory_space<vmem>>[vector<16xi32>], vector<16xf32>,
        %gather3A_1839 = tpu.vector_load_idx %arg13[%add3A_1837] : memref<16xf32, #tpu.memory_space<vmem>>[vector<16xi32>], vector<16xf32>,
        %gather3A_1840 = tpu.vector_load_idx %arg14[%add3A_1837] : memref<16xf32, #tpu.memory_space<vmem>>[vector<16xi32>], vector<16xf32>,
        %mul3A_1841 = arith.mulf %gather3A_1838, %gather3A_1839 : vector<16xf32>
        %add3A_1842 = arith.addf %mul3A_1841, %gather3A_1840 : vector<16xf32>
        %add3A_1843 = arith.addf %add3A_1842, %broadcast_in_dim3A_58 : vector<16xf32>
        %bitcast3A_1844 = vector.bitcast %add3A_1843 : vector<16xf32> to vector<16xi32>
        %xor3A_1845 = arith.xori %xor3A_1725, %bitcast3A_1844 : vector<16xi32>
        %bitcast3A_1846 = vector.bitcast %add3A_1842 : vector<16xf32> to vector<16xi32>
        %and3A_1847 = arith.constant 2147483647 : i32
        %and3A_1848 = vector.broadcast %and3A_1847 : i32 to vector<16xi32>
        %and3A_1849 = arith.andi %bitcast3A_1846, %and3A_1848 : vector<16xi32>
        %sub3A_1850 = arith.constant 1 : i32
        %sub3A_1851 = vector.broadcast %sub3A_1850 : i32 to vector<16xi32>
        %sub3A_1852 = arith.subi %and3A_1849, %sub3A_1851 : vector<16xi32>
        %min3A_1853 = arith.minui %min3A_1733, %sub3A_1852 : vector<16xi32>
        %get3A_1854 = arith.constant 6 : i32
        %get3A_1855 = arith.index_cast %get3A_1854 : i32 to index
        %get3A_1856 = arith.index_cast %mul3A_1673 : i32 to index
        %get3A_1857 = tpu.vector_load %arg10[%get3A_1855, %get3A_1856] {strides = array<i32>} : memref<16x512xi32, #tpu.memory_space<vmem>>, vector<16xi32>,
        %and3A_1858 = arith.constant 16777215 : i32
        %and3A_1859 = vector.broadcast %and3A_1858 : i32 to vector<16xi32>
        %and3A_1860 = arith.andi %get3A_1857, %and3A_1859 : vector<16xi32>
        %shift_right_logical3A_1861 = arith.constant 22 : i32
        %shift_right_logical3A_1862 = vector.broadcast %shift_right_logical3A_1861 : i32 to vector<16xi32>
        %shift_right_logical3A_1863 = arith.shrui %get3A_1857, %shift_right_logical3A_1862 : vector<16xi32>
        %and3A_1864 = arith.constant 12 : i32
        %and3A_1865 = vector.broadcast %and3A_1864 : i32 to vector<16xi32>
        %and3A_1866 = arith.andi %shift_right_logical3A_1863, %and3A_1865 : vector<16xi32>
        %add3A_1867 = arith.addi %and3A_1866, %and3A_65 : vector<16xi32>
        %gather3A_1868 = tpu.vector_load_idx %arg8[%and3A_1860] : memref<100000xf32, #tpu.memory_space<vmem>>[vector<16xi32>], vector<16xf32>,
        %gather3A_1869 = tpu.vector_load_idx %arg13[%add3A_1867] : memref<16xf32, #tpu.memory_space<vmem>>[vector<16xi32>], vector<16xf32>,
        %gather3A_1870 = tpu.vector_load_idx %arg14[%add3A_1867] : memref<16xf32, #tpu.memory_space<vmem>>[vector<16xi32>], vector<16xf32>,
        %mul3A_1871 = arith.mulf %gather3A_1868, %gather3A_1869 : vector<16xf32>
        %add3A_1872 = arith.addf %mul3A_1871, %gather3A_1870 : vector<16xf32>
        %add3A_1873 = arith.addf %add3A_1872, %broadcast_in_dim3A_58 : vector<16xf32>
        %bitcast3A_1874 = vector.bitcast %add3A_1873 : vector<16xf32> to vector<16xi32>
        %xor3A_1875 = arith.xori %xor3A_1755, %bitcast3A_1874 : vector<16xi32>
        %bitcast3A_1876 = vector.bitcast %add3A_1872 : vector<16xf32> to vector<16xi32>
        %and3A_1877 = arith.constant 2147483647 : i32
        %and3A_1878 = vector.broadcast %and3A_1877 : i32 to vector<16xi32>
        %and3A_1879 = arith.andi %bitcast3A_1876, %and3A_1878 : vector<16xi32>
        %sub3A_1880 = arith.constant 1 : i32
        %sub3A_1881 = vector.broadcast %sub3A_1880 : i32 to vector<16xi32>
        %sub3A_1882 = arith.subi %and3A_1879, %sub3A_1881 : vector<16xi32>
        %min3A_1883 = arith.minui %min3A_1763, %sub3A_1882 : vector<16xi32>
        %get3A_1884 = arith.constant 7 : i32
        %get3A_1885 = arith.index_cast %get3A_1884 : i32 to index
        %get3A_1886 = arith.index_cast %mul3A_1673 : i32 to index
        %get3A_1887 = tpu.vector_load %arg10[%get3A_1885, %get3A_1886] {strides = array<i32>} : memref<16x512xi32, #tpu.memory_space<vmem>>, vector<16xi32>,
        %and3A_1888 = arith.constant 16777215 : i32
        %and3A_1889 = vector.broadcast %and3A_1888 : i32 to vector<16xi32>
        %and3A_1890 = arith.andi %get3A_1887, %and3A_1889 : vector<16xi32>
        %shift_right_logical3A_1891 = arith.constant 22 : i32
        %shift_right_logical3A_1892 = vector.broadcast %shift_right_logical3A_1891 : i32 to vector<16xi32>
        %shift_right_logical3A_1893 = arith.shrui %get3A_1887, %shift_right_logical3A_1892 : vector<16xi32>
        %and3A_1894 = arith.constant 12 : i32
        %and3A_1895 = vector.broadcast %and3A_1894 : i32 to vector<16xi32>
        %and3A_1896 = arith.andi %shift_right_logical3A_1893, %and3A_1895 : vector<16xi32>
        %add3A_1897 = arith.addi %and3A_1896, %and3A_65 : vector<16xi32>
        %gather3A_1898 = tpu.vector_load_idx %arg8[%and3A_1890] : memref<100000xf32, #tpu.memory_space<vmem>>[vector<16xi32>], vector<16xf32>,
        %gather3A_1899 = tpu.vector_load_idx %arg13[%add3A_1897] : memref<16xf32, #tpu.memory_space<vmem>>[vector<16xi32>], vector<16xf32>,
        %gather3A_1900 = tpu.vector_load_idx %arg14[%add3A_1897] : memref<16xf32, #tpu.memory_space<vmem>>[vector<16xi32>], vector<16xf32>,
        %mul3A_1901 = arith.mulf %gather3A_1898, %gather3A_1899 : vector<16xf32>
        %add3A_1902 = arith.addf %mul3A_1901, %gather3A_1900 : vector<16xf32>
        %add3A_1903 = arith.addf %add3A_1902, %broadcast_in_dim3A_58 : vector<16xf32>
        %bitcast3A_1904 = vector.bitcast %add3A_1903 : vector<16xf32> to vector<16xi32>
        %xor3A_1905 = arith.xori %xor3A_1785, %bitcast3A_1904 : vector<16xi32>
        %bitcast3A_1906 = vector.bitcast %add3A_1902 : vector<16xf32> to vector<16xi32>
        %and3A_1907 = arith.constant 2147483647 : i32
        %and3A_1908 = vector.broadcast %and3A_1907 : i32 to vector<16xi32>
        %and3A_1909 = arith.andi %bitcast3A_1906, %and3A_1908 : vector<16xi32>
        %sub3A_1910 = arith.constant 1 : i32
        %sub3A_1911 = vector.broadcast %sub3A_1910 : i32 to vector<16xi32>
        %sub3A_1912 = arith.subi %and3A_1909, %sub3A_1911 : vector<16xi32>
        %min3A_1913 = arith.minui %min3A_1793, %sub3A_1912 : vector<16xi32>
        %get3A_1914 = arith.constant 8 : i32
        %get3A_1915 = arith.index_cast %get3A_1914 : i32 to index
        %get3A_1916 = arith.index_cast %mul3A_1673 : i32 to index
        %get3A_1917 = tpu.vector_load %arg10[%get3A_1915, %get3A_1916] {strides = array<i32>} : memref<16x512xi32, #tpu.memory_space<vmem>>, vector<16xi32>,
        %and3A_1918 = arith.constant 16777215 : i32
        %and3A_1919 = vector.broadcast %and3A_1918 : i32 to vector<16xi32>
        %and3A_1920 = arith.andi %get3A_1917, %and3A_1919 : vector<16xi32>
        %shift_right_logical3A_1921 = arith.constant 22 : i32
        %shift_right_logical3A_1922 = vector.broadcast %shift_right_logical3A_1921 : i32 to vector<16xi32>
        %shift_right_logical3A_1923 = arith.shrui %get3A_1917, %shift_right_logical3A_1922 : vector<16xi32>
        %and3A_1924 = arith.constant 12 : i32
        %and3A_1925 = vector.broadcast %and3A_1924 : i32 to vector<16xi32>
        %and3A_1926 = arith.andi %shift_right_logical3A_1923, %and3A_1925 : vector<16xi32>
        %add3A_1927 = arith.addi %and3A_1926, %and3A_65 : vector<16xi32>
        %gather3A_1928 = tpu.vector_load_idx %arg8[%and3A_1920] : memref<100000xf32, #tpu.memory_space<vmem>>[vector<16xi32>], vector<16xf32>,
        %gather3A_1929 = tpu.vector_load_idx %arg13[%add3A_1927] : memref<16xf32, #tpu.memory_space<vmem>>[vector<16xi32>], vector<16xf32>,
        %gather3A_1930 = tpu.vector_load_idx %arg14[%add3A_1927] : memref<16xf32, #tpu.memory_space<vmem>>[vector<16xi32>], vector<16xf32>,
        %mul3A_1931 = arith.mulf %gather3A_1928, %gather3A_1929 : vector<16xf32>
        %add3A_1932 = arith.addf %mul3A_1931, %gather3A_1930 : vector<16xf32>
        %add3A_1933 = arith.addf %add3A_1932, %broadcast_in_dim3A_58 : vector<16xf32>
        %bitcast3A_1934 = vector.bitcast %add3A_1933 : vector<16xf32> to vector<16xi32>
        %xor3A_1935 = arith.xori %xor3A_1815, %bitcast3A_1934 : vector<16xi32>
        %bitcast3A_1936 = vector.bitcast %add3A_1932 : vector<16xf32> to vector<16xi32>
        %and3A_1937 = arith.constant 2147483647 : i32
        %and3A_1938 = vector.broadcast %and3A_1937 : i32 to vector<16xi32>
        %and3A_1939 = arith.andi %bitcast3A_1936, %and3A_1938 : vector<16xi32>
        %sub3A_1940 = arith.constant 1 : i32
        %sub3A_1941 = vector.broadcast %sub3A_1940 : i32 to vector<16xi32>
        %sub3A_1942 = arith.subi %and3A_1939, %sub3A_1941 : vector<16xi32>
        %min3A_1943 = arith.minui %min3A_1823, %sub3A_1942 : vector<16xi32>
        %get3A_1944 = arith.constant 9 : i32
        %get3A_1945 = arith.index_cast %get3A_1944 : i32 to index
        %get3A_1946 = arith.index_cast %mul3A_1673 : i32 to index
        %get3A_1947 = tpu.vector_load %arg10[%get3A_1945, %get3A_1946] {strides = array<i32>} : memref<16x512xi32, #tpu.memory_space<vmem>>, vector<16xi32>,
        %and3A_1948 = arith.constant 16777215 : i32
        %and3A_1949 = vector.broadcast %and3A_1948 : i32 to vector<16xi32>
        %and3A_1950 = arith.andi %get3A_1947, %and3A_1949 : vector<16xi32>
        %shift_right_logical3A_1951 = arith.constant 22 : i32
        %shift_right_logical3A_1952 = vector.broadcast %shift_right_logical3A_1951 : i32 to vector<16xi32>
        %shift_right_logical3A_1953 = arith.shrui %get3A_1947, %shift_right_logical3A_1952 : vector<16xi32>
        %and3A_1954 = arith.constant 12 : i32
        %and3A_1955 = vector.broadcast %and3A_1954 : i32 to vector<16xi32>
        %and3A_1956 = arith.andi %shift_right_logical3A_1953, %and3A_1955 : vector<16xi32>
        %add3A_1957 = arith.addi %and3A_1956, %and3A_65 : vector<16xi32>
        %gather3A_1958 = tpu.vector_load_idx %arg8[%and3A_1950] : memref<100000xf32, #tpu.memory_space<vmem>>[vector<16xi32>], vector<16xf32>,
        %gather3A_1959 = tpu.vector_load_idx %arg13[%add3A_1957] : memref<16xf32, #tpu.memory_space<vmem>>[vector<16xi32>], vector<16xf32>,
        %gather3A_1960 = tpu.vector_load_idx %arg14[%add3A_1957] : memref<16xf32, #tpu.memory_space<vmem>>[vector<16xi32>], vector<16xf32>,
        %mul3A_1961 = arith.mulf %gather3A_1958, %gather3A_1959 : vector<16xf32>
        %add3A_1962 = arith.addf %mul3A_1961, %gather3A_1960 : vector<16xf32>
        %add3A_1963 = arith.addf %add3A_1962, %broadcast_in_dim3A_58 : vector<16xf32>
        %bitcast3A_1964 = vector.bitcast %add3A_1963 : vector<16xf32> to vector<16xi32>
        %xor3A_1965 = arith.xori %xor3A_1845, %bitcast3A_1964 : vector<16xi32>
        %bitcast3A_1966 = vector.bitcast %add3A_1962 : vector<16xf32> to vector<16xi32>
        %and3A_1967 = arith.constant 2147483647 : i32
        %and3A_1968 = vector.broadcast %and3A_1967 : i32 to vector<16xi32>
        %and3A_1969 = arith.andi %bitcast3A_1966, %and3A_1968 : vector<16xi32>
        %sub3A_1970 = arith.constant 1 : i32
        %sub3A_1971 = vector.broadcast %sub3A_1970 : i32 to vector<16xi32>
        %sub3A_1972 = arith.subi %and3A_1969, %sub3A_1971 : vector<16xi32>
        %min3A_1973 = arith.minui %min3A_1853, %sub3A_1972 : vector<16xi32>
        %get3A_1974 = arith.constant 10 : i32
        %get3A_1975 = arith.index_cast %get3A_1974 : i32 to index
        %get3A_1976 = arith.index_cast %mul3A_1673 : i32 to index
        %get3A_1977 = tpu.vector_load %arg10[%get3A_1975, %get3A_1976] {strides = array<i32>} : memref<16x512xi32, #tpu.memory_space<vmem>>, vector<16xi32>,
        %and3A_1978 = arith.constant 16777215 : i32
        %and3A_1979 = vector.broadcast %and3A_1978 : i32 to vector<16xi32>
        %and3A_1980 = arith.andi %get3A_1977, %and3A_1979 : vector<16xi32>
        %shift_right_logical3A_1981 = arith.constant 22 : i32
        %shift_right_logical3A_1982 = vector.broadcast %shift_right_logical3A_1981 : i32 to vector<16xi32>
        %shift_right_logical3A_1983 = arith.shrui %get3A_1977, %shift_right_logical3A_1982 : vector<16xi32>
        %and3A_1984 = arith.constant 12 : i32
        %and3A_1985 = vector.broadcast %and3A_1984 : i32 to vector<16xi32>
        %and3A_1986 = arith.andi %shift_right_logical3A_1983, %and3A_1985 : vector<16xi32>
        %add3A_1987 = arith.addi %and3A_1986, %and3A_65 : vector<16xi32>
        %gather3A_1988 = tpu.vector_load_idx %arg8[%and3A_1980] : memref<100000xf32, #tpu.memory_space<vmem>>[vector<16xi32>], vector<16xf32>,
        %gather3A_1989 = tpu.vector_load_idx %arg13[%add3A_1987] : memref<16xf32, #tpu.memory_space<vmem>>[vector<16xi32>], vector<16xf32>,
        %gather3A_1990 = tpu.vector_load_idx %arg14[%add3A_1987] : memref<16xf32, #tpu.memory_space<vmem>>[vector<16xi32>], vector<16xf32>,
        %mul3A_1991 = arith.mulf %gather3A_1988, %gather3A_1989 : vector<16xf32>
        %add3A_1992 = arith.addf %mul3A_1991, %gather3A_1990 : vector<16xf32>
        %add3A_1993 = arith.addf %add3A_1992, %broadcast_in_dim3A_58 : vector<16xf32>
        %bitcast3A_1994 = vector.bitcast %add3A_1993 : vector<16xf32> to vector<16xi32>
        %xor3A_1995 = arith.xori %xor3A_1875, %bitcast3A_1994 : vector<16xi32>
        %bitcast3A_1996 = vector.bitcast %add3A_1992 : vector<16xf32> to vector<16xi32>
        %and3A_1997 = arith.constant 2147483647 : i32
        %and3A_1998 = vector.broadcast %and3A_1997 : i32 to vector<16xi32>
        %and3A_1999 = arith.andi %bitcast3A_1996, %and3A_1998 : vector<16xi32>
        %sub3A_2000 = arith.constant 1 : i32
        %sub3A_2001 = vector.broadcast %sub3A_2000 : i32 to vector<16xi32>
        %sub3A_2002 = arith.subi %and3A_1999, %sub3A_2001 : vector<16xi32>
        %min3A_2003 = arith.minui %min3A_1883, %sub3A_2002 : vector<16xi32>
        %get3A_2004 = arith.constant 11 : i32
        %get3A_2005 = arith.index_cast %get3A_2004 : i32 to index
        %get3A_2006 = arith.index_cast %mul3A_1673 : i32 to index
        %get3A_2007 = tpu.vector_load %arg10[%get3A_2005, %get3A_2006] {strides = array<i32>} : memref<16x512xi32, #tpu.memory_space<vmem>>, vector<16xi32>,
        %and3A_2008 = arith.constant 16777215 : i32
        %and3A_2009 = vector.broadcast %and3A_2008 : i32 to vector<16xi32>
        %and3A_2010 = arith.andi %get3A_2007, %and3A_2009 : vector<16xi32>
        %shift_right_logical3A_2011 = arith.constant 22 : i32
        %shift_right_logical3A_2012 = vector.broadcast %shift_right_logical3A_2011 : i32 to vector<16xi32>
        %shift_right_logical3A_2013 = arith.shrui %get3A_2007, %shift_right_logical3A_2012 : vector<16xi32>
        %and3A_2014 = arith.constant 12 : i32
        %and3A_2015 = vector.broadcast %and3A_2014 : i32 to vector<16xi32>
        %and3A_2016 = arith.andi %shift_right_logical3A_2013, %and3A_2015 : vector<16xi32>
        %add3A_2017 = arith.addi %and3A_2016, %and3A_65 : vector<16xi32>
        %gather3A_2018 = tpu.vector_load_idx %arg8[%and3A_2010] : memref<100000xf32, #tpu.memory_space<vmem>>[vector<16xi32>], vector<16xf32>,
        %gather3A_2019 = tpu.vector_load_idx %arg13[%add3A_2017] : memref<16xf32, #tpu.memory_space<vmem>>[vector<16xi32>], vector<16xf32>,
        %gather3A_2020 = tpu.vector_load_idx %arg14[%add3A_2017] : memref<16xf32, #tpu.memory_space<vmem>>[vector<16xi32>], vector<16xf32>,
        %mul3A_2021 = arith.mulf %gather3A_2018, %gather3A_2019 : vector<16xf32>
        %add3A_2022 = arith.addf %mul3A_2021, %gather3A_2020 : vector<16xf32>
        %add3A_2023 = arith.addf %add3A_2022, %broadcast_in_dim3A_58 : vector<16xf32>
        %bitcast3A_2024 = vector.bitcast %add3A_2023 : vector<16xf32> to vector<16xi32>
        %xor3A_2025 = arith.xori %xor3A_1905, %bitcast3A_2024 : vector<16xi32>
        %bitcast3A_2026 = vector.bitcast %add3A_2022 : vector<16xf32> to vector<16xi32>
        %and3A_2027 = arith.constant 2147483647 : i32
        %and3A_2028 = vector.broadcast %and3A_2027 : i32 to vector<16xi32>
        %and3A_2029 = arith.andi %bitcast3A_2026, %and3A_2028 : vector<16xi32>
        %sub3A_2030 = arith.constant 1 : i32
        %sub3A_2031 = vector.broadcast %sub3A_2030 : i32 to vector<16xi32>
        %sub3A_2032 = arith.subi %and3A_2029, %sub3A_2031 : vector<16xi32>
        %min3A_2033 = arith.minui %min3A_1913, %sub3A_2032 : vector<16xi32>
        %get3A_2034 = arith.constant 12 : i32
        %get3A_2035 = arith.index_cast %get3A_2034 : i32 to index
        %get3A_2036 = arith.index_cast %mul3A_1673 : i32 to index
        %get3A_2037 = tpu.vector_load %arg10[%get3A_2035, %get3A_2036] {strides = array<i32>} : memref<16x512xi32, #tpu.memory_space<vmem>>, vector<16xi32>,
        %and3A_2038 = arith.constant 16777215 : i32
        %and3A_2039 = vector.broadcast %and3A_2038 : i32 to vector<16xi32>
        %and3A_2040 = arith.andi %get3A_2037, %and3A_2039 : vector<16xi32>
        %shift_right_logical3A_2041 = arith.constant 22 : i32
        %shift_right_logical3A_2042 = vector.broadcast %shift_right_logical3A_2041 : i32 to vector<16xi32>
        %shift_right_logical3A_2043 = arith.shrui %get3A_2037, %shift_right_logical3A_2042 : vector<16xi32>
        %and3A_2044 = arith.constant 12 : i32
        %and3A_2045 = vector.broadcast %and3A_2044 : i32 to vector<16xi32>
        %and3A_2046 = arith.andi %shift_right_logical3A_2043, %and3A_2045 : vector<16xi32>
        %add3A_2047 = arith.addi %and3A_2046, %and3A_65 : vector<16xi32>
        %gather3A_2048 = tpu.vector_load_idx %arg8[%and3A_2040] : memref<100000xf32, #tpu.memory_space<vmem>>[vector<16xi32>], vector<16xf32>,
        %gather3A_2049 = tpu.vector_load_idx %arg13[%add3A_2047] : memref<16xf32, #tpu.memory_space<vmem>>[vector<16xi32>], vector<16xf32>,
        %gather3A_2050 = tpu.vector_load_idx %arg14[%add3A_2047] : memref<16xf32, #tpu.memory_space<vmem>>[vector<16xi32>], vector<16xf32>,
        %mul3A_2051 = arith.mulf %gather3A_2048, %gather3A_2049 : vector<16xf32>
        %add3A_2052 = arith.addf %mul3A_2051, %gather3A_2050 : vector<16xf32>
        %add3A_2053 = arith.addf %add3A_2052, %broadcast_in_dim3A_58 : vector<16xf32>
        %bitcast3A_2054 = vector.bitcast %add3A_2053 : vector<16xf32> to vector<16xi32>
        %xor3A_2055 = arith.xori %xor3A_1935, %bitcast3A_2054 : vector<16xi32>
        %bitcast3A_2056 = vector.bitcast %add3A_2052 : vector<16xf32> to vector<16xi32>
        %and3A_2057 = arith.constant 2147483647 : i32
        %and3A_2058 = vector.broadcast %and3A_2057 : i32 to vector<16xi32>
        %and3A_2059 = arith.andi %bitcast3A_2056, %and3A_2058 : vector<16xi32>
        %sub3A_2060 = arith.constant 1 : i32
        %sub3A_2061 = vector.broadcast %sub3A_2060 : i32 to vector<16xi32>
        %sub3A_2062 = arith.subi %and3A_2059, %sub3A_2061 : vector<16xi32>
        %min3A_2063 = arith.minui %min3A_1943, %sub3A_2062 : vector<16xi32>
        %get3A_2064 = arith.constant 13 : i32
        %get3A_2065 = arith.index_cast %get3A_2064 : i32 to index
        %get3A_2066 = arith.index_cast %mul3A_1673 : i32 to index
        %get3A_2067 = tpu.vector_load %arg10[%get3A_2065, %get3A_2066] {strides = array<i32>} : memref<16x512xi32, #tpu.memory_space<vmem>>, vector<16xi32>,
        %and3A_2068 = arith.constant 16777215 : i32
        %and3A_2069 = vector.broadcast %and3A_2068 : i32 to vector<16xi32>
        %and3A_2070 = arith.andi %get3A_2067, %and3A_2069 : vector<16xi32>
        %shift_right_logical3A_2071 = arith.constant 22 : i32
        %shift_right_logical3A_2072 = vector.broadcast %shift_right_logical3A_2071 : i32 to vector<16xi32>
        %shift_right_logical3A_2073 = arith.shrui %get3A_2067, %shift_right_logical3A_2072 : vector<16xi32>
        %and3A_2074 = arith.constant 12 : i32
        %and3A_2075 = vector.broadcast %and3A_2074 : i32 to vector<16xi32>
        %and3A_2076 = arith.andi %shift_right_logical3A_2073, %and3A_2075 : vector<16xi32>
        %add3A_2077 = arith.addi %and3A_2076, %and3A_65 : vector<16xi32>
        %gather3A_2078 = tpu.vector_load_idx %arg8[%and3A_2070] : memref<100000xf32, #tpu.memory_space<vmem>>[vector<16xi32>], vector<16xf32>,
        %gather3A_2079 = tpu.vector_load_idx %arg13[%add3A_2077] : memref<16xf32, #tpu.memory_space<vmem>>[vector<16xi32>], vector<16xf32>,
        %gather3A_2080 = tpu.vector_load_idx %arg14[%add3A_2077] : memref<16xf32, #tpu.memory_space<vmem>>[vector<16xi32>], vector<16xf32>,
        %mul3A_2081 = arith.mulf %gather3A_2078, %gather3A_2079 : vector<16xf32>
        %add3A_2082 = arith.addf %mul3A_2081, %gather3A_2080 : vector<16xf32>
        %add3A_2083 = arith.addf %add3A_2082, %broadcast_in_dim3A_58 : vector<16xf32>
        %bitcast3A_2084 = vector.bitcast %add3A_2083 : vector<16xf32> to vector<16xi32>
        %xor3A_2085 = arith.xori %xor3A_1965, %bitcast3A_2084 : vector<16xi32>
        %bitcast3A_2086 = vector.bitcast %add3A_2082 : vector<16xf32> to vector<16xi32>
        %and3A_2087 = arith.constant 2147483647 : i32
        %and3A_2088 = vector.broadcast %and3A_2087 : i32 to vector<16xi32>
        %and3A_2089 = arith.andi %bitcast3A_2086, %and3A_2088 : vector<16xi32>
        %sub3A_2090 = arith.constant 1 : i32
        %sub3A_2091 = vector.broadcast %sub3A_2090 : i32 to vector<16xi32>
        %sub3A_2092 = arith.subi %and3A_2089, %sub3A_2091 : vector<16xi32>
        %min3A_2093 = arith.minui %min3A_1973, %sub3A_2092 : vector<16xi32>
        %get3A_2094 = arith.constant 14 : i32
        %get3A_2095 = arith.index_cast %get3A_2094 : i32 to index
        %get3A_2096 = arith.index_cast %mul3A_1673 : i32 to index
        %get3A_2097 = tpu.vector_load %arg10[%get3A_2095, %get3A_2096] {strides = array<i32>} : memref<16x512xi32, #tpu.memory_space<vmem>>, vector<16xi32>,
        %and3A_2098 = arith.constant 16777215 : i32
        %and3A_2099 = vector.broadcast %and3A_2098 : i32 to vector<16xi32>
        %and3A_2100 = arith.andi %get3A_2097, %and3A_2099 : vector<16xi32>
        %shift_right_logical3A_2101 = arith.constant 22 : i32
        %shift_right_logical3A_2102 = vector.broadcast %shift_right_logical3A_2101 : i32 to vector<16xi32>
        %shift_right_logical3A_2103 = arith.shrui %get3A_2097, %shift_right_logical3A_2102 : vector<16xi32>
        %and3A_2104 = arith.constant 12 : i32
        %and3A_2105 = vector.broadcast %and3A_2104 : i32 to vector<16xi32>
        %and3A_2106 = arith.andi %shift_right_logical3A_2103, %and3A_2105 : vector<16xi32>
        %add3A_2107 = arith.addi %and3A_2106, %and3A_65 : vector<16xi32>
        %gather3A_2108 = tpu.vector_load_idx %arg8[%and3A_2100] : memref<100000xf32, #tpu.memory_space<vmem>>[vector<16xi32>], vector<16xf32>,
        %gather3A_2109 = tpu.vector_load_idx %arg13[%add3A_2107] : memref<16xf32, #tpu.memory_space<vmem>>[vector<16xi32>], vector<16xf32>,
        %gather3A_2110 = tpu.vector_load_idx %arg14[%add3A_2107] : memref<16xf32, #tpu.memory_space<vmem>>[vector<16xi32>], vector<16xf32>,
        %mul3A_2111 = arith.mulf %gather3A_2108, %gather3A_2109 : vector<16xf32>
        %add3A_2112 = arith.addf %mul3A_2111, %gather3A_2110 : vector<16xf32>
        %add3A_2113 = arith.addf %add3A_2112, %broadcast_in_dim3A_58 : vector<16xf32>
        %bitcast3A_2114 = vector.bitcast %add3A_2113 : vector<16xf32> to vector<16xi32>
        %xor3A_2115 = arith.xori %xor3A_1995, %bitcast3A_2114 : vector<16xi32>
        %bitcast3A_2116 = vector.bitcast %add3A_2112 : vector<16xf32> to vector<16xi32>
        %and3A_2117 = arith.constant 2147483647 : i32
        %and3A_2118 = vector.broadcast %and3A_2117 : i32 to vector<16xi32>
        %and3A_2119 = arith.andi %bitcast3A_2116, %and3A_2118 : vector<16xi32>
        %sub3A_2120 = arith.constant 1 : i32
        %sub3A_2121 = vector.broadcast %sub3A_2120 : i32 to vector<16xi32>
        %sub3A_2122 = arith.subi %and3A_2119, %sub3A_2121 : vector<16xi32>
        %min3A_2123 = arith.minui %min3A_2003, %sub3A_2122 : vector<16xi32>
        %get3A_2124 = arith.constant 15 : i32
        %get3A_2125 = arith.index_cast %get3A_2124 : i32 to index
        %get3A_2126 = arith.index_cast %mul3A_1673 : i32 to index
        %get3A_2127 = tpu.vector_load %arg10[%get3A_2125, %get3A_2126] {strides = array<i32>} : memref<16x512xi32, #tpu.memory_space<vmem>>, vector<16xi32>,
        %and3A_2128 = arith.constant 16777215 : i32
        %and3A_2129 = vector.broadcast %and3A_2128 : i32 to vector<16xi32>
        %and3A_2130 = arith.andi %get3A_2127, %and3A_2129 : vector<16xi32>
        %shift_right_logical3A_2131 = arith.constant 22 : i32
        %shift_right_logical3A_2132 = vector.broadcast %shift_right_logical3A_2131 : i32 to vector<16xi32>
        %shift_right_logical3A_2133 = arith.shrui %get3A_2127, %shift_right_logical3A_2132 : vector<16xi32>
        %and3A_2134 = arith.constant 12 : i32
        %and3A_2135 = vector.broadcast %and3A_2134 : i32 to vector<16xi32>
        %and3A_2136 = arith.andi %shift_right_logical3A_2133, %and3A_2135 : vector<16xi32>
        %add3A_2137 = arith.addi %and3A_2136, %and3A_65 : vector<16xi32>
        %gather3A_2138 = tpu.vector_load_idx %arg8[%and3A_2130] : memref<100000xf32, #tpu.memory_space<vmem>>[vector<16xi32>], vector<16xf32>,
        %gather3A_2139 = tpu.vector_load_idx %arg13[%add3A_2137] : memref<16xf32, #tpu.memory_space<vmem>>[vector<16xi32>], vector<16xf32>,
        %gather3A_2140 = tpu.vector_load_idx %arg14[%add3A_2137] : memref<16xf32, #tpu.memory_space<vmem>>[vector<16xi32>], vector<16xf32>,
        %mul3A_2141 = arith.mulf %gather3A_2138, %gather3A_2139 : vector<16xf32>
        %add3A_2142 = arith.addf %mul3A_2141, %gather3A_2140 : vector<16xf32>
        %add3A_2143 = arith.addf %add3A_2142, %broadcast_in_dim3A_58 : vector<16xf32>
        %bitcast3A_2144 = vector.bitcast %add3A_2143 : vector<16xf32> to vector<16xi32>
        %xor3A_2145 = arith.xori %xor3A_2025, %bitcast3A_2144 : vector<16xi32>
        %bitcast3A_2146 = vector.bitcast %add3A_2142 : vector<16xf32> to vector<16xi32>
        %and3A_2147 = arith.constant 2147483647 : i32
        %and3A_2148 = vector.broadcast %and3A_2147 : i32 to vector<16xi32>
        %and3A_2149 = arith.andi %bitcast3A_2146, %and3A_2148 : vector<16xi32>
        %sub3A_2150 = arith.constant 1 : i32
        %sub3A_2151 = vector.broadcast %sub3A_2150 : i32 to vector<16xi32>
        %sub3A_2152 = arith.subi %and3A_2149, %sub3A_2151 : vector<16xi32>
        %min3A_2153 = arith.minui %min3A_2033, %sub3A_2152 : vector<16xi32>
        %xor3A_2154 = arith.xori %xor3A_2055, %xor3A_2085 : vector<16xi32>
        %xor3A_2155 = arith.xori %xor3A_2115, %xor3A_2145 : vector<16xi32>
        %xor3A_2156 = arith.xori %xor3A_2154, %xor3A_2155 : vector<16xi32>
        %min3A_2157 = arith.minui %min3A_2063, %min3A_2093 : vector<16xi32>
        %min3A_2158 = arith.minui %min3A_2123, %min3A_2153 : vector<16xi32>
        %min3A_2159 = arith.minui %min3A_2157, %min3A_2158 : vector<16xi32>
        %add3A_2160 = arith.constant 1 : i32
        %add3A_2161 = vector.broadcast %add3A_2160 : i32 to vector<16xi32>
        %add3A_2162 = arith.addi %min3A_2159, %add3A_2161 : vector<16xi32>
        %bitcast3A_2163 = vector.bitcast %add3A_2162 : vector<16xi32> to vector<16xf32>
        %and3A_2164 = arith.constant -2147483648 : i32
        %and3A_2165 = vector.broadcast %and3A_2164 : i32 to vector<16xi32>
        %and3A_2166 = arith.andi %xor3A_2156, %and3A_2165 : vector<16xi32>
        %or3A_2167 = arith.constant 1065353216 : i32
        %or3A_2168 = vector.broadcast %or3A_2167 : i32 to vector<16xi32>
        %or3A_2169 = arith.ori %and3A_2166, %or3A_2168 : vector<16xi32>
        %bitcast3A_2170 = vector.bitcast %or3A_2169 : vector<16xi32> to vector<16xf32>
        %mul3A_2171 = arith.mulf %get3A_53, %bitcast3A_2163 : vector<16xf32>
        %add3A_2172 = arith.addf %mul3A_2171, %get3A_57 : vector<16xf32>
        %mul3A_2173 = arith.mulf %bitcast3A_2170, %add3A_2172 : vector<16xf32>
        %swap3A_2174 = arith.index_cast %mul3A_1673 : i32 to index
        %swap3A_2175 = tpu.vector_load %arg12[%swap3A_2174] {strides = array<i32>} : memref<512xf32, #tpu.memory_space<vmem>>, vector<16xf32>,
        tpu.vector_store %arg12[%swap3A_2174], %mul3A_2173 {strides = array<i32>} : memref<512xf32, #tpu.memory_space<vmem>>, vector<16xf32>,
      }
      %scan3A_143 = arith.constant 8 : i32
      %dma_start3A_144 = arith.constant 0 : i32
      %dma_start3A_145 = tpu.memref_slice %arg7[%select_n3A, %add3A_88, %dma_start3A_144] : memref<8x200x512xf32, #tpu.memory_space<hbm>> -> memref<1x1x512xf32, #tpu.memory_space<hbm>>
      %dma_start3A_146 = tpu.memref_squeeze %dma_start3A_145 : memref<1x1x512xf32, #tpu.memory_space<hbm>> -> memref<512xf32, #tpu.memory_space<hbm>>
      %dma_start3A_147 = arith.constant 0 : i32
      %dma_start3A_148 = tpu.memref_slice %arg7[%select_n3A, %add3A_88, %dma_start3A_147] : memref<8x200x512xf32, #tpu.memory_space<hbm>> -> memref<1x1x512xf32, #tpu.memory_space<hbm>>
      %dma_start3A_149 = tpu.memref_squeeze %dma_start3A_148 : memref<1x1x512xf32, #tpu.memory_space<hbm>> -> memref<512xf32, #tpu.memory_space<hbm>>
      tpu.enqueue_dma source(%arg12 : memref<512xf32, #tpu.memory_space<vmem>>) target(%dma_start3A_149 : memref<512xf32, #tpu.memory_space<hbm>>) target_semaphore(%arg20 : memref<!tpu.dma_semaphore, #tpu.memory_space<semaphore_mem>>)
    }
    %scan3A_70 = arith.constant 25 : i32
    %dma_wait3A_71 = arith.constant 0 : i32
    %dma_wait3A_72 = tpu.memref_slice %arg7[%select_n3A, %mul3A_32, %dma_wait3A_71] : memref<8x200x512xf32, #tpu.memory_space<hbm>> -> memref<1x1x512xf32, #tpu.memory_space<hbm>>
    %dma_wait3A_73 = tpu.memref_squeeze %dma_wait3A_72 : memref<1x1x512xf32, #tpu.memory_space<hbm>> -> memref<512xf32, #tpu.memory_space<hbm>>
    %dma_wait3A_74 = arith.constant 0 : i32
    %dma_wait3A_75 = tpu.memref_slice %arg7[%select_n3A, %mul3A_32, %dma_wait3A_74] : memref<8x200x512xf32, #tpu.memory_space<hbm>> -> memref<1x1x512xf32, #tpu.memory_space<hbm>>
    %dma_wait3A_76 = tpu.memref_squeeze %dma_wait3A_75 : memref<1x1x512xf32, #tpu.memory_space<hbm>> -> memref<512xf32, #tpu.memory_space<hbm>>
    tpu.wait_dma2 semaphore(%arg19 : memref<!tpu.dma_semaphore, #tpu.memory_space<semaphore_mem>>) src(%arg11 : memref<512xf32, #tpu.memory_space<vmem>>) dst(%dma_wait3A_76 : memref<512xf32, #tpu.memory_space<hbm>>)
    %dma_wait3A_77 = arith.constant 0 : i32
    %dma_wait3A_78 = tpu.memref_slice %arg7[%select_n3A, %mul3A_32, %dma_wait3A_77] : memref<8x200x512xf32, #tpu.memory_space<hbm>> -> memref<1x1x512xf32, #tpu.memory_space<hbm>>
    %dma_wait3A_79 = tpu.memref_squeeze %dma_wait3A_78 : memref<1x1x512xf32, #tpu.memory_space<hbm>> -> memref<512xf32, #tpu.memory_space<hbm>>
    %dma_wait3A_80 = arith.constant 0 : i32
    %dma_wait3A_81 = tpu.memref_slice %arg7[%select_n3A, %mul3A_32, %dma_wait3A_80] : memref<8x200x512xf32, #tpu.memory_space<hbm>> -> memref<1x1x512xf32, #tpu.memory_space<hbm>>
    %dma_wait3A_82 = tpu.memref_squeeze %dma_wait3A_81 : memref<1x1x512xf32, #tpu.memory_space<hbm>> -> memref<512xf32, #tpu.memory_space<hbm>>
    tpu.wait_dma2 semaphore(%arg20 : memref<!tpu.dma_semaphore, #tpu.memory_space<semaphore_mem>>) src(%arg12 : memref<512xf32, #tpu.memory_space<vmem>>) dst(%dma_wait3A_82 : memref<512xf32, #tpu.memory_space<hbm>>)
    return
  }
}

</mosaic_0001>

<sc_bundles>
// kernel: kernel.3.cloned.1.call-start
scs
__scs_entry_jumppad:
0x0: {  	(pc) =	sbr.rel $0x88, $3  }
0x1: {  	(tag) =	ssettag $0x0;
	lr =	simm.s32 $0x1  }
0x2: {  	[smem:$0x3F9A] =	sst lr;
	_ =	strace $0xD0000000  }
0x3: {  	_ = 	snop  }
0x4: {  	_ = 	snop  }
0x5: {  	_ = 	snop  }
0x6: {  	_ = 	snop  }
0x7: {  	_ = 	snop  }
__scs_overlays_trampoline_lowered:
0x8: {  	[smem:$0x3FA9] =	sst s0  }
0x9: {  	[smem:$0x3FAA] =	sst s1  }
0xa: {  	[smem:$0x3FAB] =	sst s2  }
0xb: {  	[smem:$0x3FAC] =	sst s3  }
0xc: {  	[smem:$0x3FAD] =	sst s4  }
0xd: {  	[smem:$0x3FAE] =	sst s5  }
0xe: {  	[smem:$0x3FAF] =	sst s6  }
0xf: {  	[smem:$0x3FB0] =	sst s7  }
0x10: {  	[smem:$0x3FB1] =	sst s8  }
0x11: {  	[smem:$0x3FB2] =	sst s9;
	s0 =	simm.s32 @!p0 $0x0  }
0x12: {  	s1 =	sld [smem:$0x3F98];
	s0 =	simm.s32 @p0 $0x1  }
0x13: {  	[smem:$0x3FB3] =	sst s0;
	s0 =	simm.s32 @!p1 $0x0  }
0x14: {  	s2 =	sld [smem:$0x3F97];
	s0 =	simm.s32 @p1 $0x1  }
0x15: {  	[smem:$0x3FB4] =	sst s0;
	s0 =	simm.s32 @!p2 $0x0  }
0x16: {  	s3 =	sld [smem:$0x3FDB];
	s0 =	simm.s32 @p2 $0x1  }
0x17: {  	s4 =	simm.s32 $0x1BF5;
	[smem:$0x3FB6] =	sst s0  }
0x18: {  	s0 =	sld [smem:$0x3F99];
	_ =	swait.ge [sflag:s4], $0x0  }
0x19: {  	s7 =	sld [smem:$0x3F9A]  }
0x1a: {  	s8 =	sadd.s32 $0xFFFFE003, lr  }
0x1b: {  	s9 =	sadd.s32 $0xFFFFFEF7, lr;
	s5 =	simm.s32 $0xFFFFFFFF;
	p2 =	slt.u32 s8, $0xFFFFF086  }
0x1c: {  	p1 =	slt.u32 s9, $0xF7A;
	s5 =	simm.s32 @!p2 $0x0  }
0x1d: {  	s5 =	simm.s32 @p1 $0x1;
	p0 =	seq.s32 s7, s2  }
0x1e: {  	s7 =	smul.u32 @!p0 $0xF7A, s2;
	p2 =	seq.s32 @!p0 s5, $0x0  }
0x1f: {  	s9 =	smul.u32 $0xF7A, s1;
	s8 =	simm.s32 @!p0 $0x1BF5;
	p2 =	por !p2, p0  }
0x20: {  	[sflag:s8] =	ssyncset.s32 @!p0 $0xFFFFF086;
	s6 =	sadd.s32 @!p0 s3, s7;
	s7 =	simm.s32 @!p0 $0x108  }
0x21: {  	s3 =	sadd.s32 s3, s9;
	s6 =	sadd.s32 @!p0 $0x88, s6;
	s7 =	simm.s32 @p2 $0x1082  }
0x22: {  	[simem:s7], [sflag:s8] =	dma.local @!p0 [hbm:s6], $0xF7A  }
0x23: {  	s9 =	sor.u32 $0xD0000000, s2;
	s6 =	simm.s32 $0x108;
	_ =	swait.ge @!p0 [sflag:s8], $0x0  }
0x24: {  	s3 =	sadd.s32 $0x88, s3;
	s6 =	simm.s32 @!p1 $0x1082;
	[sflag:s4] =	ssyncset.s32 $0xFFFFF086  }
0x25: {  	[simem:s6], [sflag:s4] =	dma.local [hbm:s3], $0xF7A  }
0x26: {  	[smem:$0x3F9A] =	sst s1;
	(tag) =	ssettag s2;
	_ =	strace s9  }
0x27: {  	s1 =	sld [smem:$0x3FAA]  }
0x28: {  	s2 =	sld [smem:$0x3FAB]  }
0x29: {  	s4 =	sld [smem:$0x3FAD]  }
0x2a: {  	p0 =	seq.s32 s5, $0x0;
	s5 =	sld [smem:$0x3FAE]  }
0x2b: {  	s6 =	sld [smem:$0x3FAF]  }
0x2c: {  	s7 =	sld [smem:$0x3FB0]  }
0x2d: {  	s3 =	simm.s32 $0x108;
	s8 =	sld [smem:$0x3FB1]  }
0x2e: {  	s3 =	simm.s32 @!p0 $0x1082;
	s9 =	sld [smem:$0x3FB2]  }
0x2f: {  	lr =	sadd.s32 s0, s3;
	s0 =	sld [smem:$0x3FA9]  }
0x30: {  	s3 =	sld [smem:$0x3FAC]  }
0x31: {  	[smem:$0x3FB5] =	sst s10  }
0x32: {  	s10 =	sld [smem:$0x3FB3];
	_ =	sdelay $0x3  }
0x33: {  	p0 =	seq.s32 s10, $0x1;
	s10 =	sld [smem:$0x3FB5];
	_ =	sdelay $0x3  }
0x34: {  	[smem:$0x3FB5] =	sst s10  }
0x35: {  	s10 =	sld [smem:$0x3FB4];
	_ =	sdelay $0x3  }
0x36: {  	p1 =	seq.s32 s10, $0x1;
	s10 =	sld [smem:$0x3FB5];
	_ =	sdelay $0x3  }
0x37: {  	[smem:$0x3FB5] =	sst s10  }
0x38: {  	s10 =	sld [smem:$0x3FB6]  }
0x39: {  	_ = 	snop;
	(pc) =	sbr.ind lr, $3  }
0x3a: {  	_ = 	snop  }
0x3b: {  	_ = 	snop  }
0x3c: {  	p2 =	seq.s32 s10, $0x1;
	s10 =	sld [smem:$0x3FB5]  }
0x3d: {  	_ =	shalt  }
0x3e: {  	_ =	shalt  }
0x3f: {  	_ =	shalt  }
0x40: {  	_ =	shalt  }
0x41: {  	_ =	shalt  }
0x42: {  	_ =	shalt  }
0x43: {  	_ =	shalt  }
0x44: {  	_ =	shalt  }
0x45: {  	_ =	shalt  }
0x46: {  	_ =	shalt  }
0x47: {  	_ =	shalt  }
0x48: {  	_ =	shalt  }
0x49: {  	_ =	shalt  }
0x4a: {  	_ =	shalt  }
0x4b: {  	_ =	shalt  }
0x4c: {  	_ =	shalt  }
0x4d: {  	_ =	shalt  }
0x4e: {  	_ =	shalt  }
0x4f: {  	_ =	shalt  }
0x50: {  	_ =	shalt  }
0x51: {  	_ =	shalt  }
0x52: {  	_ =	shalt  }
0x53: {  	_ =	shalt  }
0x54: {  	_ =	shalt  }
0x55: {  	_ =	shalt  }
0x56: {  	_ =	shalt  }
0x57: {  	_ =	shalt  }
0x58: {  	_ =	shalt  }
0x59: {  	_ =	shalt  }
0x5a: {  	_ =	shalt  }
0x5b: {  	_ =	shalt  }
0x5c: {  	_ =	shalt  }
0x5d: {  	_ =	shalt  }
0x5e: {  	_ =	shalt  }
0x5f: {  	_ =	shalt  }
0x60: {  	_ =	shalt  }
0x61: {  	_ =	shalt  }
0x62: {  	_ =	shalt  }
0x63: {  	_ =	shalt  }
0x64: {  	_ =	shalt  }
0x65: {  	_ =	shalt  }
0x66: {  	_ =	shalt  }
0x67: {  	_ =	shalt  }
0x68: {  	_ =	shalt  }
0x69: {  	_ =	shalt  }
0x6a: {  	_ =	shalt  }
0x6b: {  	_ =	shalt  }
0x6c: {  	_ =	shalt  }
0x6d: {  	_ =	shalt  }
0x6e: {  	_ =	shalt  }
0x6f: {  	_ =	shalt  }
0x70: {  	_ =	shalt  }
0x71: {  	_ =	shalt  }
0x72: {  	_ =	shalt  }
0x73: {  	_ =	shalt  }
0x74: {  	_ =	shalt  }
0x75: {  	_ =	shalt  }
0x76: {  	_ =	shalt  }
0x77: {  	_ =	shalt  }
0x78: {  	_ =	shalt  }
0x79: {  	_ =	shalt  }
0x7a: {  	_ =	shalt  }
0x7b: {  	_ =	shalt  }
0x7c: {  	_ =	shalt  }
0x7d: {  	_ =	shalt  }
0x7e: {  	_ =	shalt  }
0x7f: {  	_ =	shalt  }
0x80: {  	_ =	shalt  }
0x81: {  	_ =	shalt  }
0x82: {  	_ =	shalt  }
0x83: {  	_ =	shalt  }
0x84: {  	_ =	shalt  }
0x85: {  	_ =	shalt  }
0x86: {  	_ =	shalt  }
0x87: {  	_ =	shalt  }
.Lfunc_end0:
.L_simem_size_0:
called_computation_lowered:
.L_overlay_start_0:
0x88: {  	s2 =	sld [smem:$0x3FD9]  }
0x89: {  	s3 =	sld [smem:$0x3FFE];
	_ =	sdelay $0x1  }
0x8a: {  	s1 =	srdreg.scid  }
0x8b: {  	s0 =	sand.u32 $0x1, s1  }
0x8c: {  	s17 =	sshll.u32 s0, $0xA;
	s2 =	sadd.s32 s3, s2  }
0x8d: {  	s2 =	sadd.s32 s2, s17  }
0x8e: {  	[smem:$0x3FC1] =	sst s2  }
0x8f: {  	_ = 	snop  }
0x90: {  	s2 =	sld [smem:$0x3FC9]  }
0x91: {  	s18 =	sld [smem:$0x3FD0];
	(tm) =	ssettm $0x1  }
0x92: {  	s4 =	sld [smem:$0x3FFB];
	_ =	sdelay $0x3  }
0x93: {  	_ =	strace s4  }
0x94: {  	s4 =	sld [smem:$0x3FFC];
	_ =	sdelay $0x3  }
0x95: {  	_ =	strace s4  }
0x96: {  	s4 =	sld [smem:$0x3FFD];
	_ =	sdelay $0x3  }
0x97: {  	_ =	strace s4  }
0x98: {  	_ =	strace $0x8FFFFFFF  }
0x99: {  	s19 =	sld [smem:$0x3FDB];
	_ =	sdelay $0x1  }
0x9a: {  	s5 =	simm.s32 $_scs_section_size  }
0x9b: {  	s6 =	simm.s32 $_size__tile_overlayer_lowered;
	s7 =	simm.s32 $_tile_overlayer_lowered  }
0x9c: {  	s22 =	simm.s32 $0x1BFF;
	s21 =	sshll.u32 s7, $0x1;
	s4 =	sadd.s32 s5, s19  }
0x9d: {  	s8 =	simm.s32 $0x0;
	s20 =	sshll.u32 s6, $0x1;
	s6 =	sadd.s32 s21, s4  }
0x9e: {  	[timem:s8], [sflag:s22] =	dma.local [hbm:s6], s20  }
0x9f: {  	_ =	swait.ge [sflag:s22], s20  }
0xa0: {  	s5 =	ssub.s32 $0x0, s20;
	[sflag:s22] =	ssyncset.done $0x0  }
0xa1: {  	[sflag:s22] =	ssyncadd.s32 s5;
	_ =	sdelay $0x1  }
0xa2: {  	s23 =	simm.s32 $0x1B8B  }
0xa3: {  	_ =	swait.ge [sflag:s23], $0x1  }
0xa4: {  	[sflag:s23] =	ssyncset.done $0x0  }
0xa5: {  	s25 =	simm.s32 $0x1B8E;
	s24 =	sld [smem:$0x3FFE];
	[sflag:s23] =	ssyncadd.s32 $0xFFFFFFFF  }
0xa6: {  	s26 =	simm.s32 $execute0_lowered;
	[smem:$0x3FD2] =	sst s25  }
0xa7: {  	s6 =	sshll.u32 s26, $0x1;
	_ =	strace $0x80000046;
	[dreg:$0x1] =	wrdreg $0xFFFFFFFF  }
0xa8: {  	s28 =	simm.s32 $_size_execute0_lowered;
	s4 =	sadd.s32 s4, s6;
	[dreg:$0x0] =	wrdreg $0x0  }
0xa9: {  	s6 =	sshll.u32 s28, $0x1;
	[dreg:$0x2] =	wrdreg s4  }
0xaa: {  	[dreg:$0x3] =	wrdreg s6  }
0xab: {  	[dreg:$0x4] =	wrdreg $0xC0  }
0xac: {  	_ =	task [dreg:s8], $0x5FFFF  }
0xad: {  	[dreg:$0x1] =	wrdreg $0xFFFFFFFF  }
0xae: {  	[dreg:$0x0] =	wrdreg $0x60  }
0xaf: {  	[dreg:$0x2] =	wrdreg s2  }
0xb0: {  	[dreg:$0x3] =	wrdreg s24  }
0xb1: {  	[dreg:$0x4] =	wrdreg s18  }
0xb2: {  	[dreg:$0x5] =	wrdreg $0x9  }
0xb3: {  	_ =	task.clear_ibuf [dreg:s8], $0x6FFFF;
	_ =	strace $0x90000046  }
0xb4: {  	s29 =	simm.s32 $0x9;
	_ =	strace $0x80000048  }
0xb5: {  	_ =	swait.ge [sflag:s29], $0x1  }
0xb6: {  	[sflag:s29] =	ssyncadd.s32 $0xFFFFFFFF  }
0xb7: {  	_ =	strace $0x90000048  }
0xb8: {  	_ =	sfence  }
0xb9: {  	s30 =	sld [smem:$0x0];
	_ =	sdelay $0x2  }
0xba: {  	s31 =	sshll.u32 s1, $0xD;
	s1 =	sshrl.u32 s1, $0x2  }
0xbb: {  	s3 =	sand.u32 $0x4000, s31;
	s1 =	sadd.s32 s1, s30  }
0xbc: {  	s0 =	sor.u32 s3, s0;
	s1 =	sshll.u32 s1, $0x11  }
0xbd: {  	s0 =	sor.u32 s1, s0  }
0xbe: {  	s0 =	sadd.s32 $0x8F2B, s0  }
0xbf: {  	[sflag:s0] =	ssyncadd.remote.s32 $0x1  }
0xc0: {  	_ =	sfence.sel $0xFFFF  }
0xc1: {  	[dreg:$0x0] =	wrdreg $0xFFFFFFFF;
	(pc) =	sbr.abs _section_cstart, $3  }
0xc2: {  	[dreg:$0x1] =	wrdreg $0xFFFFFFFF  }
0xc3: {  	_ =	task.clear_ibuf [dreg:s8], $0x2FFFF;
	_ =	strace $0x9FFFFFFF  }
0xc4: {  	(tm) =	ssettm $0x7FFFFFFF  }
0xc5: {  	_ =	shalt  }
tec
execute0_lowered:
.L_overlay_start_1:
0x0: {  	(tag) =	ssettag $0x1  }
0x1: {  	s0 =	rddreg [dreg:$0x0]  }
0x2: {  	s1 =	rddreg [dreg:$0x1]  }
0x3: {  	s3 =	simm.s32 $0x0;
	s8 =	stileid.u32;
	s24 =	srdreg.scid  }
0x4: {  	s14 =	simm.s32 $0x80;
	s15 =	simm.s32 $0x400;
	s17 =	simm.s32 $0x1CB00  }
0x5: {  	s19 =	simm.s32 $0x1CB80;
	s23 =	simm.s32 $0x2;
	[smem:$0x7FF] =	sst s3  }
0x6: {  	s4 =	sadd.s32 $0x800, s1;
	s2 =	sadd.s32 $0x32800, s1;
	s5 =	sshll.u32 s8, $0x1  }
0x7: {  	s6 =	sadd.s32 $0x32A00, s1;
	s7 =	sadd.s32 $0x32C00, s1;
	s9 =	sshrl.u32 s8, $0x1  }
0x8: {  	s30 =	sadd.s32 $0x1000, s1;
	s1 =	simm.s32 $0x0;
	_ =	strace $0x80000047  }
0x9: {  	[dreg:$0x4] =	wrdreg s2;
	s2 =	sand.u32 $0x1, s24;
	s5 =	sand.u32 $0x2, s5  }
0xa: {  	s11 =	smul.u32 $0x19000, s9;
	s25 =	ssub.s32 $0x2, s2;
	s2 =	sor.u32 s2, s5  }
0xb: {  	[dreg:$0x5] =	wrdreg s6;
	s28 =	sshll.u32 s9, $0x4;
	s10 =	smul.u32 $0xC800, s2  }
0xc: {  	[dreg:$0x8] =	wrdreg s30;
	s0 =	sadd.s32 s0, s28;
	s26 =	sshrl.u32 s25, $0x1  }
0xd: {  	[dreg:$0x6] =	wrdreg s0;
	s5 =	ssub.s32 s25, s26;
	s29 =	sadd.s32 s4, s10  }
0xe: {  	v0 =	vlaneseq.u32;
	s8 =	smul.u32 $0x32, s2;
	s31 =	smax.u32 s5, $0x1;
	[dreg:$0x7] =	wrdreg s29  }
0xf: {  	v0 =	vand.u32 $0x3, v0;
	s25 =	simm.s32 $0x3;
	s26 =	simm.s32 $0x5;
	[dreg:$0x9] =	wrdreg s31  }
.LBB2_1:
0x10: {  	[dreg:$0xa] =	wrdreg s1  }
0x11: {  	s0 =	rddreg [dreg:$0x6]  }
0x12: {  	[tilespmem:s3], [sflag:$0x1] =	stream.strided.gather [hbm4b:s0+s14], $0x18700, s15, s14, $0x38;
	[tilespmem:$0x1CD00] =	vst v63  }
0x13: {  	s20 =	rddreg [dreg:$0x7];
	s21 =	simm.s32 $0x18700  }
0x14: {  	[tilespmem:s21], [sflag:$0x2] =	stream.linear.gather [hbm4b:s20+s3], $0x2000, $0x38;
	[tilespmem:$0x1CD00] =	vst v63  }
0x15: {  	s22 =	rddreg [dreg:$0x4];
	s24 =	simm.s32 $0x6  }
0x16: {  	[tilespmem:s17], [sflag:$0x6] =	stream.linear.gather [hbm4b:s22+s3], $0x80, $0x38;
	[tilespmem:$0x1CD00] =	vst v63  }
0x17: {  	_ =	swait.ge [sflag:s24], $0x80  }
0x18: {  	[sflag:s24] =	ssyncset.done $0x0  }
0x19: {  	s28 =	rddreg [dreg:$0x5];
	[sflag:s24] =	ssyncadd.s32 $0xFFFFFF80  }
0x1a: {  	[tilespmem:s19], [sflag:$0x6] =	stream.linear.gather [hbm4b:s28+s3], $0x80, $0x38;
	[tilespmem:$0x1CD00] =	vst v63  }
0x1b: {  	_ =	swait.ge [sflag:s24], $0x80  }
0x1c: {  	[sflag:s24] =	ssyncset.done $0x0  }
0x1d: {  	[sflag:s24] =	ssyncadd.s32 $0xFFFFFF80  }
0x1e: {  	s2 =	simm.s32 $0x1CC00;
	s29 =	rddreg [dreg:$0x2]  }
0x1f: {  	[tilespmem:s2], [sflag:$0x6] =	stream.linear.gather [hbm4b:s29+s3], $0x100, $0x38;
	[tilespmem:$0x1CD00] =	vst v63  }
0x20: {  	_ =	swait.ge [sflag:s24], $0x100  }
0x21: {  	[sflag:s24] =	ssyncset.done $0x0  }
0x22: {  	s30 =	simm.s32 $0x1;
	[sflag:s24] =	ssyncadd.s32 $0xFFFFFF00  }
0x23: {  	_ =	swait.ge [sflag:s30], $0x18700  }
0x24: {  	[sflag:s30] =	ssyncset.done $0x0  }
0x25: {  	[sflag:s30] =	ssyncadd.s32 $0xFFFE7900  }
0x26: {  	v1 =	vld [tilespmem:$0x1CC00]  }
0x27: {  	s31 =	simm.s32 $0x0;
	v2 =	vld [tilespmem:$0x1CC80]  }
.LBB2_2:
0x28: {  	s0 =	sshll.u32 s31, $0x1  }
0x29: {  	s1 =	sadd.s32 s8, s0  }
0x2a: {  	s0 =	sor.u32 $0x1, s1  }
0x2b: {  	s2 =	sshll.u32 s0, $0xA  }
0x2c: {  	s2 =	sand.u32 $0x1FFFFC00, s2  }
0x2d: {  	s5 =	simm.s32 $0x1A700;
	s2 =	sadd.s32 s4, s2  }
0x2e: {  	[tilespmem:s5], [sflag:$0x3] =	stream.linear.gather [hbm4b:s2+s3], $0x2000, $0x38;
	[tilespmem:$0x1CD00] =	vst v63  }
0x2f: {  	_ =	swait.ge [sflag:s23], $0x2000  }
0x30: {  	p0 =	seq.s32 s31, $0x0;
	[sflag:s23] =	ssyncset.done $0x0  }
0x31: {  	s2 =	simm.s32 @!p0 $0x4;
	[sflag:s23] =	ssyncadd.s32 $0xFFFFE000  }
0x32: {  	_ =	swait.ge @!p0 [sflag:s2], $0x200  }
0x33: {  	s20 =	simm.s32 $0x1C700;
	[sflag:s2] =	ssyncset.done @!p0 $0x0  }
0x34: {  	s5 =	simm.s32 $0x0;
	[sflag:s2] =	ssyncadd.s32 @!p0 $0xFFFFFE00;
	s2 =	simm.s32 $0x0  }
.LBB2_3:
0x35: {  	s21 =	sand.u32 $0xC00, s2  }
0x36: {  	s13 =	sand.u32 $0x40, s5;
	s10 =	sadd.s32 $0x18700, s21  }
0x37: {  	s6 =	sor.u32 s13, s10  }
0x38: {  	v3 =	vld [tilespmem:s6+$0x0]  }
0x39: {  	v4 =	vld [tilespmem:s6+$0x80]  }
0x3a: {  	v6 =	vld [tilespmem:s6+$0x100]  }
0x3b: {  	v8 =	vld [tilespmem:s6+$0x180]  }
0x3c: {  	v13 =	vld [tilespmem:s6+$0x200]  }
0x3d: {  	v15 =	vld [tilespmem:s6+$0x280]  }
0x3e: {  	v18 =	vld [tilespmem:s6+$0x300]  }
0x3f: {  	v20 =	vld [tilespmem:s6+$0x380];
	s6 =	sadd.s32 $0x19700, s21  }
0x40: {  	s9 =	sor.u32 s13, s6  }
0x41: {  	v23 =	vld [tilespmem:s9+$0x0];
	s9 =	sadd.s32 $0x19780, s21  }
0x42: {  	s29 =	sadd.s32 $0x19800, s21;
	s12 =	sor.u32 s13, s9  }
0x43: {  	s22 =	sor.u32 s13, s29;
	v46 =	vld [tilespmem:s12+$0x0];
	s12 =	sadd.s32 $0x19900, s21  }
0x44: {  	s16 =	sadd.s32 $0x19880, s21;
	v27 =	vld [tilespmem:s22+$0x0];
	v5 =	vshrl.u32 v3, $0x16;
	v3 =	vand.u32 $0xFFFFFF, v3;
	s18 =	sor.u32 s13, s12  }
0x45: {  	s24 =	sor.u32 s13, s16;
	v7 =	vshrl.u32 v4, $0x16;
	v4 =	vand.u32 $0xFFFFFF, v4;
	v35 =	vld [tilespmem:s18+$0x0];
	s18 =	sadd.s32 $0x19980, s21  }
0x46: {  	s30 =	sadd.s32 $0x19A00, s21;
	v62 =	vld [tilespmem:s24+$0x0];
	v10 =	vshrl.u32 v6, $0x16;
	v6 =	vand.u32 $0xFFFFFF, v6;
	s21 =	sadd.s32 $0x19A80, s21;
	s22 =	sor.u32 s13, s18  }
0x47: {  	v12 =	vshrl.u32 v8, $0x16;
	v8 =	vand.u32 $0xFFFFFF, v8;
	s24 =	sor.u32 s13, s21;
	v29 =	vld [tilespmem:s22+$0x0]  }
0x48: {  	v16 =	vshrl.u32 v13, $0x16;
	v13 =	vand.u32 $0xFFFFFF, v13;
	v31 =	vld [tilespmem:s24+$0x0]  }
0x49: {  	v19 =	vshrl.u32 v15, $0x16;
	v15 =	vand.u32 $0xFFFFFF, v15;
	v3 =	vld.idx.msk [tilespmem:v3+s3+$0x0], $0xffff  }
0x4a: {  	v22 =	vshrl.u32 v18, $0x16;
	v18 =	vand.u32 $0xFFFFFF, v18;
	v5 =	vand.u32 $0xC, v5;
	v4 =	vld.idx.msk [tilespmem:v4+s3+$0x0], $0xffff  }
0x4b: {  	v5 =	vor.u32 v0, v5;
	v6 =	vld.idx.msk [tilespmem:v6+s3+$0x0], $0xffff  }
0x4c: {  	v7 =	vand.u32 $0xC, v7;
	v8 =	vld.idx.msk [tilespmem:v8+s3+$0x0], $0xffff  }
0x4d: {  	v7 =	vor.u32 v0, v7;
	v13 =	vld.idx.msk [tilespmem:v13+s3+$0x0], $0xffff  }
0x4e: {  	v10 =	vand.u32 $0xC, v10;
	v15 =	vld.idx.msk [tilespmem:v15+s3+$0x0], $0xffff  }
0x4f: {  	v10 =	vor.u32 v0, v10;
	v44 =	vld.idx.msk [tilespmem:v18+s3+$0x0], $0xffff  }
0x50: {  	v12 =	vand.u32 $0xC, v12;
	v9 =	vld.idx.msk [tilespmem:v5+s17+$0x0], $0xffff  }
0x51: {  	v12 =	vor.u32 v0, v12;
	v5 =	vld.idx.msk [tilespmem:v5+s19+$0x0], $0xffff  }
0x52: {  	v16 =	vand.u32 $0xC, v16;
	v11 =	vld.idx.msk [tilespmem:v7+s17+$0x0], $0xffff  }
0x53: {  	v16 =	vor.u32 v0, v16;
	v7 =	vld.idx.msk [tilespmem:v7+s19+$0x0], $0xffff  }
0x54: {  	v25 =	vshrl.u32 v20, $0x16;
	v19 =	vand.u32 $0xC, v19;
	v14 =	vld.idx.msk [tilespmem:v10+s17+$0x0], $0xffff  }
0x55: {  	v25 =	vand.u32 $0xC, v25;
	v19 =	vor.u32 v0, v19;
	v10 =	vld.idx.msk [tilespmem:v10+s19+$0x0], $0xffff  }
0x56: {  	v45 =	vor.u32 v0, v25;
	v17 =	vld.idx.msk [tilespmem:v12+s17+$0x0], $0xffff  }
0x57: {  	v12 =	vld.idx.msk [tilespmem:v12+s19+$0x0], $0xffff  }
0x58: {  	v20 =	vand.u32 $0xFFFFFF, v20;
	v60 =	vshrl.u32 v27, $0x16;
	v55 =	vand.u32 $0xFFFFFF, v46;
	v21 =	vld.idx.msk [tilespmem:v16+s17+$0x0], $0xffff  }
0x59: {  	v61 =	vand.u32 $0xFFFFFF, v27;
	v38 =	vshrl.u32 v62, $0x16;
	v22 =	vand.u32 $0xC, v22;
	v16 =	vld.idx.msk [tilespmem:v16+s19+$0x0], $0xffff  }
0x5a: {  	v27 =	vand.u32 $0xFFFFFF, v62;
	v22 =	vor.u32 v0, v22;
	v48 =	vshrl.u32 v23, $0x16;
	v24 =	vld.idx.msk [tilespmem:v19+s17+$0x0], $0xffff  }
0x5b: {  	v23 =	vand.u32 $0xFFFFFF, v23;
	v53 =	vshrl.u32 v46, $0x16;
	v41 =	vshrl.u32 v35, $0x16;
	v51 =	vld.idx.msk [tilespmem:v45+s17+$0x0], $0xffff  }
0x5c: {  	v54 =	vld.idx.msk [tilespmem:v45+s19+$0x0], $0xffff;
	v42 =	vand.u32 $0xC, v41;
	v45 =	vshrl.u32 v29, $0x16;
	v29 =	vand.u32 $0xFFFFFF, v29  }
0x5d: {  	v18 =	vld.idx.msk [tilespmem:v55+s3+$0x0], $0xffff;
	v25 =	vand.u32 $0xC, v45;
	v55 =	vand.u32 $0xFFFFFF, v31;
	v3 =	vmul.f32 v9, v3  }
0x5e: {  	v19 =	vld.idx.msk [tilespmem:v19+s19+$0x0], $0xffff;
	v4 =	vmul.f32 v11, v4;
	v11 =	vand.u32 $0xC, v48;
	v6 =	vmul.f32 v14, v6  }
0x5f: {  	v47 =	vld.idx.msk [tilespmem:v22+s17+$0x0], $0xffff;
	v8 =	vmul.f32 v17, v8;
	v17 =	vand.u32 $0xC, v53;
	v56 =	vmul.f32 v21, v13  }
0x60: {  	s28 =	sor.u32 s13, s30;
	v49 =	vld.idx.msk [tilespmem:v20+s3+$0x0], $0xffff;
	v15 =	vmul.f32 v24, v15;
	v24 =	vand.u32 $0xC, v38;
	v9 =	vand.u32 $0xFFFFFF, v35  }
0x61: {  	v43 =	vld [tilespmem:s28+$0x0];
	v53 =	vshrl.u32 v31, $0x16;
	v11 =	vor.u32 v0, v11;
	v3 =	vadd.f32 v5, v3  }
0x62: {  	v17 =	vor.u32 v0, v17;
	v4 =	vadd.f32 v7, v4;
	v6 =	vadd.f32 v10, v6  }
0x63: {  	v37 =	vld.idx.msk [tilespmem:v61+s3+$0x0], $0xffff;
	v24 =	vor.u32 v0, v24;
	v8 =	vadd.f32 v12, v8;
	v12 =	vadd.f32 v16, v56  }
0x64: {  	v27 =	vld.idx.msk [tilespmem:v27+s3+$0x0], $0xffff;
	v16 =	vand.u32 $0xC, v60;
	v15 =	vadd.f32 v19, v15;
	v5 =	vmul.f32 v47, v44  }
0x65: {  	v22 =	vld.idx.msk [tilespmem:v22+s19+$0x0], $0xffff;
	v7 =	vmul.f32 v51, v49;
	v10 =	vor.u32 v0, v42;
	v47 =	vor.u32 v0, v25  }
0x66: {  	v57 =	vld.idx.msk [tilespmem:v23+s3+$0x0], $0xffff;
	v49 =	vshrl.u32 v43, $0x16;
	v16 =	vor.u32 v0, v16;
	v26 =	vand.u32 $0x7FFFFFFF, v3  }
0x67: {  	v3 =	vadd.f32 $1.000000010e-10, v3;
	v52 =	vand.u32 $0x7FFFFFFF, v4;
	v7 =	vadd.f32 v54, v7;
	v54 =	vld.idx.msk [tilespmem:v29+s3+$0x0], $0xffff  }
0x68: {  	v4 =	vadd.f32 $1.000000010e-10, v4;
	v23 =	vadd.f32 $1.000000010e-10, v6;
	v6 =	vand.u32 $0x7FFFFFFF, v6;
	v9 =	vld.idx.msk [tilespmem:v9+s3+$0x0], $0xffff  }
0x69: {  	v28 =	vand.u32 $0x7FFFFFFF, v12;
	v12 =	vadd.f32 $1.000000010e-10, v12;
	v36 =	vand.u32 $0x7FFFFFFF, v15;
	v59 =	vld.idx.msk [tilespmem:v11+s17+$0x0], $0xffff  }
0x6a: {  	v5 =	vadd.f32 v22, v5;
	v15 =	vadd.f32 $1.000000010e-10, v15;
	v50 =	vadd.s32 $0xFFFFFFFF, v26;
	v11 =	vld.idx.msk [tilespmem:v11+s19+$0x0], $0xffff  }
0x6b: {  	v58 =	vadd.s32 $0xFFFFFFFF, v52;
	v26 =	vadd.f32 $1.000000010e-10, v8;
	v8 =	vand.u32 $0x7FFFFFFF, v8;
	v63 =	vld.idx.msk [tilespmem:v17+s17+$0x0], $0xffff  }
0x6c: {  	v6 =	vadd.s32 $0xFFFFFFFF, v6;
	v28 =	vadd.s32 $0xFFFFFFFF, v28;
	v8 =	vadd.s32 $0xFFFFFFFF, v8;
	v17 =	vld.idx.msk [tilespmem:v17+s19+$0x0], $0xffff  }
0x6d: {  	v20 =	vmin.u32 v50, v28;
	v28 =	vadd.s32 $0xFFFFFFFF, v36;
	v30 =	vand.u32 $0x7FFFFFFF, v5;
	v32 =	vld.idx.msk [tilespmem:v24+s17+$0x0], $0xffff  }
0x6e: {  	v5 =	vadd.f32 $1.000000010e-10, v5;
	v44 =	vadd.f32 $1.000000010e-10, v7;
	v7 =	vand.u32 $0x7FFFFFFF, v7;
	v46 =	vld.idx.msk [tilespmem:v24+s19+$0x0], $0xffff  }
0x6f: {  	v3 =	vxor.u32 v3, v4;
	v21 =	vmin.u32 v58, v28;
	v40 =	vadd.s32 $0xFFFFFFFF, v30;
	v51 =	vld.idx.msk [tilespmem:v10+s17+$0x0], $0xffff  }
0x70: {  	v7 =	vadd.s32 $0xFFFFFFFF, v7;
	v30 =	vand.u32 $0xFFFFFF, v43;
	v56 =	vld.idx.msk [tilespmem:v47+s17+$0x0], $0xffff;
	v3 =	vxor.u32 v23, v3  }
0x71: {  	v10 =	vld.idx.msk [tilespmem:v10+s19+$0x0], $0xffff;
	v6 =	vmin.u32 v6, v40;
	v7 =	vmin.u32 v8, v7;
	v3 =	vxor.u32 v26, v3  }
0x72: {  	v39 =	vld.idx.msk [tilespmem:v16+s17+$0x0], $0xffff;
	v3 =	vxor.u32 v12, v3;
	v48 =	vmul.f32 v63, v18;
	v18 =	vand.u32 $0xC, v49  }
0x73: {  	v24 =	vld.idx.msk [tilespmem:v47+s19+$0x0], $0xffff;
	v3 =	vxor.u32 v15, v3;
	v52 =	vor.u32 v0, v18;
	v18 =	vand.u32 $0xC, v53  }
0x74: {  	v16 =	vld.idx.msk [tilespmem:v16+s19+$0x0], $0xffff;
	v13 =	vmul.f32 v59, v57;
	v27 =	vmul.f32 v32, v27;
	v18 =	vor.u32 v0, v18  }
0x75: {  	v3 =	vxor.u32 v5, v3;
	v9 =	vmul.f32 v51, v9;
	v22 =	vmul.f32 v56, v54  }
0x76: {  	v61 =	vld.idx.msk [tilespmem:v55+s3+$0x0], $0xffff;
	v3 =	vxor.u32 v44, v3;
	v11 =	vadd.f32 v11, v13;
	v8 =	vadd.f32 v17, v48  }
0x77: {  	v58 =	vld.idx.msk [tilespmem:v30+s3+$0x0], $0xffff;
	v14 =	vmul.f32 v39, v37;
	v13 =	vadd.f32 v46, v27;
	v9 =	vadd.f32 v10, v9  }
0x78: {  	v31 =	vadd.f32 v24, v22;
	v50 =	vand.u32 $0x7FFFFFFF, v11;
	v11 =	vadd.f32 $1.000000010e-10, v11;
	v60 =	vld.idx.msk [tilespmem:v52+s17+$0x0], $0xffff  }
0x79: {  	v14 =	vadd.f32 v16, v14;
	v57 =	vand.u32 $0x7FFFFFFF, v8;
	v8 =	vadd.f32 $1.000000010e-10, v8;
	v63 =	vld.idx.msk [tilespmem:v18+s17+$0x0], $0xffff  }
0x7a: {  	v62 =	vand.u32 $0x7FFFFFFF, v13;
	v13 =	vadd.f32 $1.000000010e-10, v13;
	v19 =	vadd.s32 $0xFFFFFFFF, v50;
	v30 =	vld.idx.msk [tilespmem:v52+s19+$0x0], $0xffff  }
0x7b: {  	v16 =	vadd.s32 $0xFFFFFFFF, v57;
	v32 =	vadd.f32 $1.000000010e-10, v9;
	v9 =	vand.u32 $0x7FFFFFFF, v9;
	v18 =	vld.idx.msk [tilespmem:v18+s19+$0x0], $0xffff  }
0x7c: {  	v33 =	vand.u32 $0x7FFFFFFF, v31;
	v37 =	vadd.f32 $1.000000010e-10, v31;
	v19 =	vmin.u32 v20, v19  }
0x7d: {  	v16 =	vmin.u32 v21, v16;
	v59 =	vand.u32 $0x7FFFFFFF, v14;
	v14 =	vadd.f32 $1.000000010e-10, v14  }
0x7e: {  	v9 =	vadd.s32 $0xFFFFFFFF, v9;
	v20 =	vmul.f32 v60, v58;
	v34 =	vmul.f32 v63, v61  }
0x7f: {  	v35 =	vadd.s32 $0xFFFFFFFF, v33;
	v3 =	vxor.u32 v11, v3;
	v21 =	vadd.s32 $0xFFFFFFFF, v59  }
0x80: {  	v9 =	vmin.u32 v19, v9;
	v10 =	vadd.f32 v30, v20;
	v36 =	vadd.f32 v18, v34  }
0x81: {  	v12 =	vmin.u32 v16, v35;
	v3 =	vxor.u32 v8, v3;
	v6 =	vmin.u32 v6, v21  }
0x82: {  	v21 =	vadd.s32 $0xFFFFFFFF, v62;
	v38 =	vand.u32 $0x7FFFFFFF, v10;
	v39 =	vand.u32 $0x7FFFFFFF, v36  }
0x83: {  	v7 =	vmin.u32 v7, v21;
	v40 =	vadd.s32 $0xFFFFFFFF, v38;
	v41 =	vadd.s32 $0xFFFFFFFF, v39  }
0x84: {  	v3 =	vxor.u32 v14, v3;
	v6 =	vmin.u32 v6, v40;
	v7 =	vmin.u32 v7, v41  }
0x85: {  	v42 =	vmin.u32 v9, v12;
	v3 =	vxor.u32 v13, v3;
	v6 =	vmin.u32 v6, v7  }
0x86: {  	v3 =	vxor.u32 v32, v3;
	v43 =	vadd.f32 $1.000000010e-10, v10;
	v44 =	vmin.u32 v42, v6  }
0x87: {  	v3 =	vxor.u32 v37, v3;
	v45 =	vadd.f32 $1.000000010e-10, v36;
	v4 =	vadd.s32 $0x1, v44  }
0x88: {  	v3 =	vxor.u32 v43, v3;
	v4 =	vmul.f32 v4, v1  }
0x89: {  	v3 =	vxor.u32 v45, v3  }
0x8a: {  	v3 =	vand.u32 $0x80000000, v3;
	v4 =	vadd.f32 v4, v2  }
0x8b: {  	v3 =	vor.u32 $0x3F800000, v3  }
0x8c: {  	v3 =	vmul.f32 v3, v4  }
0x8d: {  	s24 =	sor.u32 $0x10, s13  }
0x8e: {  	s28 =	sor.u32 s24, s10;
	[tilespmem:s20+$0x0] =	vst v3  }
0x8f: {  	v3 =	vld [tilespmem:s28+$0x0]  }
0x90: {  	v46 =	vld [tilespmem:s28+$0x80]  }
0x91: {  	v48 =	vld [tilespmem:s28+$0x100]  }
0x92: {  	v50 =	vld [tilespmem:s28+$0x180]  }
0x93: {  	v55 =	vld [tilespmem:s28+$0x200]  }
0x94: {  	v57 =	vld [tilespmem:s28+$0x280]  }
0x95: {  	v60 =	vld [tilespmem:s28+$0x300]  }
0x96: {  	v62 =	vld [tilespmem:s28+$0x380];
	s28 =	sor.u32 s24, s6  }
0x97: {  	v33 =	vld [tilespmem:s28+$0x0];
	s28 =	sor.u32 s24, s9  }
0x98: {  	v38 =	vld [tilespmem:s28+$0x0];
	s28 =	sor.u32 s24, s29;
	v47 =	vshrl.u32 v3, $0x16  }
0x99: {  	v3 =	vand.u32 $0xFFFFFF, v3;
	v49 =	vshrl.u32 v46, $0x16;
	v4 =	vand.u32 $0xFFFFFF, v46;
	v46 =	vld [tilespmem:s28+$0x0];
	s28 =	sor.u32 s24, s16  }
0x9a: {  	v6 =	vand.u32 $0xFFFFFF, v48;
	v58 =	vshrl.u32 v55, $0x16;
	v13 =	vand.u32 $0xFFFFFF, v55;
	v55 =	vld [tilespmem:s28+$0x0];
	s28 =	sor.u32 s24, s12  }
0x9b: {  	v61 =	vshrl.u32 v57, $0x16;
	v35 =	vshrl.u32 v62, $0x16;
	v16 =	vand.u32 $0xC, v58;
	v58 =	vld [tilespmem:s28+$0x0];
	s28 =	sor.u32 s24, s18  }
0x9c: {  	v8 =	vand.u32 $0xFFFFFF, v50;
	v19 =	vand.u32 $0xC, v61;
	v25 =	vand.u32 $0xC, v35;
	v61 =	vld [tilespmem:s28+$0x0];
	s28 =	sor.u32 s24, s30  }
0x9d: {  	v37 =	vor.u32 v0, v25;
	v45 =	vshrl.u32 v38, $0x16;
	v25 =	vand.u32 $0xFFFFFF, v38;
	v38 =	vld [tilespmem:s28+$0x0]  }
0x9e: {  	v15 =	vand.u32 $0xFFFFFF, v57;
	v3 =	vld.idx.msk [tilespmem:v3+s3+$0x0], $0xffff  }
0x9f: {  	v18 =	vand.u32 $0xFFFFFF, v60;
	v4 =	vld.idx.msk [tilespmem:v4+s3+$0x0], $0xffff  }
0xa0: {  	v20 =	vand.u32 $0xFFFFFF, v62;
	v6 =	vld.idx.msk [tilespmem:v6+s3+$0x0], $0xffff  }
0xa1: {  	v5 =	vand.u32 $0xC, v47;
	v23 =	vand.u32 $0xFFFFFF, v33;
	v8 =	vld.idx.msk [tilespmem:v8+s3+$0x0], $0xffff  }
0xa2: {  	v5 =	vor.u32 v0, v5;
	v13 =	vld.idx.msk [tilespmem:v13+s3+$0x0], $0xffff  }
0xa3: {  	v7 =	vand.u32 $0xC, v49;
	v15 =	vld.idx.msk [tilespmem:v15+s3+$0x0], $0xffff  }
0xa4: {  	v52 =	vshrl.u32 v48, $0x16;
	v7 =	vor.u32 v0, v7;
	v36 =	vld.idx.msk [tilespmem:v18+s3+$0x0], $0xffff  }
0xa5: {  	v10 =	vand.u32 $0xC, v52;
	v42 =	vld.idx.msk [tilespmem:v20+s3+$0x0], $0xffff  }
0xa6: {  	v54 =	vshrl.u32 v50, $0x16;
	v10 =	vor.u32 v0, v10;
	v49 =	vld.idx.msk [tilespmem:v23+s3+$0x0], $0xffff  }
0xa7: {  	v12 =	vand.u32 $0xC, v54;
	v51 =	vld.idx.msk [tilespmem:v5+s17+$0x0], $0xffff  }
0xa8: {  	v12 =	vor.u32 v0, v12;
	v5 =	vld.idx.msk [tilespmem:v5+s19+$0x0], $0xffff  }
0xa9: {  	v53 =	vld.idx.msk [tilespmem:v7+s17+$0x0], $0xffff  }
0xaa: {  	v16 =	vor.u32 v0, v16;
	v7 =	vld.idx.msk [tilespmem:v7+s19+$0x0], $0xffff  }
0xab: {  	v56 =	vld.idx.msk [tilespmem:v10+s17+$0x0], $0xffff  }
0xac: {  	v32 =	vshrl.u32 v60, $0x16;
	v19 =	vor.u32 v0, v19;
	v10 =	vld.idx.msk [tilespmem:v10+s19+$0x0], $0xffff  }
0xad: {  	v22 =	vand.u32 $0xC, v32;
	v40 =	vshrl.u32 v33, $0x16;
	v59 =	vld.idx.msk [tilespmem:v12+s17+$0x0], $0xffff  }
0xae: {  	v22 =	vor.u32 v0, v22;
	v11 =	vand.u32 $0xC, v40;
	v12 =	vld.idx.msk [tilespmem:v12+s19+$0x0], $0xffff  }
0xaf: {  	v11 =	vor.u32 v0, v11;
	v63 =	vld.idx.msk [tilespmem:v16+s17+$0x0], $0xffff  }
0xb0: {  	v16 =	vld.idx.msk [tilespmem:v16+s19+$0x0], $0xffff  }
0xb1: {  	v48 =	vand.u32 $0xC, v45;
	v34 =	vld.idx.msk [tilespmem:v19+s17+$0x0], $0xffff  }
0xb2: {  	v18 =	vor.u32 v0, v48;
	v54 =	vand.u32 $0xFFFFFF, v46;
	v19 =	vld.idx.msk [tilespmem:v19+s19+$0x0], $0xffff  }
0xb3: {  	v60 =	vshrl.u32 v55, $0x16;
	v24 =	vand.u32 $0xFFFFFF, v55;
	v39 =	vld.idx.msk [tilespmem:v22+s17+$0x0], $0xffff;
	v9 =	vand.u32 $0xFFFFFF, v58  }
0xb4: {  	v50 =	vld.idx.msk [tilespmem:v11+s17+$0x0], $0xffff;
	v40 =	vshrl.u32 v61, $0x16;
	v29 =	vand.u32 $0xFFFFFF, v61;
	v3 =	vmul.f32 v51, v3  }
0xb5: {  	v44 =	vld.idx.msk [tilespmem:v37+s17+$0x0], $0xffff;
	v23 =	vand.u32 $0xC, v40;
	v4 =	vmul.f32 v53, v4;
	v6 =	vmul.f32 v56, v6  }
0xb6: {  	v25 =	vld.idx.msk [tilespmem:v25+s3+$0x0], $0xffff;
	v30 =	vand.u32 $0xFFFFFF, v38;
	v8 =	vmul.f32 v59, v8;
	v13 =	vmul.f32 v63, v13  }
0xb7: {  	v11 =	vld.idx.msk [tilespmem:v11+s19+$0x0], $0xffff;
	v52 =	vmul.f32 v34, v15;
	v53 =	vshrl.u32 v46, $0x16;
	v46 =	vshrl.u32 v38, $0x16  }
0xb8: {  	v57 =	vld.idx.msk [tilespmem:v18+s17+$0x0], $0xffff;
	v15 =	vand.u32 $0xC, v53;
	v3 =	vadd.f32 v5, v3;
	v4 =	vadd.f32 v7, v4  }
0xb9: {  	v17 =	vmul.f32 v50, v49;
	v6 =	vadd.f32 v10, v6;
	v8 =	vadd.f32 v12, v8  }
0xba: {  	v51 =	vadd.f32 v16, v13;
	v13 =	vadd.f32 v19, v52;
	v15 =	vor.u32 v0, v15  }
0xbb: {  	v22 =	vld.idx.msk [tilespmem:v22+s19+$0x0], $0xffff;
	v5 =	vmul.f32 v39, v36;
	v7 =	vmul.f32 v44, v42;
	v36 =	vshrl.u32 v58, $0x16  }
0xbc: {  	v47 =	vld.idx.msk [tilespmem:v37+s19+$0x0], $0xffff;
	v44 =	vor.u32 v0, v23;
	v19 =	vand.u32 $0xC, v46;
	v37 =	vand.u32 $0xC, v36  }
0xbd: {  	v11 =	vadd.f32 v11, v17;
	v45 =	vmul.f32 v57, v25;
	v49 =	vor.u32 v0, v19  }
0xbe: {  	v18 =	vld.idx.msk [tilespmem:v18+s19+$0x0], $0xffff;
	v41 =	vand.u32 $0x7FFFFFFF, v3;
	v3 =	vadd.f32 $1.000000010e-10, v3;
	v26 =	vadd.f32 $1.000000010e-10, v4  }
0xbf: {  	v24 =	vld.idx.msk [tilespmem:v24+s3+$0x0], $0xffff;
	v4 =	vand.u32 $0x7FFFFFFF, v4;
	v21 =	vadd.f32 $1.000000010e-10, v6;
	v6 =	vand.u32 $0x7FFFFFFF, v6  }
0xc0: {  	v9 =	vld.idx.msk [tilespmem:v9+s3+$0x0], $0xffff;
	v27 =	vadd.f32 $1.000000010e-10, v8;
	v8 =	vand.u32 $0x7FFFFFFF, v8;
	v56 =	vand.u32 $0x7FFFFFFF, v51  }
0xc1: {  	v16 =	vld.idx.msk [tilespmem:v54+s3+$0x0], $0xffff;
	v12 =	vadd.f32 $1.000000010e-10, v51;
	v59 =	vand.u32 $0x7FFFFFFF, v13;
	v5 =	vadd.f32 v22, v5  }
0xc2: {  	v55 =	vld.idx.msk [tilespmem:v30+s3+$0x0], $0xffff;
	v13 =	vadd.f32 $1.000000010e-10, v13;
	v22 =	vand.u32 $0xC, v60;
	v7 =	vadd.f32 v47, v7  }
0xc3: {  	s28 =	sor.u32 s24, s21;
	v10 =	vor.u32 v0, v37;
	v51 =	vld.idx.msk [tilespmem:v29+s3+$0x0], $0xffff;
	v43 =	vadd.s32 $0xFFFFFFFF, v41;
	v4 =	vadd.s32 $0xFFFFFFFF, v4  }
0xc4: {  	v6 =	vadd.s32 $0xFFFFFFFF, v6;
	v8 =	vadd.s32 $0xFFFFFFFF, v8;
	v28 =	vadd.s32 $0xFFFFFFFF, v56;
	v41 =	vld [tilespmem:s28+$0x0]  }
0xc5: {  	v22 =	vor.u32 v0, v22;
	v47 =	vand.u32 $0x7FFFFFFF, v11;
	v11 =	vadd.f32 $1.000000010e-10, v11;
	v63 =	vld.idx.msk [tilespmem:v15+s17+$0x0], $0xffff  }
0xc6: {  	v20 =	vmin.u32 v43, v28;
	v28 =	vadd.s32 $0xFFFFFFFF, v59;
	v62 =	vand.u32 $0x7FFFFFFF, v5;
	v15 =	vld.idx.msk [tilespmem:v15+s19+$0x0], $0xffff  }
0xc7: {  	v5 =	vadd.f32 $1.000000010e-10, v5;
	v39 =	vadd.f32 $1.000000010e-10, v7;
	v7 =	vand.u32 $0x7FFFFFFF, v7;
	v53 =	vld.idx.msk [tilespmem:v44+s17+$0x0], $0xffff  }
0xc8: {  	v23 =	vadd.s32 $0xFFFFFFFF, v47;
	v3 =	vxor.u32 v3, v26;
	v4 =	vmin.u32 v4, v28;
	v57 =	vld.idx.msk [tilespmem:v49+s17+$0x0], $0xffff  }
0xc9: {  	v7 =	vadd.s32 $0xFFFFFFFF, v7;
	v3 =	vxor.u32 v21, v3;
	v61 =	vld.idx.msk [tilespmem:v49+s19+$0x0], $0xffff;
	v50 =	vshrl.u32 v41, $0x16  }
0xca: {  	v7 =	vmin.u32 v8, v7;
	v48 =	vld.idx.msk [tilespmem:v10+s17+$0x0], $0xffff;
	v52 =	vand.u32 $0xFFFFFF, v41;
	v19 =	vand.u32 $0xC, v50  }
0xcb: {  	v8 =	vadd.f32 v18, v45;
	v3 =	vxor.u32 v27, v3;
	v42 =	vld.idx.msk [tilespmem:v22+s17+$0x0], $0xffff;
	v19 =	vor.u32 v0, v19  }
0xcc: {  	v35 =	vadd.s32 $0xFFFFFFFF, v62;
	v20 =	vmin.u32 v20, v23;
	v3 =	vxor.u32 v12, v3;
	v43 =	vld.idx.msk [tilespmem:v22+s19+$0x0], $0xffff  }
0xcd: {  	v6 =	vmin.u32 v6, v35;
	v54 =	vand.u32 $0x7FFFFFFF, v8;
	v22 =	vld.idx.msk [tilespmem:v44+s19+$0x0], $0xffff;
	v3 =	vxor.u32 v13, v3  }
0xce: {  	v10 =	vld.idx.msk [tilespmem:v10+s19+$0x0], $0xffff;
	v8 =	vadd.f32 $1.000000010e-10, v8;
	v3 =	vxor.u32 v5, v3;
	v14 =	vmul.f32 v63, v16  }
0xcf: {  	v16 =	vmul.f32 v53, v51;
	v3 =	vxor.u32 v39, v3;
	v32 =	vmul.f32 v57, v55;
	v58 =	vld.idx.msk [tilespmem:v52+s3+$0x0], $0xffff  }
0xd0: {  	v3 =	vxor.u32 v11, v3;
	v14 =	vadd.f32 v15, v14;
	v15 =	vadd.s32 $0xFFFFFFFF, v54;
	v60 =	vld.idx.msk [tilespmem:v19+s17+$0x0], $0xffff  }
0xd1: {  	v9 =	vmul.f32 v48, v9;
	v3 =	vxor.u32 v8, v3;
	v24 =	vmul.f32 v42, v24  }
0xd2: {  	v62 =	vadd.f32 v22, v16;
	v56 =	vand.u32 $0x7FFFFFFF, v14;
	v14 =	vadd.f32 $1.000000010e-10, v14;
	v63 =	vld.idx.msk [tilespmem:v19+s19+$0x0], $0xffff  }
0xd3: {  	v4 =	vmin.u32 v4, v15;
	v9 =	vadd.f32 v10, v9;
	v10 =	vadd.f32 v61, v32  }
0xd4: {  	v17 =	vadd.f32 v43, v24;
	v15 =	vadd.s32 $0xFFFFFFFF, v56;
	v31 =	vand.u32 $0x7FFFFFFF, v62  }
0xd5: {  	v36 =	vadd.f32 $1.000000010e-10, v62;
	v6 =	vmin.u32 v6, v15;
	v33 =	vmul.f32 v60, v58  }
0xd6: {  	v30 =	vadd.f32 $1.000000010e-10, v9;
	v9 =	vand.u32 $0x7FFFFFFF, v9;
	v34 =	vadd.s32 $0xFFFFFFFF, v31  }
0xd7: {  	v37 =	vand.u32 $0x7FFFFFFF, v10;
	v3 =	vxor.u32 v14, v3;
	v35 =	vadd.f32 v63, v33  }
0xd8: {  	v59 =	vand.u32 $0x7FFFFFFF, v17;
	v17 =	vadd.f32 $1.000000010e-10, v17;
	v9 =	vadd.s32 $0xFFFFFFFF, v9  }
0xd9: {  	v4 =	vmin.u32 v4, v34;
	v15 =	vadd.s32 $0xFFFFFFFF, v59;
	v38 =	vand.u32 $0x7FFFFFFF, v35  }
0xda: {  	v39 =	vadd.s32 $0xFFFFFFFF, v37;
	v7 =	vmin.u32 v7, v15;
	v40 =	vadd.s32 $0xFFFFFFFF, v38  }
0xdb: {  	v9 =	vmin.u32 v20, v9;
	v6 =	vmin.u32 v6, v39;
	v7 =	vmin.u32 v7, v40  }
0xdc: {  	v3 =	vxor.u32 v17, v3;
	v4 =	vmin.u32 v9, v4;
	v6 =	vmin.u32 v6, v7  }
0xdd: {  	v41 =	vadd.f32 $1.000000010e-10, v10;
	v3 =	vxor.u32 v30, v3;
	v4 =	vmin.u32 v4, v6  }
0xde: {  	v3 =	vxor.u32 v36, v3;
	v42 =	vadd.f32 $1.000000010e-10, v35;
	v4 =	vadd.s32 $0x1, v4  }
0xdf: {  	v3 =	vxor.u32 v41, v3;
	v4 =	vmul.f32 v4, v1  }
0xe0: {  	v3 =	vxor.u32 v42, v3  }
0xe1: {  	v3 =	vand.u32 $0x80000000, v3;
	v4 =	vadd.f32 v4, v2  }
0xe2: {  	s28 =	sand.u32 $0x180, s5;
	v3 =	vor.u32 $0x3F800000, v3  }
0xe3: {  	s22 =	sadd.s32 $0x1C700, s28;
	v3 =	vmul.f32 v3, v4  }
0xe4: {  	s28 =	sor.u32 s24, s22;
	s24 =	sor.u32 $0x20, s13  }
0xe5: {  	[tilespmem:s28+$0x0] =	vst v3;
	s28 =	sor.u32 s24, s10  }
0xe6: {  	v3 =	vld [tilespmem:s28+$0x0]  }
0xe7: {  	v43 =	vld [tilespmem:s28+$0x80]  }
0xe8: {  	v45 =	vld [tilespmem:s28+$0x100]  }
0xe9: {  	v47 =	vld [tilespmem:s28+$0x180]  }
0xea: {  	v52 =	vld [tilespmem:s28+$0x200]  }
0xeb: {  	v54 =	vld [tilespmem:s28+$0x280]  }
0xec: {  	v57 =	vld [tilespmem:s28+$0x300]  }
0xed: {  	v59 =	vld [tilespmem:s28+$0x380];
	s28 =	sor.u32 s24, s6  }
0xee: {  	v62 =	vld [tilespmem:s28+$0x0];
	s28 =	sor.u32 s24, s9  }
0xef: {  	v34 =	vld [tilespmem:s28+$0x0];
	s28 =	sor.u32 s24, s29;
	v44 =	vshrl.u32 v3, $0x16;
	v3 =	vand.u32 $0xFFFFFF, v3  }
0xf0: {  	v42 =	vld [tilespmem:s28+$0x0];
	s28 =	sor.u32 s24, s16;
	v4 =	vand.u32 $0xFFFFFF, v43;
	v51 =	vshrl.u32 v47, $0x16  }
0xf1: {  	v6 =	vand.u32 $0xFFFFFF, v45;
	v12 =	vand.u32 $0xC, v51;
	v51 =	vld [tilespmem:s28+$0x0];
	s28 =	sor.u32 s24, s12  }
0xf2: {  	v8 =	vand.u32 $0xFFFFFF, v47;
	v58 =	vshrl.u32 v54, $0x16;
	v15 =	vand.u32 $0xFFFFFF, v54;
	v54 =	vld [tilespmem:s28+$0x0];
	s28 =	sor.u32 s24, s18  }
0xf3: {  	v13 =	vand.u32 $0xFFFFFF, v52;
	v61 =	vshrl.u32 v57, $0x16;
	v18 =	vand.u32 $0xFFFFFF, v57;
	v57 =	vld [tilespmem:s28+$0x0]  }
0xf4: {  	v3 =	vld.idx.msk [tilespmem:v3+s3+$0x0], $0xffff  }
0xf5: {  	v4 =	vld.idx.msk [tilespmem:v4+s3+$0x0], $0xffff  }
0xf6: {  	v20 =	vand.u32 $0xFFFFFF, v59;
	v6 =	vld.idx.msk [tilespmem:v6+s3+$0x0], $0xffff  }
0xf7: {  	v5 =	vand.u32 $0xC, v44;
	v23 =	vand.u32 $0xFFFFFF, v62;
	v8 =	vld.idx.msk [tilespmem:v8+s3+$0x0], $0xffff  }
0xf8: {  	v46 =	vshrl.u32 v43, $0x16;
	v5 =	vor.u32 v0, v5;
	v13 =	vld.idx.msk [tilespmem:v13+s3+$0x0], $0xffff  }
0xf9: {  	v7 =	vand.u32 $0xC, v46;
	v15 =	vld.idx.msk [tilespmem:v15+s3+$0x0], $0xffff  }
0xfa: {  	v49 =	vshrl.u32 v45, $0x16;
	v7 =	vor.u32 v0, v7;
	v32 =	vld.idx.msk [tilespmem:v18+s3+$0x0], $0xffff  }
0xfb: {  	v10 =	vand.u32 $0xC, v49;
	v38 =	vld.idx.msk [tilespmem:v20+s3+$0x0], $0xffff  }
0xfc: {  	v10 =	vor.u32 v0, v10;
	v45 =	vld.idx.msk [tilespmem:v23+s3+$0x0], $0xffff  }
0xfd: {  	v48 =	vld.idx.msk [tilespmem:v5+s17+$0x0], $0xffff  }
0xfe: {  	v55 =	vshrl.u32 v52, $0x16;
	v12 =	vor.u32 v0, v12;
	v5 =	vld.idx.msk [tilespmem:v5+s19+$0x0], $0xffff  }
0xff: {  	v16 =	vand.u32 $0xC, v55;
	v50 =	vld.idx.msk [tilespmem:v7+s17+$0x0], $0xffff  }
0x100: {  	v16 =	vor.u32 v0, v16;
	v7 =	vld.idx.msk [tilespmem:v7+s19+$0x0], $0xffff  }
0x101: {  	v19 =	vand.u32 $0xC, v58;
	v53 =	vld.idx.msk [tilespmem:v10+s17+$0x0], $0xffff  }
0x102: {  	v19 =	vor.u32 v0, v19;
	v10 =	vld.idx.msk [tilespmem:v10+s19+$0x0], $0xffff  }
0x103: {  	v22 =	vand.u32 $0xC, v61;
	v36 =	vshrl.u32 v62, $0x16;
	v56 =	vld.idx.msk [tilespmem:v12+s17+$0x0], $0xffff  }
0x104: {  	v31 =	vshrl.u32 v59, $0x16;
	v22 =	vor.u32 v0, v22;
	v11 =	vand.u32 $0xC, v36;
	v12 =	vld.idx.msk [tilespmem:v12+s19+$0x0], $0xffff  }
0x105: {  	v25 =	vand.u32 $0xC, v31;
	v41 =	vshrl.u32 v34, $0x16;
	v11 =	vor.u32 v0, v11;
	v60 =	vld.idx.msk [tilespmem:v16+s17+$0x0], $0xffff  }
0x106: {  	v33 =	vor.u32 v0, v25;
	v44 =	vand.u32 $0xC, v41;
	v16 =	vld.idx.msk [tilespmem:v16+s19+$0x0], $0xffff  }
0x107: {  	v25 =	vand.u32 $0xFFFFFF, v34;
	v49 =	vshrl.u32 v42, $0x16;
	v18 =	vor.u32 v0, v44;
	v63 =	vld.idx.msk [tilespmem:v19+s17+$0x0], $0xffff  }
0x108: {  	v24 =	vand.u32 $0xFFFFFF, v51;
	v19 =	vld.idx.msk [tilespmem:v19+s19+$0x0], $0xffff;
	v61 =	vshrl.u32 v54, $0x16;
	v9 =	vand.u32 $0xFFFFFF, v54  }
0x109: {  	v35 =	vld.idx.msk [tilespmem:v22+s17+$0x0], $0xffff;
	v62 =	vand.u32 $0xC, v61;
	v36 =	vshrl.u32 v57, $0x16;
	v3 =	vmul.f32 v48, v3  }
0x10a: {  	v46 =	vld.idx.msk [tilespmem:v11+s17+$0x0], $0xffff;
	v29 =	vand.u32 $0xFFFFFF, v57;
	v4 =	vmul.f32 v50, v4;
	v6 =	vmul.f32 v53, v6  }
0x10b: {  	v40 =	vld.idx.msk [tilespmem:v33+s17+$0x0], $0xffff;
	v23 =	vand.u32 $0xC, v36;
	v8 =	vmul.f32 v56, v8;
	v13 =	vmul.f32 v60, v13  }
0x10c: {  	v11 =	vld.idx.msk [tilespmem:v11+s19+$0x0], $0xffff;
	v48 =	vmul.f32 v63, v15;
	v50 =	vand.u32 $0xFFFFFF, v42;
	v15 =	vand.u32 $0xC, v49  }
0x10d: {  	v56 =	vshrl.u32 v51, $0x16;
	v3 =	vadd.f32 v5, v3;
	v4 =	vadd.f32 v7, v4  }
0x10e: {  	v15 =	vor.u32 v0, v15;
	v6 =	vadd.f32 v10, v6;
	v8 =	vadd.f32 v12, v8  }
0x10f: {  	v22 =	vld.idx.msk [tilespmem:v22+s19+$0x0], $0xffff;
	v17 =	vmul.f32 v46, v45;
	v47 =	vadd.f32 v16, v13;
	v13 =	vadd.f32 v19, v48  }
0x110: {  	v43 =	vld.idx.msk [tilespmem:v33+s19+$0x0], $0xffff;
	v5 =	vmul.f32 v35, v32;
	v7 =	vmul.f32 v40, v38;
	v10 =	vor.u32 v0, v62  }
0x111: {  	v25 =	vld.idx.msk [tilespmem:v25+s3+$0x0], $0xffff;
	v40 =	vor.u32 v0, v23;
	v11 =	vadd.f32 v11, v17;
	v37 =	vand.u32 $0x7FFFFFFF, v3  }
0x112: {  	v24 =	vld.idx.msk [tilespmem:v24+s3+$0x0], $0xffff;
	v3 =	vadd.f32 $1.000000010e-10, v3;
	v26 =	vadd.f32 $1.000000010e-10, v4;
	v4 =	vand.u32 $0x7FFFFFFF, v4  }
0x113: {  	s28 =	sor.u32 s24, s30;
	v53 =	vld.idx.msk [tilespmem:v18+s17+$0x0], $0xffff;
	v21 =	vadd.f32 $1.000000010e-10, v6;
	v6 =	vand.u32 $0x7FFFFFFF, v6;
	v27 =	vadd.f32 $1.000000010e-10, v8  }
0x114: {  	v63 =	vld [tilespmem:s28+$0x0];
	v8 =	vand.u32 $0x7FFFFFFF, v8;
	v52 =	vand.u32 $0x7FFFFFFF, v47;
	v12 =	vadd.f32 $1.000000010e-10, v47  }
0x115: {  	v18 =	vld.idx.msk [tilespmem:v18+s19+$0x0], $0xffff;
	v55 =	vand.u32 $0x7FFFFFFF, v13;
	v5 =	vadd.f32 v22, v5;
	v13 =	vadd.f32 $1.000000010e-10, v13  }
0x116: {  	v9 =	vld.idx.msk [tilespmem:v9+s3+$0x0], $0xffff;
	v22 =	vand.u32 $0xC, v56;
	v7 =	vadd.f32 v43, v7;
	v39 =	vadd.s32 $0xFFFFFFFF, v37  }
0x117: {  	v47 =	vld.idx.msk [tilespmem:v29+s3+$0x0], $0xffff;
	v4 =	vadd.s32 $0xFFFFFFFF, v4;
	v6 =	vadd.s32 $0xFFFFFFFF, v6;
	v8 =	vadd.s32 $0xFFFFFFFF, v8  }
0x118: {  	s28 =	sor.u32 s24, s21;
	v28 =	vadd.s32 $0xFFFFFFFF, v52;
	v16 =	vld.idx.msk [tilespmem:v50+s3+$0x0], $0xffff;
	v22 =	vor.u32 v0, v22;
	v41 =	vmul.f32 v53, v25  }
0x119: {  	v37 =	vld [tilespmem:s28+$0x0];
	v42 =	vshrl.u32 v63, $0x16;
	v43 =	vand.u32 $0x7FFFFFFF, v11;
	v30 =	vand.u32 $0xFFFFFF, v63  }
0x11a: {  	v11 =	vadd.f32 $1.000000010e-10, v11;
	v20 =	vmin.u32 v39, v28;
	v28 =	vadd.s32 $0xFFFFFFFF, v55;
	v59 =	vld.idx.msk [tilespmem:v15+s17+$0x0], $0xffff  }
0x11b: {  	v58 =	vand.u32 $0x7FFFFFFF, v5;
	v15 =	vld.idx.msk [tilespmem:v15+s19+$0x0], $0xffff;
	v5 =	vadd.f32 $1.000000010e-10, v5;
	v19 =	vand.u32 $0xC, v42  }
0x11c: {  	v23 =	vadd.s32 $0xFFFFFFFF, v43;
	v3 =	vxor.u32 v3, v26;
	v4 =	vmin.u32 v4, v28;
	v44 =	vld.idx.msk [tilespmem:v10+s17+$0x0], $0xffff  }
0x11d: {  	v60 =	vadd.s32 $0xFFFFFFFF, v58;
	v28 =	vadd.f32 $1.000000010e-10, v7;
	v7 =	vand.u32 $0x7FFFFFFF, v7;
	v10 =	vld.idx.msk [tilespmem:v10+s19+$0x0], $0xffff  }
0x11e: {  	v45 =	vor.u32 v0, v19;
	v49 =	vld.idx.msk [tilespmem:v40+s17+$0x0], $0xffff;
	v20 =	vmin.u32 v20, v23;
	v46 =	vshrl.u32 v37, $0x16  }
0x11f: {  	v3 =	vxor.u32 v21, v3;
	v38 =	vld.idx.msk [tilespmem:v22+s17+$0x0], $0xffff;
	v48 =	vand.u32 $0xFFFFFF, v37;
	v19 =	vand.u32 $0xC, v46  }
0x120: {  	v7 =	vadd.s32 $0xFFFFFFFF, v7;
	v3 =	vxor.u32 v27, v3;
	v39 =	vld.idx.msk [tilespmem:v22+s19+$0x0], $0xffff;
	v19 =	vor.u32 v0, v19  }
0x121: {  	v7 =	vmin.u32 v8, v7;
	v8 =	vadd.f32 v18, v41;
	v3 =	vxor.u32 v12, v3;
	v22 =	vld.idx.msk [tilespmem:v40+s19+$0x0], $0xffff  }
0x122: {  	v6 =	vmin.u32 v6, v60;
	v51 =	vld.idx.msk [tilespmem:v30+s3+$0x0], $0xffff;
	v3 =	vxor.u32 v13, v3;
	v14 =	vmul.f32 v59, v16  }
0x123: {  	v50 =	vand.u32 $0x7FFFFFFF, v8;
	v8 =	vadd.f32 $1.000000010e-10, v8;
	v3 =	vxor.u32 v5, v3;
	v53 =	vld.idx.msk [tilespmem:v45+s17+$0x0], $0xffff  }
0x124: {  	v9 =	vmul.f32 v44, v9;
	v16 =	vmul.f32 v49, v47;
	v3 =	vxor.u32 v28, v3;
	v54 =	vld.idx.msk [tilespmem:v48+s3+$0x0], $0xffff  }
0x125: {  	v14 =	vadd.f32 v15, v14;
	v15 =	vadd.s32 $0xFFFFFFFF, v50;
	v3 =	vxor.u32 v11, v3;
	v56 =	vld.idx.msk [tilespmem:v19+s17+$0x0], $0xffff  }
0x126: {  	v57 =	vld.idx.msk [tilespmem:v45+s19+$0x0], $0xffff;
	v4 =	vmin.u32 v4, v15;
	v9 =	vadd.f32 v10, v9;
	v3 =	vxor.u32 v8, v3  }
0x127: {  	v24 =	vmul.f32 v38, v24;
	v52 =	vand.u32 $0x7FFFFFFF, v14;
	v14 =	vadd.f32 $1.000000010e-10, v14;
	v59 =	vld.idx.msk [tilespmem:v19+s19+$0x0], $0xffff  }
0x128: {  	v58 =	vadd.f32 v22, v16;
	v15 =	vadd.s32 $0xFFFFFFFF, v52;
	v60 =	vadd.f32 $1.000000010e-10, v9  }
0x129: {  	v9 =	vand.u32 $0x7FFFFFFF, v9;
	v17 =	vadd.f32 v39, v24;
	v6 =	vmin.u32 v6, v15  }
0x12a: {  	v9 =	vadd.s32 $0xFFFFFFFF, v9;
	v62 =	vmul.f32 v53, v51;
	v63 =	vmul.f32 v56, v54  }
0x12b: {  	v61 =	vand.u32 $0x7FFFFFFF, v58;
	v24 =	vadd.f32 $1.000000010e-10, v58;
	v3 =	vxor.u32 v14, v3  }
0x12c: {  	v9 =	vmin.u32 v20, v9;
	v10 =	vadd.f32 v57, v62;
	v23 =	vadd.f32 v59, v63  }
0x12d: {  	v20 =	vadd.s32 $0xFFFFFFFF, v61;
	v55 =	vand.u32 $0x7FFFFFFF, v17;
	v17 =	vadd.f32 $1.000000010e-10, v17  }
0x12e: {  	v15 =	vadd.s32 $0xFFFFFFFF, v55;
	v25 =	vand.u32 $0x7FFFFFFF, v10;
	v26 =	vand.u32 $0x7FFFFFFF, v23  }
0x12f: {  	v7 =	vmin.u32 v7, v15;
	v27 =	vadd.s32 $0xFFFFFFFF, v25;
	v28 =	vadd.s32 $0xFFFFFFFF, v26  }
0x130: {  	v4 =	vmin.u32 v4, v20;
	v6 =	vmin.u32 v6, v27;
	v7 =	vmin.u32 v7, v28  }
0x131: {  	v4 =	vmin.u32 v9, v4;
	v3 =	vxor.u32 v17, v3;
	v6 =	vmin.u32 v6, v7  }
0x132: {  	v29 =	vadd.f32 $1.000000010e-10, v10;
	v3 =	vxor.u32 v60, v3;
	v4 =	vmin.u32 v4, v6  }
0x133: {  	v3 =	vxor.u32 v24, v3;
	v30 =	vadd.f32 $1.000000010e-10, v23;
	v4 =	vadd.s32 $0x1, v4  }
0x134: {  	v3 =	vxor.u32 v29, v3;
	v4 =	vmul.f32 v4, v1  }
0x135: {  	v3 =	vxor.u32 v30, v3  }
0x136: {  	v3 =	vand.u32 $0x80000000, v3;
	v4 =	vadd.f32 v4, v2  }
0x137: {  	v3 =	vor.u32 $0x3F800000, v3  }
0x138: {  	v3 =	vmul.f32 v3, v4  }
0x139: {  	s13 =	sor.u32 $0x30, s13;
	s24 =	sor.u32 s24, s22  }
0x13a: {  	s10 =	sor.u32 s13, s10;
	[tilespmem:s24+$0x0] =	vst v3  }
0x13b: {  	v3 =	vld [tilespmem:s10+$0x0]  }
0x13c: {  	v31 =	vld [tilespmem:s10+$0x80]  }
0x13d: {  	v33 =	vld [tilespmem:s10+$0x100]  }
0x13e: {  	v37 =	vld [tilespmem:s10+$0x180]  }
0x13f: {  	v39 =	vld [tilespmem:s10+$0x200]  }
0x140: {  	s6 =	sor.u32 s13, s6;
	v42 =	vld [tilespmem:s10+$0x280]  }
0x141: {  	v50 =	vld [tilespmem:s6+$0x0]  }
0x142: {  	v44 =	vld [tilespmem:s10+$0x300]  }
0x143: {  	s28 =	sor.u32 s13, s9;
	v47 =	vld [tilespmem:s10+$0x380]  }
0x144: {  	s9 =	sor.u32 s13, s29;
	v55 =	vld [tilespmem:s28+$0x0];
	v32 =	vshrl.u32 v3, $0x16;
	v3 =	vand.u32 $0xFFFFFF, v3  }
0x145: {  	s24 =	sor.u32 s13, s18;
	v60 =	vld [tilespmem:s9+$0x0];
	v4 =	vand.u32 $0xFFFFFF, v31;
	v36 =	vshrl.u32 v33, $0x16  }
0x146: {  	s10 =	sor.u32 s13, s16;
	v6 =	vand.u32 $0xFFFFFF, v33;
	v54 =	vshrl.u32 v50, $0x16;
	v23 =	vand.u32 $0xFFFFFF, v50;
	v50 =	vld [tilespmem:s24+$0x0]  }
0x147: {  	s16 =	sor.u32 s13, s12;
	v10 =	vand.u32 $0xFFFFFF, v37;
	v43 =	vshrl.u32 v39, $0x16;
	v9 =	vand.u32 $0xC, v36;
	v36 =	vld [tilespmem:s10+$0x0]  }
0x148: {  	v12 =	vand.u32 $0xFFFFFF, v39;
	v16 =	vand.u32 $0xC, v43;
	v43 =	vld [tilespmem:s16+$0x0]  }
0x149: {  	v15 =	vand.u32 $0xFFFFFF, v42;
	v3 =	vld.idx.msk [tilespmem:v3+s3+$0x0], $0xffff  }
0x14a: {  	v17 =	vand.u32 $0xFFFFFF, v44;
	v4 =	vld.idx.msk [tilespmem:v4+s3+$0x0], $0xffff  }
0x14b: {  	v20 =	vand.u32 $0xFFFFFF, v47;
	v6 =	vld.idx.msk [tilespmem:v6+s3+$0x0], $0xffff  }
0x14c: {  	v27 =	vand.u32 $0xFFFFFF, v55;
	v5 =	vand.u32 $0xC, v32;
	v10 =	vld.idx.msk [tilespmem:v10+s3+$0x0], $0xffff  }
0x14d: {  	v34 =	vshrl.u32 v31, $0x16;
	v5 =	vor.u32 v0, v5;
	v12 =	vld.idx.msk [tilespmem:v12+s3+$0x0], $0xffff  }
0x14e: {  	v7 =	vand.u32 $0xC, v34;
	v15 =	vld.idx.msk [tilespmem:v15+s3+$0x0], $0xffff  }
0x14f: {  	v7 =	vor.u32 v0, v7;
	v17 =	vld.idx.msk [tilespmem:v17+s3+$0x0], $0xffff  }
0x150: {  	v20 =	vld.idx.msk [tilespmem:v20+s3+$0x0], $0xffff  }
0x151: {  	v40 =	vshrl.u32 v37, $0x16;
	v9 =	vor.u32 v0, v9;
	v27 =	vld.idx.msk [tilespmem:v27+s3+$0x0], $0xffff  }
0x152: {  	v13 =	vand.u32 $0xC, v40;
	v35 =	vld.idx.msk [tilespmem:v5+s17+$0x0], $0xffff  }
0x153: {  	v13 =	vor.u32 v0, v13;
	v5 =	vld.idx.msk [tilespmem:v5+s19+$0x0], $0xffff  }
0x154: {  	v38 =	vld.idx.msk [tilespmem:v7+s17+$0x0], $0xffff  }
0x155: {  	v46 =	vshrl.u32 v42, $0x16;
	v16 =	vor.u32 v0, v16;
	v7 =	vld.idx.msk [tilespmem:v7+s19+$0x0], $0xffff  }
0x156: {  	v49 =	vshrl.u32 v44, $0x16;
	v19 =	vand.u32 $0xC, v46;
	v41 =	vld.idx.msk [tilespmem:v9+s17+$0x0], $0xffff  }
0x157: {  	v52 =	vshrl.u32 v47, $0x16;
	v22 =	vand.u32 $0xC, v49;
	v19 =	vor.u32 v0, v19;
	v9 =	vld.idx.msk [tilespmem:v9+s19+$0x0], $0xffff  }
0x158: {  	v62 =	vshrl.u32 v55, $0x16;
	v25 =	vand.u32 $0xC, v52;
	v22 =	vor.u32 v0, v22;
	v45 =	vld.idx.msk [tilespmem:v13+s17+$0x0], $0xffff  }
0x159: {  	v33 =	vand.u32 $0xC, v62;
	v25 =	vor.u32 v0, v25;
	v13 =	vld.idx.msk [tilespmem:v13+s19+$0x0], $0xffff  }
0x15a: {  	v18 =	vor.u32 v0, v33;
	v48 =	vld.idx.msk [tilespmem:v16+s17+$0x0], $0xffff  }
0x15b: {  	v16 =	vld.idx.msk [tilespmem:v16+s19+$0x0], $0xffff  }
0x15c: {  	v51 =	vld.idx.msk [tilespmem:v19+s17+$0x0], $0xffff  }
0x15d: {  	v53 =	vld.idx.msk [tilespmem:v22+s17+$0x0], $0xffff  }
0x15e: {  	v59 =	vld.idx.msk [tilespmem:v25+s17+$0x0], $0xffff  }
0x15f: {  	v39 =	vand.u32 $0xFFFFFF, v60;
	v57 =	vand.u32 $0xC, v54;
	v46 =	vshrl.u32 v36, $0x16;
	v44 =	vld.idx.msk [tilespmem:v18+s17+$0x0], $0xffff  }
0x160: {  	v52 =	vshrl.u32 v43, $0x16;
	v24 =	vand.u32 $0xFFFFFF, v43;
	v19 =	vld.idx.msk [tilespmem:v19+s19+$0x0], $0xffff;
	v3 =	vmul.f32 v35, v3  }
0x161: {  	v56 =	vld.idx.msk [tilespmem:v22+s19+$0x0], $0xffff;
	v22 =	vor.u32 v0, v57;
	v4 =	vmul.f32 v38, v4;
	v6 =	vmul.f32 v41, v6  }
0x162: {  	v61 =	vld.idx.msk [tilespmem:v25+s19+$0x0], $0xffff;
	v10 =	vmul.f32 v45, v10;
	v12 =	vmul.f32 v48, v12;
	v38 =	vshrl.u32 v60, $0x16  }
0x163: {  	v15 =	vmul.f32 v51, v15;
	v8 =	vmul.f32 v53, v17;
	v45 =	vld.idx.msk [tilespmem:v18+s19+$0x0], $0xffff;
	v18 =	vand.u32 $0xC, v46  }
0x164: {  	v11 =	vmul.f32 v59, v20;
	v57 =	vmul.f32 v44, v27;
	v59 =	vshrl.u32 v50, $0x16  }
0x165: {  	v49 =	vor.u32 v0, v18;
	v3 =	vadd.f32 v5, v3;
	v4 =	vadd.f32 v7, v4  }
0x166: {  	v18 =	vand.u32 $0xFFFFFF, v50;
	v6 =	vadd.f32 v9, v6;
	v9 =	vadd.f32 v13, v10  }
0x167: {  	v12 =	vadd.f32 v16, v12;
	v16 =	vand.u32 $0xC, v38;
	v15 =	vadd.f32 v19, v15  }
0x168: {  	v10 =	vand.u32 $0xFFFFFF, v36;
	v7 =	vadd.f32 v61, v11;
	v61 =	vand.u32 $0xC, v59  }
0x169: {  	s28 =	sor.u32 s13, s30;
	v60 =	vld.idx.msk [tilespmem:v24+s3+$0x0], $0xffff;
	v5 =	vadd.f32 v56, v8;
	v16 =	vor.u32 v0, v16;
	v24 =	vor.u32 v0, v61  }
0x16a: {  	v55 =	vld [tilespmem:s28+$0x0];
	v58 =	vand.u32 $0x7FFFFFFF, v3;
	v34 =	vand.u32 $0x7FFFFFFF, v4;
	v40 =	vand.u32 $0x7FFFFFFF, v6  }
0x16b: {  	v63 =	vld.idx.msk [tilespmem:v23+s3+$0x0], $0xffff;
	v41 =	vand.u32 $0x7FFFFFFF, v9;
	v42 =	vand.u32 $0x7FFFFFFF, v12;
	v3 =	vadd.f32 $1.000000010e-10, v3  }
0x16c: {  	s29 =	sor.u32 s13, s21;
	v35 =	vld.idx.msk [tilespmem:v22+s17+$0x0], $0xffff;
	v48 =	vand.u32 $0x7FFFFFFF, v15;
	v4 =	vadd.f32 $1.000000010e-10, v4;
	v6 =	vadd.f32 $1.000000010e-10, v6  }
0x16d: {  	v62 =	vld [tilespmem:s29+$0x0];
	v53 =	vand.u32 $0x7FFFFFFF, v5;
	v9 =	vadd.f32 $1.000000010e-10, v9;
	v12 =	vadd.f32 $1.000000010e-10, v12  }
0x16e: {  	v37 =	vld.idx.msk [tilespmem:v22+s19+$0x0], $0xffff;
	v56 =	vand.u32 $0x7FFFFFFF, v7;
	v15 =	vadd.f32 $1.000000010e-10, v15;
	v5 =	vadd.f32 $1.000000010e-10, v5  }
0x16f: {  	v22 =	vld.idx.msk [tilespmem:v39+s3+$0x0], $0xffff;
	v7 =	vadd.f32 $1.000000010e-10, v7;
	v26 =	vadd.s32 $0xFFFFFFFF, v58;
	v23 =	vadd.s32 $0xFFFFFFFF, v34  }
0x170: {  	v25 =	vadd.s32 $0xFFFFFFFF, v40;
	v28 =	vadd.s32 $0xFFFFFFFF, v41;
	v29 =	vadd.s32 $0xFFFFFFFF, v42;
	v58 =	vld.idx.msk [tilespmem:v49+s17+$0x0], $0xffff  }
0x171: {  	v31 =	vadd.s32 $0xFFFFFFFF, v53;
	v14 =	vmul.f32 v35, v63;
	v21 =	vadd.s32 $0xFFFFFFFF, v56;
	v8 =	vld.idx.msk [tilespmem:v49+s19+$0x0], $0xffff  }
0x172: {  	v17 =	vadd.f32 v45, v57;
	v47 =	vmin.u32 v26, v29;
	v29 =	vand.u32 $0xC, v52;
	v18 =	vld.idx.msk [tilespmem:v18+s3+$0x0], $0xffff  }
0x173: {  	v40 =	vshrl.u32 v62, $0x16;
	v26 =	vadd.s32 $0xFFFFFFFF, v48;
	v54 =	vor.u32 v0, v29;
	v10 =	vld.idx.msk [tilespmem:v10+s3+$0x0], $0xffff  }
0x174: {  	v25 =	vmin.u32 v25, v31;
	v21 =	vmin.u32 v28, v21;
	v42 =	vand.u32 $0xC, v40;
	v51 =	vld.idx.msk [tilespmem:v16+s17+$0x0], $0xffff  }
0x175: {  	v3 =	vxor.u32 v3, v4;
	v23 =	vmin.u32 v23, v26;
	v29 =	vand.u32 $0xFFFFFF, v55;
	v16 =	vld.idx.msk [tilespmem:v16+s19+$0x0], $0xffff  }
0x176: {  	v13 =	vadd.f32 v37, v14;
	v37 =	vshrl.u32 v55, $0x16;
	v26 =	vand.u32 $0xFFFFFF, v62;
	v39 =	vld.idx.msk [tilespmem:v24+s17+$0x0], $0xffff  }
0x177: {  	v3 =	vxor.u32 v6, v3;
	v31 =	vand.u32 $0xC, v37;
	v41 =	vld.idx.msk [tilespmem:v24+s19+$0x0], $0xffff;
	v24 =	vor.u32 v0, v42  }
0x178: {  	v38 =	vand.u32 $0x7FFFFFFF, v17;
	v3 =	vxor.u32 v9, v3;
	v31 =	vor.u32 v0, v31;
	v36 =	vld.idx.msk [tilespmem:v54+s17+$0x0], $0xffff  }
0x179: {  	v50 =	vadd.f32 $1.000000010e-10, v17;
	v63 =	vand.u32 $0x7FFFFFFF, v13;
	v3 =	vxor.u32 v12, v3;
	v11 =	vld.idx.msk [tilespmem:v54+s19+$0x0], $0xffff  }
0x17a: {  	v13 =	vadd.f32 $1.000000010e-10, v13;
	v30 =	vadd.s32 $0xFFFFFFFF, v63;
	v3 =	vxor.u32 v15, v3;
	v44 =	vld.idx.msk [tilespmem:v29+s3+$0x0], $0xffff  }
0x17b: {  	v19 =	vmin.u32 v47, v30;
	v3 =	vxor.u32 v5, v3;
	v10 =	vmul.f32 v58, v10;
	v47 =	vld.idx.msk [tilespmem:v26+s3+$0x0], $0xffff  }
0x17c: {  	v32 =	vadd.s32 $0xFFFFFFFF, v38;
	v3 =	vxor.u32 v7, v3;
	v20 =	vmul.f32 v51, v22;
	v48 =	vld.idx.msk [tilespmem:v24+s17+$0x0], $0xffff  }
0x17d: {  	v18 =	vmul.f32 v39, v18;
	v3 =	vxor.u32 v13, v3;
	v8 =	vadd.f32 v8, v10;
	v45 =	vld.idx.msk [tilespmem:v31+s17+$0x0], $0xffff  }
0x17e: {  	v23 =	vmin.u32 v23, v32;
	v51 =	vld.idx.msk [tilespmem:v24+s19+$0x0], $0xffff;
	v3 =	vxor.u32 v50, v3;
	v16 =	vadd.f32 v16, v20  }
0x17f: {  	v49 =	vld.idx.msk [tilespmem:v31+s19+$0x0], $0xffff;
	v18 =	vadd.f32 v41, v18;
	v46 =	vand.u32 $0x7FFFFFFF, v8;
	v8 =	vadd.f32 $1.000000010e-10, v8  }
0x180: {  	v14 =	vmul.f32 v36, v60;
	v43 =	vand.u32 $0x7FFFFFFF, v16;
	v20 =	vadd.s32 $0xFFFFFFFF, v46  }
0x181: {  	v16 =	vadd.f32 $1.000000010e-10, v16;
	v53 =	vand.u32 $0x7FFFFFFF, v18;
	v20 =	vmin.u32 v21, v20  }
0x182: {  	v21 =	vmul.f32 v48, v47;
	v11 =	vadd.f32 v11, v14;
	v14 =	vmul.f32 v45, v44  }
0x183: {  	v56 =	vadd.f32 $1.000000010e-10, v18;
	v10 =	vadd.s32 $0xFFFFFFFF, v43;
	v9 =	vadd.s32 $0xFFFFFFFF, v53  }
0x184: {  	v10 =	vmin.u32 v25, v10;
	v55 =	vadd.f32 v51, v21;
	v54 =	vadd.f32 v49, v14  }
0x185: {  	v9 =	vmin.u32 v23, v9;
	v3 =	vxor.u32 v16, v3;
	v52 =	vand.u32 $0x7FFFFFFF, v11  }
0x186: {  	v11 =	vadd.f32 $1.000000010e-10, v11;
	v58 =	vand.u32 $0x7FFFFFFF, v55;
	v57 =	vand.u32 $0x7FFFFFFF, v54  }
0x187: {  	v6 =	vadd.s32 $0xFFFFFFFF, v52;
	v59 =	vadd.s32 $0xFFFFFFFF, v58;
	v7 =	vadd.s32 $0xFFFFFFFF, v57  }
0x188: {  	v6 =	vmin.u32 v19, v6;
	v61 =	vmin.u32 v20, v59;
	v60 =	vmin.u32 v10, v7  }
0x189: {  	v3 =	vxor.u32 v8, v3;
	v6 =	vmin.u32 v6, v9;
	v4 =	vmin.u32 v60, v61  }
0x18a: {  	v62 =	vadd.f32 $1.000000010e-10, v54;
	v3 =	vxor.u32 v11, v3;
	v4 =	vmin.u32 v6, v4  }
0x18b: {  	v63 =	vadd.f32 $1.000000010e-10, v55;
	v3 =	vxor.u32 v56, v3;
	v4 =	vadd.s32 $0x1, v4  }
0x18c: {  	v3 =	vxor.u32 v62, v3;
	v4 =	vmul.f32 v4, v1  }
0x18d: {  	p1 =	sne.s32 s5, $0x1C0;
	v3 =	vxor.u32 v63, v3  }
.Ltmp0:
0x18e: {  	v3 =	vand.u32 $0x80000000, v3;
	v4 =	vadd.f32 v4, v2;
	(pc) =	sbr.rel @p1 .LBB2_3-.Ltmp0, $4  }
0x18f: {  	v3 =	vor.u32 $0x3F800000, v3  }
0x190: {  	v3 =	vmul.f32 v3, v4  }
0x191: {  	s30 =	sor.u32 s13, s22  }
0x192: {  	s2 =	sadd.s32 $0x200, s2;
	s20 =	sadd.s32 $0x40, s20;
	s5 =	sadd.s32 $0x40, s5;
	[tilespmem:s30+$0x0] =	vst v3  }
0x193: {  	s2 =	sshll.u32 s1, $0x9  }
0x194: {  	s5 =	sshll.u32 s1, $0x7;
	p1 =	sne.s32 s31, $0x18;
	s2 =	sand.u32 $0x3F000, s2  }
.Ltmp1:
0x195: {  	s5 =	sand.u32 $0x300, s5;
	s2 =	sadd.s32 s11, s2;
	(pc) =	sbr.rel @p1 .LBB2_6-.Ltmp1, $4  }
0x196: {  	s5 =	sor.u32 s5, s2  }
0x197: {  	s5 =	sshrl.u32 s5, $0x3  }
0x198: {  	s6 =	simm.s32 $0x1C700;
	s5 =	sadd.s32 s7, s5  }
0x199: {  	[hbm4b:s5+s14] =	stream.strided.scatter [tilespmem:s6], [sflag:$0x4], $0x200, s15, s14, $0x38;
	[tilespmem:$0x1CD00] =	vst v63  }
.Ltmp2:
0x19a: {  	(pc) =	sbr.rel .LBB2_7-.Ltmp2, $4  }
0x19b: {  	_ = 	snop  }
0x19c: {  	_ =	swait.ge [sflag:s25], $0x2000  }
0x19d: {  	[sflag:s25] =	ssyncset.done $0x0  }
0x19e: {  	[sflag:s25] =	ssyncadd.s32 $0xFFFFE000  }
.LBB2_6:
0x19f: {  	s1 =	sshll.u32 s1, $0xA;
	s5 =	rddreg [dreg:$0x8]  }
.Ltmp3:
0x1a0: {  	s30 =	simm.s32 $0x18700;
	s1 =	sadd.s32 s1, s5;
	(pc) =	sbr.rel @p0 .LBB2_8-.Ltmp3, $4  }
0x1a1: {  	[tilespmem:s30], [sflag:$0x2] =	stream.linear.gather [hbm4b:s1+s3], $0x2000, $0x38;
	[tilespmem:$0x1CD00] =	vst v63  }
0x1a2: {  	_ =	swait.ge [sflag:s25], $0x2000  }
0x1a3: {  	[sflag:s25] =	ssyncset.done $0x0  }
0x1a4: {  	[sflag:s25] =	ssyncadd.s32 $0xFFFFE000  }
.LBB2_7:
0x1a5: {  	_ =	swait.ge [sflag:s26], $0x200  }
0x1a6: {  	[sflag:s26] =	ssyncset.done $0x0  }
0x1a7: {  	[sflag:s26] =	ssyncadd.s32 $0xFFFFFE00  }
.LBB2_8:
0x1a8: {  	s1 =	simm.s32 $0x0;
	s20 =	simm.s32 $0x1C900;
	s5 =	simm.s32 $0x0  }
.LBB2_9:
0x1a9: {  	s21 =	sand.u32 $0xC00, s1  }
0x1aa: {  	s13 =	sand.u32 $0x40, s5;
	s10 =	sadd.s32 $0x1A700, s21  }
0x1ab: {  	s6 =	sor.u32 s13, s10  }
0x1ac: {  	v3 =	vld [tilespmem:s6+$0x0]  }
0x1ad: {  	v4 =	vld [tilespmem:s6+$0x80]  }
0x1ae: {  	v6 =	vld [tilespmem:s6+$0x100]  }
0x1af: {  	v8 =	vld [tilespmem:s6+$0x180]  }
0x1b0: {  	v13 =	vld [tilespmem:s6+$0x200]  }
0x1b1: {  	v15 =	vld [tilespmem:s6+$0x280]  }
0x1b2: {  	v18 =	vld [tilespmem:s6+$0x300]  }
0x1b3: {  	v20 =	vld [tilespmem:s6+$0x380];
	s6 =	sadd.s32 $0x1B700, s21  }
0x1b4: {  	s9 =	sor.u32 s13, s6  }
0x1b5: {  	v23 =	vld [tilespmem:s9+$0x0];
	s9 =	sadd.s32 $0x1B780, s21  }
0x1b6: {  	s29 =	sadd.s32 $0x1B800, s21;
	s12 =	sor.u32 s13, s9  }
0x1b7: {  	s22 =	sor.u32 s13, s29;
	v46 =	vld [tilespmem:s12+$0x0];
	s12 =	sadd.s32 $0x1B900, s21  }
0x1b8: {  	s16 =	sadd.s32 $0x1B880, s21;
	v27 =	vld [tilespmem:s22+$0x0];
	v5 =	vshrl.u32 v3, $0x16;
	v3 =	vand.u32 $0xFFFFFF, v3;
	s18 =	sor.u32 s13, s12  }
0x1b9: {  	s24 =	sor.u32 s13, s16;
	v7 =	vshrl.u32 v4, $0x16;
	v4 =	vand.u32 $0xFFFFFF, v4;
	v35 =	vld [tilespmem:s18+$0x0];
	s18 =	sadd.s32 $0x1B980, s21  }
0x1ba: {  	s30 =	sadd.s32 $0x1BA00, s21;
	v62 =	vld [tilespmem:s24+$0x0];
	v10 =	vshrl.u32 v6, $0x16;
	v6 =	vand.u32 $0xFFFFFF, v6;
	s21 =	sadd.s32 $0x1BA80, s21;
	s22 =	sor.u32 s13, s18  }
0x1bb: {  	v12 =	vshrl.u32 v8, $0x16;
	v8 =	vand.u32 $0xFFFFFF, v8;
	s24 =	sor.u32 s13, s21;
	v29 =	vld [tilespmem:s22+$0x0]  }
0x1bc: {  	v16 =	vshrl.u32 v13, $0x16;
	v13 =	vand.u32 $0xFFFFFF, v13;
	v31 =	vld [tilespmem:s24+$0x0]  }
0x1bd: {  	v19 =	vshrl.u32 v15, $0x16;
	v15 =	vand.u32 $0xFFFFFF, v15;
	v3 =	vld.idx.msk [tilespmem:v3+s3+$0x0], $0xffff  }
0x1be: {  	v22 =	vshrl.u32 v18, $0x16;
	v18 =	vand.u32 $0xFFFFFF, v18;
	v5 =	vand.u32 $0xC, v5;
	v4 =	vld.idx.msk [tilespmem:v4+s3+$0x0], $0xffff  }
0x1bf: {  	v5 =	vor.u32 v0, v5;
	v6 =	vld.idx.msk [tilespmem:v6+s3+$0x0], $0xffff  }
0x1c0: {  	v7 =	vand.u32 $0xC, v7;
	v8 =	vld.idx.msk [tilespmem:v8+s3+$0x0], $0xffff  }
0x1c1: {  	v7 =	vor.u32 v0, v7;
	v13 =	vld.idx.msk [tilespmem:v13+s3+$0x0], $0xffff  }
0x1c2: {  	v10 =	vand.u32 $0xC, v10;
	v15 =	vld.idx.msk [tilespmem:v15+s3+$0x0], $0xffff  }
0x1c3: {  	v10 =	vor.u32 v0, v10;
	v44 =	vld.idx.msk [tilespmem:v18+s3+$0x0], $0xffff  }
0x1c4: {  	v12 =	vand.u32 $0xC, v12;
	v9 =	vld.idx.msk [tilespmem:v5+s17+$0x0], $0xffff  }
0x1c5: {  	v12 =	vor.u32 v0, v12;
	v5 =	vld.idx.msk [tilespmem:v5+s19+$0x0], $0xffff  }
0x1c6: {  	v16 =	vand.u32 $0xC, v16;
	v11 =	vld.idx.msk [tilespmem:v7+s17+$0x0], $0xffff  }
0x1c7: {  	v16 =	vor.u32 v0, v16;
	v7 =	vld.idx.msk [tilespmem:v7+s19+$0x0], $0xffff  }
0x1c8: {  	v25 =	vshrl.u32 v20, $0x16;
	v19 =	vand.u32 $0xC, v19;
	v14 =	vld.idx.msk [tilespmem:v10+s17+$0x0], $0xffff  }
0x1c9: {  	v25 =	vand.u32 $0xC, v25;
	v19 =	vor.u32 v0, v19;
	v10 =	vld.idx.msk [tilespmem:v10+s19+$0x0], $0xffff  }
0x1ca: {  	v45 =	vor.u32 v0, v25;
	v17 =	vld.idx.msk [tilespmem:v12+s17+$0x0], $0xffff  }
0x1cb: {  	v12 =	vld.idx.msk [tilespmem:v12+s19+$0x0], $0xffff  }
0x1cc: {  	v20 =	vand.u32 $0xFFFFFF, v20;
	v60 =	vshrl.u32 v27, $0x16;
	v55 =	vand.u32 $0xFFFFFF, v46;
	v21 =	vld.idx.msk [tilespmem:v16+s17+$0x0], $0xffff  }
0x1cd: {  	v61 =	vand.u32 $0xFFFFFF, v27;
	v38 =	vshrl.u32 v62, $0x16;
	v22 =	vand.u32 $0xC, v22;
	v16 =	vld.idx.msk [tilespmem:v16+s19+$0x0], $0xffff  }
0x1ce: {  	v27 =	vand.u32 $0xFFFFFF, v62;
	v22 =	vor.u32 v0, v22;
	v48 =	vshrl.u32 v23, $0x16;
	v24 =	vld.idx.msk [tilespmem:v19+s17+$0x0], $0xffff  }
0x1cf: {  	v23 =	vand.u32 $0xFFFFFF, v23;
	v53 =	vshrl.u32 v46, $0x16;
	v41 =	vshrl.u32 v35, $0x16;
	v51 =	vld.idx.msk [tilespmem:v45+s17+$0x0], $0xffff  }
0x1d0: {  	v54 =	vld.idx.msk [tilespmem:v45+s19+$0x0], $0xffff;
	v42 =	vand.u32 $0xC, v41;
	v45 =	vshrl.u32 v29, $0x16;
	v29 =	vand.u32 $0xFFFFFF, v29  }
0x1d1: {  	v18 =	vld.idx.msk [tilespmem:v55+s3+$0x0], $0xffff;
	v25 =	vand.u32 $0xC, v45;
	v55 =	vand.u32 $0xFFFFFF, v31;
	v3 =	vmul.f32 v9, v3  }
0x1d2: {  	v19 =	vld.idx.msk [tilespmem:v19+s19+$0x0], $0xffff;
	v4 =	vmul.f32 v11, v4;
	v11 =	vand.u32 $0xC, v48;
	v6 =	vmul.f32 v14, v6  }
0x1d3: {  	v47 =	vld.idx.msk [tilespmem:v22+s17+$0x0], $0xffff;
	v8 =	vmul.f32 v17, v8;
	v17 =	vand.u32 $0xC, v53;
	v56 =	vmul.f32 v21, v13  }
0x1d4: {  	s28 =	sor.u32 s13, s30;
	v49 =	vld.idx.msk [tilespmem:v20+s3+$0x0], $0xffff;
	v15 =	vmul.f32 v24, v15;
	v24 =	vand.u32 $0xC, v38;
	v9 =	vand.u32 $0xFFFFFF, v35  }
0x1d5: {  	v43 =	vld [tilespmem:s28+$0x0];
	v53 =	vshrl.u32 v31, $0x16;
	v11 =	vor.u32 v0, v11;
	v3 =	vadd.f32 v5, v3  }
0x1d6: {  	v17 =	vor.u32 v0, v17;
	v4 =	vadd.f32 v7, v4;
	v6 =	vadd.f32 v10, v6  }
0x1d7: {  	v37 =	vld.idx.msk [tilespmem:v61+s3+$0x0], $0xffff;
	v24 =	vor.u32 v0, v24;
	v8 =	vadd.f32 v12, v8;
	v12 =	vadd.f32 v16, v56  }
0x1d8: {  	v27 =	vld.idx.msk [tilespmem:v27+s3+$0x0], $0xffff;
	v16 =	vand.u32 $0xC, v60;
	v15 =	vadd.f32 v19, v15;
	v5 =	vmul.f32 v47, v44  }
0x1d9: {  	v22 =	vld.idx.msk [tilespmem:v22+s19+$0x0], $0xffff;
	v7 =	vmul.f32 v51, v49;
	v10 =	vor.u32 v0, v42;
	v47 =	vor.u32 v0, v25  }
0x1da: {  	v57 =	vld.idx.msk [tilespmem:v23+s3+$0x0], $0xffff;
	v49 =	vshrl.u32 v43, $0x16;
	v16 =	vor.u32 v0, v16;
	v26 =	vand.u32 $0x7FFFFFFF, v3  }
0x1db: {  	v3 =	vadd.f32 $1.000000010e-10, v3;
	v52 =	vand.u32 $0x7FFFFFFF, v4;
	v7 =	vadd.f32 v54, v7;
	v54 =	vld.idx.msk [tilespmem:v29+s3+$0x0], $0xffff  }
0x1dc: {  	v4 =	vadd.f32 $1.000000010e-10, v4;
	v23 =	vadd.f32 $1.000000010e-10, v6;
	v6 =	vand.u32 $0x7FFFFFFF, v6;
	v9 =	vld.idx.msk [tilespmem:v9+s3+$0x0], $0xffff  }
0x1dd: {  	v28 =	vand.u32 $0x7FFFFFFF, v12;
	v12 =	vadd.f32 $1.000000010e-10, v12;
	v36 =	vand.u32 $0x7FFFFFFF, v15;
	v59 =	vld.idx.msk [tilespmem:v11+s17+$0x0], $0xffff  }
0x1de: {  	v5 =	vadd.f32 v22, v5;
	v15 =	vadd.f32 $1.000000010e-10, v15;
	v50 =	vadd.s32 $0xFFFFFFFF, v26;
	v11 =	vld.idx.msk [tilespmem:v11+s19+$0x0], $0xffff  }
0x1df: {  	v58 =	vadd.s32 $0xFFFFFFFF, v52;
	v26 =	vadd.f32 $1.000000010e-10, v8;
	v8 =	vand.u32 $0x7FFFFFFF, v8;
	v63 =	vld.idx.msk [tilespmem:v17+s17+$0x0], $0xffff  }
0x1e0: {  	v6 =	vadd.s32 $0xFFFFFFFF, v6;
	v28 =	vadd.s32 $0xFFFFFFFF, v28;
	v8 =	vadd.s32 $0xFFFFFFFF, v8;
	v17 =	vld.idx.msk [tilespmem:v17+s19+$0x0], $0xffff  }
0x1e1: {  	v20 =	vmin.u32 v50, v28;
	v28 =	vadd.s32 $0xFFFFFFFF, v36;
	v30 =	vand.u32 $0x7FFFFFFF, v5;
	v32 =	vld.idx.msk [tilespmem:v24+s17+$0x0], $0xffff  }
0x1e2: {  	v5 =	vadd.f32 $1.000000010e-10, v5;
	v44 =	vadd.f32 $1.000000010e-10, v7;
	v7 =	vand.u32 $0x7FFFFFFF, v7;
	v46 =	vld.idx.msk [tilespmem:v24+s19+$0x0], $0xffff  }
0x1e3: {  	v3 =	vxor.u32 v3, v4;
	v21 =	vmin.u32 v58, v28;
	v40 =	vadd.s32 $0xFFFFFFFF, v30;
	v51 =	vld.idx.msk [tilespmem:v10+s17+$0x0], $0xffff  }
0x1e4: {  	v7 =	vadd.s32 $0xFFFFFFFF, v7;
	v30 =	vand.u32 $0xFFFFFF, v43;
	v56 =	vld.idx.msk [tilespmem:v47+s17+$0x0], $0xffff;
	v3 =	vxor.u32 v23, v3  }
0x1e5: {  	v10 =	vld.idx.msk [tilespmem:v10+s19+$0x0], $0xffff;
	v6 =	vmin.u32 v6, v40;
	v7 =	vmin.u32 v8, v7;
	v3 =	vxor.u32 v26, v3  }
0x1e6: {  	v39 =	vld.idx.msk [tilespmem:v16+s17+$0x0], $0xffff;
	v3 =	vxor.u32 v12, v3;
	v48 =	vmul.f32 v63, v18;
	v18 =	vand.u32 $0xC, v49  }
0x1e7: {  	v24 =	vld.idx.msk [tilespmem:v47+s19+$0x0], $0xffff;
	v3 =	vxor.u32 v15, v3;
	v52 =	vor.u32 v0, v18;
	v18 =	vand.u32 $0xC, v53  }
0x1e8: {  	v16 =	vld.idx.msk [tilespmem:v16+s19+$0x0], $0xffff;
	v13 =	vmul.f32 v59, v57;
	v27 =	vmul.f32 v32, v27;
	v18 =	vor.u32 v0, v18  }
0x1e9: {  	v3 =	vxor.u32 v5, v3;
	v9 =	vmul.f32 v51, v9;
	v22 =	vmul.f32 v56, v54  }
0x1ea: {  	v61 =	vld.idx.msk [tilespmem:v55+s3+$0x0], $0xffff;
	v3 =	vxor.u32 v44, v3;
	v11 =	vadd.f32 v11, v13;
	v8 =	vadd.f32 v17, v48  }
0x1eb: {  	v58 =	vld.idx.msk [tilespmem:v30+s3+$0x0], $0xffff;
	v14 =	vmul.f32 v39, v37;
	v13 =	vadd.f32 v46, v27;
	v9 =	vadd.f32 v10, v9  }
0x1ec: {  	v31 =	vadd.f32 v24, v22;
	v50 =	vand.u32 $0x7FFFFFFF, v11;
	v11 =	vadd.f32 $1.000000010e-10, v11;
	v60 =	vld.idx.msk [tilespmem:v52+s17+$0x0], $0xffff  }
0x1ed: {  	v14 =	vadd.f32 v16, v14;
	v57 =	vand.u32 $0x7FFFFFFF, v8;
	v8 =	vadd.f32 $1.000000010e-10, v8;
	v63 =	vld.idx.msk [tilespmem:v18+s17+$0x0], $0xffff  }
0x1ee: {  	v62 =	vand.u32 $0x7FFFFFFF, v13;
	v13 =	vadd.f32 $1.000000010e-10, v13;
	v19 =	vadd.s32 $0xFFFFFFFF, v50;
	v30 =	vld.idx.msk [tilespmem:v52+s19+$0x0], $0xffff  }
0x1ef: {  	v16 =	vadd.s32 $0xFFFFFFFF, v57;
	v32 =	vadd.f32 $1.000000010e-10, v9;
	v9 =	vand.u32 $0x7FFFFFFF, v9;
	v18 =	vld.idx.msk [tilespmem:v18+s19+$0x0], $0xffff  }
0x1f0: {  	v33 =	vand.u32 $0x7FFFFFFF, v31;
	v37 =	vadd.f32 $1.000000010e-10, v31;
	v19 =	vmin.u32 v20, v19  }
0x1f1: {  	v16 =	vmin.u32 v21, v16;
	v59 =	vand.u32 $0x7FFFFFFF, v14;
	v14 =	vadd.f32 $1.000000010e-10, v14  }
0x1f2: {  	v9 =	vadd.s32 $0xFFFFFFFF, v9;
	v20 =	vmul.f32 v60, v58;
	v34 =	vmul.f32 v63, v61  }
0x1f3: {  	v35 =	vadd.s32 $0xFFFFFFFF, v33;
	v3 =	vxor.u32 v11, v3;
	v21 =	vadd.s32 $0xFFFFFFFF, v59  }
0x1f4: {  	v9 =	vmin.u32 v19, v9;
	v10 =	vadd.f32 v30, v20;
	v36 =	vadd.f32 v18, v34  }
0x1f5: {  	v12 =	vmin.u32 v16, v35;
	v3 =	vxor.u32 v8, v3;
	v6 =	vmin.u32 v6, v21  }
0x1f6: {  	v21 =	vadd.s32 $0xFFFFFFFF, v62;
	v38 =	vand.u32 $0x7FFFFFFF, v10;
	v39 =	vand.u32 $0x7FFFFFFF, v36  }
0x1f7: {  	v7 =	vmin.u32 v7, v21;
	v40 =	vadd.s32 $0xFFFFFFFF, v38;
	v41 =	vadd.s32 $0xFFFFFFFF, v39  }
0x1f8: {  	v3 =	vxor.u32 v14, v3;
	v6 =	vmin.u32 v6, v40;
	v7 =	vmin.u32 v7, v41  }
0x1f9: {  	v42 =	vmin.u32 v9, v12;
	v3 =	vxor.u32 v13, v3;
	v6 =	vmin.u32 v6, v7  }
0x1fa: {  	v3 =	vxor.u32 v32, v3;
	v43 =	vadd.f32 $1.000000010e-10, v10;
	v44 =	vmin.u32 v42, v6  }
0x1fb: {  	v3 =	vxor.u32 v37, v3;
	v45 =	vadd.f32 $1.000000010e-10, v36;
	v4 =	vadd.s32 $0x1, v44  }
0x1fc: {  	v3 =	vxor.u32 v43, v3;
	v4 =	vmul.f32 v4, v1  }
0x1fd: {  	v3 =	vxor.u32 v45, v3  }
0x1fe: {  	v3 =	vand.u32 $0x80000000, v3;
	v4 =	vadd.f32 v4, v2  }
0x1ff: {  	v3 =	vor.u32 $0x3F800000, v3  }
0x200: {  	v3 =	vmul.f32 v3, v4  }
0x201: {  	s24 =	sor.u32 $0x10, s13  }
0x202: {  	s28 =	sor.u32 s24, s10;
	[tilespmem:s20+$0x0] =	vst v3  }
0x203: {  	v3 =	vld [tilespmem:s28+$0x0]  }
0x204: {  	v46 =	vld [tilespmem:s28+$0x80]  }
0x205: {  	v48 =	vld [tilespmem:s28+$0x100]  }
0x206: {  	v50 =	vld [tilespmem:s28+$0x180]  }
0x207: {  	v55 =	vld [tilespmem:s28+$0x200]  }
0x208: {  	v57 =	vld [tilespmem:s28+$0x280]  }
0x209: {  	v60 =	vld [tilespmem:s28+$0x300]  }
0x20a: {  	v62 =	vld [tilespmem:s28+$0x380];
	s28 =	sor.u32 s24, s6  }
0x20b: {  	v33 =	vld [tilespmem:s28+$0x0];
	s28 =	sor.u32 s24, s9  }
0x20c: {  	v38 =	vld [tilespmem:s28+$0x0];
	s28 =	sor.u32 s24, s29;
	v47 =	vshrl.u32 v3, $0x16  }
0x20d: {  	v3 =	vand.u32 $0xFFFFFF, v3;
	v49 =	vshrl.u32 v46, $0x16;
	v4 =	vand.u32 $0xFFFFFF, v46;
	v46 =	vld [tilespmem:s28+$0x0];
	s28 =	sor.u32 s24, s16  }
0x20e: {  	v6 =	vand.u32 $0xFFFFFF, v48;
	v58 =	vshrl.u32 v55, $0x16;
	v13 =	vand.u32 $0xFFFFFF, v55;
	v55 =	vld [tilespmem:s28+$0x0];
	s28 =	sor.u32 s24, s12  }
0x20f: {  	v61 =	vshrl.u32 v57, $0x16;
	v35 =	vshrl.u32 v62, $0x16;
	v16 =	vand.u32 $0xC, v58;
	v58 =	vld [tilespmem:s28+$0x0];
	s28 =	sor.u32 s24, s18  }
0x210: {  	v8 =	vand.u32 $0xFFFFFF, v50;
	v19 =	vand.u32 $0xC, v61;
	v25 =	vand.u32 $0xC, v35;
	v61 =	vld [tilespmem:s28+$0x0];
	s28 =	sor.u32 s24, s30  }
0x211: {  	v37 =	vor.u32 v0, v25;
	v45 =	vshrl.u32 v38, $0x16;
	v25 =	vand.u32 $0xFFFFFF, v38;
	v38 =	vld [tilespmem:s28+$0x0]  }
0x212: {  	v15 =	vand.u32 $0xFFFFFF, v57;
	v3 =	vld.idx.msk [tilespmem:v3+s3+$0x0], $0xffff  }
0x213: {  	v18 =	vand.u32 $0xFFFFFF, v60;
	v4 =	vld.idx.msk [tilespmem:v4+s3+$0x0], $0xffff  }
0x214: {  	v20 =	vand.u32 $0xFFFFFF, v62;
	v6 =	vld.idx.msk [tilespmem:v6+s3+$0x0], $0xffff  }
0x215: {  	v5 =	vand.u32 $0xC, v47;
	v23 =	vand.u32 $0xFFFFFF, v33;
	v8 =	vld.idx.msk [tilespmem:v8+s3+$0x0], $0xffff  }
0x216: {  	v5 =	vor.u32 v0, v5;
	v13 =	vld.idx.msk [tilespmem:v13+s3+$0x0], $0xffff  }
0x217: {  	v7 =	vand.u32 $0xC, v49;
	v15 =	vld.idx.msk [tilespmem:v15+s3+$0x0], $0xffff  }
0x218: {  	v52 =	vshrl.u32 v48, $0x16;
	v7 =	vor.u32 v0, v7;
	v36 =	vld.idx.msk [tilespmem:v18+s3+$0x0], $0xffff  }
0x219: {  	v10 =	vand.u32 $0xC, v52;
	v42 =	vld.idx.msk [tilespmem:v20+s3+$0x0], $0xffff  }
0x21a: {  	v54 =	vshrl.u32 v50, $0x16;
	v10 =	vor.u32 v0, v10;
	v49 =	vld.idx.msk [tilespmem:v23+s3+$0x0], $0xffff  }
0x21b: {  	v12 =	vand.u32 $0xC, v54;
	v51 =	vld.idx.msk [tilespmem:v5+s17+$0x0], $0xffff  }
0x21c: {  	v12 =	vor.u32 v0, v12;
	v5 =	vld.idx.msk [tilespmem:v5+s19+$0x0], $0xffff  }
0x21d: {  	v53 =	vld.idx.msk [tilespmem:v7+s17+$0x0], $0xffff  }
0x21e: {  	v16 =	vor.u32 v0, v16;
	v7 =	vld.idx.msk [tilespmem:v7+s19+$0x0], $0xffff  }
0x21f: {  	v56 =	vld.idx.msk [tilespmem:v10+s17+$0x0], $0xffff  }
0x220: {  	v32 =	vshrl.u32 v60, $0x16;
	v19 =	vor.u32 v0, v19;
	v10 =	vld.idx.msk [tilespmem:v10+s19+$0x0], $0xffff  }
0x221: {  	v22 =	vand.u32 $0xC, v32;
	v40 =	vshrl.u32 v33, $0x16;
	v59 =	vld.idx.msk [tilespmem:v12+s17+$0x0], $0xffff  }
0x222: {  	v22 =	vor.u32 v0, v22;
	v11 =	vand.u32 $0xC, v40;
	v12 =	vld.idx.msk [tilespmem:v12+s19+$0x0], $0xffff  }
0x223: {  	v11 =	vor.u32 v0, v11;
	v63 =	vld.idx.msk [tilespmem:v16+s17+$0x0], $0xffff  }
0x224: {  	v16 =	vld.idx.msk [tilespmem:v16+s19+$0x0], $0xffff  }
0x225: {  	v48 =	vand.u32 $0xC, v45;
	v34 =	vld.idx.msk [tilespmem:v19+s17+$0x0], $0xffff  }
0x226: {  	v18 =	vor.u32 v0, v48;
	v54 =	vand.u32 $0xFFFFFF, v46;
	v19 =	vld.idx.msk [tilespmem:v19+s19+$0x0], $0xffff  }
0x227: {  	v60 =	vshrl.u32 v55, $0x16;
	v24 =	vand.u32 $0xFFFFFF, v55;
	v39 =	vld.idx.msk [tilespmem:v22+s17+$0x0], $0xffff;
	v9 =	vand.u32 $0xFFFFFF, v58  }
0x228: {  	v50 =	vld.idx.msk [tilespmem:v11+s17+$0x0], $0xffff;
	v40 =	vshrl.u32 v61, $0x16;
	v29 =	vand.u32 $0xFFFFFF, v61;
	v3 =	vmul.f32 v51, v3  }
0x229: {  	v44 =	vld.idx.msk [tilespmem:v37+s17+$0x0], $0xffff;
	v23 =	vand.u32 $0xC, v40;
	v4 =	vmul.f32 v53, v4;
	v6 =	vmul.f32 v56, v6  }
0x22a: {  	v25 =	vld.idx.msk [tilespmem:v25+s3+$0x0], $0xffff;
	v30 =	vand.u32 $0xFFFFFF, v38;
	v8 =	vmul.f32 v59, v8;
	v13 =	vmul.f32 v63, v13  }
0x22b: {  	v11 =	vld.idx.msk [tilespmem:v11+s19+$0x0], $0xffff;
	v52 =	vmul.f32 v34, v15;
	v53 =	vshrl.u32 v46, $0x16;
	v46 =	vshrl.u32 v38, $0x16  }
0x22c: {  	v57 =	vld.idx.msk [tilespmem:v18+s17+$0x0], $0xffff;
	v15 =	vand.u32 $0xC, v53;
	v3 =	vadd.f32 v5, v3;
	v4 =	vadd.f32 v7, v4  }
0x22d: {  	v17 =	vmul.f32 v50, v49;
	v6 =	vadd.f32 v10, v6;
	v8 =	vadd.f32 v12, v8  }
0x22e: {  	v51 =	vadd.f32 v16, v13;
	v13 =	vadd.f32 v19, v52;
	v15 =	vor.u32 v0, v15  }
0x22f: {  	v22 =	vld.idx.msk [tilespmem:v22+s19+$0x0], $0xffff;
	v5 =	vmul.f32 v39, v36;
	v7 =	vmul.f32 v44, v42;
	v36 =	vshrl.u32 v58, $0x16  }
0x230: {  	v47 =	vld.idx.msk [tilespmem:v37+s19+$0x0], $0xffff;
	v44 =	vor.u32 v0, v23;
	v19 =	vand.u32 $0xC, v46;
	v37 =	vand.u32 $0xC, v36  }
0x231: {  	v11 =	vadd.f32 v11, v17;
	v45 =	vmul.f32 v57, v25;
	v49 =	vor.u32 v0, v19  }
0x232: {  	v18 =	vld.idx.msk [tilespmem:v18+s19+$0x0], $0xffff;
	v41 =	vand.u32 $0x7FFFFFFF, v3;
	v3 =	vadd.f32 $1.000000010e-10, v3;
	v26 =	vadd.f32 $1.000000010e-10, v4  }
0x233: {  	v24 =	vld.idx.msk [tilespmem:v24+s3+$0x0], $0xffff;
	v4 =	vand.u32 $0x7FFFFFFF, v4;
	v21 =	vadd.f32 $1.000000010e-10, v6;
	v6 =	vand.u32 $0x7FFFFFFF, v6  }
0x234: {  	v9 =	vld.idx.msk [tilespmem:v9+s3+$0x0], $0xffff;
	v27 =	vadd.f32 $1.000000010e-10, v8;
	v8 =	vand.u32 $0x7FFFFFFF, v8;
	v56 =	vand.u32 $0x7FFFFFFF, v51  }
0x235: {  	v16 =	vld.idx.msk [tilespmem:v54+s3+$0x0], $0xffff;
	v12 =	vadd.f32 $1.000000010e-10, v51;
	v59 =	vand.u32 $0x7FFFFFFF, v13;
	v5 =	vadd.f32 v22, v5  }
0x236: {  	v55 =	vld.idx.msk [tilespmem:v30+s3+$0x0], $0xffff;
	v13 =	vadd.f32 $1.000000010e-10, v13;
	v22 =	vand.u32 $0xC, v60;
	v7 =	vadd.f32 v47, v7  }
0x237: {  	s28 =	sor.u32 s24, s21;
	v10 =	vor.u32 v0, v37;
	v51 =	vld.idx.msk [tilespmem:v29+s3+$0x0], $0xffff;
	v43 =	vadd.s32 $0xFFFFFFFF, v41;
	v4 =	vadd.s32 $0xFFFFFFFF, v4  }
0x238: {  	v6 =	vadd.s32 $0xFFFFFFFF, v6;
	v8 =	vadd.s32 $0xFFFFFFFF, v8;
	v28 =	vadd.s32 $0xFFFFFFFF, v56;
	v41 =	vld [tilespmem:s28+$0x0]  }
0x239: {  	v22 =	vor.u32 v0, v22;
	v47 =	vand.u32 $0x7FFFFFFF, v11;
	v11 =	vadd.f32 $1.000000010e-10, v11;
	v63 =	vld.idx.msk [tilespmem:v15+s17+$0x0], $0xffff  }
0x23a: {  	v20 =	vmin.u32 v43, v28;
	v28 =	vadd.s32 $0xFFFFFFFF, v59;
	v62 =	vand.u32 $0x7FFFFFFF, v5;
	v15 =	vld.idx.msk [tilespmem:v15+s19+$0x0], $0xffff  }
0x23b: {  	v5 =	vadd.f32 $1.000000010e-10, v5;
	v39 =	vadd.f32 $1.000000010e-10, v7;
	v7 =	vand.u32 $0x7FFFFFFF, v7;
	v53 =	vld.idx.msk [tilespmem:v44+s17+$0x0], $0xffff  }
0x23c: {  	v23 =	vadd.s32 $0xFFFFFFFF, v47;
	v3 =	vxor.u32 v3, v26;
	v4 =	vmin.u32 v4, v28;
	v57 =	vld.idx.msk [tilespmem:v49+s17+$0x0], $0xffff  }
0x23d: {  	v7 =	vadd.s32 $0xFFFFFFFF, v7;
	v3 =	vxor.u32 v21, v3;
	v61 =	vld.idx.msk [tilespmem:v49+s19+$0x0], $0xffff;
	v50 =	vshrl.u32 v41, $0x16  }
0x23e: {  	v7 =	vmin.u32 v8, v7;
	v48 =	vld.idx.msk [tilespmem:v10+s17+$0x0], $0xffff;
	v52 =	vand.u32 $0xFFFFFF, v41;
	v19 =	vand.u32 $0xC, v50  }
0x23f: {  	v8 =	vadd.f32 v18, v45;
	v3 =	vxor.u32 v27, v3;
	v42 =	vld.idx.msk [tilespmem:v22+s17+$0x0], $0xffff;
	v19 =	vor.u32 v0, v19  }
0x240: {  	v35 =	vadd.s32 $0xFFFFFFFF, v62;
	v20 =	vmin.u32 v20, v23;
	v3 =	vxor.u32 v12, v3;
	v43 =	vld.idx.msk [tilespmem:v22+s19+$0x0], $0xffff  }
0x241: {  	v6 =	vmin.u32 v6, v35;
	v54 =	vand.u32 $0x7FFFFFFF, v8;
	v22 =	vld.idx.msk [tilespmem:v44+s19+$0x0], $0xffff;
	v3 =	vxor.u32 v13, v3  }
0x242: {  	v10 =	vld.idx.msk [tilespmem:v10+s19+$0x0], $0xffff;
	v8 =	vadd.f32 $1.000000010e-10, v8;
	v3 =	vxor.u32 v5, v3;
	v14 =	vmul.f32 v63, v16  }
0x243: {  	v16 =	vmul.f32 v53, v51;
	v3 =	vxor.u32 v39, v3;
	v32 =	vmul.f32 v57, v55;
	v58 =	vld.idx.msk [tilespmem:v52+s3+$0x0], $0xffff  }
0x244: {  	v3 =	vxor.u32 v11, v3;
	v14 =	vadd.f32 v15, v14;
	v15 =	vadd.s32 $0xFFFFFFFF, v54;
	v60 =	vld.idx.msk [tilespmem:v19+s17+$0x0], $0xffff  }
0x245: {  	v9 =	vmul.f32 v48, v9;
	v3 =	vxor.u32 v8, v3;
	v24 =	vmul.f32 v42, v24  }
0x246: {  	v62 =	vadd.f32 v22, v16;
	v56 =	vand.u32 $0x7FFFFFFF, v14;
	v14 =	vadd.f32 $1.000000010e-10, v14;
	v63 =	vld.idx.msk [tilespmem:v19+s19+$0x0], $0xffff  }
0x247: {  	v4 =	vmin.u32 v4, v15;
	v9 =	vadd.f32 v10, v9;
	v10 =	vadd.f32 v61, v32  }
0x248: {  	v17 =	vadd.f32 v43, v24;
	v15 =	vadd.s32 $0xFFFFFFFF, v56;
	v31 =	vand.u32 $0x7FFFFFFF, v62  }
0x249: {  	v36 =	vadd.f32 $1.000000010e-10, v62;
	v6 =	vmin.u32 v6, v15;
	v33 =	vmul.f32 v60, v58  }
0x24a: {  	v30 =	vadd.f32 $1.000000010e-10, v9;
	v9 =	vand.u32 $0x7FFFFFFF, v9;
	v34 =	vadd.s32 $0xFFFFFFFF, v31  }
0x24b: {  	v37 =	vand.u32 $0x7FFFFFFF, v10;
	v3 =	vxor.u32 v14, v3;
	v35 =	vadd.f32 v63, v33  }
0x24c: {  	v59 =	vand.u32 $0x7FFFFFFF, v17;
	v17 =	vadd.f32 $1.000000010e-10, v17;
	v9 =	vadd.s32 $0xFFFFFFFF, v9  }
0x24d: {  	v4 =	vmin.u32 v4, v34;
	v15 =	vadd.s32 $0xFFFFFFFF, v59;
	v38 =	vand.u32 $0x7FFFFFFF, v35  }
0x24e: {  	v39 =	vadd.s32 $0xFFFFFFFF, v37;
	v7 =	vmin.u32 v7, v15;
	v40 =	vadd.s32 $0xFFFFFFFF, v38  }
0x24f: {  	v9 =	vmin.u32 v20, v9;
	v6 =	vmin.u32 v6, v39;
	v7 =	vmin.u32 v7, v40  }
0x250: {  	v3 =	vxor.u32 v17, v3;
	v4 =	vmin.u32 v9, v4;
	v6 =	vmin.u32 v6, v7  }
0x251: {  	v41 =	vadd.f32 $1.000000010e-10, v10;
	v3 =	vxor.u32 v30, v3;
	v4 =	vmin.u32 v4, v6  }
0x252: {  	v3 =	vxor.u32 v36, v3;
	v42 =	vadd.f32 $1.000000010e-10, v35;
	v4 =	vadd.s32 $0x1, v4  }
0x253: {  	v3 =	vxor.u32 v41, v3;
	v4 =	vmul.f32 v4, v1  }
0x254: {  	v3 =	vxor.u32 v42, v3  }
0x255: {  	v3 =	vand.u32 $0x80000000, v3;
	v4 =	vadd.f32 v4, v2  }
0x256: {  	s28 =	sand.u32 $0x180, s5;
	v3 =	vor.u32 $0x3F800000, v3  }
0x257: {  	s22 =	sadd.s32 $0x1C900, s28;
	v3 =	vmul.f32 v3, v4  }
0x258: {  	s28 =	sor.u32 s24, s22;
	s24 =	sor.u32 $0x20, s13  }
0x259: {  	[tilespmem:s28+$0x0] =	vst v3;
	s28 =	sor.u32 s24, s10  }
0x25a: {  	v3 =	vld [tilespmem:s28+$0x0]  }
0x25b: {  	v43 =	vld [tilespmem:s28+$0x80]  }
0x25c: {  	v45 =	vld [tilespmem:s28+$0x100]  }
0x25d: {  	v47 =	vld [tilespmem:s28+$0x180]  }
0x25e: {  	v52 =	vld [tilespmem:s28+$0x200]  }
0x25f: {  	v54 =	vld [tilespmem:s28+$0x280]  }
0x260: {  	v57 =	vld [tilespmem:s28+$0x300]  }
0x261: {  	v59 =	vld [tilespmem:s28+$0x380];
	s28 =	sor.u32 s24, s6  }
0x262: {  	v62 =	vld [tilespmem:s28+$0x0];
	s28 =	sor.u32 s24, s9  }
0x263: {  	v34 =	vld [tilespmem:s28+$0x0];
	s28 =	sor.u32 s24, s29;
	v44 =	vshrl.u32 v3, $0x16;
	v3 =	vand.u32 $0xFFFFFF, v3  }
0x264: {  	v42 =	vld [tilespmem:s28+$0x0];
	s28 =	sor.u32 s24, s16;
	v4 =	vand.u32 $0xFFFFFF, v43;
	v51 =	vshrl.u32 v47, $0x16  }
0x265: {  	v6 =	vand.u32 $0xFFFFFF, v45;
	v12 =	vand.u32 $0xC, v51;
	v51 =	vld [tilespmem:s28+$0x0];
	s28 =	sor.u32 s24, s12  }
0x266: {  	v8 =	vand.u32 $0xFFFFFF, v47;
	v58 =	vshrl.u32 v54, $0x16;
	v15 =	vand.u32 $0xFFFFFF, v54;
	v54 =	vld [tilespmem:s28+$0x0];
	s28 =	sor.u32 s24, s18  }
0x267: {  	v13 =	vand.u32 $0xFFFFFF, v52;
	v61 =	vshrl.u32 v57, $0x16;
	v18 =	vand.u32 $0xFFFFFF, v57;
	v57 =	vld [tilespmem:s28+$0x0]  }
0x268: {  	v3 =	vld.idx.msk [tilespmem:v3+s3+$0x0], $0xffff  }
0x269: {  	v4 =	vld.idx.msk [tilespmem:v4+s3+$0x0], $0xffff  }
0x26a: {  	v20 =	vand.u32 $0xFFFFFF, v59;
	v6 =	vld.idx.msk [tilespmem:v6+s3+$0x0], $0xffff  }
0x26b: {  	v5 =	vand.u32 $0xC, v44;
	v23 =	vand.u32 $0xFFFFFF, v62;
	v8 =	vld.idx.msk [tilespmem:v8+s3+$0x0], $0xffff  }
0x26c: {  	v46 =	vshrl.u32 v43, $0x16;
	v5 =	vor.u32 v0, v5;
	v13 =	vld.idx.msk [tilespmem:v13+s3+$0x0], $0xffff  }
0x26d: {  	v7 =	vand.u32 $0xC, v46;
	v15 =	vld.idx.msk [tilespmem:v15+s3+$0x0], $0xffff  }
0x26e: {  	v49 =	vshrl.u32 v45, $0x16;
	v7 =	vor.u32 v0, v7;
	v32 =	vld.idx.msk [tilespmem:v18+s3+$0x0], $0xffff  }
0x26f: {  	v10 =	vand.u32 $0xC, v49;
	v38 =	vld.idx.msk [tilespmem:v20+s3+$0x0], $0xffff  }
0x270: {  	v10 =	vor.u32 v0, v10;
	v45 =	vld.idx.msk [tilespmem:v23+s3+$0x0], $0xffff  }
0x271: {  	v48 =	vld.idx.msk [tilespmem:v5+s17+$0x0], $0xffff  }
0x272: {  	v55 =	vshrl.u32 v52, $0x16;
	v12 =	vor.u32 v0, v12;
	v5 =	vld.idx.msk [tilespmem:v5+s19+$0x0], $0xffff  }
0x273: {  	v16 =	vand.u32 $0xC, v55;
	v50 =	vld.idx.msk [tilespmem:v7+s17+$0x0], $0xffff  }
0x274: {  	v16 =	vor.u32 v0, v16;
	v7 =	vld.idx.msk [tilespmem:v7+s19+$0x0], $0xffff  }
0x275: {  	v19 =	vand.u32 $0xC, v58;
	v53 =	vld.idx.msk [tilespmem:v10+s17+$0x0], $0xffff  }
0x276: {  	v19 =	vor.u32 v0, v19;
	v10 =	vld.idx.msk [tilespmem:v10+s19+$0x0], $0xffff  }
0x277: {  	v22 =	vand.u32 $0xC, v61;
	v36 =	vshrl.u32 v62, $0x16;
	v56 =	vld.idx.msk [tilespmem:v12+s17+$0x0], $0xffff  }
0x278: {  	v31 =	vshrl.u32 v59, $0x16;
	v22 =	vor.u32 v0, v22;
	v11 =	vand.u32 $0xC, v36;
	v12 =	vld.idx.msk [tilespmem:v12+s19+$0x0], $0xffff  }
0x279: {  	v25 =	vand.u32 $0xC, v31;
	v41 =	vshrl.u32 v34, $0x16;
	v11 =	vor.u32 v0, v11;
	v60 =	vld.idx.msk [tilespmem:v16+s17+$0x0], $0xffff  }
0x27a: {  	v33 =	vor.u32 v0, v25;
	v44 =	vand.u32 $0xC, v41;
	v16 =	vld.idx.msk [tilespmem:v16+s19+$0x0], $0xffff  }
0x27b: {  	v25 =	vand.u32 $0xFFFFFF, v34;
	v49 =	vshrl.u32 v42, $0x16;
	v18 =	vor.u32 v0, v44;
	v63 =	vld.idx.msk [tilespmem:v19+s17+$0x0], $0xffff  }
0x27c: {  	v24 =	vand.u32 $0xFFFFFF, v51;
	v19 =	vld.idx.msk [tilespmem:v19+s19+$0x0], $0xffff;
	v61 =	vshrl.u32 v54, $0x16;
	v9 =	vand.u32 $0xFFFFFF, v54  }
0x27d: {  	v35 =	vld.idx.msk [tilespmem:v22+s17+$0x0], $0xffff;
	v62 =	vand.u32 $0xC, v61;
	v36 =	vshrl.u32 v57, $0x16;
	v3 =	vmul.f32 v48, v3  }
0x27e: {  	v46 =	vld.idx.msk [tilespmem:v11+s17+$0x0], $0xffff;
	v29 =	vand.u32 $0xFFFFFF, v57;
	v4 =	vmul.f32 v50, v4;
	v6 =	vmul.f32 v53, v6  }
0x27f: {  	v40 =	vld.idx.msk [tilespmem:v33+s17+$0x0], $0xffff;
	v23 =	vand.u32 $0xC, v36;
	v8 =	vmul.f32 v56, v8;
	v13 =	vmul.f32 v60, v13  }
0x280: {  	v11 =	vld.idx.msk [tilespmem:v11+s19+$0x0], $0xffff;
	v48 =	vmul.f32 v63, v15;
	v50 =	vand.u32 $0xFFFFFF, v42;
	v15 =	vand.u32 $0xC, v49  }
0x281: {  	v56 =	vshrl.u32 v51, $0x16;
	v3 =	vadd.f32 v5, v3;
	v4 =	vadd.f32 v7, v4  }
0x282: {  	v15 =	vor.u32 v0, v15;
	v6 =	vadd.f32 v10, v6;
	v8 =	vadd.f32 v12, v8  }
0x283: {  	v22 =	vld.idx.msk [tilespmem:v22+s19+$0x0], $0xffff;
	v17 =	vmul.f32 v46, v45;
	v47 =	vadd.f32 v16, v13;
	v13 =	vadd.f32 v19, v48  }
0x284: {  	v43 =	vld.idx.msk [tilespmem:v33+s19+$0x0], $0xffff;
	v5 =	vmul.f32 v35, v32;
	v7 =	vmul.f32 v40, v38;
	v10 =	vor.u32 v0, v62  }
0x285: {  	v25 =	vld.idx.msk [tilespmem:v25+s3+$0x0], $0xffff;
	v40 =	vor.u32 v0, v23;
	v11 =	vadd.f32 v11, v17;
	v37 =	vand.u32 $0x7FFFFFFF, v3  }
0x286: {  	v24 =	vld.idx.msk [tilespmem:v24+s3+$0x0], $0xffff;
	v3 =	vadd.f32 $1.000000010e-10, v3;
	v26 =	vadd.f32 $1.000000010e-10, v4;
	v4 =	vand.u32 $0x7FFFFFFF, v4  }
0x287: {  	s28 =	sor.u32 s24, s30;
	v53 =	vld.idx.msk [tilespmem:v18+s17+$0x0], $0xffff;
	v21 =	vadd.f32 $1.000000010e-10, v6;
	v6 =	vand.u32 $0x7FFFFFFF, v6;
	v27 =	vadd.f32 $1.000000010e-10, v8  }
0x288: {  	v63 =	vld [tilespmem:s28+$0x0];
	v8 =	vand.u32 $0x7FFFFFFF, v8;
	v52 =	vand.u32 $0x7FFFFFFF, v47;
	v12 =	vadd.f32 $1.000000010e-10, v47  }
0x289: {  	v18 =	vld.idx.msk [tilespmem:v18+s19+$0x0], $0xffff;
	v55 =	vand.u32 $0x7FFFFFFF, v13;
	v5 =	vadd.f32 v22, v5;
	v13 =	vadd.f32 $1.000000010e-10, v13  }
0x28a: {  	v9 =	vld.idx.msk [tilespmem:v9+s3+$0x0], $0xffff;
	v22 =	vand.u32 $0xC, v56;
	v7 =	vadd.f32 v43, v7;
	v39 =	vadd.s32 $0xFFFFFFFF, v37  }
0x28b: {  	v47 =	vld.idx.msk [tilespmem:v29+s3+$0x0], $0xffff;
	v4 =	vadd.s32 $0xFFFFFFFF, v4;
	v6 =	vadd.s32 $0xFFFFFFFF, v6;
	v8 =	vadd.s32 $0xFFFFFFFF, v8  }
0x28c: {  	s28 =	sor.u32 s24, s21;
	v28 =	vadd.s32 $0xFFFFFFFF, v52;
	v16 =	vld.idx.msk [tilespmem:v50+s3+$0x0], $0xffff;
	v22 =	vor.u32 v0, v22;
	v41 =	vmul.f32 v53, v25  }
0x28d: {  	v37 =	vld [tilespmem:s28+$0x0];
	v42 =	vshrl.u32 v63, $0x16;
	v43 =	vand.u32 $0x7FFFFFFF, v11;
	v30 =	vand.u32 $0xFFFFFF, v63  }
0x28e: {  	v11 =	vadd.f32 $1.000000010e-10, v11;
	v20 =	vmin.u32 v39, v28;
	v28 =	vadd.s32 $0xFFFFFFFF, v55;
	v59 =	vld.idx.msk [tilespmem:v15+s17+$0x0], $0xffff  }
0x28f: {  	v58 =	vand.u32 $0x7FFFFFFF, v5;
	v15 =	vld.idx.msk [tilespmem:v15+s19+$0x0], $0xffff;
	v5 =	vadd.f32 $1.000000010e-10, v5;
	v19 =	vand.u32 $0xC, v42  }
0x290: {  	v23 =	vadd.s32 $0xFFFFFFFF, v43;
	v3 =	vxor.u32 v3, v26;
	v4 =	vmin.u32 v4, v28;
	v44 =	vld.idx.msk [tilespmem:v10+s17+$0x0], $0xffff  }
0x291: {  	v60 =	vadd.s32 $0xFFFFFFFF, v58;
	v28 =	vadd.f32 $1.000000010e-10, v7;
	v7 =	vand.u32 $0x7FFFFFFF, v7;
	v10 =	vld.idx.msk [tilespmem:v10+s19+$0x0], $0xffff  }
0x292: {  	v45 =	vor.u32 v0, v19;
	v49 =	vld.idx.msk [tilespmem:v40+s17+$0x0], $0xffff;
	v20 =	vmin.u32 v20, v23;
	v46 =	vshrl.u32 v37, $0x16  }
0x293: {  	v3 =	vxor.u32 v21, v3;
	v38 =	vld.idx.msk [tilespmem:v22+s17+$0x0], $0xffff;
	v48 =	vand.u32 $0xFFFFFF, v37;
	v19 =	vand.u32 $0xC, v46  }
0x294: {  	v7 =	vadd.s32 $0xFFFFFFFF, v7;
	v3 =	vxor.u32 v27, v3;
	v39 =	vld.idx.msk [tilespmem:v22+s19+$0x0], $0xffff;
	v19 =	vor.u32 v0, v19  }
0x295: {  	v7 =	vmin.u32 v8, v7;
	v8 =	vadd.f32 v18, v41;
	v3 =	vxor.u32 v12, v3;
	v22 =	vld.idx.msk [tilespmem:v40+s19+$0x0], $0xffff  }
0x296: {  	v6 =	vmin.u32 v6, v60;
	v51 =	vld.idx.msk [tilespmem:v30+s3+$0x0], $0xffff;
	v3 =	vxor.u32 v13, v3;
	v14 =	vmul.f32 v59, v16  }
0x297: {  	v50 =	vand.u32 $0x7FFFFFFF, v8;
	v8 =	vadd.f32 $1.000000010e-10, v8;
	v3 =	vxor.u32 v5, v3;
	v53 =	vld.idx.msk [tilespmem:v45+s17+$0x0], $0xffff  }
0x298: {  	v9 =	vmul.f32 v44, v9;
	v16 =	vmul.f32 v49, v47;
	v3 =	vxor.u32 v28, v3;
	v54 =	vld.idx.msk [tilespmem:v48+s3+$0x0], $0xffff  }
0x299: {  	v14 =	vadd.f32 v15, v14;
	v15 =	vadd.s32 $0xFFFFFFFF, v50;
	v3 =	vxor.u32 v11, v3;
	v56 =	vld.idx.msk [tilespmem:v19+s17+$0x0], $0xffff  }
0x29a: {  	v57 =	vld.idx.msk [tilespmem:v45+s19+$0x0], $0xffff;
	v4 =	vmin.u32 v4, v15;
	v9 =	vadd.f32 v10, v9;
	v3 =	vxor.u32 v8, v3  }
0x29b: {  	v24 =	vmul.f32 v38, v24;
	v52 =	vand.u32 $0x7FFFFFFF, v14;
	v14 =	vadd.f32 $1.000000010e-10, v14;
	v59 =	vld.idx.msk [tilespmem:v19+s19+$0x0], $0xffff  }
0x29c: {  	v58 =	vadd.f32 v22, v16;
	v15 =	vadd.s32 $0xFFFFFFFF, v52;
	v60 =	vadd.f32 $1.000000010e-10, v9  }
0x29d: {  	v9 =	vand.u32 $0x7FFFFFFF, v9;
	v17 =	vadd.f32 v39, v24;
	v6 =	vmin.u32 v6, v15  }
0x29e: {  	v9 =	vadd.s32 $0xFFFFFFFF, v9;
	v62 =	vmul.f32 v53, v51;
	v63 =	vmul.f32 v56, v54  }
0x29f: {  	v61 =	vand.u32 $0x7FFFFFFF, v58;
	v24 =	vadd.f32 $1.000000010e-10, v58;
	v3 =	vxor.u32 v14, v3  }
0x2a0: {  	v9 =	vmin.u32 v20, v9;
	v10 =	vadd.f32 v57, v62;
	v23 =	vadd.f32 v59, v63  }
0x2a1: {  	v20 =	vadd.s32 $0xFFFFFFFF, v61;
	v55 =	vand.u32 $0x7FFFFFFF, v17;
	v17 =	vadd.f32 $1.000000010e-10, v17  }
0x2a2: {  	v15 =	vadd.s32 $0xFFFFFFFF, v55;
	v25 =	vand.u32 $0x7FFFFFFF, v10;
	v26 =	vand.u32 $0x7FFFFFFF, v23  }
0x2a3: {  	v7 =	vmin.u32 v7, v15;
	v27 =	vadd.s32 $0xFFFFFFFF, v25;
	v28 =	vadd.s32 $0xFFFFFFFF, v26  }
0x2a4: {  	v4 =	vmin.u32 v4, v20;
	v6 =	vmin.u32 v6, v27;
	v7 =	vmin.u32 v7, v28  }
0x2a5: {  	v4 =	vmin.u32 v9, v4;
	v3 =	vxor.u32 v17, v3;
	v6 =	vmin.u32 v6, v7  }
0x2a6: {  	v29 =	vadd.f32 $1.000000010e-10, v10;
	v3 =	vxor.u32 v60, v3;
	v4 =	vmin.u32 v4, v6  }
0x2a7: {  	v3 =	vxor.u32 v24, v3;
	v30 =	vadd.f32 $1.000000010e-10, v23;
	v4 =	vadd.s32 $0x1, v4  }
0x2a8: {  	v3 =	vxor.u32 v29, v3;
	v4 =	vmul.f32 v4, v1  }
0x2a9: {  	v3 =	vxor.u32 v30, v3  }
0x2aa: {  	v3 =	vand.u32 $0x80000000, v3;
	v4 =	vadd.f32 v4, v2  }
0x2ab: {  	v3 =	vor.u32 $0x3F800000, v3  }
0x2ac: {  	v3 =	vmul.f32 v3, v4  }
0x2ad: {  	s13 =	sor.u32 $0x30, s13;
	s24 =	sor.u32 s24, s22  }
0x2ae: {  	s10 =	sor.u32 s13, s10;
	[tilespmem:s24+$0x0] =	vst v3  }
0x2af: {  	v3 =	vld [tilespmem:s10+$0x0]  }
0x2b0: {  	v31 =	vld [tilespmem:s10+$0x80]  }
0x2b1: {  	v33 =	vld [tilespmem:s10+$0x100]  }
0x2b2: {  	v37 =	vld [tilespmem:s10+$0x180]  }
0x2b3: {  	v39 =	vld [tilespmem:s10+$0x200]  }
0x2b4: {  	s6 =	sor.u32 s13, s6;
	v42 =	vld [tilespmem:s10+$0x280]  }
0x2b5: {  	v50 =	vld [tilespmem:s6+$0x0]  }
0x2b6: {  	v44 =	vld [tilespmem:s10+$0x300]  }
0x2b7: {  	s28 =	sor.u32 s13, s9;
	v47 =	vld [tilespmem:s10+$0x380]  }
0x2b8: {  	s9 =	sor.u32 s13, s29;
	v55 =	vld [tilespmem:s28+$0x0];
	v32 =	vshrl.u32 v3, $0x16;
	v3 =	vand.u32 $0xFFFFFF, v3  }
0x2b9: {  	s24 =	sor.u32 s13, s18;
	v60 =	vld [tilespmem:s9+$0x0];
	v4 =	vand.u32 $0xFFFFFF, v31;
	v36 =	vshrl.u32 v33, $0x16  }
0x2ba: {  	s10 =	sor.u32 s13, s16;
	v6 =	vand.u32 $0xFFFFFF, v33;
	v54 =	vshrl.u32 v50, $0x16;
	v23 =	vand.u32 $0xFFFFFF, v50;
	v50 =	vld [tilespmem:s24+$0x0]  }
0x2bb: {  	s16 =	sor.u32 s13, s12;
	v10 =	vand.u32 $0xFFFFFF, v37;
	v43 =	vshrl.u32 v39, $0x16;
	v9 =	vand.u32 $0xC, v36;
	v36 =	vld [tilespmem:s10+$0x0]  }
0x2bc: {  	v12 =	vand.u32 $0xFFFFFF, v39;
	v16 =	vand.u32 $0xC, v43;
	v43 =	vld [tilespmem:s16+$0x0]  }
0x2bd: {  	v15 =	vand.u32 $0xFFFFFF, v42;
	v3 =	vld.idx.msk [tilespmem:v3+s3+$0x0], $0xffff  }
0x2be: {  	v17 =	vand.u32 $0xFFFFFF, v44;
	v4 =	vld.idx.msk [tilespmem:v4+s3+$0x0], $0xffff  }
0x2bf: {  	v20 =	vand.u32 $0xFFFFFF, v47;
	v6 =	vld.idx.msk [tilespmem:v6+s3+$0x0], $0xffff  }
0x2c0: {  	v27 =	vand.u32 $0xFFFFFF, v55;
	v5 =	vand.u32 $0xC, v32;
	v10 =	vld.idx.msk [tilespmem:v10+s3+$0x0], $0xffff  }
0x2c1: {  	v34 =	vshrl.u32 v31, $0x16;
	v5 =	vor.u32 v0, v5;
	v12 =	vld.idx.msk [tilespmem:v12+s3+$0x0], $0xffff  }
0x2c2: {  	v7 =	vand.u32 $0xC, v34;
	v15 =	vld.idx.msk [tilespmem:v15+s3+$0x0], $0xffff  }
0x2c3: {  	v7 =	vor.u32 v0, v7;
	v17 =	vld.idx.msk [tilespmem:v17+s3+$0x0], $0xffff  }
0x2c4: {  	v20 =	vld.idx.msk [tilespmem:v20+s3+$0x0], $0xffff  }
0x2c5: {  	v40 =	vshrl.u32 v37, $0x16;
	v9 =	vor.u32 v0, v9;
	v27 =	vld.idx.msk [tilespmem:v27+s3+$0x0], $0xffff  }
0x2c6: {  	v13 =	vand.u32 $0xC, v40;
	v35 =	vld.idx.msk [tilespmem:v5+s17+$0x0], $0xffff  }
0x2c7: {  	v13 =	vor.u32 v0, v13;
	v5 =	vld.idx.msk [tilespmem:v5+s19+$0x0], $0xffff  }
0x2c8: {  	v38 =	vld.idx.msk [tilespmem:v7+s17+$0x0], $0xffff  }
0x2c9: {  	v46 =	vshrl.u32 v42, $0x16;
	v16 =	vor.u32 v0, v16;
	v7 =	vld.idx.msk [tilespmem:v7+s19+$0x0], $0xffff  }
0x2ca: {  	v49 =	vshrl.u32 v44, $0x16;
	v19 =	vand.u32 $0xC, v46;
	v41 =	vld.idx.msk [tilespmem:v9+s17+$0x0], $0xffff  }
0x2cb: {  	v52 =	vshrl.u32 v47, $0x16;
	v22 =	vand.u32 $0xC, v49;
	v19 =	vor.u32 v0, v19;
	v9 =	vld.idx.msk [tilespmem:v9+s19+$0x0], $0xffff  }
0x2cc: {  	v62 =	vshrl.u32 v55, $0x16;
	v25 =	vand.u32 $0xC, v52;
	v22 =	vor.u32 v0, v22;
	v45 =	vld.idx.msk [tilespmem:v13+s17+$0x0], $0xffff  }
0x2cd: {  	v33 =	vand.u32 $0xC, v62;
	v25 =	vor.u32 v0, v25;
	v13 =	vld.idx.msk [tilespmem:v13+s19+$0x0], $0xffff  }
0x2ce: {  	v18 =	vor.u32 v0, v33;
	v48 =	vld.idx.msk [tilespmem:v16+s17+$0x0], $0xffff  }
0x2cf: {  	v16 =	vld.idx.msk [tilespmem:v16+s19+$0x0], $0xffff  }
0x2d0: {  	v51 =	vld.idx.msk [tilespmem:v19+s17+$0x0], $0xffff  }
0x2d1: {  	v53 =	vld.idx.msk [tilespmem:v22+s17+$0x0], $0xffff  }
0x2d2: {  	v59 =	vld.idx.msk [tilespmem:v25+s17+$0x0], $0xffff  }
0x2d3: {  	v39 =	vand.u32 $0xFFFFFF, v60;
	v57 =	vand.u32 $0xC, v54;
	v46 =	vshrl.u32 v36, $0x16;
	v44 =	vld.idx.msk [tilespmem:v18+s17+$0x0], $0xffff  }
0x2d4: {  	v52 =	vshrl.u32 v43, $0x16;
	v24 =	vand.u32 $0xFFFFFF, v43;
	v19 =	vld.idx.msk [tilespmem:v19+s19+$0x0], $0xffff;
	v3 =	vmul.f32 v35, v3  }
0x2d5: {  	v56 =	vld.idx.msk [tilespmem:v22+s19+$0x0], $0xffff;
	v22 =	vor.u32 v0, v57;
	v4 =	vmul.f32 v38, v4;
	v6 =	vmul.f32 v41, v6  }
0x2d6: {  	v61 =	vld.idx.msk [tilespmem:v25+s19+$0x0], $0xffff;
	v10 =	vmul.f32 v45, v10;
	v12 =	vmul.f32 v48, v12;
	v38 =	vshrl.u32 v60, $0x16  }
0x2d7: {  	v15 =	vmul.f32 v51, v15;
	v8 =	vmul.f32 v53, v17;
	v45 =	vld.idx.msk [tilespmem:v18+s19+$0x0], $0xffff;
	v18 =	vand.u32 $0xC, v46  }
0x2d8: {  	v11 =	vmul.f32 v59, v20;
	v57 =	vmul.f32 v44, v27;
	v59 =	vshrl.u32 v50, $0x16  }
0x2d9: {  	v49 =	vor.u32 v0, v18;
	v3 =	vadd.f32 v5, v3;
	v4 =	vadd.f32 v7, v4  }
0x2da: {  	v18 =	vand.u32 $0xFFFFFF, v50;
	v6 =	vadd.f32 v9, v6;
	v9 =	vadd.f32 v13, v10  }
0x2db: {  	v12 =	vadd.f32 v16, v12;
	v16 =	vand.u32 $0xC, v38;
	v15 =	vadd.f32 v19, v15  }
0x2dc: {  	v10 =	vand.u32 $0xFFFFFF, v36;
	v7 =	vadd.f32 v61, v11;
	v61 =	vand.u32 $0xC, v59  }
0x2dd: {  	s28 =	sor.u32 s13, s30;
	v60 =	vld.idx.msk [tilespmem:v24+s3+$0x0], $0xffff;
	v5 =	vadd.f32 v56, v8;
	v16 =	vor.u32 v0, v16;
	v24 =	vor.u32 v0, v61  }
0x2de: {  	v55 =	vld [tilespmem:s28+$0x0];
	v58 =	vand.u32 $0x7FFFFFFF, v3;
	v34 =	vand.u32 $0x7FFFFFFF, v4;
	v40 =	vand.u32 $0x7FFFFFFF, v6  }
0x2df: {  	v63 =	vld.idx.msk [tilespmem:v23+s3+$0x0], $0xffff;
	v41 =	vand.u32 $0x7FFFFFFF, v9;
	v42 =	vand.u32 $0x7FFFFFFF, v12;
	v3 =	vadd.f32 $1.000000010e-10, v3  }
0x2e0: {  	s29 =	sor.u32 s13, s21;
	v35 =	vld.idx.msk [tilespmem:v22+s17+$0x0], $0xffff;
	v48 =	vand.u32 $0x7FFFFFFF, v15;
	v4 =	vadd.f32 $1.000000010e-10, v4;
	v6 =	vadd.f32 $1.000000010e-10, v6  }
0x2e1: {  	v62 =	vld [tilespmem:s29+$0x0];
	v53 =	vand.u32 $0x7FFFFFFF, v5;
	v9 =	vadd.f32 $1.000000010e-10, v9;
	v12 =	vadd.f32 $1.000000010e-10, v12  }
0x2e2: {  	v37 =	vld.idx.msk [tilespmem:v22+s19+$0x0], $0xffff;
	v56 =	vand.u32 $0x7FFFFFFF, v7;
	v15 =	vadd.f32 $1.000000010e-10, v15;
	v5 =	vadd.f32 $1.000000010e-10, v5  }
0x2e3: {  	v22 =	vld.idx.msk [tilespmem:v39+s3+$0x0], $0xffff;
	v7 =	vadd.f32 $1.000000010e-10, v7;
	v26 =	vadd.s32 $0xFFFFFFFF, v58;
	v23 =	vadd.s32 $0xFFFFFFFF, v34  }
0x2e4: {  	v25 =	vadd.s32 $0xFFFFFFFF, v40;
	v28 =	vadd.s32 $0xFFFFFFFF, v41;
	v29 =	vadd.s32 $0xFFFFFFFF, v42;
	v58 =	vld.idx.msk [tilespmem:v49+s17+$0x0], $0xffff  }
0x2e5: {  	v31 =	vadd.s32 $0xFFFFFFFF, v53;
	v14 =	vmul.f32 v35, v63;
	v21 =	vadd.s32 $0xFFFFFFFF, v56;
	v8 =	vld.idx.msk [tilespmem:v49+s19+$0x0], $0xffff  }
0x2e6: {  	v17 =	vadd.f32 v45, v57;
	v47 =	vmin.u32 v26, v29;
	v29 =	vand.u32 $0xC, v52;
	v18 =	vld.idx.msk [tilespmem:v18+s3+$0x0], $0xffff  }
0x2e7: {  	v40 =	vshrl.u32 v62, $0x16;
	v26 =	vadd.s32 $0xFFFFFFFF, v48;
	v54 =	vor.u32 v0, v29;
	v10 =	vld.idx.msk [tilespmem:v10+s3+$0x0], $0xffff  }
0x2e8: {  	v25 =	vmin.u32 v25, v31;
	v21 =	vmin.u32 v28, v21;
	v42 =	vand.u32 $0xC, v40;
	v51 =	vld.idx.msk [tilespmem:v16+s17+$0x0], $0xffff  }
0x2e9: {  	v3 =	vxor.u32 v3, v4;
	v23 =	vmin.u32 v23, v26;
	v29 =	vand.u32 $0xFFFFFF, v55;
	v16 =	vld.idx.msk [tilespmem:v16+s19+$0x0], $0xffff  }
0x2ea: {  	v13 =	vadd.f32 v37, v14;
	v37 =	vshrl.u32 v55, $0x16;
	v26 =	vand.u32 $0xFFFFFF, v62;
	v39 =	vld.idx.msk [tilespmem:v24+s17+$0x0], $0xffff  }
0x2eb: {  	v3 =	vxor.u32 v6, v3;
	v31 =	vand.u32 $0xC, v37;
	v41 =	vld.idx.msk [tilespmem:v24+s19+$0x0], $0xffff;
	v24 =	vor.u32 v0, v42  }
0x2ec: {  	v38 =	vand.u32 $0x7FFFFFFF, v17;
	v3 =	vxor.u32 v9, v3;
	v31 =	vor.u32 v0, v31;
	v36 =	vld.idx.msk [tilespmem:v54+s17+$0x0], $0xffff  }
0x2ed: {  	v50 =	vadd.f32 $1.000000010e-10, v17;
	v63 =	vand.u32 $0x7FFFFFFF, v13;
	v3 =	vxor.u32 v12, v3;
	v11 =	vld.idx.msk [tilespmem:v54+s19+$0x0], $0xffff  }
0x2ee: {  	v13 =	vadd.f32 $1.000000010e-10, v13;
	v30 =	vadd.s32 $0xFFFFFFFF, v63;
	v3 =	vxor.u32 v15, v3;
	v44 =	vld.idx.msk [tilespmem:v29+s3+$0x0], $0xffff  }
0x2ef: {  	v19 =	vmin.u32 v47, v30;
	v3 =	vxor.u32 v5, v3;
	v10 =	vmul.f32 v58, v10;
	v47 =	vld.idx.msk [tilespmem:v26+s3+$0x0], $0xffff  }
0x2f0: {  	v32 =	vadd.s32 $0xFFFFFFFF, v38;
	v3 =	vxor.u32 v7, v3;
	v20 =	vmul.f32 v51, v22;
	v48 =	vld.idx.msk [tilespmem:v24+s17+$0x0], $0xffff  }
0x2f1: {  	v18 =	vmul.f32 v39, v18;
	v3 =	vxor.u32 v13, v3;
	v8 =	vadd.f32 v8, v10;
	v45 =	vld.idx.msk [tilespmem:v31+s17+$0x0], $0xffff  }
0x2f2: {  	v23 =	vmin.u32 v23, v32;
	v51 =	vld.idx.msk [tilespmem:v24+s19+$0x0], $0xffff;
	v3 =	vxor.u32 v50, v3;
	v16 =	vadd.f32 v16, v20  }
0x2f3: {  	v49 =	vld.idx.msk [tilespmem:v31+s19+$0x0], $0xffff;
	v18 =	vadd.f32 v41, v18;
	v46 =	vand.u32 $0x7FFFFFFF, v8;
	v8 =	vadd.f32 $1.000000010e-10, v8  }
0x2f4: {  	v14 =	vmul.f32 v36, v60;
	v43 =	vand.u32 $0x7FFFFFFF, v16;
	v20 =	vadd.s32 $0xFFFFFFFF, v46  }
0x2f5: {  	v16 =	vadd.f32 $1.000000010e-10, v16;
	v53 =	vand.u32 $0x7FFFFFFF, v18;
	v20 =	vmin.u32 v21, v20  }
0x2f6: {  	v21 =	vmul.f32 v48, v47;
	v11 =	vadd.f32 v11, v14;
	v14 =	vmul.f32 v45, v44  }
0x2f7: {  	v56 =	vadd.f32 $1.000000010e-10, v18;
	v10 =	vadd.s32 $0xFFFFFFFF, v43;
	v9 =	vadd.s32 $0xFFFFFFFF, v53  }
0x2f8: {  	v10 =	vmin.u32 v25, v10;
	v55 =	vadd.f32 v51, v21;
	v54 =	vadd.f32 v49, v14  }
0x2f9: {  	v9 =	vmin.u32 v23, v9;
	v3 =	vxor.u32 v16, v3;
	v52 =	vand.u32 $0x7FFFFFFF, v11  }
0x2fa: {  	v11 =	vadd.f32 $1.000000010e-10, v11;
	v58 =	vand.u32 $0x7FFFFFFF, v55;
	v57 =	vand.u32 $0x7FFFFFFF, v54  }
0x2fb: {  	v6 =	vadd.s32 $0xFFFFFFFF, v52;
	v59 =	vadd.s32 $0xFFFFFFFF, v58;
	v7 =	vadd.s32 $0xFFFFFFFF, v57  }
0x2fc: {  	v6 =	vmin.u32 v19, v6;
	v61 =	vmin.u32 v20, v59;
	v60 =	vmin.u32 v10, v7  }
0x2fd: {  	v3 =	vxor.u32 v8, v3;
	v6 =	vmin.u32 v6, v9;
	v4 =	vmin.u32 v60, v61  }
0x2fe: {  	v62 =	vadd.f32 $1.000000010e-10, v54;
	v3 =	vxor.u32 v11, v3;
	v4 =	vmin.u32 v6, v4  }
0x2ff: {  	v63 =	vadd.f32 $1.000000010e-10, v55;
	v3 =	vxor.u32 v56, v3;
	v4 =	vadd.s32 $0x1, v4  }
0x300: {  	v3 =	vxor.u32 v62, v3;
	v4 =	vmul.f32 v4, v1  }
0x301: {  	p0 =	sne.s32 s5, $0x1C0;
	v3 =	vxor.u32 v63, v3  }
.Ltmp4:
0x302: {  	v3 =	vand.u32 $0x80000000, v3;
	v4 =	vadd.f32 v4, v2;
	(pc) =	sbr.rel @p0 .LBB2_9-.Ltmp4, $4  }
0x303: {  	v3 =	vor.u32 $0x3F800000, v3  }
0x304: {  	v3 =	vmul.f32 v3, v4  }
0x305: {  	s30 =	sor.u32 s13, s22  }
0x306: {  	s1 =	sadd.s32 $0x200, s1;
	s20 =	sadd.s32 $0x40, s20;
	s5 =	sadd.s32 $0x40, s5;
	[tilespmem:s30+$0x0] =	vst v3  }
0x307: {  	s31 =	sadd.s32 $0x1, s31  }
0x308: {  	s0 =	sshll.u32 s0, $0x7;
	p0 =	sne.s32 s31, $0x19  }
.Ltmp5:
0x309: {  	s0 =	sand.u32 $0x380, s0;
	(pc) =	sbr.rel @p0 .LBB2_2-.Ltmp5, $4  }
0x30a: {  	s0 =	sor.u32 s0, s2  }
0x30b: {  	s0 =	sshrl.u32 s0, $0x3  }
0x30c: {  	s1 =	simm.s32 $0x1C900;
	s0 =	sadd.s32 s7, s0  }
0x30d: {  	[hbm4b:s0+s14] =	stream.strided.scatter [tilespmem:s1], [sflag:$0x5], $0x200, s15, s14, $0x38;
	[tilespmem:$0x1CD00] =	vst v63  }
0x30e: {  	s0 =	simm.s32 $0x4  }
0x30f: {  	_ =	swait.ge [sflag:s0], $0x200  }
0x310: {  	[sflag:s0] =	ssyncset.done $0x0  }
0x311: {  	[sflag:s0] =	ssyncadd.s32 $0xFFFFFE00  }
0x312: {  	_ =	swait.ge [sflag:s26], $0x200  }
0x313: {  	s1 =	rddreg [dreg:$0xa]  }
0x314: {  	s31 =	rddreg [dreg:$0x9];
	s1 =	sadd.s32 $0x1, s1  }
0x315: {  	p0 =	sne.s32 s1, s31  }
.Ltmp6:
0x316: {  	_ = 	snop;
	(pc) =	sbr.rel @p0 .LBB2_1-.Ltmp6, $3  }
0x317: {  	_ =	sdelay $0x1  }
0x318: {  	[sflag:s26] =	ssyncset.done $0x0  }
0x319: {  	[sflag:s26] =	ssyncadd.s32 $0xFFFFFE00  }
0x31a: {  	_ =	sfence.sel $0x180000  }
0x31b: {  	[bflag:$0x0] =	sbarrier.arrive $0xFFFF  }
0x31c: {  	_ =	strace $0x90000047  }
0x31d: {  	s0 =	stileid.u32;
	[bflag:$0x2] =	sbarrier.arrive $0xFFFF  }
0x31e: {  	p0 =	sne.s32 s0, $0x0;
	s0 =	rddreg [dreg:$0x3]  }
0x31f: {  	s0 =	sadd.s32 @!p0 $0x100000, s0  }
0x320: {  	[sflag:s0] =	ssyncadd.tile.s32 @!p0 $0x1;
	_ =	shalt  }
.Lfunc_end2:
_tile_overlayer_lowered:
.L_overlay_start_2:
0x321: {  	(tag) =	ssettag $0x2  }
0x322: {  	s0 =	rddreg [dreg:$0x0];
	s2 =	stileid.u32  }
0x323: {  	s1 =	rddreg [dreg:$0x1];
	p0 =	sne.s32 s2, $0x0  }
0x324: {  	s3 =	rddreg [dreg:$0x2];
	[bflag:$0x3] =	sbarrier.arrive $0xFFFF;
	s2 =	simm.s32 @!p0 $0x1C06  }
0x325: {  	[timem:s3], [sflag:s2] =	dma.local @!p0 [hbm:s0], s1  }
0x326: {  	s0 =	simm.s32 @!p0 $0x6  }
0x327: {  	_ =	swait.ge @!p0 [sflag:s0], s1  }
0x328: {  	s1 =	ssub.s32 @!p0 $0x0, s1;
	[sflag:s0] =	ssyncset.done @!p0 $0x0  }
0x329: {  	[sflag:s0] =	ssyncadd.s32 @!p0 s1  }
0x32a: {  	[bflag:$0x3] =	sbarrier.arrive $0xFFFF  }
0x32b: {  	_ =	shalt  }

</sc_bundles>
